<compile_context>
chip_gen: v7x
topology: tpu7x:2x2x1
jax: 0.10.2.dev20260603
libtpu: 0.0.44.dev20260713+nightly
codegen_flags: <defaults>
</compile_context>

<pallas_src>
import functools

import jax
import jax.numpy as jnp
from jax import lax
from jax.experimental import pallas as pl
from jax.experimental.pallas import tpu as pltpu
from jax.experimental.pallas import tpu_sc as plsc

_N_TOK = 16384
_DIM = 2048
_NE = 64
_UTIL = 0.01

_NH = 2
_HT = _N_TOK // _NH
_BT = 1024
_NW = 32
_TPW = _HT // _NW
_L = 16


def _logits_body(x_ref, wc_ref, eps_ref, out_ref):
    both = lax.dot_general(
        x_ref[...], wc_ref[...], (((1,), (0,)), ((), ())),
        preferred_element_type=jnp.float32)
    g = both[:, :_NE]
    n = both[:, _NE:]
    sp = jnp.maximum(n, 0.0) + jnp.log1p(jnp.exp(-jnp.abs(n)))
    out_ref[...] = g + sp * eps_ref[...]


def _compute_logits(x, wc, eps, h):
    nblk = _HT // _BT
    return pl.pallas_call(
        _logits_body,
        grid=(nblk,),
        in_specs=[
            pl.BlockSpec((_BT, _DIM), lambda i: (i + h * nblk, 0)),
            pl.BlockSpec((_DIM, 2 * _NE), lambda i: (0, 0)),
            pl.BlockSpec((_BT, _NE), lambda i: (i + h * nblk, 0)),
        ],
        out_specs=pl.BlockSpec((_BT, _NE), lambda i: (i, 0)),
        out_shape=jax.ShapeDtypeStruct((_HT, _NE), jnp.float32),
    )(x, wc, eps)


def _route(logits_hbm, pk_hbm, w1_hbm, lg_v, pk_v, w1_v):
    wid = lax.axis_index("s") * 2 + lax.axis_index("c")
    row0 = wid * _TPW
    pltpu.sync_copy(logits_hbm.at[pl.ds(row0, _TPW)], lg_v)

    lanes = lax.iota(jnp.int32, _L)
    neg = jnp.full((_L,), -jnp.inf, jnp.float32)
    zi = jnp.zeros((_L,), jnp.int32)

    _NC = 4
    _CL = _NE // _NC

    def _scan_chains(tok):
        st = [[neg, neg, zi, zi] for _ in range(_NC)]
        evs = [[jnp.full((_L,), c * _CL + k, jnp.int32) for c in range(_NC)]
               for k in range(_CL)]
        cur = [plsc.load_gather(lg_v, [tok, evs[0][c]]) for c in range(_NC)]
        for k in range(_CL):
            nxt = ([plsc.load_gather(lg_v, [tok, evs[k + 1][c]])
                    for c in range(_NC)] if k + 1 < _CL else None)
            for c in range(_NC):
                m1, m2, i1, i2 = st[c]
                v = cur[c]
                ev = evs[k][c]
                gt1 = v > m1
                gt2 = v > m2
                st[c] = [
                    jnp.where(gt1, v, m1),
                    jnp.where(gt1, m1, jnp.where(gt2, v, m2)),
                    jnp.where(gt1, ev, i1),
                    jnp.where(gt1, i1, jnp.where(gt2, ev, i2)),
                ]
            cur = nxt
        return [tuple(s) for s in st]

    def _merge(a, b):
        m1a, m2a, i1a, i2a = a
        m1b, m2b, i1b, i2b = b
        afirst = m1a >= m1b
        m1 = jnp.where(afirst, m1a, m1b)
        i1 = jnp.where(afirst, i1a, i1b)
        sa = m2a >= m1b
        sb = m1a >= m2b
        m2 = jnp.where(afirst, jnp.where(sa, m2a, m1b),
                       jnp.where(sb, m1a, m2b))
        i2 = jnp.where(afirst, jnp.where(sa, i2a, i1b),
                       jnp.where(sb, i1a, i2b))
        return m1, m2, i1, i2

    @plsc.parallel_loop(0, _TPW // _L)
    def _group(g):
        tok = g * _L + lanes
        c0, c1, c2, c3 = _scan_chains(tok)
        m1, m2, i1, i2 = _merge(_merge(c0, c1), _merge(c2, c3))
        e2 = jnp.exp(m2 - m1)
        base = g * _L
        pk_v[0, pl.ds(base, _L)] = jnp.left_shift(i1, 8) | i2
        w1_v[0, pl.ds(base, _L)] = 1.0 / (1.0 + e2)

    pltpu.sync_copy(pk_v, pk_hbm.at[wid])
    pltpu.sync_copy(w1_v, w1_hbm.at[wid])


@functools.cache
def _route_call():
    mesh = plsc.VectorSubcoreMesh(
        core_axis_name="c", subcore_axis_name="s", num_cores=2,
        num_subcores=16)
    return pl.kernel(
        _route,
        out_type=(
            jax.ShapeDtypeStruct((_NW, 1, _TPW), jnp.int32),
            jax.ShapeDtypeStruct((_NW, 1, _TPW), jnp.float32),
        ),
        mesh=mesh,
        scratch_types=[
            pltpu.VMEM((_TPW, _NE), jnp.float32),
            pltpu.VMEM((1, _TPW), jnp.int32),
            pltpu.VMEM((1, _TPW), jnp.float32),
        ],
        compiler_params=pltpu.CompilerParams(needs_layout_passes=False),
    )


_RB = 4


def _flat_col(ref):
    parts = [ref[h:h + 1] for h in range(_RB)]
    cat = jnp.concatenate(parts, axis=2)
    return cat.reshape(_RB * _TPW, 1)


def _expand_body(pk_ref, w1_ref, imp_ref, w_out_ref, out2_ref, acc_ref, *,
                 final):
    i = pl.program_id(0)

    @pl.when(i == 0)
    def _():
        acc_ref[...] = imp_ref[...]

    nrow = _RB * _TPW
    pk = _flat_col(pk_ref)
    w1 = _flat_col(w1_ref)
    i1 = lax.shift_right_logical(pk, 8)
    i2 = pk & 0xFF
    w2 = 1.0 - w1
    cols = lax.broadcasted_iota(jnp.int32, (nrow, _NE), 1)
    w = (jnp.where(cols == i1, w1, 0.0)
         + jnp.where(cols == i2, w2, 0.0))
    w_out_ref[...] = w
    acc_ref[...] += jnp.sum(w, axis=0, keepdims=True)

    @pl.when(i == pl.num_programs(0) - 1)
    def _():
        if final:
            imp = acc_ref[...]
            mean = jnp.sum(imp) / _NE
            var = jnp.sum((imp - mean) ** 2) / _NE
            out2_ref[0, 0] = _UTIL * var / (mean * mean)
        else:
            out2_ref[...] = acc_ref[...]


def _expand(pk, w1, imp, final):
    spec = lambda: pl.BlockSpec((_RB, 1, _TPW), lambda i: (i, 0, 0))
    if final:
        out2_spec = pl.BlockSpec(memory_space=pltpu.SMEM)
        out2_shape = jax.ShapeDtypeStruct((1, 1), jnp.float32)
    else:
        out2_spec = pl.BlockSpec((1, _NE), lambda i: (0, 0))
        out2_shape = jax.ShapeDtypeStruct((1, _NE), jnp.float32)
    return pl.pallas_call(
        functools.partial(_expand_body, final=final),
        grid=(_NW // _RB,),
        in_specs=[spec(), spec(), pl.BlockSpec((1, _NE), lambda i: (0, 0))],
        out_specs=(
            pl.BlockSpec((_RB * _TPW, _NE), lambda i: (i, 0)),
            out2_spec,
        ),
        out_shape=(
            jax.ShapeDtypeStruct((_HT, _NE), jnp.float32),
            out2_shape,
        ),
        scratch_shapes=[pltpu.VMEM((1, _NE), jnp.float32)],
    )(pk, w1, imp)


def kernel(x, Wg, Wnoise, noise_eps):
    wc = jnp.concatenate([Wg.T, Wnoise.T], axis=1)
    route = _route_call()
    outs = []
    for h in range(_NH):
        logits_h = _compute_logits(x, wc, noise_eps, h)
        outs.append(route(logits_h))
    w0, imp0 = _expand(outs[0][0], outs[0][1],
                       jnp.zeros((1, _NE), jnp.float32), final=False)
    w1h, loss = _expand(outs[1][0], outs[1][1], imp0, final=True)
    weights = jnp.concatenate([w0, w1h], axis=0)
    return weights, loss[0, 0]

# --- scband reference (transcript-rebuilt; emitter-appended) ---
"""Pipeline reference for scband-gating-network-26087631356433 (READ-ONLY COPY).

The authoritative reference and input builder live on the scoring server;
editing this copy changes nothing except your own understanding.
"""

import jax, jax.numpy as jnp
import numpy as np

DIM_IN = 2048
NUM_EXPERTS = 64
TOP_K = 2
UTILIZATION_FACTOR = 0.01
N_TOK = 16384


def setup_inputs(seed: int = 0) -> dict:
    key = jax.random.key(seed)
    k1, k2, k3, k4 = jax.random.split(key, 4)
    x = jax.random.normal(k1, (N_TOK, DIM_IN), dtype=jnp.float32)
    # nn.Linear(dim_in, num_experts, bias=False) weights: [num_experts, dim_in]
    bound = 1.0 / np.sqrt(DIM_IN)
    Wg = jax.random.uniform(k2, (NUM_EXPERTS, DIM_IN), jnp.float32, -bound, bound)
    Wnoise = jax.random.uniform(k3, (NUM_EXPERTS, DIM_IN), jnp.float32, -bound, bound)
    # randn_like noise sample, fixed for determinism
    noise_eps = jax.random.normal(k4, (N_TOK, NUM_EXPERTS), dtype=jnp.float32)
    return {"x": x, "Wg": Wg, "Wnoise": Wnoise, "noise_eps": noise_eps}


def reference(x, Wg, Wnoise, noise_eps):
    noise = jax.nn.softplus(x @ Wnoise.T)
    noise = noise * noise_eps
    logits = x @ Wg.T
    logits = logits + noise
    selected_logits, selected_indices = jax.lax.top_k(logits, TOP_K)
    mask = jnp.full_like(logits, -jnp.inf)
    rows = jnp.arange(logits.shape[0])[:, None]
    mask = mask.at[rows, selected_indices].set(selected_logits)
    weights = jax.nn.softmax(mask, axis=-1)
    importance = weights.reshape(-1, NUM_EXPERTS).sum(axis=0)
    square_cv = jnp.var(importance) / jnp.mean(importance) ** 2
    loss = UTILIZATION_FACTOR * square_cv
    return weights, loss

if __name__ == "__main__":
    import jax
    _d = setup_inputs()
    print(jax.jit(kernel)(*tuple(_d.values())))

</pallas_src>

<mosaic_0001>
#map = affine_map<(d0, d1) -> (0, 0)>
#map1 = affine_map<(d0, d1) -> (0, 0, 0)>
module attributes {stable_mosaic.version = 14 : i64} {
  func.func @_route(%arg0: i32, %arg1: i32, %arg2: memref<8192x64xf32, #tpu.memory_space<hbm>>, %arg3: memref<32x1x256xi32, #tpu.memory_space<hbm>>, %arg4: memref<32x1x256xf32, #tpu.memory_space<hbm>>, %arg5: memref<256x64xf32, #tpu.memory_space<vmem>>, %arg6: memref<1x256xi32, #tpu.memory_space<vmem>>, %arg7: memref<1x256xf32, #tpu.memory_space<vmem>>) attributes {dimension_semantics = [#tpu.dimension_semantics<core_parallel>, #tpu.dimension_semantics<subcore_parallel>], iteration_bounds = array<i64: 2, 16>, scalar_prefetch = 0 : i64, scratch_operands = 3 : i64, tpu.core_type = #tpu.core_type<sc_vector_subcore>, window_params = [{transform_indices = #map}, {transform_indices = #map1}, {transform_indices = #map1}]} {
    %mul3A = arith.constant 2 : i32
    %mul3A_0 = arith.muli %arg1, %mul3A : i32
    %add3A = arith.addi %mul3A_0, %arg0 : i32
    %mul3A_1 = arith.constant 256 : i32
    %mul3A_2 = arith.muli %add3A, %mul3A_1 : i32
    "tpu.region"() ({
      %run_scoped3A = tpu.sem_alloc : memref<!tpu.dma_semaphore, #tpu.memory_space<semaphore_mem>>
      %dma_start3A = arith.constant 0 : i32
      %dma_start3A_8 = tpu.memref_slice %arg2[%mul3A_2, %dma_start3A] : memref<8192x64xf32, #tpu.memory_space<hbm>> -> memref<256x64xf32, #tpu.memory_space<hbm>>
      %dma_start3A_9 = arith.constant 0 : i32
      %dma_start3A_10 = tpu.memref_slice %arg2[%mul3A_2, %dma_start3A_9] : memref<8192x64xf32, #tpu.memory_space<hbm>> -> memref<256x64xf32, #tpu.memory_space<hbm>>
      tpu.enqueue_dma source(%dma_start3A_10 : memref<256x64xf32, #tpu.memory_space<hbm>>) target(%arg5 : memref<256x64xf32, #tpu.memory_space<vmem>>) target_semaphore(%run_scoped3A : memref<!tpu.dma_semaphore, #tpu.memory_space<semaphore_mem>>)
      %dma_wait3A = arith.constant 0 : i32
      %dma_wait3A_11 = tpu.memref_slice %arg2[%mul3A_2, %dma_wait3A] : memref<8192x64xf32, #tpu.memory_space<hbm>> -> memref<256x64xf32, #tpu.memory_space<hbm>>
      %dma_wait3A_12 = arith.constant 0 : i32
      %dma_wait3A_13 = tpu.memref_slice %arg2[%mul3A_2, %dma_wait3A_12] : memref<8192x64xf32, #tpu.memory_space<hbm>> -> memref<256x64xf32, #tpu.memory_space<hbm>>
      tpu.wait_dma2 semaphore(%run_scoped3A : memref<!tpu.dma_semaphore, #tpu.memory_space<semaphore_mem>>) src(%dma_wait3A_13 : memref<256x64xf32, #tpu.memory_space<hbm>>) dst(%arg5 : memref<256x64xf32, #tpu.memory_space<vmem>>)
      tpu.yield
    }) : () -> ()
    %iota3A = tpu.iota {dimensions = array<i32: 0>} : vector<16xi32>
    %broadcast_in_dim3A = arith.constant 0xFF800000 : f32
    %broadcast_in_dim3A_3 = vector.broadcast %broadcast_in_dim3A : f32 to vector<16xf32>
    %broadcast_in_dim3A_4 = arith.constant 0 : i32
    %broadcast_in_dim3A_5 = vector.broadcast %broadcast_in_dim3A_4 : i32 to vector<16xi32>
    %parallel_loop3A = arith.constant 0 : i32
    %parallel_loop3A_6 = arith.constant 16 : i32
    %parallel_loop3A_7 = arith.constant 1 : i32
    scf.for %parallel_loop3A_8 = %parallel_loop3A to %parallel_loop3A_6 step %parallel_loop3A_7  : i32 {
      %parallel_loop3A_9 = arith.constant 16 : i32
      %parallel_loop3A_10 = arith.muli %parallel_loop3A_8, %parallel_loop3A_9 : i32
      %parallel_loop3A_11 = vector.broadcast %parallel_loop3A_10 : i32 to vector<16xi32>
      %parallel_loop3A_12 = arith.addi %parallel_loop3A_11, %iota3A : vector<16xi32>
      %parallel_loop3A_13 = arith.constant 0 : i32
      %parallel_loop3A_14 = vector.broadcast %parallel_loop3A_13 : i32 to vector<16xi32>
      %parallel_loop3A_15 = arith.constant 16 : i32
      %parallel_loop3A_16 = vector.broadcast %parallel_loop3A_15 : i32 to vector<16xi32>
      %parallel_loop3A_17 = arith.constant 32 : i32
      %parallel_loop3A_18 = vector.broadcast %parallel_loop3A_17 : i32 to vector<16xi32>
      %parallel_loop3A_19 = arith.constant 48 : i32
      %parallel_loop3A_20 = vector.broadcast %parallel_loop3A_19 : i32 to vector<16xi32>
      %parallel_loop3A_21 = arith.constant 1 : i32
      %parallel_loop3A_22 = vector.broadcast %parallel_loop3A_21 : i32 to vector<16xi32>
      %parallel_loop3A_23 = arith.constant 17 : i32
      %parallel_loop3A_24 = vector.broadcast %parallel_loop3A_23 : i32 to vector<16xi32>
      %parallel_loop3A_25 = arith.constant 33 : i32
      %parallel_loop3A_26 = vector.broadcast %parallel_loop3A_25 : i32 to vector<16xi32>
      %parallel_loop3A_27 = arith.constant 49 : i32
      %parallel_loop3A_28 = vector.broadcast %parallel_loop3A_27 : i32 to vector<16xi32>
      %parallel_loop3A_29 = arith.constant 2 : i32
      %parallel_loop3A_30 = vector.broadcast %parallel_loop3A_29 : i32 to vector<16xi32>
      %parallel_loop3A_31 = arith.constant 18 : i32
      %parallel_loop3A_32 = vector.broadcast %parallel_loop3A_31 : i32 to vector<16xi32>
      %parallel_loop3A_33 = arith.constant 34 : i32
      %parallel_loop3A_34 = vector.broadcast %parallel_loop3A_33 : i32 to vector<16xi32>
      %parallel_loop3A_35 = arith.constant 50 : i32
      %parallel_loop3A_36 = vector.broadcast %parallel_loop3A_35 : i32 to vector<16xi32>
      %parallel_loop3A_37 = arith.constant 3 : i32
      %parallel_loop3A_38 = vector.broadcast %parallel_loop3A_37 : i32 to vector<16xi32>
      %parallel_loop3A_39 = arith.constant 19 : i32
      %parallel_loop3A_40 = vector.broadcast %parallel_loop3A_39 : i32 to vector<16xi32>
      %parallel_loop3A_41 = arith.constant 35 : i32
      %parallel_loop3A_42 = vector.broadcast %parallel_loop3A_41 : i32 to vector<16xi32>
      %parallel_loop3A_43 = arith.constant 51 : i32
      %parallel_loop3A_44 = vector.broadcast %parallel_loop3A_43 : i32 to vector<16xi32>
      %parallel_loop3A_45 = arith.constant 4 : i32
      %parallel_loop3A_46 = vector.broadcast %parallel_loop3A_45 : i32 to vector<16xi32>
      %parallel_loop3A_47 = arith.constant 20 : i32
      %parallel_loop3A_48 = vector.broadcast %parallel_loop3A_47 : i32 to vector<16xi32>
      %parallel_loop3A_49 = arith.constant 36 : i32
      %parallel_loop3A_50 = vector.broadcast %parallel_loop3A_49 : i32 to vector<16xi32>
      %parallel_loop3A_51 = arith.constant 52 : i32
      %parallel_loop3A_52 = vector.broadcast %parallel_loop3A_51 : i32 to vector<16xi32>
      %parallel_loop3A_53 = arith.constant 5 : i32
      %parallel_loop3A_54 = vector.broadcast %parallel_loop3A_53 : i32 to vector<16xi32>
      %parallel_loop3A_55 = arith.constant 21 : i32
      %parallel_loop3A_56 = vector.broadcast %parallel_loop3A_55 : i32 to vector<16xi32>
      %parallel_loop3A_57 = arith.constant 37 : i32
      %parallel_loop3A_58 = vector.broadcast %parallel_loop3A_57 : i32 to vector<16xi32>
      %parallel_loop3A_59 = arith.constant 53 : i32
      %parallel_loop3A_60 = vector.broadcast %parallel_loop3A_59 : i32 to vector<16xi32>
      %parallel_loop3A_61 = arith.constant 6 : i32
      %parallel_loop3A_62 = vector.broadcast %parallel_loop3A_61 : i32 to vector<16xi32>
      %parallel_loop3A_63 = arith.constant 22 : i32
      %parallel_loop3A_64 = vector.broadcast %parallel_loop3A_63 : i32 to vector<16xi32>
      %parallel_loop3A_65 = arith.constant 38 : i32
      %parallel_loop3A_66 = vector.broadcast %parallel_loop3A_65 : i32 to vector<16xi32>
      %parallel_loop3A_67 = arith.constant 54 : i32
      %parallel_loop3A_68 = vector.broadcast %parallel_loop3A_67 : i32 to vector<16xi32>
      %parallel_loop3A_69 = arith.constant 7 : i32
      %parallel_loop3A_70 = vector.broadcast %parallel_loop3A_69 : i32 to vector<16xi32>
      %parallel_loop3A_71 = arith.constant 23 : i32
      %parallel_loop3A_72 = vector.broadcast %parallel_loop3A_71 : i32 to vector<16xi32>
      %parallel_loop3A_73 = arith.constant 39 : i32
      %parallel_loop3A_74 = vector.broadcast %parallel_loop3A_73 : i32 to vector<16xi32>
      %parallel_loop3A_75 = arith.constant 55 : i32
      %parallel_loop3A_76 = vector.broadcast %parallel_loop3A_75 : i32 to vector<16xi32>
      %parallel_loop3A_77 = arith.constant 8 : i32
      %parallel_loop3A_78 = vector.broadcast %parallel_loop3A_77 : i32 to vector<16xi32>
      %parallel_loop3A_79 = arith.constant 24 : i32
      %parallel_loop3A_80 = vector.broadcast %parallel_loop3A_79 : i32 to vector<16xi32>
      %parallel_loop3A_81 = arith.constant 40 : i32
      %parallel_loop3A_82 = vector.broadcast %parallel_loop3A_81 : i32 to vector<16xi32>
      %parallel_loop3A_83 = arith.constant 56 : i32
      %parallel_loop3A_84 = vector.broadcast %parallel_loop3A_83 : i32 to vector<16xi32>
      %parallel_loop3A_85 = arith.constant 9 : i32
      %parallel_loop3A_86 = vector.broadcast %parallel_loop3A_85 : i32 to vector<16xi32>
      %parallel_loop3A_87 = arith.constant 25 : i32
      %parallel_loop3A_88 = vector.broadcast %parallel_loop3A_87 : i32 to vector<16xi32>
      %parallel_loop3A_89 = arith.constant 41 : i32
      %parallel_loop3A_90 = vector.broadcast %parallel_loop3A_89 : i32 to vector<16xi32>
      %parallel_loop3A_91 = arith.constant 57 : i32
      %parallel_loop3A_92 = vector.broadcast %parallel_loop3A_91 : i32 to vector<16xi32>
      %parallel_loop3A_93 = arith.constant 10 : i32
      %parallel_loop3A_94 = vector.broadcast %parallel_loop3A_93 : i32 to vector<16xi32>
      %parallel_loop3A_95 = arith.constant 26 : i32
      %parallel_loop3A_96 = vector.broadcast %parallel_loop3A_95 : i32 to vector<16xi32>
      %parallel_loop3A_97 = arith.constant 42 : i32
      %parallel_loop3A_98 = vector.broadcast %parallel_loop3A_97 : i32 to vector<16xi32>
      %parallel_loop3A_99 = arith.constant 58 : i32
      %parallel_loop3A_100 = vector.broadcast %parallel_loop3A_99 : i32 to vector<16xi32>
      %parallel_loop3A_101 = arith.constant 11 : i32
      %parallel_loop3A_102 = vector.broadcast %parallel_loop3A_101 : i32 to vector<16xi32>
      %parallel_loop3A_103 = arith.constant 27 : i32
      %parallel_loop3A_104 = vector.broadcast %parallel_loop3A_103 : i32 to vector<16xi32>
      %parallel_loop3A_105 = arith.constant 43 : i32
      %parallel_loop3A_106 = vector.broadcast %parallel_loop3A_105 : i32 to vector<16xi32>
      %parallel_loop3A_107 = arith.constant 59 : i32
      %parallel_loop3A_108 = vector.broadcast %parallel_loop3A_107 : i32 to vector<16xi32>
      %parallel_loop3A_109 = arith.constant 12 : i32
      %parallel_loop3A_110 = vector.broadcast %parallel_loop3A_109 : i32 to vector<16xi32>
      %parallel_loop3A_111 = arith.constant 28 : i32
      %parallel_loop3A_112 = vector.broadcast %parallel_loop3A_111 : i32 to vector<16xi32>
      %parallel_loop3A_113 = arith.constant 44 : i32
      %parallel_loop3A_114 = vector.broadcast %parallel_loop3A_113 : i32 to vector<16xi32>
      %parallel_loop3A_115 = arith.constant 60 : i32
      %parallel_loop3A_116 = vector.broadcast %parallel_loop3A_115 : i32 to vector<16xi32>
      %parallel_loop3A_117 = arith.constant 13 : i32
      %parallel_loop3A_118 = vector.broadcast %parallel_loop3A_117 : i32 to vector<16xi32>
      %parallel_loop3A_119 = arith.constant 29 : i32
      %parallel_loop3A_120 = vector.broadcast %parallel_loop3A_119 : i32 to vector<16xi32>
      %parallel_loop3A_121 = arith.constant 45 : i32
      %parallel_loop3A_122 = vector.broadcast %parallel_loop3A_121 : i32 to vector<16xi32>
      %parallel_loop3A_123 = arith.constant 61 : i32
      %parallel_loop3A_124 = vector.broadcast %parallel_loop3A_123 : i32 to vector<16xi32>
      %parallel_loop3A_125 = arith.constant 14 : i32
      %parallel_loop3A_126 = vector.broadcast %parallel_loop3A_125 : i32 to vector<16xi32>
      %parallel_loop3A_127 = arith.constant 30 : i32
      %parallel_loop3A_128 = vector.broadcast %parallel_loop3A_127 : i32 to vector<16xi32>
      %parallel_loop3A_129 = arith.constant 46 : i32
      %parallel_loop3A_130 = vector.broadcast %parallel_loop3A_129 : i32 to vector<16xi32>
      %parallel_loop3A_131 = arith.constant 62 : i32
      %parallel_loop3A_132 = vector.broadcast %parallel_loop3A_131 : i32 to vector<16xi32>
      %parallel_loop3A_133 = arith.constant 15 : i32
      %parallel_loop3A_134 = vector.broadcast %parallel_loop3A_133 : i32 to vector<16xi32>
      %parallel_loop3A_135 = arith.constant 31 : i32
      %parallel_loop3A_136 = vector.broadcast %parallel_loop3A_135 : i32 to vector<16xi32>
      %parallel_loop3A_137 = arith.constant 47 : i32
      %parallel_loop3A_138 = vector.broadcast %parallel_loop3A_137 : i32 to vector<16xi32>
      %parallel_loop3A_139 = arith.constant 63 : i32
      %parallel_loop3A_140 = vector.broadcast %parallel_loop3A_139 : i32 to vector<16xi32>
      %parallel_loop3A_141 = tpu.vector_load_idx %arg5[%parallel_loop3A_12, %parallel_loop3A_14] : memref<256x64xf32, #tpu.memory_space<vmem>>[vector<16xi32>, vector<16xi32>], vector<16xf32>,
      %parallel_loop3A_142 = tpu.vector_load_idx %arg5[%parallel_loop3A_12, %parallel_loop3A_16] : memref<256x64xf32, #tpu.memory_space<vmem>>[vector<16xi32>, vector<16xi32>], vector<16xf32>,
      %parallel_loop3A_143 = tpu.vector_load_idx %arg5[%parallel_loop3A_12, %parallel_loop3A_18] : memref<256x64xf32, #tpu.memory_space<vmem>>[vector<16xi32>, vector<16xi32>], vector<16xf32>,
      %parallel_loop3A_144 = tpu.vector_load_idx %arg5[%parallel_loop3A_12, %parallel_loop3A_20] : memref<256x64xf32, #tpu.memory_space<vmem>>[vector<16xi32>, vector<16xi32>], vector<16xf32>,
      %parallel_loop3A_145 = tpu.vector_load_idx %arg5[%parallel_loop3A_12, %parallel_loop3A_22] : memref<256x64xf32, #tpu.memory_space<vmem>>[vector<16xi32>, vector<16xi32>], vector<16xf32>,
      %parallel_loop3A_146 = tpu.vector_load_idx %arg5[%parallel_loop3A_12, %parallel_loop3A_24] : memref<256x64xf32, #tpu.memory_space<vmem>>[vector<16xi32>, vector<16xi32>], vector<16xf32>,
      %parallel_loop3A_147 = tpu.vector_load_idx %arg5[%parallel_loop3A_12, %parallel_loop3A_26] : memref<256x64xf32, #tpu.memory_space<vmem>>[vector<16xi32>, vector<16xi32>], vector<16xf32>,
      %parallel_loop3A_148 = tpu.vector_load_idx %arg5[%parallel_loop3A_12, %parallel_loop3A_28] : memref<256x64xf32, #tpu.memory_space<vmem>>[vector<16xi32>, vector<16xi32>], vector<16xf32>,
      %parallel_loop3A_149 = arith.cmpf ogt, %parallel_loop3A_141, %broadcast_in_dim3A_3 : vector<16xf32>
      %parallel_loop3A_150 = arith.cmpf ogt, %parallel_loop3A_141, %broadcast_in_dim3A_3 : vector<16xf32>
      %parallel_loop3A_151 = arith.select %parallel_loop3A_149, %parallel_loop3A_141, %broadcast_in_dim3A_3 : vector<16xi1>, vector<16xf32>
      %parallel_loop3A_152 = arith.select %parallel_loop3A_150, %parallel_loop3A_141, %broadcast_in_dim3A_3 : vector<16xi1>, vector<16xf32>
      %parallel_loop3A_153 = arith.select %parallel_loop3A_149, %broadcast_in_dim3A_3, %parallel_loop3A_152 : vector<16xi1>, vector<16xf32>
      %parallel_loop3A_154 = arith.select %parallel_loop3A_149, %parallel_loop3A_14, %broadcast_in_dim3A_5 : vector<16xi1>, vector<16xi32>
      %parallel_loop3A_155 = arith.select %parallel_loop3A_150, %parallel_loop3A_14, %broadcast_in_dim3A_5 : vector<16xi1>, vector<16xi32>
      %parallel_loop3A_156 = arith.select %parallel_loop3A_149, %broadcast_in_dim3A_5, %parallel_loop3A_155 : vector<16xi1>, vector<16xi32>
      %parallel_loop3A_157 = arith.cmpf ogt, %parallel_loop3A_142, %broadcast_in_dim3A_3 : vector<16xf32>
      %parallel_loop3A_158 = arith.cmpf ogt, %parallel_loop3A_142, %broadcast_in_dim3A_3 : vector<16xf32>
      %parallel_loop3A_159 = arith.select %parallel_loop3A_157, %parallel_loop3A_142, %broadcast_in_dim3A_3 : vector<16xi1>, vector<16xf32>
      %parallel_loop3A_160 = arith.select %parallel_loop3A_158, %parallel_loop3A_142, %broadcast_in_dim3A_3 : vector<16xi1>, vector<16xf32>
      %parallel_loop3A_161 = arith.select %parallel_loop3A_157, %broadcast_in_dim3A_3, %parallel_loop3A_160 : vector<16xi1>, vector<16xf32>
      %parallel_loop3A_162 = arith.select %parallel_loop3A_157, %parallel_loop3A_16, %broadcast_in_dim3A_5 : vector<16xi1>, vector<16xi32>
      %parallel_loop3A_163 = arith.select %parallel_loop3A_158, %parallel_loop3A_16, %broadcast_in_dim3A_5 : vector<16xi1>, vector<16xi32>
      %parallel_loop3A_164 = arith.select %parallel_loop3A_157, %broadcast_in_dim3A_5, %parallel_loop3A_163 : vector<16xi1>, vector<16xi32>
      %parallel_loop3A_165 = arith.cmpf ogt, %parallel_loop3A_143, %broadcast_in_dim3A_3 : vector<16xf32>
      %parallel_loop3A_166 = arith.cmpf ogt, %parallel_loop3A_143, %broadcast_in_dim3A_3 : vector<16xf32>
      %parallel_loop3A_167 = arith.select %parallel_loop3A_165, %parallel_loop3A_143, %broadcast_in_dim3A_3 : vector<16xi1>, vector<16xf32>
      %parallel_loop3A_168 = arith.select %parallel_loop3A_166, %parallel_loop3A_143, %broadcast_in_dim3A_3 : vector<16xi1>, vector<16xf32>
      %parallel_loop3A_169 = arith.select %parallel_loop3A_165, %broadcast_in_dim3A_3, %parallel_loop3A_168 : vector<16xi1>, vector<16xf32>
      %parallel_loop3A_170 = arith.select %parallel_loop3A_165, %parallel_loop3A_18, %broadcast_in_dim3A_5 : vector<16xi1>, vector<16xi32>
      %parallel_loop3A_171 = arith.select %parallel_loop3A_166, %parallel_loop3A_18, %broadcast_in_dim3A_5 : vector<16xi1>, vector<16xi32>
      %parallel_loop3A_172 = arith.select %parallel_loop3A_165, %broadcast_in_dim3A_5, %parallel_loop3A_171 : vector<16xi1>, vector<16xi32>
      %parallel_loop3A_173 = arith.cmpf ogt, %parallel_loop3A_144, %broadcast_in_dim3A_3 : vector<16xf32>
      %parallel_loop3A_174 = arith.cmpf ogt, %parallel_loop3A_144, %broadcast_in_dim3A_3 : vector<16xf32>
      %parallel_loop3A_175 = arith.select %parallel_loop3A_173, %parallel_loop3A_144, %broadcast_in_dim3A_3 : vector<16xi1>, vector<16xf32>
      %parallel_loop3A_176 = arith.select %parallel_loop3A_174, %parallel_loop3A_144, %broadcast_in_dim3A_3 : vector<16xi1>, vector<16xf32>
      %parallel_loop3A_177 = arith.select %parallel_loop3A_173, %broadcast_in_dim3A_3, %parallel_loop3A_176 : vector<16xi1>, vector<16xf32>
      %parallel_loop3A_178 = arith.select %parallel_loop3A_173, %parallel_loop3A_20, %broadcast_in_dim3A_5 : vector<16xi1>, vector<16xi32>
      %parallel_loop3A_179 = arith.select %parallel_loop3A_174, %parallel_loop3A_20, %broadcast_in_dim3A_5 : vector<16xi1>, vector<16xi32>
      %parallel_loop3A_180 = arith.select %parallel_loop3A_173, %broadcast_in_dim3A_5, %parallel_loop3A_179 : vector<16xi1>, vector<16xi32>
      %parallel_loop3A_181 = tpu.vector_load_idx %arg5[%parallel_loop3A_12, %parallel_loop3A_30] : memref<256x64xf32, #tpu.memory_space<vmem>>[vector<16xi32>, vector<16xi32>], vector<16xf32>,
      %parallel_loop3A_182 = tpu.vector_load_idx %arg5[%parallel_loop3A_12, %parallel_loop3A_32] : memref<256x64xf32, #tpu.memory_space<vmem>>[vector<16xi32>, vector<16xi32>], vector<16xf32>,
      %parallel_loop3A_183 = tpu.vector_load_idx %arg5[%parallel_loop3A_12, %parallel_loop3A_34] : memref<256x64xf32, #tpu.memory_space<vmem>>[vector<16xi32>, vector<16xi32>], vector<16xf32>,
      %parallel_loop3A_184 = tpu.vector_load_idx %arg5[%parallel_loop3A_12, %parallel_loop3A_36] : memref<256x64xf32, #tpu.memory_space<vmem>>[vector<16xi32>, vector<16xi32>], vector<16xf32>,
      %parallel_loop3A_185 = arith.cmpf ogt, %parallel_loop3A_145, %parallel_loop3A_151 : vector<16xf32>
      %parallel_loop3A_186 = arith.cmpf ogt, %parallel_loop3A_145, %parallel_loop3A_153 : vector<16xf32>
      %parallel_loop3A_187 = arith.select %parallel_loop3A_185, %parallel_loop3A_145, %parallel_loop3A_151 : vector<16xi1>, vector<16xf32>
      %parallel_loop3A_188 = arith.select %parallel_loop3A_186, %parallel_loop3A_145, %parallel_loop3A_153 : vector<16xi1>, vector<16xf32>
      %parallel_loop3A_189 = arith.select %parallel_loop3A_185, %parallel_loop3A_151, %parallel_loop3A_188 : vector<16xi1>, vector<16xf32>
      %parallel_loop3A_190 = arith.select %parallel_loop3A_185, %parallel_loop3A_22, %parallel_loop3A_154 : vector<16xi1>, vector<16xi32>
      %parallel_loop3A_191 = arith.select %parallel_loop3A_186, %parallel_loop3A_22, %parallel_loop3A_156 : vector<16xi1>, vector<16xi32>
      %parallel_loop3A_192 = arith.select %parallel_loop3A_185, %parallel_loop3A_154, %parallel_loop3A_191 : vector<16xi1>, vector<16xi32>
      %parallel_loop3A_193 = arith.cmpf ogt, %parallel_loop3A_146, %parallel_loop3A_159 : vector<16xf32>
      %parallel_loop3A_194 = arith.cmpf ogt, %parallel_loop3A_146, %parallel_loop3A_161 : vector<16xf32>
      %parallel_loop3A_195 = arith.select %parallel_loop3A_193, %parallel_loop3A_146, %parallel_loop3A_159 : vector<16xi1>, vector<16xf32>
      %parallel_loop3A_196 = arith.select %parallel_loop3A_194, %parallel_loop3A_146, %parallel_loop3A_161 : vector<16xi1>, vector<16xf32>
      %parallel_loop3A_197 = arith.select %parallel_loop3A_193, %parallel_loop3A_159, %parallel_loop3A_196 : vector<16xi1>, vector<16xf32>
      %parallel_loop3A_198 = arith.select %parallel_loop3A_193, %parallel_loop3A_24, %parallel_loop3A_162 : vector<16xi1>, vector<16xi32>
      %parallel_loop3A_199 = arith.select %parallel_loop3A_194, %parallel_loop3A_24, %parallel_loop3A_164 : vector<16xi1>, vector<16xi32>
      %parallel_loop3A_200 = arith.select %parallel_loop3A_193, %parallel_loop3A_162, %parallel_loop3A_199 : vector<16xi1>, vector<16xi32>
      %parallel_loop3A_201 = arith.cmpf ogt, %parallel_loop3A_147, %parallel_loop3A_167 : vector<16xf32>
      %parallel_loop3A_202 = arith.cmpf ogt, %parallel_loop3A_147, %parallel_loop3A_169 : vector<16xf32>
      %parallel_loop3A_203 = arith.select %parallel_loop3A_201, %parallel_loop3A_147, %parallel_loop3A_167 : vector<16xi1>, vector<16xf32>
      %parallel_loop3A_204 = arith.select %parallel_loop3A_202, %parallel_loop3A_147, %parallel_loop3A_169 : vector<16xi1>, vector<16xf32>
      %parallel_loop3A_205 = arith.select %parallel_loop3A_201, %parallel_loop3A_167, %parallel_loop3A_204 : vector<16xi1>, vector<16xf32>
      %parallel_loop3A_206 = arith.select %parallel_loop3A_201, %parallel_loop3A_26, %parallel_loop3A_170 : vector<16xi1>, vector<16xi32>
      %parallel_loop3A_207 = arith.select %parallel_loop3A_202, %parallel_loop3A_26, %parallel_loop3A_172 : vector<16xi1>, vector<16xi32>
      %parallel_loop3A_208 = arith.select %parallel_loop3A_201, %parallel_loop3A_170, %parallel_loop3A_207 : vector<16xi1>, vector<16xi32>
      %parallel_loop3A_209 = arith.cmpf ogt, %parallel_loop3A_148, %parallel_loop3A_175 : vector<16xf32>
      %parallel_loop3A_210 = arith.cmpf ogt, %parallel_loop3A_148, %parallel_loop3A_177 : vector<16xf32>
      %parallel_loop3A_211 = arith.select %parallel_loop3A_209, %parallel_loop3A_148, %parallel_loop3A_175 : vector<16xi1>, vector<16xf32>
      %parallel_loop3A_212 = arith.select %parallel_loop3A_210, %parallel_loop3A_148, %parallel_loop3A_177 : vector<16xi1>, vector<16xf32>
      %parallel_loop3A_213 = arith.select %parallel_loop3A_209, %parallel_loop3A_175, %parallel_loop3A_212 : vector<16xi1>, vector<16xf32>
      %parallel_loop3A_214 = arith.select %parallel_loop3A_209, %parallel_loop3A_28, %parallel_loop3A_178 : vector<16xi1>, vector<16xi32>
      %parallel_loop3A_215 = arith.select %parallel_loop3A_210, %parallel_loop3A_28, %parallel_loop3A_180 : vector<16xi1>, vector<16xi32>
      %parallel_loop3A_216 = arith.select %parallel_loop3A_209, %parallel_loop3A_178, %parallel_loop3A_215 : vector<16xi1>, vector<16xi32>
      %parallel_loop3A_217 = tpu.vector_load_idx %arg5[%parallel_loop3A_12, %parallel_loop3A_38] : memref<256x64xf32, #tpu.memory_space<vmem>>[vector<16xi32>, vector<16xi32>], vector<16xf32>,
      %parallel_loop3A_218 = tpu.vector_load_idx %arg5[%parallel_loop3A_12, %parallel_loop3A_40] : memref<256x64xf32, #tpu.memory_space<vmem>>[vector<16xi32>, vector<16xi32>], vector<16xf32>,
      %parallel_loop3A_219 = tpu.vector_load_idx %arg5[%parallel_loop3A_12, %parallel_loop3A_42] : memref<256x64xf32, #tpu.memory_space<vmem>>[vector<16xi32>, vector<16xi32>], vector<16xf32>,
      %parallel_loop3A_220 = tpu.vector_load_idx %arg5[%parallel_loop3A_12, %parallel_loop3A_44] : memref<256x64xf32, #tpu.memory_space<vmem>>[vector<16xi32>, vector<16xi32>], vector<16xf32>,
      %parallel_loop3A_221 = arith.cmpf ogt, %parallel_loop3A_181, %parallel_loop3A_187 : vector<16xf32>
      %parallel_loop3A_222 = arith.cmpf ogt, %parallel_loop3A_181, %parallel_loop3A_189 : vector<16xf32>
      %parallel_loop3A_223 = arith.select %parallel_loop3A_221, %parallel_loop3A_181, %parallel_loop3A_187 : vector<16xi1>, vector<16xf32>
      %parallel_loop3A_224 = arith.select %parallel_loop3A_222, %parallel_loop3A_181, %parallel_loop3A_189 : vector<16xi1>, vector<16xf32>
      %parallel_loop3A_225 = arith.select %parallel_loop3A_221, %parallel_loop3A_187, %parallel_loop3A_224 : vector<16xi1>, vector<16xf32>
      %parallel_loop3A_226 = arith.select %parallel_loop3A_221, %parallel_loop3A_30, %parallel_loop3A_190 : vector<16xi1>, vector<16xi32>
      %parallel_loop3A_227 = arith.select %parallel_loop3A_222, %parallel_loop3A_30, %parallel_loop3A_192 : vector<16xi1>, vector<16xi32>
      %parallel_loop3A_228 = arith.select %parallel_loop3A_221, %parallel_loop3A_190, %parallel_loop3A_227 : vector<16xi1>, vector<16xi32>
      %parallel_loop3A_229 = arith.cmpf ogt, %parallel_loop3A_182, %parallel_loop3A_195 : vector<16xf32>
      %parallel_loop3A_230 = arith.cmpf ogt, %parallel_loop3A_182, %parallel_loop3A_197 : vector<16xf32>
      %parallel_loop3A_231 = arith.select %parallel_loop3A_229, %parallel_loop3A_182, %parallel_loop3A_195 : vector<16xi1>, vector<16xf32>
      %parallel_loop3A_232 = arith.select %parallel_loop3A_230, %parallel_loop3A_182, %parallel_loop3A_197 : vector<16xi1>, vector<16xf32>
      %parallel_loop3A_233 = arith.select %parallel_loop3A_229, %parallel_loop3A_195, %parallel_loop3A_232 : vector<16xi1>, vector<16xf32>
      %parallel_loop3A_234 = arith.select %parallel_loop3A_229, %parallel_loop3A_32, %parallel_loop3A_198 : vector<16xi1>, vector<16xi32>
      %parallel_loop3A_235 = arith.select %parallel_loop3A_230, %parallel_loop3A_32, %parallel_loop3A_200 : vector<16xi1>, vector<16xi32>
      %parallel_loop3A_236 = arith.select %parallel_loop3A_229, %parallel_loop3A_198, %parallel_loop3A_235 : vector<16xi1>, vector<16xi32>
      %parallel_loop3A_237 = arith.cmpf ogt, %parallel_loop3A_183, %parallel_loop3A_203 : vector<16xf32>
      %parallel_loop3A_238 = arith.cmpf ogt, %parallel_loop3A_183, %parallel_loop3A_205 : vector<16xf32>
      %parallel_loop3A_239 = arith.select %parallel_loop3A_237, %parallel_loop3A_183, %parallel_loop3A_203 : vector<16xi1>, vector<16xf32>
      %parallel_loop3A_240 = arith.select %parallel_loop3A_238, %parallel_loop3A_183, %parallel_loop3A_205 : vector<16xi1>, vector<16xf32>
      %parallel_loop3A_241 = arith.select %parallel_loop3A_237, %parallel_loop3A_203, %parallel_loop3A_240 : vector<16xi1>, vector<16xf32>
      %parallel_loop3A_242 = arith.select %parallel_loop3A_237, %parallel_loop3A_34, %parallel_loop3A_206 : vector<16xi1>, vector<16xi32>
      %parallel_loop3A_243 = arith.select %parallel_loop3A_238, %parallel_loop3A_34, %parallel_loop3A_208 : vector<16xi1>, vector<16xi32>
      %parallel_loop3A_244 = arith.select %parallel_loop3A_237, %parallel_loop3A_206, %parallel_loop3A_243 : vector<16xi1>, vector<16xi32>
      %parallel_loop3A_245 = arith.cmpf ogt, %parallel_loop3A_184, %parallel_loop3A_211 : vector<16xf32>
      %parallel_loop3A_246 = arith.cmpf ogt, %parallel_loop3A_184, %parallel_loop3A_213 : vector<16xf32>
      %parallel_loop3A_247 = arith.select %parallel_loop3A_245, %parallel_loop3A_184, %parallel_loop3A_211 : vector<16xi1>, vector<16xf32>
      %parallel_loop3A_248 = arith.select %parallel_loop3A_246, %parallel_loop3A_184, %parallel_loop3A_213 : vector<16xi1>, vector<16xf32>
      %parallel_loop3A_249 = arith.select %parallel_loop3A_245, %parallel_loop3A_211, %parallel_loop3A_248 : vector<16xi1>, vector<16xf32>
      %parallel_loop3A_250 = arith.select %parallel_loop3A_245, %parallel_loop3A_36, %parallel_loop3A_214 : vector<16xi1>, vector<16xi32>
      %parallel_loop3A_251 = arith.select %parallel_loop3A_246, %parallel_loop3A_36, %parallel_loop3A_216 : vector<16xi1>, vector<16xi32>
      %parallel_loop3A_252 = arith.select %parallel_loop3A_245, %parallel_loop3A_214, %parallel_loop3A_251 : vector<16xi1>, vector<16xi32>
      %parallel_loop3A_253 = tpu.vector_load_idx %arg5[%parallel_loop3A_12, %parallel_loop3A_46] : memref<256x64xf32, #tpu.memory_space<vmem>>[vector<16xi32>, vector<16xi32>], vector<16xf32>,
      %parallel_loop3A_254 = tpu.vector_load_idx %arg5[%parallel_loop3A_12, %parallel_loop3A_48] : memref<256x64xf32, #tpu.memory_space<vmem>>[vector<16xi32>, vector<16xi32>], vector<16xf32>,
      %parallel_loop3A_255 = tpu.vector_load_idx %arg5[%parallel_loop3A_12, %parallel_loop3A_50] : memref<256x64xf32, #tpu.memory_space<vmem>>[vector<16xi32>, vector<16xi32>], vector<16xf32>,
      %parallel_loop3A_256 = tpu.vector_load_idx %arg5[%parallel_loop3A_12, %parallel_loop3A_52] : memref<256x64xf32, #tpu.memory_space<vmem>>[vector<16xi32>, vector<16xi32>], vector<16xf32>,
      %parallel_loop3A_257 = arith.cmpf ogt, %parallel_loop3A_217, %parallel_loop3A_223 : vector<16xf32>
      %parallel_loop3A_258 = arith.cmpf ogt, %parallel_loop3A_217, %parallel_loop3A_225 : vector<16xf32>
      %parallel_loop3A_259 = arith.select %parallel_loop3A_257, %parallel_loop3A_217, %parallel_loop3A_223 : vector<16xi1>, vector<16xf32>
      %parallel_loop3A_260 = arith.select %parallel_loop3A_258, %parallel_loop3A_217, %parallel_loop3A_225 : vector<16xi1>, vector<16xf32>
      %parallel_loop3A_261 = arith.select %parallel_loop3A_257, %parallel_loop3A_223, %parallel_loop3A_260 : vector<16xi1>, vector<16xf32>
      %parallel_loop3A_262 = arith.select %parallel_loop3A_257, %parallel_loop3A_38, %parallel_loop3A_226 : vector<16xi1>, vector<16xi32>
      %parallel_loop3A_263 = arith.select %parallel_loop3A_258, %parallel_loop3A_38, %parallel_loop3A_228 : vector<16xi1>, vector<16xi32>
      %parallel_loop3A_264 = arith.select %parallel_loop3A_257, %parallel_loop3A_226, %parallel_loop3A_263 : vector<16xi1>, vector<16xi32>
      %parallel_loop3A_265 = arith.cmpf ogt, %parallel_loop3A_218, %parallel_loop3A_231 : vector<16xf32>
      %parallel_loop3A_266 = arith.cmpf ogt, %parallel_loop3A_218, %parallel_loop3A_233 : vector<16xf32>
      %parallel_loop3A_267 = arith.select %parallel_loop3A_265, %parallel_loop3A_218, %parallel_loop3A_231 : vector<16xi1>, vector<16xf32>
      %parallel_loop3A_268 = arith.select %parallel_loop3A_266, %parallel_loop3A_218, %parallel_loop3A_233 : vector<16xi1>, vector<16xf32>
      %parallel_loop3A_269 = arith.select %parallel_loop3A_265, %parallel_loop3A_231, %parallel_loop3A_268 : vector<16xi1>, vector<16xf32>
      %parallel_loop3A_270 = arith.select %parallel_loop3A_265, %parallel_loop3A_40, %parallel_loop3A_234 : vector<16xi1>, vector<16xi32>
      %parallel_loop3A_271 = arith.select %parallel_loop3A_266, %parallel_loop3A_40, %parallel_loop3A_236 : vector<16xi1>, vector<16xi32>
      %parallel_loop3A_272 = arith.select %parallel_loop3A_265, %parallel_loop3A_234, %parallel_loop3A_271 : vector<16xi1>, vector<16xi32>
      %parallel_loop3A_273 = arith.cmpf ogt, %parallel_loop3A_219, %parallel_loop3A_239 : vector<16xf32>
      %parallel_loop3A_274 = arith.cmpf ogt, %parallel_loop3A_219, %parallel_loop3A_241 : vector<16xf32>
      %parallel_loop3A_275 = arith.select %parallel_loop3A_273, %parallel_loop3A_219, %parallel_loop3A_239 : vector<16xi1>, vector<16xf32>
      %parallel_loop3A_276 = arith.select %parallel_loop3A_274, %parallel_loop3A_219, %parallel_loop3A_241 : vector<16xi1>, vector<16xf32>
      %parallel_loop3A_277 = arith.select %parallel_loop3A_273, %parallel_loop3A_239, %parallel_loop3A_276 : vector<16xi1>, vector<16xf32>
      %parallel_loop3A_278 = arith.select %parallel_loop3A_273, %parallel_loop3A_42, %parallel_loop3A_242 : vector<16xi1>, vector<16xi32>
      %parallel_loop3A_279 = arith.select %parallel_loop3A_274, %parallel_loop3A_42, %parallel_loop3A_244 : vector<16xi1>, vector<16xi32>
      %parallel_loop3A_280 = arith.select %parallel_loop3A_273, %parallel_loop3A_242, %parallel_loop3A_279 : vector<16xi1>, vector<16xi32>
      %parallel_loop3A_281 = arith.cmpf ogt, %parallel_loop3A_220, %parallel_loop3A_247 : vector<16xf32>
      %parallel_loop3A_282 = arith.cmpf ogt, %parallel_loop3A_220, %parallel_loop3A_249 : vector<16xf32>
      %parallel_loop3A_283 = arith.select %parallel_loop3A_281, %parallel_loop3A_220, %parallel_loop3A_247 : vector<16xi1>, vector<16xf32>
      %parallel_loop3A_284 = arith.select %parallel_loop3A_282, %parallel_loop3A_220, %parallel_loop3A_249 : vector<16xi1>, vector<16xf32>
      %parallel_loop3A_285 = arith.select %parallel_loop3A_281, %parallel_loop3A_247, %parallel_loop3A_284 : vector<16xi1>, vector<16xf32>
      %parallel_loop3A_286 = arith.select %parallel_loop3A_281, %parallel_loop3A_44, %parallel_loop3A_250 : vector<16xi1>, vector<16xi32>
      %parallel_loop3A_287 = arith.select %parallel_loop3A_282, %parallel_loop3A_44, %parallel_loop3A_252 : vector<16xi1>, vector<16xi32>
      %parallel_loop3A_288 = arith.select %parallel_loop3A_281, %parallel_loop3A_250, %parallel_loop3A_287 : vector<16xi1>, vector<16xi32>
      %parallel_loop3A_289 = tpu.vector_load_idx %arg5[%parallel_loop3A_12, %parallel_loop3A_54] : memref<256x64xf32, #tpu.memory_space<vmem>>[vector<16xi32>, vector<16xi32>], vector<16xf32>,
      %parallel_loop3A_290 = tpu.vector_load_idx %arg5[%parallel_loop3A_12, %parallel_loop3A_56] : memref<256x64xf32, #tpu.memory_space<vmem>>[vector<16xi32>, vector<16xi32>], vector<16xf32>,
      %parallel_loop3A_291 = tpu.vector_load_idx %arg5[%parallel_loop3A_12, %parallel_loop3A_58] : memref<256x64xf32, #tpu.memory_space<vmem>>[vector<16xi32>, vector<16xi32>], vector<16xf32>,
      %parallel_loop3A_292 = tpu.vector_load_idx %arg5[%parallel_loop3A_12, %parallel_loop3A_60] : memref<256x64xf32, #tpu.memory_space<vmem>>[vector<16xi32>, vector<16xi32>], vector<16xf32>,
      %parallel_loop3A_293 = arith.cmpf ogt, %parallel_loop3A_253, %parallel_loop3A_259 : vector<16xf32>
      %parallel_loop3A_294 = arith.cmpf ogt, %parallel_loop3A_253, %parallel_loop3A_261 : vector<16xf32>
      %parallel_loop3A_295 = arith.select %parallel_loop3A_293, %parallel_loop3A_253, %parallel_loop3A_259 : vector<16xi1>, vector<16xf32>
      %parallel_loop3A_296 = arith.select %parallel_loop3A_294, %parallel_loop3A_253, %parallel_loop3A_261 : vector<16xi1>, vector<16xf32>
      %parallel_loop3A_297 = arith.select %parallel_loop3A_293, %parallel_loop3A_259, %parallel_loop3A_296 : vector<16xi1>, vector<16xf32>
      %parallel_loop3A_298 = arith.select %parallel_loop3A_293, %parallel_loop3A_46, %parallel_loop3A_262 : vector<16xi1>, vector<16xi32>
      %parallel_loop3A_299 = arith.select %parallel_loop3A_294, %parallel_loop3A_46, %parallel_loop3A_264 : vector<16xi1>, vector<16xi32>
      %parallel_loop3A_300 = arith.select %parallel_loop3A_293, %parallel_loop3A_262, %parallel_loop3A_299 : vector<16xi1>, vector<16xi32>
      %parallel_loop3A_301 = arith.cmpf ogt, %parallel_loop3A_254, %parallel_loop3A_267 : vector<16xf32>
      %parallel_loop3A_302 = arith.cmpf ogt, %parallel_loop3A_254, %parallel_loop3A_269 : vector<16xf32>
      %parallel_loop3A_303 = arith.select %parallel_loop3A_301, %parallel_loop3A_254, %parallel_loop3A_267 : vector<16xi1>, vector<16xf32>
      %parallel_loop3A_304 = arith.select %parallel_loop3A_302, %parallel_loop3A_254, %parallel_loop3A_269 : vector<16xi1>, vector<16xf32>
      %parallel_loop3A_305 = arith.select %parallel_loop3A_301, %parallel_loop3A_267, %parallel_loop3A_304 : vector<16xi1>, vector<16xf32>
      %parallel_loop3A_306 = arith.select %parallel_loop3A_301, %parallel_loop3A_48, %parallel_loop3A_270 : vector<16xi1>, vector<16xi32>
      %parallel_loop3A_307 = arith.select %parallel_loop3A_302, %parallel_loop3A_48, %parallel_loop3A_272 : vector<16xi1>, vector<16xi32>
      %parallel_loop3A_308 = arith.select %parallel_loop3A_301, %parallel_loop3A_270, %parallel_loop3A_307 : vector<16xi1>, vector<16xi32>
      %parallel_loop3A_309 = arith.cmpf ogt, %parallel_loop3A_255, %parallel_loop3A_275 : vector<16xf32>
      %parallel_loop3A_310 = arith.cmpf ogt, %parallel_loop3A_255, %parallel_loop3A_277 : vector<16xf32>
      %parallel_loop3A_311 = arith.select %parallel_loop3A_309, %parallel_loop3A_255, %parallel_loop3A_275 : vector<16xi1>, vector<16xf32>
      %parallel_loop3A_312 = arith.select %parallel_loop3A_310, %parallel_loop3A_255, %parallel_loop3A_277 : vector<16xi1>, vector<16xf32>
      %parallel_loop3A_313 = arith.select %parallel_loop3A_309, %parallel_loop3A_275, %parallel_loop3A_312 : vector<16xi1>, vector<16xf32>
      %parallel_loop3A_314 = arith.select %parallel_loop3A_309, %parallel_loop3A_50, %parallel_loop3A_278 : vector<16xi1>, vector<16xi32>
      %parallel_loop3A_315 = arith.select %parallel_loop3A_310, %parallel_loop3A_50, %parallel_loop3A_280 : vector<16xi1>, vector<16xi32>
      %parallel_loop3A_316 = arith.select %parallel_loop3A_309, %parallel_loop3A_278, %parallel_loop3A_315 : vector<16xi1>, vector<16xi32>
      %parallel_loop3A_317 = arith.cmpf ogt, %parallel_loop3A_256, %parallel_loop3A_283 : vector<16xf32>
      %parallel_loop3A_318 = arith.cmpf ogt, %parallel_loop3A_256, %parallel_loop3A_285 : vector<16xf32>
      %parallel_loop3A_319 = arith.select %parallel_loop3A_317, %parallel_loop3A_256, %parallel_loop3A_283 : vector<16xi1>, vector<16xf32>
      %parallel_loop3A_320 = arith.select %parallel_loop3A_318, %parallel_loop3A_256, %parallel_loop3A_285 : vector<16xi1>, vector<16xf32>
      %parallel_loop3A_321 = arith.select %parallel_loop3A_317, %parallel_loop3A_283, %parallel_loop3A_320 : vector<16xi1>, vector<16xf32>
      %parallel_loop3A_322 = arith.select %parallel_loop3A_317, %parallel_loop3A_52, %parallel_loop3A_286 : vector<16xi1>, vector<16xi32>
      %parallel_loop3A_323 = arith.select %parallel_loop3A_318, %parallel_loop3A_52, %parallel_loop3A_288 : vector<16xi1>, vector<16xi32>
      %parallel_loop3A_324 = arith.select %parallel_loop3A_317, %parallel_loop3A_286, %parallel_loop3A_323 : vector<16xi1>, vector<16xi32>
      %parallel_loop3A_325 = tpu.vector_load_idx %arg5[%parallel_loop3A_12, %parallel_loop3A_62] : memref<256x64xf32, #tpu.memory_space<vmem>>[vector<16xi32>, vector<16xi32>], vector<16xf32>,
      %parallel_loop3A_326 = tpu.vector_load_idx %arg5[%parallel_loop3A_12, %parallel_loop3A_64] : memref<256x64xf32, #tpu.memory_space<vmem>>[vector<16xi32>, vector<16xi32>], vector<16xf32>,
      %parallel_loop3A_327 = tpu.vector_load_idx %arg5[%parallel_loop3A_12, %parallel_loop3A_66] : memref<256x64xf32, #tpu.memory_space<vmem>>[vector<16xi32>, vector<16xi32>], vector<16xf32>,
      %parallel_loop3A_328 = tpu.vector_load_idx %arg5[%parallel_loop3A_12, %parallel_loop3A_68] : memref<256x64xf32, #tpu.memory_space<vmem>>[vector<16xi32>, vector<16xi32>], vector<16xf32>,
      %parallel_loop3A_329 = arith.cmpf ogt, %parallel_loop3A_289, %parallel_loop3A_295 : vector<16xf32>
      %parallel_loop3A_330 = arith.cmpf ogt, %parallel_loop3A_289, %parallel_loop3A_297 : vector<16xf32>
      %parallel_loop3A_331 = arith.select %parallel_loop3A_329, %parallel_loop3A_289, %parallel_loop3A_295 : vector<16xi1>, vector<16xf32>
      %parallel_loop3A_332 = arith.select %parallel_loop3A_330, %parallel_loop3A_289, %parallel_loop3A_297 : vector<16xi1>, vector<16xf32>
      %parallel_loop3A_333 = arith.select %parallel_loop3A_329, %parallel_loop3A_295, %parallel_loop3A_332 : vector<16xi1>, vector<16xf32>
      %parallel_loop3A_334 = arith.select %parallel_loop3A_329, %parallel_loop3A_54, %parallel_loop3A_298 : vector<16xi1>, vector<16xi32>
      %parallel_loop3A_335 = arith.select %parallel_loop3A_330, %parallel_loop3A_54, %parallel_loop3A_300 : vector<16xi1>, vector<16xi32>
      %parallel_loop3A_336 = arith.select %parallel_loop3A_329, %parallel_loop3A_298, %parallel_loop3A_335 : vector<16xi1>, vector<16xi32>
      %parallel_loop3A_337 = arith.cmpf ogt, %parallel_loop3A_290, %parallel_loop3A_303 : vector<16xf32>
      %parallel_loop3A_338 = arith.cmpf ogt, %parallel_loop3A_290, %parallel_loop3A_305 : vector<16xf32>
      %parallel_loop3A_339 = arith.select %parallel_loop3A_337, %parallel_loop3A_290, %parallel_loop3A_303 : vector<16xi1>, vector<16xf32>
      %parallel_loop3A_340 = arith.select %parallel_loop3A_338, %parallel_loop3A_290, %parallel_loop3A_305 : vector<16xi1>, vector<16xf32>
      %parallel_loop3A_341 = arith.select %parallel_loop3A_337, %parallel_loop3A_303, %parallel_loop3A_340 : vector<16xi1>, vector<16xf32>
      %parallel_loop3A_342 = arith.select %parallel_loop3A_337, %parallel_loop3A_56, %parallel_loop3A_306 : vector<16xi1>, vector<16xi32>
      %parallel_loop3A_343 = arith.select %parallel_loop3A_338, %parallel_loop3A_56, %parallel_loop3A_308 : vector<16xi1>, vector<16xi32>
      %parallel_loop3A_344 = arith.select %parallel_loop3A_337, %parallel_loop3A_306, %parallel_loop3A_343 : vector<16xi1>, vector<16xi32>
      %parallel_loop3A_345 = arith.cmpf ogt, %parallel_loop3A_291, %parallel_loop3A_311 : vector<16xf32>
      %parallel_loop3A_346 = arith.cmpf ogt, %parallel_loop3A_291, %parallel_loop3A_313 : vector<16xf32>
      %parallel_loop3A_347 = arith.select %parallel_loop3A_345, %parallel_loop3A_291, %parallel_loop3A_311 : vector<16xi1>, vector<16xf32>
      %parallel_loop3A_348 = arith.select %parallel_loop3A_346, %parallel_loop3A_291, %parallel_loop3A_313 : vector<16xi1>, vector<16xf32>
      %parallel_loop3A_349 = arith.select %parallel_loop3A_345, %parallel_loop3A_311, %parallel_loop3A_348 : vector<16xi1>, vector<16xf32>
      %parallel_loop3A_350 = arith.select %parallel_loop3A_345, %parallel_loop3A_58, %parallel_loop3A_314 : vector<16xi1>, vector<16xi32>
      %parallel_loop3A_351 = arith.select %parallel_loop3A_346, %parallel_loop3A_58, %parallel_loop3A_316 : vector<16xi1>, vector<16xi32>
      %parallel_loop3A_352 = arith.select %parallel_loop3A_345, %parallel_loop3A_314, %parallel_loop3A_351 : vector<16xi1>, vector<16xi32>
      %parallel_loop3A_353 = arith.cmpf ogt, %parallel_loop3A_292, %parallel_loop3A_319 : vector<16xf32>
      %parallel_loop3A_354 = arith.cmpf ogt, %parallel_loop3A_292, %parallel_loop3A_321 : vector<16xf32>
      %parallel_loop3A_355 = arith.select %parallel_loop3A_353, %parallel_loop3A_292, %parallel_loop3A_319 : vector<16xi1>, vector<16xf32>
      %parallel_loop3A_356 = arith.select %parallel_loop3A_354, %parallel_loop3A_292, %parallel_loop3A_321 : vector<16xi1>, vector<16xf32>
      %parallel_loop3A_357 = arith.select %parallel_loop3A_353, %parallel_loop3A_319, %parallel_loop3A_356 : vector<16xi1>, vector<16xf32>
      %parallel_loop3A_358 = arith.select %parallel_loop3A_353, %parallel_loop3A_60, %parallel_loop3A_322 : vector<16xi1>, vector<16xi32>
      %parallel_loop3A_359 = arith.select %parallel_loop3A_354, %parallel_loop3A_60, %parallel_loop3A_324 : vector<16xi1>, vector<16xi32>
      %parallel_loop3A_360 = arith.select %parallel_loop3A_353, %parallel_loop3A_322, %parallel_loop3A_359 : vector<16xi1>, vector<16xi32>
      %parallel_loop3A_361 = tpu.vector_load_idx %arg5[%parallel_loop3A_12, %parallel_loop3A_70] : memref<256x64xf32, #tpu.memory_space<vmem>>[vector<16xi32>, vector<16xi32>], vector<16xf32>,
      %parallel_loop3A_362 = tpu.vector_load_idx %arg5[%parallel_loop3A_12, %parallel_loop3A_72] : memref<256x64xf32, #tpu.memory_space<vmem>>[vector<16xi32>, vector<16xi32>], vector<16xf32>,
      %parallel_loop3A_363 = tpu.vector_load_idx %arg5[%parallel_loop3A_12, %parallel_loop3A_74] : memref<256x64xf32, #tpu.memory_space<vmem>>[vector<16xi32>, vector<16xi32>], vector<16xf32>,
      %parallel_loop3A_364 = tpu.vector_load_idx %arg5[%parallel_loop3A_12, %parallel_loop3A_76] : memref<256x64xf32, #tpu.memory_space<vmem>>[vector<16xi32>, vector<16xi32>], vector<16xf32>,
      %parallel_loop3A_365 = arith.cmpf ogt, %parallel_loop3A_325, %parallel_loop3A_331 : vector<16xf32>
      %parallel_loop3A_366 = arith.cmpf ogt, %parallel_loop3A_325, %parallel_loop3A_333 : vector<16xf32>
      %parallel_loop3A_367 = arith.select %parallel_loop3A_365, %parallel_loop3A_325, %parallel_loop3A_331 : vector<16xi1>, vector<16xf32>
      %parallel_loop3A_368 = arith.select %parallel_loop3A_366, %parallel_loop3A_325, %parallel_loop3A_333 : vector<16xi1>, vector<16xf32>
      %parallel_loop3A_369 = arith.select %parallel_loop3A_365, %parallel_loop3A_331, %parallel_loop3A_368 : vector<16xi1>, vector<16xf32>
      %parallel_loop3A_370 = arith.select %parallel_loop3A_365, %parallel_loop3A_62, %parallel_loop3A_334 : vector<16xi1>, vector<16xi32>
      %parallel_loop3A_371 = arith.select %parallel_loop3A_366, %parallel_loop3A_62, %parallel_loop3A_336 : vector<16xi1>, vector<16xi32>
      %parallel_loop3A_372 = arith.select %parallel_loop3A_365, %parallel_loop3A_334, %parallel_loop3A_371 : vector<16xi1>, vector<16xi32>
      %parallel_loop3A_373 = arith.cmpf ogt, %parallel_loop3A_326, %parallel_loop3A_339 : vector<16xf32>
      %parallel_loop3A_374 = arith.cmpf ogt, %parallel_loop3A_326, %parallel_loop3A_341 : vector<16xf32>
      %parallel_loop3A_375 = arith.select %parallel_loop3A_373, %parallel_loop3A_326, %parallel_loop3A_339 : vector<16xi1>, vector<16xf32>
      %parallel_loop3A_376 = arith.select %parallel_loop3A_374, %parallel_loop3A_326, %parallel_loop3A_341 : vector<16xi1>, vector<16xf32>
      %parallel_loop3A_377 = arith.select %parallel_loop3A_373, %parallel_loop3A_339, %parallel_loop3A_376 : vector<16xi1>, vector<16xf32>
      %parallel_loop3A_378 = arith.select %parallel_loop3A_373, %parallel_loop3A_64, %parallel_loop3A_342 : vector<16xi1>, vector<16xi32>
      %parallel_loop3A_379 = arith.select %parallel_loop3A_374, %parallel_loop3A_64, %parallel_loop3A_344 : vector<16xi1>, vector<16xi32>
      %parallel_loop3A_380 = arith.select %parallel_loop3A_373, %parallel_loop3A_342, %parallel_loop3A_379 : vector<16xi1>, vector<16xi32>
      %parallel_loop3A_381 = arith.cmpf ogt, %parallel_loop3A_327, %parallel_loop3A_347 : vector<16xf32>
      %parallel_loop3A_382 = arith.cmpf ogt, %parallel_loop3A_327, %parallel_loop3A_349 : vector<16xf32>
      %parallel_loop3A_383 = arith.select %parallel_loop3A_381, %parallel_loop3A_327, %parallel_loop3A_347 : vector<16xi1>, vector<16xf32>
      %parallel_loop3A_384 = arith.select %parallel_loop3A_382, %parallel_loop3A_327, %parallel_loop3A_349 : vector<16xi1>, vector<16xf32>
      %parallel_loop3A_385 = arith.select %parallel_loop3A_381, %parallel_loop3A_347, %parallel_loop3A_384 : vector<16xi1>, vector<16xf32>
      %parallel_loop3A_386 = arith.select %parallel_loop3A_381, %parallel_loop3A_66, %parallel_loop3A_350 : vector<16xi1>, vector<16xi32>
      %parallel_loop3A_387 = arith.select %parallel_loop3A_382, %parallel_loop3A_66, %parallel_loop3A_352 : vector<16xi1>, vector<16xi32>
      %parallel_loop3A_388 = arith.select %parallel_loop3A_381, %parallel_loop3A_350, %parallel_loop3A_387 : vector<16xi1>, vector<16xi32>
      %parallel_loop3A_389 = arith.cmpf ogt, %parallel_loop3A_328, %parallel_loop3A_355 : vector<16xf32>
      %parallel_loop3A_390 = arith.cmpf ogt, %parallel_loop3A_328, %parallel_loop3A_357 : vector<16xf32>
      %parallel_loop3A_391 = arith.select %parallel_loop3A_389, %parallel_loop3A_328, %parallel_loop3A_355 : vector<16xi1>, vector<16xf32>
      %parallel_loop3A_392 = arith.select %parallel_loop3A_390, %parallel_loop3A_328, %parallel_loop3A_357 : vector<16xi1>, vector<16xf32>
      %parallel_loop3A_393 = arith.select %parallel_loop3A_389, %parallel_loop3A_355, %parallel_loop3A_392 : vector<16xi1>, vector<16xf32>
      %parallel_loop3A_394 = arith.select %parallel_loop3A_389, %parallel_loop3A_68, %parallel_loop3A_358 : vector<16xi1>, vector<16xi32>
      %parallel_loop3A_395 = arith.select %parallel_loop3A_390, %parallel_loop3A_68, %parallel_loop3A_360 : vector<16xi1>, vector<16xi32>
      %parallel_loop3A_396 = arith.select %parallel_loop3A_389, %parallel_loop3A_358, %parallel_loop3A_395 : vector<16xi1>, vector<16xi32>
      %parallel_loop3A_397 = tpu.vector_load_idx %arg5[%parallel_loop3A_12, %parallel_loop3A_78] : memref<256x64xf32, #tpu.memory_space<vmem>>[vector<16xi32>, vector<16xi32>], vector<16xf32>,
      %parallel_loop3A_398 = tpu.vector_load_idx %arg5[%parallel_loop3A_12, %parallel_loop3A_80] : memref<256x64xf32, #tpu.memory_space<vmem>>[vector<16xi32>, vector<16xi32>], vector<16xf32>,
      %parallel_loop3A_399 = tpu.vector_load_idx %arg5[%parallel_loop3A_12, %parallel_loop3A_82] : memref<256x64xf32, #tpu.memory_space<vmem>>[vector<16xi32>, vector<16xi32>], vector<16xf32>,
      %parallel_loop3A_400 = tpu.vector_load_idx %arg5[%parallel_loop3A_12, %parallel_loop3A_84] : memref<256x64xf32, #tpu.memory_space<vmem>>[vector<16xi32>, vector<16xi32>], vector<16xf32>,
      %parallel_loop3A_401 = arith.cmpf ogt, %parallel_loop3A_361, %parallel_loop3A_367 : vector<16xf32>
      %parallel_loop3A_402 = arith.cmpf ogt, %parallel_loop3A_361, %parallel_loop3A_369 : vector<16xf32>
      %parallel_loop3A_403 = arith.select %parallel_loop3A_401, %parallel_loop3A_361, %parallel_loop3A_367 : vector<16xi1>, vector<16xf32>
      %parallel_loop3A_404 = arith.select %parallel_loop3A_402, %parallel_loop3A_361, %parallel_loop3A_369 : vector<16xi1>, vector<16xf32>
      %parallel_loop3A_405 = arith.select %parallel_loop3A_401, %parallel_loop3A_367, %parallel_loop3A_404 : vector<16xi1>, vector<16xf32>
      %parallel_loop3A_406 = arith.select %parallel_loop3A_401, %parallel_loop3A_70, %parallel_loop3A_370 : vector<16xi1>, vector<16xi32>
      %parallel_loop3A_407 = arith.select %parallel_loop3A_402, %parallel_loop3A_70, %parallel_loop3A_372 : vector<16xi1>, vector<16xi32>
      %parallel_loop3A_408 = arith.select %parallel_loop3A_401, %parallel_loop3A_370, %parallel_loop3A_407 : vector<16xi1>, vector<16xi32>
      %parallel_loop3A_409 = arith.cmpf ogt, %parallel_loop3A_362, %parallel_loop3A_375 : vector<16xf32>
      %parallel_loop3A_410 = arith.cmpf ogt, %parallel_loop3A_362, %parallel_loop3A_377 : vector<16xf32>
      %parallel_loop3A_411 = arith.select %parallel_loop3A_409, %parallel_loop3A_362, %parallel_loop3A_375 : vector<16xi1>, vector<16xf32>
      %parallel_loop3A_412 = arith.select %parallel_loop3A_410, %parallel_loop3A_362, %parallel_loop3A_377 : vector<16xi1>, vector<16xf32>
      %parallel_loop3A_413 = arith.select %parallel_loop3A_409, %parallel_loop3A_375, %parallel_loop3A_412 : vector<16xi1>, vector<16xf32>
      %parallel_loop3A_414 = arith.select %parallel_loop3A_409, %parallel_loop3A_72, %parallel_loop3A_378 : vector<16xi1>, vector<16xi32>
      %parallel_loop3A_415 = arith.select %parallel_loop3A_410, %parallel_loop3A_72, %parallel_loop3A_380 : vector<16xi1>, vector<16xi32>
      %parallel_loop3A_416 = arith.select %parallel_loop3A_409, %parallel_loop3A_378, %parallel_loop3A_415 : vector<16xi1>, vector<16xi32>
      %parallel_loop3A_417 = arith.cmpf ogt, %parallel_loop3A_363, %parallel_loop3A_383 : vector<16xf32>
      %parallel_loop3A_418 = arith.cmpf ogt, %parallel_loop3A_363, %parallel_loop3A_385 : vector<16xf32>
      %parallel_loop3A_419 = arith.select %parallel_loop3A_417, %parallel_loop3A_363, %parallel_loop3A_383 : vector<16xi1>, vector<16xf32>
      %parallel_loop3A_420 = arith.select %parallel_loop3A_418, %parallel_loop3A_363, %parallel_loop3A_385 : vector<16xi1>, vector<16xf32>
      %parallel_loop3A_421 = arith.select %parallel_loop3A_417, %parallel_loop3A_383, %parallel_loop3A_420 : vector<16xi1>, vector<16xf32>
      %parallel_loop3A_422 = arith.select %parallel_loop3A_417, %parallel_loop3A_74, %parallel_loop3A_386 : vector<16xi1>, vector<16xi32>
      %parallel_loop3A_423 = arith.select %parallel_loop3A_418, %parallel_loop3A_74, %parallel_loop3A_388 : vector<16xi1>, vector<16xi32>
      %parallel_loop3A_424 = arith.select %parallel_loop3A_417, %parallel_loop3A_386, %parallel_loop3A_423 : vector<16xi1>, vector<16xi32>
      %parallel_loop3A_425 = arith.cmpf ogt, %parallel_loop3A_364, %parallel_loop3A_391 : vector<16xf32>
      %parallel_loop3A_426 = arith.cmpf ogt, %parallel_loop3A_364, %parallel_loop3A_393 : vector<16xf32>
      %parallel_loop3A_427 = arith.select %parallel_loop3A_425, %parallel_loop3A_364, %parallel_loop3A_391 : vector<16xi1>, vector<16xf32>
      %parallel_loop3A_428 = arith.select %parallel_loop3A_426, %parallel_loop3A_364, %parallel_loop3A_393 : vector<16xi1>, vector<16xf32>
      %parallel_loop3A_429 = arith.select %parallel_loop3A_425, %parallel_loop3A_391, %parallel_loop3A_428 : vector<16xi1>, vector<16xf32>
      %parallel_loop3A_430 = arith.select %parallel_loop3A_425, %parallel_loop3A_76, %parallel_loop3A_394 : vector<16xi1>, vector<16xi32>
      %parallel_loop3A_431 = arith.select %parallel_loop3A_426, %parallel_loop3A_76, %parallel_loop3A_396 : vector<16xi1>, vector<16xi32>
      %parallel_loop3A_432 = arith.select %parallel_loop3A_425, %parallel_loop3A_394, %parallel_loop3A_431 : vector<16xi1>, vector<16xi32>
      %parallel_loop3A_433 = tpu.vector_load_idx %arg5[%parallel_loop3A_12, %parallel_loop3A_86] : memref<256x64xf32, #tpu.memory_space<vmem>>[vector<16xi32>, vector<16xi32>], vector<16xf32>,
      %parallel_loop3A_434 = tpu.vector_load_idx %arg5[%parallel_loop3A_12, %parallel_loop3A_88] : memref<256x64xf32, #tpu.memory_space<vmem>>[vector<16xi32>, vector<16xi32>], vector<16xf32>,
      %parallel_loop3A_435 = tpu.vector_load_idx %arg5[%parallel_loop3A_12, %parallel_loop3A_90] : memref<256x64xf32, #tpu.memory_space<vmem>>[vector<16xi32>, vector<16xi32>], vector<16xf32>,
      %parallel_loop3A_436 = tpu.vector_load_idx %arg5[%parallel_loop3A_12, %parallel_loop3A_92] : memref<256x64xf32, #tpu.memory_space<vmem>>[vector<16xi32>, vector<16xi32>], vector<16xf32>,
      %parallel_loop3A_437 = arith.cmpf ogt, %parallel_loop3A_397, %parallel_loop3A_403 : vector<16xf32>
      %parallel_loop3A_438 = arith.cmpf ogt, %parallel_loop3A_397, %parallel_loop3A_405 : vector<16xf32>
      %parallel_loop3A_439 = arith.select %parallel_loop3A_437, %parallel_loop3A_397, %parallel_loop3A_403 : vector<16xi1>, vector<16xf32>
      %parallel_loop3A_440 = arith.select %parallel_loop3A_438, %parallel_loop3A_397, %parallel_loop3A_405 : vector<16xi1>, vector<16xf32>
      %parallel_loop3A_441 = arith.select %parallel_loop3A_437, %parallel_loop3A_403, %parallel_loop3A_440 : vector<16xi1>, vector<16xf32>
      %parallel_loop3A_442 = arith.select %parallel_loop3A_437, %parallel_loop3A_78, %parallel_loop3A_406 : vector<16xi1>, vector<16xi32>
      %parallel_loop3A_443 = arith.select %parallel_loop3A_438, %parallel_loop3A_78, %parallel_loop3A_408 : vector<16xi1>, vector<16xi32>
      %parallel_loop3A_444 = arith.select %parallel_loop3A_437, %parallel_loop3A_406, %parallel_loop3A_443 : vector<16xi1>, vector<16xi32>
      %parallel_loop3A_445 = arith.cmpf ogt, %parallel_loop3A_398, %parallel_loop3A_411 : vector<16xf32>
      %parallel_loop3A_446 = arith.cmpf ogt, %parallel_loop3A_398, %parallel_loop3A_413 : vector<16xf32>
      %parallel_loop3A_447 = arith.select %parallel_loop3A_445, %parallel_loop3A_398, %parallel_loop3A_411 : vector<16xi1>, vector<16xf32>
      %parallel_loop3A_448 = arith.select %parallel_loop3A_446, %parallel_loop3A_398, %parallel_loop3A_413 : vector<16xi1>, vector<16xf32>
      %parallel_loop3A_449 = arith.select %parallel_loop3A_445, %parallel_loop3A_411, %parallel_loop3A_448 : vector<16xi1>, vector<16xf32>
      %parallel_loop3A_450 = arith.select %parallel_loop3A_445, %parallel_loop3A_80, %parallel_loop3A_414 : vector<16xi1>, vector<16xi32>
      %parallel_loop3A_451 = arith.select %parallel_loop3A_446, %parallel_loop3A_80, %parallel_loop3A_416 : vector<16xi1>, vector<16xi32>
      %parallel_loop3A_452 = arith.select %parallel_loop3A_445, %parallel_loop3A_414, %parallel_loop3A_451 : vector<16xi1>, vector<16xi32>
      %parallel_loop3A_453 = arith.cmpf ogt, %parallel_loop3A_399, %parallel_loop3A_419 : vector<16xf32>
      %parallel_loop3A_454 = arith.cmpf ogt, %parallel_loop3A_399, %parallel_loop3A_421 : vector<16xf32>
      %parallel_loop3A_455 = arith.select %parallel_loop3A_453, %parallel_loop3A_399, %parallel_loop3A_419 : vector<16xi1>, vector<16xf32>
      %parallel_loop3A_456 = arith.select %parallel_loop3A_454, %parallel_loop3A_399, %parallel_loop3A_421 : vector<16xi1>, vector<16xf32>
      %parallel_loop3A_457 = arith.select %parallel_loop3A_453, %parallel_loop3A_419, %parallel_loop3A_456 : vector<16xi1>, vector<16xf32>
      %parallel_loop3A_458 = arith.select %parallel_loop3A_453, %parallel_loop3A_82, %parallel_loop3A_422 : vector<16xi1>, vector<16xi32>
      %parallel_loop3A_459 = arith.select %parallel_loop3A_454, %parallel_loop3A_82, %parallel_loop3A_424 : vector<16xi1>, vector<16xi32>
      %parallel_loop3A_460 = arith.select %parallel_loop3A_453, %parallel_loop3A_422, %parallel_loop3A_459 : vector<16xi1>, vector<16xi32>
      %parallel_loop3A_461 = arith.cmpf ogt, %parallel_loop3A_400, %parallel_loop3A_427 : vector<16xf32>
      %parallel_loop3A_462 = arith.cmpf ogt, %parallel_loop3A_400, %parallel_loop3A_429 : vector<16xf32>
      %parallel_loop3A_463 = arith.select %parallel_loop3A_461, %parallel_loop3A_400, %parallel_loop3A_427 : vector<16xi1>, vector<16xf32>
      %parallel_loop3A_464 = arith.select %parallel_loop3A_462, %parallel_loop3A_400, %parallel_loop3A_429 : vector<16xi1>, vector<16xf32>
      %parallel_loop3A_465 = arith.select %parallel_loop3A_461, %parallel_loop3A_427, %parallel_loop3A_464 : vector<16xi1>, vector<16xf32>
      %parallel_loop3A_466 = arith.select %parallel_loop3A_461, %parallel_loop3A_84, %parallel_loop3A_430 : vector<16xi1>, vector<16xi32>
      %parallel_loop3A_467 = arith.select %parallel_loop3A_462, %parallel_loop3A_84, %parallel_loop3A_432 : vector<16xi1>, vector<16xi32>
      %parallel_loop3A_468 = arith.select %parallel_loop3A_461, %parallel_loop3A_430, %parallel_loop3A_467 : vector<16xi1>, vector<16xi32>
      %parallel_loop3A_469 = tpu.vector_load_idx %arg5[%parallel_loop3A_12, %parallel_loop3A_94] : memref<256x64xf32, #tpu.memory_space<vmem>>[vector<16xi32>, vector<16xi32>], vector<16xf32>,
      %parallel_loop3A_470 = tpu.vector_load_idx %arg5[%parallel_loop3A_12, %parallel_loop3A_96] : memref<256x64xf32, #tpu.memory_space<vmem>>[vector<16xi32>, vector<16xi32>], vector<16xf32>,
      %parallel_loop3A_471 = tpu.vector_load_idx %arg5[%parallel_loop3A_12, %parallel_loop3A_98] : memref<256x64xf32, #tpu.memory_space<vmem>>[vector<16xi32>, vector<16xi32>], vector<16xf32>,
      %parallel_loop3A_472 = tpu.vector_load_idx %arg5[%parallel_loop3A_12, %parallel_loop3A_100] : memref<256x64xf32, #tpu.memory_space<vmem>>[vector<16xi32>, vector<16xi32>], vector<16xf32>,
      %parallel_loop3A_473 = arith.cmpf ogt, %parallel_loop3A_433, %parallel_loop3A_439 : vector<16xf32>
      %parallel_loop3A_474 = arith.cmpf ogt, %parallel_loop3A_433, %parallel_loop3A_441 : vector<16xf32>
      %parallel_loop3A_475 = arith.select %parallel_loop3A_473, %parallel_loop3A_433, %parallel_loop3A_439 : vector<16xi1>, vector<16xf32>
      %parallel_loop3A_476 = arith.select %parallel_loop3A_474, %parallel_loop3A_433, %parallel_loop3A_441 : vector<16xi1>, vector<16xf32>
      %parallel_loop3A_477 = arith.select %parallel_loop3A_473, %parallel_loop3A_439, %parallel_loop3A_476 : vector<16xi1>, vector<16xf32>
      %parallel_loop3A_478 = arith.select %parallel_loop3A_473, %parallel_loop3A_86, %parallel_loop3A_442 : vector<16xi1>, vector<16xi32>
      %parallel_loop3A_479 = arith.select %parallel_loop3A_474, %parallel_loop3A_86, %parallel_loop3A_444 : vector<16xi1>, vector<16xi32>
      %parallel_loop3A_480 = arith.select %parallel_loop3A_473, %parallel_loop3A_442, %parallel_loop3A_479 : vector<16xi1>, vector<16xi32>
      %parallel_loop3A_481 = arith.cmpf ogt, %parallel_loop3A_434, %parallel_loop3A_447 : vector<16xf32>
      %parallel_loop3A_482 = arith.cmpf ogt, %parallel_loop3A_434, %parallel_loop3A_449 : vector<16xf32>
      %parallel_loop3A_483 = arith.select %parallel_loop3A_481, %parallel_loop3A_434, %parallel_loop3A_447 : vector<16xi1>, vector<16xf32>
      %parallel_loop3A_484 = arith.select %parallel_loop3A_482, %parallel_loop3A_434, %parallel_loop3A_449 : vector<16xi1>, vector<16xf32>
      %parallel_loop3A_485 = arith.select %parallel_loop3A_481, %parallel_loop3A_447, %parallel_loop3A_484 : vector<16xi1>, vector<16xf32>
      %parallel_loop3A_486 = arith.select %parallel_loop3A_481, %parallel_loop3A_88, %parallel_loop3A_450 : vector<16xi1>, vector<16xi32>
      %parallel_loop3A_487 = arith.select %parallel_loop3A_482, %parallel_loop3A_88, %parallel_loop3A_452 : vector<16xi1>, vector<16xi32>
      %parallel_loop3A_488 = arith.select %parallel_loop3A_481, %parallel_loop3A_450, %parallel_loop3A_487 : vector<16xi1>, vector<16xi32>
      %parallel_loop3A_489 = arith.cmpf ogt, %parallel_loop3A_435, %parallel_loop3A_455 : vector<16xf32>
      %parallel_loop3A_490 = arith.cmpf ogt, %parallel_loop3A_435, %parallel_loop3A_457 : vector<16xf32>
      %parallel_loop3A_491 = arith.select %parallel_loop3A_489, %parallel_loop3A_435, %parallel_loop3A_455 : vector<16xi1>, vector<16xf32>
      %parallel_loop3A_492 = arith.select %parallel_loop3A_490, %parallel_loop3A_435, %parallel_loop3A_457 : vector<16xi1>, vector<16xf32>
      %parallel_loop3A_493 = arith.select %parallel_loop3A_489, %parallel_loop3A_455, %parallel_loop3A_492 : vector<16xi1>, vector<16xf32>
      %parallel_loop3A_494 = arith.select %parallel_loop3A_489, %parallel_loop3A_90, %parallel_loop3A_458 : vector<16xi1>, vector<16xi32>
      %parallel_loop3A_495 = arith.select %parallel_loop3A_490, %parallel_loop3A_90, %parallel_loop3A_460 : vector<16xi1>, vector<16xi32>
      %parallel_loop3A_496 = arith.select %parallel_loop3A_489, %parallel_loop3A_458, %parallel_loop3A_495 : vector<16xi1>, vector<16xi32>
      %parallel_loop3A_497 = arith.cmpf ogt, %parallel_loop3A_436, %parallel_loop3A_463 : vector<16xf32>
      %parallel_loop3A_498 = arith.cmpf ogt, %parallel_loop3A_436, %parallel_loop3A_465 : vector<16xf32>
      %parallel_loop3A_499 = arith.select %parallel_loop3A_497, %parallel_loop3A_436, %parallel_loop3A_463 : vector<16xi1>, vector<16xf32>
      %parallel_loop3A_500 = arith.select %parallel_loop3A_498, %parallel_loop3A_436, %parallel_loop3A_465 : vector<16xi1>, vector<16xf32>
      %parallel_loop3A_501 = arith.select %parallel_loop3A_497, %parallel_loop3A_463, %parallel_loop3A_500 : vector<16xi1>, vector<16xf32>
      %parallel_loop3A_502 = arith.select %parallel_loop3A_497, %parallel_loop3A_92, %parallel_loop3A_466 : vector<16xi1>, vector<16xi32>
      %parallel_loop3A_503 = arith.select %parallel_loop3A_498, %parallel_loop3A_92, %parallel_loop3A_468 : vector<16xi1>, vector<16xi32>
      %parallel_loop3A_504 = arith.select %parallel_loop3A_497, %parallel_loop3A_466, %parallel_loop3A_503 : vector<16xi1>, vector<16xi32>
      %parallel_loop3A_505 = tpu.vector_load_idx %arg5[%parallel_loop3A_12, %parallel_loop3A_102] : memref<256x64xf32, #tpu.memory_space<vmem>>[vector<16xi32>, vector<16xi32>], vector<16xf32>,
      %parallel_loop3A_506 = tpu.vector_load_idx %arg5[%parallel_loop3A_12, %parallel_loop3A_104] : memref<256x64xf32, #tpu.memory_space<vmem>>[vector<16xi32>, vector<16xi32>], vector<16xf32>,
      %parallel_loop3A_507 = tpu.vector_load_idx %arg5[%parallel_loop3A_12, %parallel_loop3A_106] : memref<256x64xf32, #tpu.memory_space<vmem>>[vector<16xi32>, vector<16xi32>], vector<16xf32>,
      %parallel_loop3A_508 = tpu.vector_load_idx %arg5[%parallel_loop3A_12, %parallel_loop3A_108] : memref<256x64xf32, #tpu.memory_space<vmem>>[vector<16xi32>, vector<16xi32>], vector<16xf32>,
      %parallel_loop3A_509 = arith.cmpf ogt, %parallel_loop3A_469, %parallel_loop3A_475 : vector<16xf32>
      %parallel_loop3A_510 = arith.cmpf ogt, %parallel_loop3A_469, %parallel_loop3A_477 : vector<16xf32>
      %parallel_loop3A_511 = arith.select %parallel_loop3A_509, %parallel_loop3A_469, %parallel_loop3A_475 : vector<16xi1>, vector<16xf32>
      %parallel_loop3A_512 = arith.select %parallel_loop3A_510, %parallel_loop3A_469, %parallel_loop3A_477 : vector<16xi1>, vector<16xf32>
      %parallel_loop3A_513 = arith.select %parallel_loop3A_509, %parallel_loop3A_475, %parallel_loop3A_512 : vector<16xi1>, vector<16xf32>
      %parallel_loop3A_514 = arith.select %parallel_loop3A_509, %parallel_loop3A_94, %parallel_loop3A_478 : vector<16xi1>, vector<16xi32>
      %parallel_loop3A_515 = arith.select %parallel_loop3A_510, %parallel_loop3A_94, %parallel_loop3A_480 : vector<16xi1>, vector<16xi32>
      %parallel_loop3A_516 = arith.select %parallel_loop3A_509, %parallel_loop3A_478, %parallel_loop3A_515 : vector<16xi1>, vector<16xi32>
      %parallel_loop3A_517 = arith.cmpf ogt, %parallel_loop3A_470, %parallel_loop3A_483 : vector<16xf32>
      %parallel_loop3A_518 = arith.cmpf ogt, %parallel_loop3A_470, %parallel_loop3A_485 : vector<16xf32>
      %parallel_loop3A_519 = arith.select %parallel_loop3A_517, %parallel_loop3A_470, %parallel_loop3A_483 : vector<16xi1>, vector<16xf32>
      %parallel_loop3A_520 = arith.select %parallel_loop3A_518, %parallel_loop3A_470, %parallel_loop3A_485 : vector<16xi1>, vector<16xf32>
      %parallel_loop3A_521 = arith.select %parallel_loop3A_517, %parallel_loop3A_483, %parallel_loop3A_520 : vector<16xi1>, vector<16xf32>
      %parallel_loop3A_522 = arith.select %parallel_loop3A_517, %parallel_loop3A_96, %parallel_loop3A_486 : vector<16xi1>, vector<16xi32>
      %parallel_loop3A_523 = arith.select %parallel_loop3A_518, %parallel_loop3A_96, %parallel_loop3A_488 : vector<16xi1>, vector<16xi32>
      %parallel_loop3A_524 = arith.select %parallel_loop3A_517, %parallel_loop3A_486, %parallel_loop3A_523 : vector<16xi1>, vector<16xi32>
      %parallel_loop3A_525 = arith.cmpf ogt, %parallel_loop3A_471, %parallel_loop3A_491 : vector<16xf32>
      %parallel_loop3A_526 = arith.cmpf ogt, %parallel_loop3A_471, %parallel_loop3A_493 : vector<16xf32>
      %parallel_loop3A_527 = arith.select %parallel_loop3A_525, %parallel_loop3A_471, %parallel_loop3A_491 : vector<16xi1>, vector<16xf32>
      %parallel_loop3A_528 = arith.select %parallel_loop3A_526, %parallel_loop3A_471, %parallel_loop3A_493 : vector<16xi1>, vector<16xf32>
      %parallel_loop3A_529 = arith.select %parallel_loop3A_525, %parallel_loop3A_491, %parallel_loop3A_528 : vector<16xi1>, vector<16xf32>
      %parallel_loop3A_530 = arith.select %parallel_loop3A_525, %parallel_loop3A_98, %parallel_loop3A_494 : vector<16xi1>, vector<16xi32>
      %parallel_loop3A_531 = arith.select %parallel_loop3A_526, %parallel_loop3A_98, %parallel_loop3A_496 : vector<16xi1>, vector<16xi32>
      %parallel_loop3A_532 = arith.select %parallel_loop3A_525, %parallel_loop3A_494, %parallel_loop3A_531 : vector<16xi1>, vector<16xi32>
      %parallel_loop3A_533 = arith.cmpf ogt, %parallel_loop3A_472, %parallel_loop3A_499 : vector<16xf32>
      %parallel_loop3A_534 = arith.cmpf ogt, %parallel_loop3A_472, %parallel_loop3A_501 : vector<16xf32>
      %parallel_loop3A_535 = arith.select %parallel_loop3A_533, %parallel_loop3A_472, %parallel_loop3A_499 : vector<16xi1>, vector<16xf32>
      %parallel_loop3A_536 = arith.select %parallel_loop3A_534, %parallel_loop3A_472, %parallel_loop3A_501 : vector<16xi1>, vector<16xf32>
      %parallel_loop3A_537 = arith.select %parallel_loop3A_533, %parallel_loop3A_499, %parallel_loop3A_536 : vector<16xi1>, vector<16xf32>
      %parallel_loop3A_538 = arith.select %parallel_loop3A_533, %parallel_loop3A_100, %parallel_loop3A_502 : vector<16xi1>, vector<16xi32>
      %parallel_loop3A_539 = arith.select %parallel_loop3A_534, %parallel_loop3A_100, %parallel_loop3A_504 : vector<16xi1>, vector<16xi32>
      %parallel_loop3A_540 = arith.select %parallel_loop3A_533, %parallel_loop3A_502, %parallel_loop3A_539 : vector<16xi1>, vector<16xi32>
      %parallel_loop3A_541 = tpu.vector_load_idx %arg5[%parallel_loop3A_12, %parallel_loop3A_110] : memref<256x64xf32, #tpu.memory_space<vmem>>[vector<16xi32>, vector<16xi32>], vector<16xf32>,
      %parallel_loop3A_542 = tpu.vector_load_idx %arg5[%parallel_loop3A_12, %parallel_loop3A_112] : memref<256x64xf32, #tpu.memory_space<vmem>>[vector<16xi32>, vector<16xi32>], vector<16xf32>,
      %parallel_loop3A_543 = tpu.vector_load_idx %arg5[%parallel_loop3A_12, %parallel_loop3A_114] : memref<256x64xf32, #tpu.memory_space<vmem>>[vector<16xi32>, vector<16xi32>], vector<16xf32>,
      %parallel_loop3A_544 = tpu.vector_load_idx %arg5[%parallel_loop3A_12, %parallel_loop3A_116] : memref<256x64xf32, #tpu.memory_space<vmem>>[vector<16xi32>, vector<16xi32>], vector<16xf32>,
      %parallel_loop3A_545 = arith.cmpf ogt, %parallel_loop3A_505, %parallel_loop3A_511 : vector<16xf32>
      %parallel_loop3A_546 = arith.cmpf ogt, %parallel_loop3A_505, %parallel_loop3A_513 : vector<16xf32>
      %parallel_loop3A_547 = arith.select %parallel_loop3A_545, %parallel_loop3A_505, %parallel_loop3A_511 : vector<16xi1>, vector<16xf32>
      %parallel_loop3A_548 = arith.select %parallel_loop3A_546, %parallel_loop3A_505, %parallel_loop3A_513 : vector<16xi1>, vector<16xf32>
      %parallel_loop3A_549 = arith.select %parallel_loop3A_545, %parallel_loop3A_511, %parallel_loop3A_548 : vector<16xi1>, vector<16xf32>
      %parallel_loop3A_550 = arith.select %parallel_loop3A_545, %parallel_loop3A_102, %parallel_loop3A_514 : vector<16xi1>, vector<16xi32>
      %parallel_loop3A_551 = arith.select %parallel_loop3A_546, %parallel_loop3A_102, %parallel_loop3A_516 : vector<16xi1>, vector<16xi32>
      %parallel_loop3A_552 = arith.select %parallel_loop3A_545, %parallel_loop3A_514, %parallel_loop3A_551 : vector<16xi1>, vector<16xi32>
      %parallel_loop3A_553 = arith.cmpf ogt, %parallel_loop3A_506, %parallel_loop3A_519 : vector<16xf32>
      %parallel_loop3A_554 = arith.cmpf ogt, %parallel_loop3A_506, %parallel_loop3A_521 : vector<16xf32>
      %parallel_loop3A_555 = arith.select %parallel_loop3A_553, %parallel_loop3A_506, %parallel_loop3A_519 : vector<16xi1>, vector<16xf32>
      %parallel_loop3A_556 = arith.select %parallel_loop3A_554, %parallel_loop3A_506, %parallel_loop3A_521 : vector<16xi1>, vector<16xf32>
      %parallel_loop3A_557 = arith.select %parallel_loop3A_553, %parallel_loop3A_519, %parallel_loop3A_556 : vector<16xi1>, vector<16xf32>
      %parallel_loop3A_558 = arith.select %parallel_loop3A_553, %parallel_loop3A_104, %parallel_loop3A_522 : vector<16xi1>, vector<16xi32>
      %parallel_loop3A_559 = arith.select %parallel_loop3A_554, %parallel_loop3A_104, %parallel_loop3A_524 : vector<16xi1>, vector<16xi32>
      %parallel_loop3A_560 = arith.select %parallel_loop3A_553, %parallel_loop3A_522, %parallel_loop3A_559 : vector<16xi1>, vector<16xi32>
      %parallel_loop3A_561 = arith.cmpf ogt, %parallel_loop3A_507, %parallel_loop3A_527 : vector<16xf32>
      %parallel_loop3A_562 = arith.cmpf ogt, %parallel_loop3A_507, %parallel_loop3A_529 : vector<16xf32>
      %parallel_loop3A_563 = arith.select %parallel_loop3A_561, %parallel_loop3A_507, %parallel_loop3A_527 : vector<16xi1>, vector<16xf32>
      %parallel_loop3A_564 = arith.select %parallel_loop3A_562, %parallel_loop3A_507, %parallel_loop3A_529 : vector<16xi1>, vector<16xf32>
      %parallel_loop3A_565 = arith.select %parallel_loop3A_561, %parallel_loop3A_527, %parallel_loop3A_564 : vector<16xi1>, vector<16xf32>
      %parallel_loop3A_566 = arith.select %parallel_loop3A_561, %parallel_loop3A_106, %parallel_loop3A_530 : vector<16xi1>, vector<16xi32>
      %parallel_loop3A_567 = arith.select %parallel_loop3A_562, %parallel_loop3A_106, %parallel_loop3A_532 : vector<16xi1>, vector<16xi32>
      %parallel_loop3A_568 = arith.select %parallel_loop3A_561, %parallel_loop3A_530, %parallel_loop3A_567 : vector<16xi1>, vector<16xi32>
      %parallel_loop3A_569 = arith.cmpf ogt, %parallel_loop3A_508, %parallel_loop3A_535 : vector<16xf32>
      %parallel_loop3A_570 = arith.cmpf ogt, %parallel_loop3A_508, %parallel_loop3A_537 : vector<16xf32>
      %parallel_loop3A_571 = arith.select %parallel_loop3A_569, %parallel_loop3A_508, %parallel_loop3A_535 : vector<16xi1>, vector<16xf32>
      %parallel_loop3A_572 = arith.select %parallel_loop3A_570, %parallel_loop3A_508, %parallel_loop3A_537 : vector<16xi1>, vector<16xf32>
      %parallel_loop3A_573 = arith.select %parallel_loop3A_569, %parallel_loop3A_535, %parallel_loop3A_572 : vector<16xi1>, vector<16xf32>
      %parallel_loop3A_574 = arith.select %parallel_loop3A_569, %parallel_loop3A_108, %parallel_loop3A_538 : vector<16xi1>, vector<16xi32>
      %parallel_loop3A_575 = arith.select %parallel_loop3A_570, %parallel_loop3A_108, %parallel_loop3A_540 : vector<16xi1>, vector<16xi32>
      %parallel_loop3A_576 = arith.select %parallel_loop3A_569, %parallel_loop3A_538, %parallel_loop3A_575 : vector<16xi1>, vector<16xi32>
      %parallel_loop3A_577 = tpu.vector_load_idx %arg5[%parallel_loop3A_12, %parallel_loop3A_118] : memref<256x64xf32, #tpu.memory_space<vmem>>[vector<16xi32>, vector<16xi32>], vector<16xf32>,
      %parallel_loop3A_578 = tpu.vector_load_idx %arg5[%parallel_loop3A_12, %parallel_loop3A_120] : memref<256x64xf32, #tpu.memory_space<vmem>>[vector<16xi32>, vector<16xi32>], vector<16xf32>,
      %parallel_loop3A_579 = tpu.vector_load_idx %arg5[%parallel_loop3A_12, %parallel_loop3A_122] : memref<256x64xf32, #tpu.memory_space<vmem>>[vector<16xi32>, vector<16xi32>], vector<16xf32>,
      %parallel_loop3A_580 = tpu.vector_load_idx %arg5[%parallel_loop3A_12, %parallel_loop3A_124] : memref<256x64xf32, #tpu.memory_space<vmem>>[vector<16xi32>, vector<16xi32>], vector<16xf32>,
      %parallel_loop3A_581 = arith.cmpf ogt, %parallel_loop3A_541, %parallel_loop3A_547 : vector<16xf32>
      %parallel_loop3A_582 = arith.cmpf ogt, %parallel_loop3A_541, %parallel_loop3A_549 : vector<16xf32>
      %parallel_loop3A_583 = arith.select %parallel_loop3A_581, %parallel_loop3A_541, %parallel_loop3A_547 : vector<16xi1>, vector<16xf32>
      %parallel_loop3A_584 = arith.select %parallel_loop3A_582, %parallel_loop3A_541, %parallel_loop3A_549 : vector<16xi1>, vector<16xf32>
      %parallel_loop3A_585 = arith.select %parallel_loop3A_581, %parallel_loop3A_547, %parallel_loop3A_584 : vector<16xi1>, vector<16xf32>
      %parallel_loop3A_586 = arith.select %parallel_loop3A_581, %parallel_loop3A_110, %parallel_loop3A_550 : vector<16xi1>, vector<16xi32>
      %parallel_loop3A_587 = arith.select %parallel_loop3A_582, %parallel_loop3A_110, %parallel_loop3A_552 : vector<16xi1>, vector<16xi32>
      %parallel_loop3A_588 = arith.select %parallel_loop3A_581, %parallel_loop3A_550, %parallel_loop3A_587 : vector<16xi1>, vector<16xi32>
      %parallel_loop3A_589 = arith.cmpf ogt, %parallel_loop3A_542, %parallel_loop3A_555 : vector<16xf32>
      %parallel_loop3A_590 = arith.cmpf ogt, %parallel_loop3A_542, %parallel_loop3A_557 : vector<16xf32>
      %parallel_loop3A_591 = arith.select %parallel_loop3A_589, %parallel_loop3A_542, %parallel_loop3A_555 : vector<16xi1>, vector<16xf32>
      %parallel_loop3A_592 = arith.select %parallel_loop3A_590, %parallel_loop3A_542, %parallel_loop3A_557 : vector<16xi1>, vector<16xf32>
      %parallel_loop3A_593 = arith.select %parallel_loop3A_589, %parallel_loop3A_555, %parallel_loop3A_592 : vector<16xi1>, vector<16xf32>
      %parallel_loop3A_594 = arith.select %parallel_loop3A_589, %parallel_loop3A_112, %parallel_loop3A_558 : vector<16xi1>, vector<16xi32>
      %parallel_loop3A_595 = arith.select %parallel_loop3A_590, %parallel_loop3A_112, %parallel_loop3A_560 : vector<16xi1>, vector<16xi32>
      %parallel_loop3A_596 = arith.select %parallel_loop3A_589, %parallel_loop3A_558, %parallel_loop3A_595 : vector<16xi1>, vector<16xi32>
      %parallel_loop3A_597 = arith.cmpf ogt, %parallel_loop3A_543, %parallel_loop3A_563 : vector<16xf32>
      %parallel_loop3A_598 = arith.cmpf ogt, %parallel_loop3A_543, %parallel_loop3A_565 : vector<16xf32>
      %parallel_loop3A_599 = arith.select %parallel_loop3A_597, %parallel_loop3A_543, %parallel_loop3A_563 : vector<16xi1>, vector<16xf32>
      %parallel_loop3A_600 = arith.select %parallel_loop3A_598, %parallel_loop3A_543, %parallel_loop3A_565 : vector<16xi1>, vector<16xf32>
      %parallel_loop3A_601 = arith.select %parallel_loop3A_597, %parallel_loop3A_563, %parallel_loop3A_600 : vector<16xi1>, vector<16xf32>
      %parallel_loop3A_602 = arith.select %parallel_loop3A_597, %parallel_loop3A_114, %parallel_loop3A_566 : vector<16xi1>, vector<16xi32>
      %parallel_loop3A_603 = arith.select %parallel_loop3A_598, %parallel_loop3A_114, %parallel_loop3A_568 : vector<16xi1>, vector<16xi32>
      %parallel_loop3A_604 = arith.select %parallel_loop3A_597, %parallel_loop3A_566, %parallel_loop3A_603 : vector<16xi1>, vector<16xi32>
      %parallel_loop3A_605 = arith.cmpf ogt, %parallel_loop3A_544, %parallel_loop3A_571 : vector<16xf32>
      %parallel_loop3A_606 = arith.cmpf ogt, %parallel_loop3A_544, %parallel_loop3A_573 : vector<16xf32>
      %parallel_loop3A_607 = arith.select %parallel_loop3A_605, %parallel_loop3A_544, %parallel_loop3A_571 : vector<16xi1>, vector<16xf32>
      %parallel_loop3A_608 = arith.select %parallel_loop3A_606, %parallel_loop3A_544, %parallel_loop3A_573 : vector<16xi1>, vector<16xf32>
      %parallel_loop3A_609 = arith.select %parallel_loop3A_605, %parallel_loop3A_571, %parallel_loop3A_608 : vector<16xi1>, vector<16xf32>
      %parallel_loop3A_610 = arith.select %parallel_loop3A_605, %parallel_loop3A_116, %parallel_loop3A_574 : vector<16xi1>, vector<16xi32>
      %parallel_loop3A_611 = arith.select %parallel_loop3A_606, %parallel_loop3A_116, %parallel_loop3A_576 : vector<16xi1>, vector<16xi32>
      %parallel_loop3A_612 = arith.select %parallel_loop3A_605, %parallel_loop3A_574, %parallel_loop3A_611 : vector<16xi1>, vector<16xi32>
      %parallel_loop3A_613 = tpu.vector_load_idx %arg5[%parallel_loop3A_12, %parallel_loop3A_126] : memref<256x64xf32, #tpu.memory_space<vmem>>[vector<16xi32>, vector<16xi32>], vector<16xf32>,
      %parallel_loop3A_614 = tpu.vector_load_idx %arg5[%parallel_loop3A_12, %parallel_loop3A_128] : memref<256x64xf32, #tpu.memory_space<vmem>>[vector<16xi32>, vector<16xi32>], vector<16xf32>,
      %parallel_loop3A_615 = tpu.vector_load_idx %arg5[%parallel_loop3A_12, %parallel_loop3A_130] : memref<256x64xf32, #tpu.memory_space<vmem>>[vector<16xi32>, vector<16xi32>], vector<16xf32>,
      %parallel_loop3A_616 = tpu.vector_load_idx %arg5[%parallel_loop3A_12, %parallel_loop3A_132] : memref<256x64xf32, #tpu.memory_space<vmem>>[vector<16xi32>, vector<16xi32>], vector<16xf32>,
      %parallel_loop3A_617 = arith.cmpf ogt, %parallel_loop3A_577, %parallel_loop3A_583 : vector<16xf32>
      %parallel_loop3A_618 = arith.cmpf ogt, %parallel_loop3A_577, %parallel_loop3A_585 : vector<16xf32>
      %parallel_loop3A_619 = arith.select %parallel_loop3A_617, %parallel_loop3A_577, %parallel_loop3A_583 : vector<16xi1>, vector<16xf32>
      %parallel_loop3A_620 = arith.select %parallel_loop3A_618, %parallel_loop3A_577, %parallel_loop3A_585 : vector<16xi1>, vector<16xf32>
      %parallel_loop3A_621 = arith.select %parallel_loop3A_617, %parallel_loop3A_583, %parallel_loop3A_620 : vector<16xi1>, vector<16xf32>
      %parallel_loop3A_622 = arith.select %parallel_loop3A_617, %parallel_loop3A_118, %parallel_loop3A_586 : vector<16xi1>, vector<16xi32>
      %parallel_loop3A_623 = arith.select %parallel_loop3A_618, %parallel_loop3A_118, %parallel_loop3A_588 : vector<16xi1>, vector<16xi32>
      %parallel_loop3A_624 = arith.select %parallel_loop3A_617, %parallel_loop3A_586, %parallel_loop3A_623 : vector<16xi1>, vector<16xi32>
      %parallel_loop3A_625 = arith.cmpf ogt, %parallel_loop3A_578, %parallel_loop3A_591 : vector<16xf32>
      %parallel_loop3A_626 = arith.cmpf ogt, %parallel_loop3A_578, %parallel_loop3A_593 : vector<16xf32>
      %parallel_loop3A_627 = arith.select %parallel_loop3A_625, %parallel_loop3A_578, %parallel_loop3A_591 : vector<16xi1>, vector<16xf32>
      %parallel_loop3A_628 = arith.select %parallel_loop3A_626, %parallel_loop3A_578, %parallel_loop3A_593 : vector<16xi1>, vector<16xf32>
      %parallel_loop3A_629 = arith.select %parallel_loop3A_625, %parallel_loop3A_591, %parallel_loop3A_628 : vector<16xi1>, vector<16xf32>
      %parallel_loop3A_630 = arith.select %parallel_loop3A_625, %parallel_loop3A_120, %parallel_loop3A_594 : vector<16xi1>, vector<16xi32>
      %parallel_loop3A_631 = arith.select %parallel_loop3A_626, %parallel_loop3A_120, %parallel_loop3A_596 : vector<16xi1>, vector<16xi32>
      %parallel_loop3A_632 = arith.select %parallel_loop3A_625, %parallel_loop3A_594, %parallel_loop3A_631 : vector<16xi1>, vector<16xi32>
      %parallel_loop3A_633 = arith.cmpf ogt, %parallel_loop3A_579, %parallel_loop3A_599 : vector<16xf32>
      %parallel_loop3A_634 = arith.cmpf ogt, %parallel_loop3A_579, %parallel_loop3A_601 : vector<16xf32>
      %parallel_loop3A_635 = arith.select %parallel_loop3A_633, %parallel_loop3A_579, %parallel_loop3A_599 : vector<16xi1>, vector<16xf32>
      %parallel_loop3A_636 = arith.select %parallel_loop3A_634, %parallel_loop3A_579, %parallel_loop3A_601 : vector<16xi1>, vector<16xf32>
      %parallel_loop3A_637 = arith.select %parallel_loop3A_633, %parallel_loop3A_599, %parallel_loop3A_636 : vector<16xi1>, vector<16xf32>
      %parallel_loop3A_638 = arith.select %parallel_loop3A_633, %parallel_loop3A_122, %parallel_loop3A_602 : vector<16xi1>, vector<16xi32>
      %parallel_loop3A_639 = arith.select %parallel_loop3A_634, %parallel_loop3A_122, %parallel_loop3A_604 : vector<16xi1>, vector<16xi32>
      %parallel_loop3A_640 = arith.select %parallel_loop3A_633, %parallel_loop3A_602, %parallel_loop3A_639 : vector<16xi1>, vector<16xi32>
      %parallel_loop3A_641 = arith.cmpf ogt, %parallel_loop3A_580, %parallel_loop3A_607 : vector<16xf32>
      %parallel_loop3A_642 = arith.cmpf ogt, %parallel_loop3A_580, %parallel_loop3A_609 : vector<16xf32>
      %parallel_loop3A_643 = arith.select %parallel_loop3A_641, %parallel_loop3A_580, %parallel_loop3A_607 : vector<16xi1>, vector<16xf32>
      %parallel_loop3A_644 = arith.select %parallel_loop3A_642, %parallel_loop3A_580, %parallel_loop3A_609 : vector<16xi1>, vector<16xf32>
      %parallel_loop3A_645 = arith.select %parallel_loop3A_641, %parallel_loop3A_607, %parallel_loop3A_644 : vector<16xi1>, vector<16xf32>
      %parallel_loop3A_646 = arith.select %parallel_loop3A_641, %parallel_loop3A_124, %parallel_loop3A_610 : vector<16xi1>, vector<16xi32>
      %parallel_loop3A_647 = arith.select %parallel_loop3A_642, %parallel_loop3A_124, %parallel_loop3A_612 : vector<16xi1>, vector<16xi32>
      %parallel_loop3A_648 = arith.select %parallel_loop3A_641, %parallel_loop3A_610, %parallel_loop3A_647 : vector<16xi1>, vector<16xi32>
      %parallel_loop3A_649 = tpu.vector_load_idx %arg5[%parallel_loop3A_12, %parallel_loop3A_134] : memref<256x64xf32, #tpu.memory_space<vmem>>[vector<16xi32>, vector<16xi32>], vector<16xf32>,
      %parallel_loop3A_650 = tpu.vector_load_idx %arg5[%parallel_loop3A_12, %parallel_loop3A_136] : memref<256x64xf32, #tpu.memory_space<vmem>>[vector<16xi32>, vector<16xi32>], vector<16xf32>,
      %parallel_loop3A_651 = tpu.vector_load_idx %arg5[%parallel_loop3A_12, %parallel_loop3A_138] : memref<256x64xf32, #tpu.memory_space<vmem>>[vector<16xi32>, vector<16xi32>], vector<16xf32>,
      %parallel_loop3A_652 = tpu.vector_load_idx %arg5[%parallel_loop3A_12, %parallel_loop3A_140] : memref<256x64xf32, #tpu.memory_space<vmem>>[vector<16xi32>, vector<16xi32>], vector<16xf32>,
      %parallel_loop3A_653 = arith.cmpf ogt, %parallel_loop3A_613, %parallel_loop3A_619 : vector<16xf32>
      %parallel_loop3A_654 = arith.cmpf ogt, %parallel_loop3A_613, %parallel_loop3A_621 : vector<16xf32>
      %parallel_loop3A_655 = arith.select %parallel_loop3A_653, %parallel_loop3A_613, %parallel_loop3A_619 : vector<16xi1>, vector<16xf32>
      %parallel_loop3A_656 = arith.select %parallel_loop3A_654, %parallel_loop3A_613, %parallel_loop3A_621 : vector<16xi1>, vector<16xf32>
      %parallel_loop3A_657 = arith.select %parallel_loop3A_653, %parallel_loop3A_619, %parallel_loop3A_656 : vector<16xi1>, vector<16xf32>
      %parallel_loop3A_658 = arith.select %parallel_loop3A_653, %parallel_loop3A_126, %parallel_loop3A_622 : vector<16xi1>, vector<16xi32>
      %parallel_loop3A_659 = arith.select %parallel_loop3A_654, %parallel_loop3A_126, %parallel_loop3A_624 : vector<16xi1>, vector<16xi32>
      %parallel_loop3A_660 = arith.select %parallel_loop3A_653, %parallel_loop3A_622, %parallel_loop3A_659 : vector<16xi1>, vector<16xi32>
      %parallel_loop3A_661 = arith.cmpf ogt, %parallel_loop3A_614, %parallel_loop3A_627 : vector<16xf32>
      %parallel_loop3A_662 = arith.cmpf ogt, %parallel_loop3A_614, %parallel_loop3A_629 : vector<16xf32>
      %parallel_loop3A_663 = arith.select %parallel_loop3A_661, %parallel_loop3A_614, %parallel_loop3A_627 : vector<16xi1>, vector<16xf32>
      %parallel_loop3A_664 = arith.select %parallel_loop3A_662, %parallel_loop3A_614, %parallel_loop3A_629 : vector<16xi1>, vector<16xf32>
      %parallel_loop3A_665 = arith.select %parallel_loop3A_661, %parallel_loop3A_627, %parallel_loop3A_664 : vector<16xi1>, vector<16xf32>
      %parallel_loop3A_666 = arith.select %parallel_loop3A_661, %parallel_loop3A_128, %parallel_loop3A_630 : vector<16xi1>, vector<16xi32>
      %parallel_loop3A_667 = arith.select %parallel_loop3A_662, %parallel_loop3A_128, %parallel_loop3A_632 : vector<16xi1>, vector<16xi32>
      %parallel_loop3A_668 = arith.select %parallel_loop3A_661, %parallel_loop3A_630, %parallel_loop3A_667 : vector<16xi1>, vector<16xi32>
      %parallel_loop3A_669 = arith.cmpf ogt, %parallel_loop3A_615, %parallel_loop3A_635 : vector<16xf32>
      %parallel_loop3A_670 = arith.cmpf ogt, %parallel_loop3A_615, %parallel_loop3A_637 : vector<16xf32>
      %parallel_loop3A_671 = arith.select %parallel_loop3A_669, %parallel_loop3A_615, %parallel_loop3A_635 : vector<16xi1>, vector<16xf32>
      %parallel_loop3A_672 = arith.select %parallel_loop3A_670, %parallel_loop3A_615, %parallel_loop3A_637 : vector<16xi1>, vector<16xf32>
      %parallel_loop3A_673 = arith.select %parallel_loop3A_669, %parallel_loop3A_635, %parallel_loop3A_672 : vector<16xi1>, vector<16xf32>
      %parallel_loop3A_674 = arith.select %parallel_loop3A_669, %parallel_loop3A_130, %parallel_loop3A_638 : vector<16xi1>, vector<16xi32>
      %parallel_loop3A_675 = arith.select %parallel_loop3A_670, %parallel_loop3A_130, %parallel_loop3A_640 : vector<16xi1>, vector<16xi32>
      %parallel_loop3A_676 = arith.select %parallel_loop3A_669, %parallel_loop3A_638, %parallel_loop3A_675 : vector<16xi1>, vector<16xi32>
      %parallel_loop3A_677 = arith.cmpf ogt, %parallel_loop3A_616, %parallel_loop3A_643 : vector<16xf32>
      %parallel_loop3A_678 = arith.cmpf ogt, %parallel_loop3A_616, %parallel_loop3A_645 : vector<16xf32>
      %parallel_loop3A_679 = arith.select %parallel_loop3A_677, %parallel_loop3A_616, %parallel_loop3A_643 : vector<16xi1>, vector<16xf32>
      %parallel_loop3A_680 = arith.select %parallel_loop3A_678, %parallel_loop3A_616, %parallel_loop3A_645 : vector<16xi1>, vector<16xf32>
      %parallel_loop3A_681 = arith.select %parallel_loop3A_677, %parallel_loop3A_643, %parallel_loop3A_680 : vector<16xi1>, vector<16xf32>
      %parallel_loop3A_682 = arith.select %parallel_loop3A_677, %parallel_loop3A_132, %parallel_loop3A_646 : vector<16xi1>, vector<16xi32>
      %parallel_loop3A_683 = arith.select %parallel_loop3A_678, %parallel_loop3A_132, %parallel_loop3A_648 : vector<16xi1>, vector<16xi32>
      %parallel_loop3A_684 = arith.select %parallel_loop3A_677, %parallel_loop3A_646, %parallel_loop3A_683 : vector<16xi1>, vector<16xi32>
      %parallel_loop3A_685 = arith.cmpf ogt, %parallel_loop3A_649, %parallel_loop3A_655 : vector<16xf32>
      %parallel_loop3A_686 = arith.cmpf ogt, %parallel_loop3A_649, %parallel_loop3A_657 : vector<16xf32>
      %parallel_loop3A_687 = arith.select %parallel_loop3A_685, %parallel_loop3A_649, %parallel_loop3A_655 : vector<16xi1>, vector<16xf32>
      %parallel_loop3A_688 = arith.select %parallel_loop3A_686, %parallel_loop3A_649, %parallel_loop3A_657 : vector<16xi1>, vector<16xf32>
      %parallel_loop3A_689 = arith.select %parallel_loop3A_685, %parallel_loop3A_655, %parallel_loop3A_688 : vector<16xi1>, vector<16xf32>
      %parallel_loop3A_690 = arith.select %parallel_loop3A_685, %parallel_loop3A_134, %parallel_loop3A_658 : vector<16xi1>, vector<16xi32>
      %parallel_loop3A_691 = arith.select %parallel_loop3A_686, %parallel_loop3A_134, %parallel_loop3A_660 : vector<16xi1>, vector<16xi32>
      %parallel_loop3A_692 = arith.select %parallel_loop3A_685, %parallel_loop3A_658, %parallel_loop3A_691 : vector<16xi1>, vector<16xi32>
      %parallel_loop3A_693 = arith.cmpf ogt, %parallel_loop3A_650, %parallel_loop3A_663 : vector<16xf32>
      %parallel_loop3A_694 = arith.cmpf ogt, %parallel_loop3A_650, %parallel_loop3A_665 : vector<16xf32>
      %parallel_loop3A_695 = arith.select %parallel_loop3A_693, %parallel_loop3A_650, %parallel_loop3A_663 : vector<16xi1>, vector<16xf32>
      %parallel_loop3A_696 = arith.select %parallel_loop3A_694, %parallel_loop3A_650, %parallel_loop3A_665 : vector<16xi1>, vector<16xf32>
      %parallel_loop3A_697 = arith.select %parallel_loop3A_693, %parallel_loop3A_663, %parallel_loop3A_696 : vector<16xi1>, vector<16xf32>
      %parallel_loop3A_698 = arith.select %parallel_loop3A_693, %parallel_loop3A_136, %parallel_loop3A_666 : vector<16xi1>, vector<16xi32>
      %parallel_loop3A_699 = arith.select %parallel_loop3A_694, %parallel_loop3A_136, %parallel_loop3A_668 : vector<16xi1>, vector<16xi32>
      %parallel_loop3A_700 = arith.select %parallel_loop3A_693, %parallel_loop3A_666, %parallel_loop3A_699 : vector<16xi1>, vector<16xi32>
      %parallel_loop3A_701 = arith.cmpf ogt, %parallel_loop3A_651, %parallel_loop3A_671 : vector<16xf32>
      %parallel_loop3A_702 = arith.cmpf ogt, %parallel_loop3A_651, %parallel_loop3A_673 : vector<16xf32>
      %parallel_loop3A_703 = arith.select %parallel_loop3A_701, %parallel_loop3A_651, %parallel_loop3A_671 : vector<16xi1>, vector<16xf32>
      %parallel_loop3A_704 = arith.select %parallel_loop3A_702, %parallel_loop3A_651, %parallel_loop3A_673 : vector<16xi1>, vector<16xf32>
      %parallel_loop3A_705 = arith.select %parallel_loop3A_701, %parallel_loop3A_671, %parallel_loop3A_704 : vector<16xi1>, vector<16xf32>
      %parallel_loop3A_706 = arith.select %parallel_loop3A_701, %parallel_loop3A_138, %parallel_loop3A_674 : vector<16xi1>, vector<16xi32>
      %parallel_loop3A_707 = arith.select %parallel_loop3A_702, %parallel_loop3A_138, %parallel_loop3A_676 : vector<16xi1>, vector<16xi32>
      %parallel_loop3A_708 = arith.select %parallel_loop3A_701, %parallel_loop3A_674, %parallel_loop3A_707 : vector<16xi1>, vector<16xi32>
      %parallel_loop3A_709 = arith.cmpf ogt, %parallel_loop3A_652, %parallel_loop3A_679 : vector<16xf32>
      %parallel_loop3A_710 = arith.cmpf ogt, %parallel_loop3A_652, %parallel_loop3A_681 : vector<16xf32>
      %parallel_loop3A_711 = arith.select %parallel_loop3A_709, %parallel_loop3A_652, %parallel_loop3A_679 : vector<16xi1>, vector<16xf32>
      %parallel_loop3A_712 = arith.select %parallel_loop3A_710, %parallel_loop3A_652, %parallel_loop3A_681 : vector<16xi1>, vector<16xf32>
      %parallel_loop3A_713 = arith.select %parallel_loop3A_709, %parallel_loop3A_679, %parallel_loop3A_712 : vector<16xi1>, vector<16xf32>
      %parallel_loop3A_714 = arith.select %parallel_loop3A_709, %parallel_loop3A_140, %parallel_loop3A_682 : vector<16xi1>, vector<16xi32>
      %parallel_loop3A_715 = arith.select %parallel_loop3A_710, %parallel_loop3A_140, %parallel_loop3A_684 : vector<16xi1>, vector<16xi32>
      %parallel_loop3A_716 = arith.select %parallel_loop3A_709, %parallel_loop3A_682, %parallel_loop3A_715 : vector<16xi1>, vector<16xi32>
      %parallel_loop3A_717 = arith.cmpf oge, %parallel_loop3A_687, %parallel_loop3A_695 : vector<16xf32>
      %parallel_loop3A_718 = arith.select %parallel_loop3A_717, %parallel_loop3A_687, %parallel_loop3A_695 : vector<16xi1>, vector<16xf32>
      %parallel_loop3A_719 = arith.select %parallel_loop3A_717, %parallel_loop3A_690, %parallel_loop3A_698 : vector<16xi1>, vector<16xi32>
      %parallel_loop3A_720 = arith.cmpf oge, %parallel_loop3A_689, %parallel_loop3A_695 : vector<16xf32>
      %parallel_loop3A_721 = arith.cmpf oge, %parallel_loop3A_687, %parallel_loop3A_697 : vector<16xf32>
      %parallel_loop3A_722 = arith.select %parallel_loop3A_720, %parallel_loop3A_689, %parallel_loop3A_695 : vector<16xi1>, vector<16xf32>
      %parallel_loop3A_723 = arith.select %parallel_loop3A_721, %parallel_loop3A_687, %parallel_loop3A_697 : vector<16xi1>, vector<16xf32>
      %parallel_loop3A_724 = arith.select %parallel_loop3A_717, %parallel_loop3A_722, %parallel_loop3A_723 : vector<16xi1>, vector<16xf32>
      %parallel_loop3A_725 = arith.select %parallel_loop3A_720, %parallel_loop3A_692, %parallel_loop3A_698 : vector<16xi1>, vector<16xi32>
      %parallel_loop3A_726 = arith.select %parallel_loop3A_721, %parallel_loop3A_690, %parallel_loop3A_700 : vector<16xi1>, vector<16xi32>
      %parallel_loop3A_727 = arith.select %parallel_loop3A_717, %parallel_loop3A_725, %parallel_loop3A_726 : vector<16xi1>, vector<16xi32>
      %parallel_loop3A_728 = arith.cmpf oge, %parallel_loop3A_703, %parallel_loop3A_711 : vector<16xf32>
      %parallel_loop3A_729 = arith.select %parallel_loop3A_728, %parallel_loop3A_703, %parallel_loop3A_711 : vector<16xi1>, vector<16xf32>
      %parallel_loop3A_730 = arith.select %parallel_loop3A_728, %parallel_loop3A_706, %parallel_loop3A_714 : vector<16xi1>, vector<16xi32>
      %parallel_loop3A_731 = arith.cmpf oge, %parallel_loop3A_705, %parallel_loop3A_711 : vector<16xf32>
      %parallel_loop3A_732 = arith.cmpf oge, %parallel_loop3A_703, %parallel_loop3A_713 : vector<16xf32>
      %parallel_loop3A_733 = arith.select %parallel_loop3A_731, %parallel_loop3A_705, %parallel_loop3A_711 : vector<16xi1>, vector<16xf32>
      %parallel_loop3A_734 = arith.select %parallel_loop3A_732, %parallel_loop3A_703, %parallel_loop3A_713 : vector<16xi1>, vector<16xf32>
      %parallel_loop3A_735 = arith.select %parallel_loop3A_728, %parallel_loop3A_733, %parallel_loop3A_734 : vector<16xi1>, vector<16xf32>
      %parallel_loop3A_736 = arith.select %parallel_loop3A_731, %parallel_loop3A_708, %parallel_loop3A_714 : vector<16xi1>, vector<16xi32>
      %parallel_loop3A_737 = arith.select %parallel_loop3A_732, %parallel_loop3A_706, %parallel_loop3A_716 : vector<16xi1>, vector<16xi32>
      %parallel_loop3A_738 = arith.select %parallel_loop3A_728, %parallel_loop3A_736, %parallel_loop3A_737 : vector<16xi1>, vector<16xi32>
      %parallel_loop3A_739 = arith.cmpf oge, %parallel_loop3A_718, %parallel_loop3A_729 : vector<16xf32>
      %parallel_loop3A_740 = arith.select %parallel_loop3A_739, %parallel_loop3A_718, %parallel_loop3A_729 : vector<16xi1>, vector<16xf32>
      %parallel_loop3A_741 = arith.select %parallel_loop3A_739, %parallel_loop3A_719, %parallel_loop3A_730 : vector<16xi1>, vector<16xi32>
      %parallel_loop3A_742 = arith.cmpf oge, %parallel_loop3A_724, %parallel_loop3A_729 : vector<16xf32>
      %parallel_loop3A_743 = arith.cmpf oge, %parallel_loop3A_718, %parallel_loop3A_735 : vector<16xf32>
      %parallel_loop3A_744 = arith.select %parallel_loop3A_742, %parallel_loop3A_724, %parallel_loop3A_729 : vector<16xi1>, vector<16xf32>
      %parallel_loop3A_745 = arith.select %parallel_loop3A_743, %parallel_loop3A_718, %parallel_loop3A_735 : vector<16xi1>, vector<16xf32>
      %parallel_loop3A_746 = arith.select %parallel_loop3A_739, %parallel_loop3A_744, %parallel_loop3A_745 : vector<16xi1>, vector<16xf32>
      %parallel_loop3A_747 = arith.select %parallel_loop3A_742, %parallel_loop3A_727, %parallel_loop3A_730 : vector<16xi1>, vector<16xi32>
      %parallel_loop3A_748 = arith.select %parallel_loop3A_743, %parallel_loop3A_719, %parallel_loop3A_738 : vector<16xi1>, vector<16xi32>
      %parallel_loop3A_749 = arith.select %parallel_loop3A_739, %parallel_loop3A_747, %parallel_loop3A_748 : vector<16xi1>, vector<16xi32>
      %parallel_loop3A_750 = arith.subf %parallel_loop3A_746, %parallel_loop3A_740 : vector<16xf32>
      %parallel_loop3A_751 = math.exp %parallel_loop3A_750 : vector<16xf32>
      %parallel_loop3A_752 = arith.constant 16 : i32
      %parallel_loop3A_753 = arith.muli %parallel_loop3A_8, %parallel_loop3A_752 : i32
      %parallel_loop3A_754 = arith.constant 8 : i32
      %parallel_loop3A_755 = vector.broadcast %parallel_loop3A_754 : i32 to vector<16xi32>
      %parallel_loop3A_756 = arith.shli %parallel_loop3A_741, %parallel_loop3A_755 : vector<16xi32>
      %parallel_loop3A_757 = arith.ori %parallel_loop3A_756, %parallel_loop3A_749 : vector<16xi32>
      %parallel_loop3A_758 = arith.constant 0 : i32
      %parallel_loop3A_759 = arith.index_cast %parallel_loop3A_758 : i32 to index
      %parallel_loop3A_760 = arith.index_cast %parallel_loop3A_753 : i32 to index
      %parallel_loop3A_761 = tpu.vector_load %arg6[%parallel_loop3A_759, %parallel_loop3A_760] {strides = array<i32>} : memref<1x256xi32, #tpu.memory_space<vmem>>, vector<16xi32>,
      tpu.vector_store %arg6[%parallel_loop3A_759, %parallel_loop3A_760], %parallel_loop3A_757 {strides = array<i32>} : memref<1x256xi32, #tpu.memory_space<vmem>>, vector<16xi32>,
      %parallel_loop3A_762 = arith.constant 1.000000e+00 : f32
      %parallel_loop3A_763 = vector.broadcast %parallel_loop3A_762 : f32 to vector<16xf32>
      %parallel_loop3A_764 = arith.addf %parallel_loop3A_763, %parallel_loop3A_751 : vector<16xf32>
      %parallel_loop3A_765 = arith.constant 1.000000e+00 : f32
      %parallel_loop3A_766 = vector.broadcast %parallel_loop3A_765 : f32 to vector<16xf32>
      %parallel_loop3A_767 = arith.divf %parallel_loop3A_766, %parallel_loop3A_764 : vector<16xf32>
      %parallel_loop3A_768 = arith.constant 0 : i32
      %parallel_loop3A_769 = arith.index_cast %parallel_loop3A_768 : i32 to index
      %parallel_loop3A_770 = arith.index_cast %parallel_loop3A_753 : i32 to index
      %parallel_loop3A_771 = tpu.vector_load %arg7[%parallel_loop3A_769, %parallel_loop3A_770] {strides = array<i32>} : memref<1x256xf32, #tpu.memory_space<vmem>>, vector<16xf32>,
      tpu.vector_store %arg7[%parallel_loop3A_769, %parallel_loop3A_770], %parallel_loop3A_767 {strides = array<i32>} : memref<1x256xf32, #tpu.memory_space<vmem>>, vector<16xf32>,
    } {sc.loop_unroll_factor = 1 : i64, sc.parallel_access}
    "tpu.region"() ({
      %run_scoped3A = tpu.sem_alloc : memref<!tpu.dma_semaphore, #tpu.memory_space<semaphore_mem>>
      %dma_start3A = arith.constant 0 : i32
      %dma_start3A_8 = arith.constant 0 : i32
      %dma_start3A_9 = tpu.memref_slice %arg3[%add3A, %dma_start3A, %dma_start3A_8] : memref<32x1x256xi32, #tpu.memory_space<hbm>> -> memref<1x1x256xi32, #tpu.memory_space<hbm>>
      %dma_start3A_10 = tpu.memref_squeeze %dma_start3A_9 : memref<1x1x256xi32, #tpu.memory_space<hbm>> -> memref<1x256xi32, #tpu.memory_space<hbm>>
      %dma_start3A_11 = arith.constant 0 : i32
      %dma_start3A_12 = arith.constant 0 : i32
      %dma_start3A_13 = tpu.memref_slice %arg3[%add3A, %dma_start3A_11, %dma_start3A_12] : memref<32x1x256xi32, #tpu.memory_space<hbm>> -> memref<1x1x256xi32, #tpu.memory_space<hbm>>
      %dma_start3A_14 = tpu.memref_squeeze %dma_start3A_13 : memref<1x1x256xi32, #tpu.memory_space<hbm>> -> memref<1x256xi32, #tpu.memory_space<hbm>>
      tpu.enqueue_dma source(%arg6 : memref<1x256xi32, #tpu.memory_space<vmem>>) target(%dma_start3A_14 : memref<1x256xi32, #tpu.memory_space<hbm>>) target_semaphore(%run_scoped3A : memref<!tpu.dma_semaphore, #tpu.memory_space<semaphore_mem>>)
      %dma_wait3A = arith.constant 0 : i32
      %dma_wait3A_15 = arith.constant 0 : i32
      %dma_wait3A_16 = tpu.memref_slice %arg3[%add3A, %dma_wait3A, %dma_wait3A_15] : memref<32x1x256xi32, #tpu.memory_space<hbm>> -> memref<1x1x256xi32, #tpu.memory_space<hbm>>
      %dma_wait3A_17 = tpu.memref_squeeze %dma_wait3A_16 : memref<1x1x256xi32, #tpu.memory_space<hbm>> -> memref<1x256xi32, #tpu.memory_space<hbm>>
      %dma_wait3A_18 = arith.constant 0 : i32
      %dma_wait3A_19 = arith.constant 0 : i32
      %dma_wait3A_20 = tpu.memref_slice %arg3[%add3A, %dma_wait3A_18, %dma_wait3A_19] : memref<32x1x256xi32, #tpu.memory_space<hbm>> -> memref<1x1x256xi32, #tpu.memory_space<hbm>>
      %dma_wait3A_21 = tpu.memref_squeeze %dma_wait3A_20 : memref<1x1x256xi32, #tpu.memory_space<hbm>> -> memref<1x256xi32, #tpu.memory_space<hbm>>
      tpu.wait_dma2 semaphore(%run_scoped3A : memref<!tpu.dma_semaphore, #tpu.memory_space<semaphore_mem>>) src(%arg6 : memref<1x256xi32, #tpu.memory_space<vmem>>) dst(%dma_wait3A_21 : memref<1x256xi32, #tpu.memory_space<hbm>>)
      tpu.yield
    }) : () -> ()
    "tpu.region"() ({
      %run_scoped3A = tpu.sem_alloc : memref<!tpu.dma_semaphore, #tpu.memory_space<semaphore_mem>>
      %dma_start3A = arith.constant 0 : i32
      %dma_start3A_8 = arith.constant 0 : i32
      %dma_start3A_9 = tpu.memref_slice %arg4[%add3A, %dma_start3A, %dma_start3A_8] : memref<32x1x256xf32, #tpu.memory_space<hbm>> -> memref<1x1x256xf32, #tpu.memory_space<hbm>>
      %dma_start3A_10 = tpu.memref_squeeze %dma_start3A_9 : memref<1x1x256xf32, #tpu.memory_space<hbm>> -> memref<1x256xf32, #tpu.memory_space<hbm>>
      %dma_start3A_11 = arith.constant 0 : i32
      %dma_start3A_12 = arith.constant 0 : i32
      %dma_start3A_13 = tpu.memref_slice %arg4[%add3A, %dma_start3A_11, %dma_start3A_12] : memref<32x1x256xf32, #tpu.memory_space<hbm>> -> memref<1x1x256xf32, #tpu.memory_space<hbm>>
      %dma_start3A_14 = tpu.memref_squeeze %dma_start3A_13 : memref<1x1x256xf32, #tpu.memory_space<hbm>> -> memref<1x256xf32, #tpu.memory_space<hbm>>
      tpu.enqueue_dma source(%arg7 : memref<1x256xf32, #tpu.memory_space<vmem>>) target(%dma_start3A_14 : memref<1x256xf32, #tpu.memory_space<hbm>>) target_semaphore(%run_scoped3A : memref<!tpu.dma_semaphore, #tpu.memory_space<semaphore_mem>>)
      %dma_wait3A = arith.constant 0 : i32
      %dma_wait3A_15 = arith.constant 0 : i32
      %dma_wait3A_16 = tpu.memref_slice %arg4[%add3A, %dma_wait3A, %dma_wait3A_15] : memref<32x1x256xf32, #tpu.memory_space<hbm>> -> memref<1x1x256xf32, #tpu.memory_space<hbm>>
      %dma_wait3A_17 = tpu.memref_squeeze %dma_wait3A_16 : memref<1x1x256xf32, #tpu.memory_space<hbm>> -> memref<1x256xf32, #tpu.memory_space<hbm>>
      %dma_wait3A_18 = arith.constant 0 : i32
      %dma_wait3A_19 = arith.constant 0 : i32
      %dma_wait3A_20 = tpu.memref_slice %arg4[%add3A, %dma_wait3A_18, %dma_wait3A_19] : memref<32x1x256xf32, #tpu.memory_space<hbm>> -> memref<1x1x256xf32, #tpu.memory_space<hbm>>
      %dma_wait3A_21 = tpu.memref_squeeze %dma_wait3A_20 : memref<1x1x256xf32, #tpu.memory_space<hbm>> -> memref<1x256xf32, #tpu.memory_space<hbm>>
      tpu.wait_dma2 semaphore(%run_scoped3A : memref<!tpu.dma_semaphore, #tpu.memory_space<semaphore_mem>>) src(%arg7 : memref<1x256xf32, #tpu.memory_space<vmem>>) dst(%dma_wait3A_21 : memref<1x256xf32, #tpu.memory_space<hbm>>)
      tpu.yield
    }) : () -> ()
    return
  }
}

#map = affine_map<(d0, d1) -> (0, 0)>
#map1 = affine_map<(d0, d1) -> (0, 0, 0)>
module attributes {stable_mosaic.version = 14 : i64} {
  func.func @_route(%arg0: i32, %arg1: i32, %arg2: memref<8192x64xf32, #tpu.memory_space<hbm>>, %arg3: memref<32x1x256xi32, #tpu.memory_space<hbm>>, %arg4: memref<32x1x256xf32, #tpu.memory_space<hbm>>, %arg5: memref<256x64xf32, #tpu.memory_space<vmem>>, %arg6: memref<1x256xi32, #tpu.memory_space<vmem>>, %arg7: memref<1x256xf32, #tpu.memory_space<vmem>>) attributes {dimension_semantics = [#tpu.dimension_semantics<core_parallel>, #tpu.dimension_semantics<subcore_parallel>], iteration_bounds = array<i64: 2, 16>, scalar_prefetch = 0 : i64, scratch_operands = 3 : i64, tpu.core_type = #tpu.core_type<sc_vector_subcore>, window_params = [{transform_indices = #map}, {transform_indices = #map1}, {transform_indices = #map1}]} {
    %mul3A = arith.constant 2 : i32
    %mul3A_0 = arith.muli %arg1, %mul3A : i32
    %add3A = arith.addi %mul3A_0, %arg0 : i32
    %mul3A_1 = arith.constant 256 : i32
    %mul3A_2 = arith.muli %add3A, %mul3A_1 : i32
    "tpu.region"() ({
      %run_scoped3A = tpu.sem_alloc : memref<!tpu.dma_semaphore, #tpu.memory_space<semaphore_mem>>
      %dma_start3A = arith.constant 0 : i32
      %dma_start3A_8 = tpu.memref_slice %arg2[%mul3A_2, %dma_start3A] : memref<8192x64xf32, #tpu.memory_space<hbm>> -> memref<256x64xf32, #tpu.memory_space<hbm>>
      %dma_start3A_9 = arith.constant 0 : i32
      %dma_start3A_10 = tpu.memref_slice %arg2[%mul3A_2, %dma_start3A_9] : memref<8192x64xf32, #tpu.memory_space<hbm>> -> memref<256x64xf32, #tpu.memory_space<hbm>>
      tpu.enqueue_dma source(%dma_start3A_10 : memref<256x64xf32, #tpu.memory_space<hbm>>) target(%arg5 : memref<256x64xf32, #tpu.memory_space<vmem>>) target_semaphore(%run_scoped3A : memref<!tpu.dma_semaphore, #tpu.memory_space<semaphore_mem>>)
      %dma_wait3A = arith.constant 0 : i32
      %dma_wait3A_11 = tpu.memref_slice %arg2[%mul3A_2, %dma_wait3A] : memref<8192x64xf32, #tpu.memory_space<hbm>> -> memref<256x64xf32, #tpu.memory_space<hbm>>
      %dma_wait3A_12 = arith.constant 0 : i32
      %dma_wait3A_13 = tpu.memref_slice %arg2[%mul3A_2, %dma_wait3A_12] : memref<8192x64xf32, #tpu.memory_space<hbm>> -> memref<256x64xf32, #tpu.memory_space<hbm>>
      tpu.wait_dma2 semaphore(%run_scoped3A : memref<!tpu.dma_semaphore, #tpu.memory_space<semaphore_mem>>) src(%dma_wait3A_13 : memref<256x64xf32, #tpu.memory_space<hbm>>) dst(%arg5 : memref<256x64xf32, #tpu.memory_space<vmem>>)
      tpu.yield
    }) : () -> ()
    %iota3A = tpu.iota {dimensions = array<i32: 0>} : vector<16xi32>
    %broadcast_in_dim3A = arith.constant 0xFF800000 : f32
    %broadcast_in_dim3A_3 = vector.broadcast %broadcast_in_dim3A : f32 to vector<16xf32>
    %broadcast_in_dim3A_4 = arith.constant 0 : i32
    %broadcast_in_dim3A_5 = vector.broadcast %broadcast_in_dim3A_4 : i32 to vector<16xi32>
    %parallel_loop3A = arith.constant 0 : i32
    %parallel_loop3A_6 = arith.constant 16 : i32
    %parallel_loop3A_7 = arith.constant 1 : i32
    scf.for %parallel_loop3A_8 = %parallel_loop3A to %parallel_loop3A_6 step %parallel_loop3A_7  : i32 {
      %parallel_loop3A_9 = arith.constant 16 : i32
      %parallel_loop3A_10 = arith.muli %parallel_loop3A_8, %parallel_loop3A_9 : i32
      %parallel_loop3A_11 = vector.broadcast %parallel_loop3A_10 : i32 to vector<16xi32>
      %parallel_loop3A_12 = arith.addi %parallel_loop3A_11, %iota3A : vector<16xi32>
      %parallel_loop3A_13 = arith.constant 0 : i32
      %parallel_loop3A_14 = vector.broadcast %parallel_loop3A_13 : i32 to vector<16xi32>
      %parallel_loop3A_15 = arith.constant 16 : i32
      %parallel_loop3A_16 = vector.broadcast %parallel_loop3A_15 : i32 to vector<16xi32>
      %parallel_loop3A_17 = arith.constant 32 : i32
      %parallel_loop3A_18 = vector.broadcast %parallel_loop3A_17 : i32 to vector<16xi32>
      %parallel_loop3A_19 = arith.constant 48 : i32
      %parallel_loop3A_20 = vector.broadcast %parallel_loop3A_19 : i32 to vector<16xi32>
      %parallel_loop3A_21 = arith.constant 1 : i32
      %parallel_loop3A_22 = vector.broadcast %parallel_loop3A_21 : i32 to vector<16xi32>
      %parallel_loop3A_23 = arith.constant 17 : i32
      %parallel_loop3A_24 = vector.broadcast %parallel_loop3A_23 : i32 to vector<16xi32>
      %parallel_loop3A_25 = arith.constant 33 : i32
      %parallel_loop3A_26 = vector.broadcast %parallel_loop3A_25 : i32 to vector<16xi32>
      %parallel_loop3A_27 = arith.constant 49 : i32
      %parallel_loop3A_28 = vector.broadcast %parallel_loop3A_27 : i32 to vector<16xi32>
      %parallel_loop3A_29 = arith.constant 2 : i32
      %parallel_loop3A_30 = vector.broadcast %parallel_loop3A_29 : i32 to vector<16xi32>
      %parallel_loop3A_31 = arith.constant 18 : i32
      %parallel_loop3A_32 = vector.broadcast %parallel_loop3A_31 : i32 to vector<16xi32>
      %parallel_loop3A_33 = arith.constant 34 : i32
      %parallel_loop3A_34 = vector.broadcast %parallel_loop3A_33 : i32 to vector<16xi32>
      %parallel_loop3A_35 = arith.constant 50 : i32
      %parallel_loop3A_36 = vector.broadcast %parallel_loop3A_35 : i32 to vector<16xi32>
      %parallel_loop3A_37 = arith.constant 3 : i32
      %parallel_loop3A_38 = vector.broadcast %parallel_loop3A_37 : i32 to vector<16xi32>
      %parallel_loop3A_39 = arith.constant 19 : i32
      %parallel_loop3A_40 = vector.broadcast %parallel_loop3A_39 : i32 to vector<16xi32>
      %parallel_loop3A_41 = arith.constant 35 : i32
      %parallel_loop3A_42 = vector.broadcast %parallel_loop3A_41 : i32 to vector<16xi32>
      %parallel_loop3A_43 = arith.constant 51 : i32
      %parallel_loop3A_44 = vector.broadcast %parallel_loop3A_43 : i32 to vector<16xi32>
      %parallel_loop3A_45 = arith.constant 4 : i32
      %parallel_loop3A_46 = vector.broadcast %parallel_loop3A_45 : i32 to vector<16xi32>
      %parallel_loop3A_47 = arith.constant 20 : i32
      %parallel_loop3A_48 = vector.broadcast %parallel_loop3A_47 : i32 to vector<16xi32>
      %parallel_loop3A_49 = arith.constant 36 : i32
      %parallel_loop3A_50 = vector.broadcast %parallel_loop3A_49 : i32 to vector<16xi32>
      %parallel_loop3A_51 = arith.constant 52 : i32
      %parallel_loop3A_52 = vector.broadcast %parallel_loop3A_51 : i32 to vector<16xi32>
      %parallel_loop3A_53 = arith.constant 5 : i32
      %parallel_loop3A_54 = vector.broadcast %parallel_loop3A_53 : i32 to vector<16xi32>
      %parallel_loop3A_55 = arith.constant 21 : i32
      %parallel_loop3A_56 = vector.broadcast %parallel_loop3A_55 : i32 to vector<16xi32>
      %parallel_loop3A_57 = arith.constant 37 : i32
      %parallel_loop3A_58 = vector.broadcast %parallel_loop3A_57 : i32 to vector<16xi32>
      %parallel_loop3A_59 = arith.constant 53 : i32
      %parallel_loop3A_60 = vector.broadcast %parallel_loop3A_59 : i32 to vector<16xi32>
      %parallel_loop3A_61 = arith.constant 6 : i32
      %parallel_loop3A_62 = vector.broadcast %parallel_loop3A_61 : i32 to vector<16xi32>
      %parallel_loop3A_63 = arith.constant 22 : i32
      %parallel_loop3A_64 = vector.broadcast %parallel_loop3A_63 : i32 to vector<16xi32>
      %parallel_loop3A_65 = arith.constant 38 : i32
      %parallel_loop3A_66 = vector.broadcast %parallel_loop3A_65 : i32 to vector<16xi32>
      %parallel_loop3A_67 = arith.constant 54 : i32
      %parallel_loop3A_68 = vector.broadcast %parallel_loop3A_67 : i32 to vector<16xi32>
      %parallel_loop3A_69 = arith.constant 7 : i32
      %parallel_loop3A_70 = vector.broadcast %parallel_loop3A_69 : i32 to vector<16xi32>
      %parallel_loop3A_71 = arith.constant 23 : i32
      %parallel_loop3A_72 = vector.broadcast %parallel_loop3A_71 : i32 to vector<16xi32>
      %parallel_loop3A_73 = arith.constant 39 : i32
      %parallel_loop3A_74 = vector.broadcast %parallel_loop3A_73 : i32 to vector<16xi32>
      %parallel_loop3A_75 = arith.constant 55 : i32
      %parallel_loop3A_76 = vector.broadcast %parallel_loop3A_75 : i32 to vector<16xi32>
      %parallel_loop3A_77 = arith.constant 8 : i32
      %parallel_loop3A_78 = vector.broadcast %parallel_loop3A_77 : i32 to vector<16xi32>
      %parallel_loop3A_79 = arith.constant 24 : i32
      %parallel_loop3A_80 = vector.broadcast %parallel_loop3A_79 : i32 to vector<16xi32>
      %parallel_loop3A_81 = arith.constant 40 : i32
      %parallel_loop3A_82 = vector.broadcast %parallel_loop3A_81 : i32 to vector<16xi32>
      %parallel_loop3A_83 = arith.constant 56 : i32
      %parallel_loop3A_84 = vector.broadcast %parallel_loop3A_83 : i32 to vector<16xi32>
      %parallel_loop3A_85 = arith.constant 9 : i32
      %parallel_loop3A_86 = vector.broadcast %parallel_loop3A_85 : i32 to vector<16xi32>
      %parallel_loop3A_87 = arith.constant 25 : i32
      %parallel_loop3A_88 = vector.broadcast %parallel_loop3A_87 : i32 to vector<16xi32>
      %parallel_loop3A_89 = arith.constant 41 : i32
      %parallel_loop3A_90 = vector.broadcast %parallel_loop3A_89 : i32 to vector<16xi32>
      %parallel_loop3A_91 = arith.constant 57 : i32
      %parallel_loop3A_92 = vector.broadcast %parallel_loop3A_91 : i32 to vector<16xi32>
      %parallel_loop3A_93 = arith.constant 10 : i32
      %parallel_loop3A_94 = vector.broadcast %parallel_loop3A_93 : i32 to vector<16xi32>
      %parallel_loop3A_95 = arith.constant 26 : i32
      %parallel_loop3A_96 = vector.broadcast %parallel_loop3A_95 : i32 to vector<16xi32>
      %parallel_loop3A_97 = arith.constant 42 : i32
      %parallel_loop3A_98 = vector.broadcast %parallel_loop3A_97 : i32 to vector<16xi32>
      %parallel_loop3A_99 = arith.constant 58 : i32
      %parallel_loop3A_100 = vector.broadcast %parallel_loop3A_99 : i32 to vector<16xi32>
      %parallel_loop3A_101 = arith.constant 11 : i32
      %parallel_loop3A_102 = vector.broadcast %parallel_loop3A_101 : i32 to vector<16xi32>
      %parallel_loop3A_103 = arith.constant 27 : i32
      %parallel_loop3A_104 = vector.broadcast %parallel_loop3A_103 : i32 to vector<16xi32>
      %parallel_loop3A_105 = arith.constant 43 : i32
      %parallel_loop3A_106 = vector.broadcast %parallel_loop3A_105 : i32 to vector<16xi32>
      %parallel_loop3A_107 = arith.constant 59 : i32
      %parallel_loop3A_108 = vector.broadcast %parallel_loop3A_107 : i32 to vector<16xi32>
      %parallel_loop3A_109 = arith.constant 12 : i32
      %parallel_loop3A_110 = vector.broadcast %parallel_loop3A_109 : i32 to vector<16xi32>
      %parallel_loop3A_111 = arith.constant 28 : i32
      %parallel_loop3A_112 = vector.broadcast %parallel_loop3A_111 : i32 to vector<16xi32>
      %parallel_loop3A_113 = arith.constant 44 : i32
      %parallel_loop3A_114 = vector.broadcast %parallel_loop3A_113 : i32 to vector<16xi32>
      %parallel_loop3A_115 = arith.constant 60 : i32
      %parallel_loop3A_116 = vector.broadcast %parallel_loop3A_115 : i32 to vector<16xi32>
      %parallel_loop3A_117 = arith.constant 13 : i32
      %parallel_loop3A_118 = vector.broadcast %parallel_loop3A_117 : i32 to vector<16xi32>
      %parallel_loop3A_119 = arith.constant 29 : i32
      %parallel_loop3A_120 = vector.broadcast %parallel_loop3A_119 : i32 to vector<16xi32>
      %parallel_loop3A_121 = arith.constant 45 : i32
      %parallel_loop3A_122 = vector.broadcast %parallel_loop3A_121 : i32 to vector<16xi32>
      %parallel_loop3A_123 = arith.constant 61 : i32
      %parallel_loop3A_124 = vector.broadcast %parallel_loop3A_123 : i32 to vector<16xi32>
      %parallel_loop3A_125 = arith.constant 14 : i32
      %parallel_loop3A_126 = vector.broadcast %parallel_loop3A_125 : i32 to vector<16xi32>
      %parallel_loop3A_127 = arith.constant 30 : i32
      %parallel_loop3A_128 = vector.broadcast %parallel_loop3A_127 : i32 to vector<16xi32>
      %parallel_loop3A_129 = arith.constant 46 : i32
      %parallel_loop3A_130 = vector.broadcast %parallel_loop3A_129 : i32 to vector<16xi32>
      %parallel_loop3A_131 = arith.constant 62 : i32
      %parallel_loop3A_132 = vector.broadcast %parallel_loop3A_131 : i32 to vector<16xi32>
      %parallel_loop3A_133 = arith.constant 15 : i32
      %parallel_loop3A_134 = vector.broadcast %parallel_loop3A_133 : i32 to vector<16xi32>
      %parallel_loop3A_135 = arith.constant 31 : i32
      %parallel_loop3A_136 = vector.broadcast %parallel_loop3A_135 : i32 to vector<16xi32>
      %parallel_loop3A_137 = arith.constant 47 : i32
      %parallel_loop3A_138 = vector.broadcast %parallel_loop3A_137 : i32 to vector<16xi32>
      %parallel_loop3A_139 = arith.constant 63 : i32
      %parallel_loop3A_140 = vector.broadcast %parallel_loop3A_139 : i32 to vector<16xi32>
      %parallel_loop3A_141 = tpu.vector_load_idx %arg5[%parallel_loop3A_12, %parallel_loop3A_14] : memref<256x64xf32, #tpu.memory_space<vmem>>[vector<16xi32>, vector<16xi32>], vector<16xf32>,
      %parallel_loop3A_142 = tpu.vector_load_idx %arg5[%parallel_loop3A_12, %parallel_loop3A_16] : memref<256x64xf32, #tpu.memory_space<vmem>>[vector<16xi32>, vector<16xi32>], vector<16xf32>,
      %parallel_loop3A_143 = tpu.vector_load_idx %arg5[%parallel_loop3A_12, %parallel_loop3A_18] : memref<256x64xf32, #tpu.memory_space<vmem>>[vector<16xi32>, vector<16xi32>], vector<16xf32>,
      %parallel_loop3A_144 = tpu.vector_load_idx %arg5[%parallel_loop3A_12, %parallel_loop3A_20] : memref<256x64xf32, #tpu.memory_space<vmem>>[vector<16xi32>, vector<16xi32>], vector<16xf32>,
      %parallel_loop3A_145 = tpu.vector_load_idx %arg5[%parallel_loop3A_12, %parallel_loop3A_22] : memref<256x64xf32, #tpu.memory_space<vmem>>[vector<16xi32>, vector<16xi32>], vector<16xf32>,
      %parallel_loop3A_146 = tpu.vector_load_idx %arg5[%parallel_loop3A_12, %parallel_loop3A_24] : memref<256x64xf32, #tpu.memory_space<vmem>>[vector<16xi32>, vector<16xi32>], vector<16xf32>,
      %parallel_loop3A_147 = tpu.vector_load_idx %arg5[%parallel_loop3A_12, %parallel_loop3A_26] : memref<256x64xf32, #tpu.memory_space<vmem>>[vector<16xi32>, vector<16xi32>], vector<16xf32>,
      %parallel_loop3A_148 = tpu.vector_load_idx %arg5[%parallel_loop3A_12, %parallel_loop3A_28] : memref<256x64xf32, #tpu.memory_space<vmem>>[vector<16xi32>, vector<16xi32>], vector<16xf32>,
      %parallel_loop3A_149 = arith.cmpf ogt, %parallel_loop3A_141, %broadcast_in_dim3A_3 : vector<16xf32>
      %parallel_loop3A_150 = arith.cmpf ogt, %parallel_loop3A_141, %broadcast_in_dim3A_3 : vector<16xf32>
      %parallel_loop3A_151 = arith.select %parallel_loop3A_149, %parallel_loop3A_141, %broadcast_in_dim3A_3 : vector<16xi1>, vector<16xf32>
      %parallel_loop3A_152 = arith.select %parallel_loop3A_150, %parallel_loop3A_141, %broadcast_in_dim3A_3 : vector<16xi1>, vector<16xf32>
      %parallel_loop3A_153 = arith.select %parallel_loop3A_149, %broadcast_in_dim3A_3, %parallel_loop3A_152 : vector<16xi1>, vector<16xf32>
      %parallel_loop3A_154 = arith.select %parallel_loop3A_149, %parallel_loop3A_14, %broadcast_in_dim3A_5 : vector<16xi1>, vector<16xi32>
      %parallel_loop3A_155 = arith.select %parallel_loop3A_150, %parallel_loop3A_14, %broadcast_in_dim3A_5 : vector<16xi1>, vector<16xi32>
      %parallel_loop3A_156 = arith.select %parallel_loop3A_149, %broadcast_in_dim3A_5, %parallel_loop3A_155 : vector<16xi1>, vector<16xi32>
      %parallel_loop3A_157 = arith.cmpf ogt, %parallel_loop3A_142, %broadcast_in_dim3A_3 : vector<16xf32>
      %parallel_loop3A_158 = arith.cmpf ogt, %parallel_loop3A_142, %broadcast_in_dim3A_3 : vector<16xf32>
      %parallel_loop3A_159 = arith.select %parallel_loop3A_157, %parallel_loop3A_142, %broadcast_in_dim3A_3 : vector<16xi1>, vector<16xf32>
      %parallel_loop3A_160 = arith.select %parallel_loop3A_158, %parallel_loop3A_142, %broadcast_in_dim3A_3 : vector<16xi1>, vector<16xf32>
      %parallel_loop3A_161 = arith.select %parallel_loop3A_157, %broadcast_in_dim3A_3, %parallel_loop3A_160 : vector<16xi1>, vector<16xf32>
      %parallel_loop3A_162 = arith.select %parallel_loop3A_157, %parallel_loop3A_16, %broadcast_in_dim3A_5 : vector<16xi1>, vector<16xi32>
      %parallel_loop3A_163 = arith.select %parallel_loop3A_158, %parallel_loop3A_16, %broadcast_in_dim3A_5 : vector<16xi1>, vector<16xi32>
      %parallel_loop3A_164 = arith.select %parallel_loop3A_157, %broadcast_in_dim3A_5, %parallel_loop3A_163 : vector<16xi1>, vector<16xi32>
      %parallel_loop3A_165 = arith.cmpf ogt, %parallel_loop3A_143, %broadcast_in_dim3A_3 : vector<16xf32>
      %parallel_loop3A_166 = arith.cmpf ogt, %parallel_loop3A_143, %broadcast_in_dim3A_3 : vector<16xf32>
      %parallel_loop3A_167 = arith.select %parallel_loop3A_165, %parallel_loop3A_143, %broadcast_in_dim3A_3 : vector<16xi1>, vector<16xf32>
      %parallel_loop3A_168 = arith.select %parallel_loop3A_166, %parallel_loop3A_143, %broadcast_in_dim3A_3 : vector<16xi1>, vector<16xf32>
      %parallel_loop3A_169 = arith.select %parallel_loop3A_165, %broadcast_in_dim3A_3, %parallel_loop3A_168 : vector<16xi1>, vector<16xf32>
      %parallel_loop3A_170 = arith.select %parallel_loop3A_165, %parallel_loop3A_18, %broadcast_in_dim3A_5 : vector<16xi1>, vector<16xi32>
      %parallel_loop3A_171 = arith.select %parallel_loop3A_166, %parallel_loop3A_18, %broadcast_in_dim3A_5 : vector<16xi1>, vector<16xi32>
      %parallel_loop3A_172 = arith.select %parallel_loop3A_165, %broadcast_in_dim3A_5, %parallel_loop3A_171 : vector<16xi1>, vector<16xi32>
      %parallel_loop3A_173 = arith.cmpf ogt, %parallel_loop3A_144, %broadcast_in_dim3A_3 : vector<16xf32>
      %parallel_loop3A_174 = arith.cmpf ogt, %parallel_loop3A_144, %broadcast_in_dim3A_3 : vector<16xf32>
      %parallel_loop3A_175 = arith.select %parallel_loop3A_173, %parallel_loop3A_144, %broadcast_in_dim3A_3 : vector<16xi1>, vector<16xf32>
      %parallel_loop3A_176 = arith.select %parallel_loop3A_174, %parallel_loop3A_144, %broadcast_in_dim3A_3 : vector<16xi1>, vector<16xf32>
      %parallel_loop3A_177 = arith.select %parallel_loop3A_173, %broadcast_in_dim3A_3, %parallel_loop3A_176 : vector<16xi1>, vector<16xf32>
      %parallel_loop3A_178 = arith.select %parallel_loop3A_173, %parallel_loop3A_20, %broadcast_in_dim3A_5 : vector<16xi1>, vector<16xi32>
      %parallel_loop3A_179 = arith.select %parallel_loop3A_174, %parallel_loop3A_20, %broadcast_in_dim3A_5 : vector<16xi1>, vector<16xi32>
      %parallel_loop3A_180 = arith.select %parallel_loop3A_173, %broadcast_in_dim3A_5, %parallel_loop3A_179 : vector<16xi1>, vector<16xi32>
      %parallel_loop3A_181 = tpu.vector_load_idx %arg5[%parallel_loop3A_12, %parallel_loop3A_30] : memref<256x64xf32, #tpu.memory_space<vmem>>[vector<16xi32>, vector<16xi32>], vector<16xf32>,
      %parallel_loop3A_182 = tpu.vector_load_idx %arg5[%parallel_loop3A_12, %parallel_loop3A_32] : memref<256x64xf32, #tpu.memory_space<vmem>>[vector<16xi32>, vector<16xi32>], vector<16xf32>,
      %parallel_loop3A_183 = tpu.vector_load_idx %arg5[%parallel_loop3A_12, %parallel_loop3A_34] : memref<256x64xf32, #tpu.memory_space<vmem>>[vector<16xi32>, vector<16xi32>], vector<16xf32>,
      %parallel_loop3A_184 = tpu.vector_load_idx %arg5[%parallel_loop3A_12, %parallel_loop3A_36] : memref<256x64xf32, #tpu.memory_space<vmem>>[vector<16xi32>, vector<16xi32>], vector<16xf32>,
      %parallel_loop3A_185 = arith.cmpf ogt, %parallel_loop3A_145, %parallel_loop3A_151 : vector<16xf32>
      %parallel_loop3A_186 = arith.cmpf ogt, %parallel_loop3A_145, %parallel_loop3A_153 : vector<16xf32>
      %parallel_loop3A_187 = arith.select %parallel_loop3A_185, %parallel_loop3A_145, %parallel_loop3A_151 : vector<16xi1>, vector<16xf32>
      %parallel_loop3A_188 = arith.select %parallel_loop3A_186, %parallel_loop3A_145, %parallel_loop3A_153 : vector<16xi1>, vector<16xf32>
      %parallel_loop3A_189 = arith.select %parallel_loop3A_185, %parallel_loop3A_151, %parallel_loop3A_188 : vector<16xi1>, vector<16xf32>
      %parallel_loop3A_190 = arith.select %parallel_loop3A_185, %parallel_loop3A_22, %parallel_loop3A_154 : vector<16xi1>, vector<16xi32>
      %parallel_loop3A_191 = arith.select %parallel_loop3A_186, %parallel_loop3A_22, %parallel_loop3A_156 : vector<16xi1>, vector<16xi32>
      %parallel_loop3A_192 = arith.select %parallel_loop3A_185, %parallel_loop3A_154, %parallel_loop3A_191 : vector<16xi1>, vector<16xi32>
      %parallel_loop3A_193 = arith.cmpf ogt, %parallel_loop3A_146, %parallel_loop3A_159 : vector<16xf32>
      %parallel_loop3A_194 = arith.cmpf ogt, %parallel_loop3A_146, %parallel_loop3A_161 : vector<16xf32>
      %parallel_loop3A_195 = arith.select %parallel_loop3A_193, %parallel_loop3A_146, %parallel_loop3A_159 : vector<16xi1>, vector<16xf32>
      %parallel_loop3A_196 = arith.select %parallel_loop3A_194, %parallel_loop3A_146, %parallel_loop3A_161 : vector<16xi1>, vector<16xf32>
      %parallel_loop3A_197 = arith.select %parallel_loop3A_193, %parallel_loop3A_159, %parallel_loop3A_196 : vector<16xi1>, vector<16xf32>
      %parallel_loop3A_198 = arith.select %parallel_loop3A_193, %parallel_loop3A_24, %parallel_loop3A_162 : vector<16xi1>, vector<16xi32>
      %parallel_loop3A_199 = arith.select %parallel_loop3A_194, %parallel_loop3A_24, %parallel_loop3A_164 : vector<16xi1>, vector<16xi32>
      %parallel_loop3A_200 = arith.select %parallel_loop3A_193, %parallel_loop3A_162, %parallel_loop3A_199 : vector<16xi1>, vector<16xi32>
      %parallel_loop3A_201 = arith.cmpf ogt, %parallel_loop3A_147, %parallel_loop3A_167 : vector<16xf32>
      %parallel_loop3A_202 = arith.cmpf ogt, %parallel_loop3A_147, %parallel_loop3A_169 : vector<16xf32>
      %parallel_loop3A_203 = arith.select %parallel_loop3A_201, %parallel_loop3A_147, %parallel_loop3A_167 : vector<16xi1>, vector<16xf32>
      %parallel_loop3A_204 = arith.select %parallel_loop3A_202, %parallel_loop3A_147, %parallel_loop3A_169 : vector<16xi1>, vector<16xf32>
      %parallel_loop3A_205 = arith.select %parallel_loop3A_201, %parallel_loop3A_167, %parallel_loop3A_204 : vector<16xi1>, vector<16xf32>
      %parallel_loop3A_206 = arith.select %parallel_loop3A_201, %parallel_loop3A_26, %parallel_loop3A_170 : vector<16xi1>, vector<16xi32>
      %parallel_loop3A_207 = arith.select %parallel_loop3A_202, %parallel_loop3A_26, %parallel_loop3A_172 : vector<16xi1>, vector<16xi32>
      %parallel_loop3A_208 = arith.select %parallel_loop3A_201, %parallel_loop3A_170, %parallel_loop3A_207 : vector<16xi1>, vector<16xi32>
      %parallel_loop3A_209 = arith.cmpf ogt, %parallel_loop3A_148, %parallel_loop3A_175 : vector<16xf32>
      %parallel_loop3A_210 = arith.cmpf ogt, %parallel_loop3A_148, %parallel_loop3A_177 : vector<16xf32>
      %parallel_loop3A_211 = arith.select %parallel_loop3A_209, %parallel_loop3A_148, %parallel_loop3A_175 : vector<16xi1>, vector<16xf32>
      %parallel_loop3A_212 = arith.select %parallel_loop3A_210, %parallel_loop3A_148, %parallel_loop3A_177 : vector<16xi1>, vector<16xf32>
      %parallel_loop3A_213 = arith.select %parallel_loop3A_209, %parallel_loop3A_175, %parallel_loop3A_212 : vector<16xi1>, vector<16xf32>
      %parallel_loop3A_214 = arith.select %parallel_loop3A_209, %parallel_loop3A_28, %parallel_loop3A_178 : vector<16xi1>, vector<16xi32>
      %parallel_loop3A_215 = arith.select %parallel_loop3A_210, %parallel_loop3A_28, %parallel_loop3A_180 : vector<16xi1>, vector<16xi32>
      %parallel_loop3A_216 = arith.select %parallel_loop3A_209, %parallel_loop3A_178, %parallel_loop3A_215 : vector<16xi1>, vector<16xi32>
      %parallel_loop3A_217 = tpu.vector_load_idx %arg5[%parallel_loop3A_12, %parallel_loop3A_38] : memref<256x64xf32, #tpu.memory_space<vmem>>[vector<16xi32>, vector<16xi32>], vector<16xf32>,
      %parallel_loop3A_218 = tpu.vector_load_idx %arg5[%parallel_loop3A_12, %parallel_loop3A_40] : memref<256x64xf32, #tpu.memory_space<vmem>>[vector<16xi32>, vector<16xi32>], vector<16xf32>,
      %parallel_loop3A_219 = tpu.vector_load_idx %arg5[%parallel_loop3A_12, %parallel_loop3A_42] : memref<256x64xf32, #tpu.memory_space<vmem>>[vector<16xi32>, vector<16xi32>], vector<16xf32>,
      %parallel_loop3A_220 = tpu.vector_load_idx %arg5[%parallel_loop3A_12, %parallel_loop3A_44] : memref<256x64xf32, #tpu.memory_space<vmem>>[vector<16xi32>, vector<16xi32>], vector<16xf32>,
      %parallel_loop3A_221 = arith.cmpf ogt, %parallel_loop3A_181, %parallel_loop3A_187 : vector<16xf32>
      %parallel_loop3A_222 = arith.cmpf ogt, %parallel_loop3A_181, %parallel_loop3A_189 : vector<16xf32>
      %parallel_loop3A_223 = arith.select %parallel_loop3A_221, %parallel_loop3A_181, %parallel_loop3A_187 : vector<16xi1>, vector<16xf32>
      %parallel_loop3A_224 = arith.select %parallel_loop3A_222, %parallel_loop3A_181, %parallel_loop3A_189 : vector<16xi1>, vector<16xf32>
      %parallel_loop3A_225 = arith.select %parallel_loop3A_221, %parallel_loop3A_187, %parallel_loop3A_224 : vector<16xi1>, vector<16xf32>
      %parallel_loop3A_226 = arith.select %parallel_loop3A_221, %parallel_loop3A_30, %parallel_loop3A_190 : vector<16xi1>, vector<16xi32>
      %parallel_loop3A_227 = arith.select %parallel_loop3A_222, %parallel_loop3A_30, %parallel_loop3A_192 : vector<16xi1>, vector<16xi32>
      %parallel_loop3A_228 = arith.select %parallel_loop3A_221, %parallel_loop3A_190, %parallel_loop3A_227 : vector<16xi1>, vector<16xi32>
      %parallel_loop3A_229 = arith.cmpf ogt, %parallel_loop3A_182, %parallel_loop3A_195 : vector<16xf32>
      %parallel_loop3A_230 = arith.cmpf ogt, %parallel_loop3A_182, %parallel_loop3A_197 : vector<16xf32>
      %parallel_loop3A_231 = arith.select %parallel_loop3A_229, %parallel_loop3A_182, %parallel_loop3A_195 : vector<16xi1>, vector<16xf32>
      %parallel_loop3A_232 = arith.select %parallel_loop3A_230, %parallel_loop3A_182, %parallel_loop3A_197 : vector<16xi1>, vector<16xf32>
      %parallel_loop3A_233 = arith.select %parallel_loop3A_229, %parallel_loop3A_195, %parallel_loop3A_232 : vector<16xi1>, vector<16xf32>
      %parallel_loop3A_234 = arith.select %parallel_loop3A_229, %parallel_loop3A_32, %parallel_loop3A_198 : vector<16xi1>, vector<16xi32>
      %parallel_loop3A_235 = arith.select %parallel_loop3A_230, %parallel_loop3A_32, %parallel_loop3A_200 : vector<16xi1>, vector<16xi32>
      %parallel_loop3A_236 = arith.select %parallel_loop3A_229, %parallel_loop3A_198, %parallel_loop3A_235 : vector<16xi1>, vector<16xi32>
      %parallel_loop3A_237 = arith.cmpf ogt, %parallel_loop3A_183, %parallel_loop3A_203 : vector<16xf32>
      %parallel_loop3A_238 = arith.cmpf ogt, %parallel_loop3A_183, %parallel_loop3A_205 : vector<16xf32>
      %parallel_loop3A_239 = arith.select %parallel_loop3A_237, %parallel_loop3A_183, %parallel_loop3A_203 : vector<16xi1>, vector<16xf32>
      %parallel_loop3A_240 = arith.select %parallel_loop3A_238, %parallel_loop3A_183, %parallel_loop3A_205 : vector<16xi1>, vector<16xf32>
      %parallel_loop3A_241 = arith.select %parallel_loop3A_237, %parallel_loop3A_203, %parallel_loop3A_240 : vector<16xi1>, vector<16xf32>
      %parallel_loop3A_242 = arith.select %parallel_loop3A_237, %parallel_loop3A_34, %parallel_loop3A_206 : vector<16xi1>, vector<16xi32>
      %parallel_loop3A_243 = arith.select %parallel_loop3A_238, %parallel_loop3A_34, %parallel_loop3A_208 : vector<16xi1>, vector<16xi32>
      %parallel_loop3A_244 = arith.select %parallel_loop3A_237, %parallel_loop3A_206, %parallel_loop3A_243 : vector<16xi1>, vector<16xi32>
      %parallel_loop3A_245 = arith.cmpf ogt, %parallel_loop3A_184, %parallel_loop3A_211 : vector<16xf32>
      %parallel_loop3A_246 = arith.cmpf ogt, %parallel_loop3A_184, %parallel_loop3A_213 : vector<16xf32>
      %parallel_loop3A_247 = arith.select %parallel_loop3A_245, %parallel_loop3A_184, %parallel_loop3A_211 : vector<16xi1>, vector<16xf32>
      %parallel_loop3A_248 = arith.select %parallel_loop3A_246, %parallel_loop3A_184, %parallel_loop3A_213 : vector<16xi1>, vector<16xf32>
      %parallel_loop3A_249 = arith.select %parallel_loop3A_245, %parallel_loop3A_211, %parallel_loop3A_248 : vector<16xi1>, vector<16xf32>
      %parallel_loop3A_250 = arith.select %parallel_loop3A_245, %parallel_loop3A_36, %parallel_loop3A_214 : vector<16xi1>, vector<16xi32>
      %parallel_loop3A_251 = arith.select %parallel_loop3A_246, %parallel_loop3A_36, %parallel_loop3A_216 : vector<16xi1>, vector<16xi32>
      %parallel_loop3A_252 = arith.select %parallel_loop3A_245, %parallel_loop3A_214, %parallel_loop3A_251 : vector<16xi1>, vector<16xi32>
      %parallel_loop3A_253 = tpu.vector_load_idx %arg5[%parallel_loop3A_12, %parallel_loop3A_46] : memref<256x64xf32, #tpu.memory_space<vmem>>[vector<16xi32>, vector<16xi32>], vector<16xf32>,
      %parallel_loop3A_254 = tpu.vector_load_idx %arg5[%parallel_loop3A_12, %parallel_loop3A_48] : memref<256x64xf32, #tpu.memory_space<vmem>>[vector<16xi32>, vector<16xi32>], vector<16xf32>,
      %parallel_loop3A_255 = tpu.vector_load_idx %arg5[%parallel_loop3A_12, %parallel_loop3A_50] : memref<256x64xf32, #tpu.memory_space<vmem>>[vector<16xi32>, vector<16xi32>], vector<16xf32>,
      %parallel_loop3A_256 = tpu.vector_load_idx %arg5[%parallel_loop3A_12, %parallel_loop3A_52] : memref<256x64xf32, #tpu.memory_space<vmem>>[vector<16xi32>, vector<16xi32>], vector<16xf32>,
      %parallel_loop3A_257 = arith.cmpf ogt, %parallel_loop3A_217, %parallel_loop3A_223 : vector<16xf32>
      %parallel_loop3A_258 = arith.cmpf ogt, %parallel_loop3A_217, %parallel_loop3A_225 : vector<16xf32>
      %parallel_loop3A_259 = arith.select %parallel_loop3A_257, %parallel_loop3A_217, %parallel_loop3A_223 : vector<16xi1>, vector<16xf32>
      %parallel_loop3A_260 = arith.select %parallel_loop3A_258, %parallel_loop3A_217, %parallel_loop3A_225 : vector<16xi1>, vector<16xf32>
      %parallel_loop3A_261 = arith.select %parallel_loop3A_257, %parallel_loop3A_223, %parallel_loop3A_260 : vector<16xi1>, vector<16xf32>
      %parallel_loop3A_262 = arith.select %parallel_loop3A_257, %parallel_loop3A_38, %parallel_loop3A_226 : vector<16xi1>, vector<16xi32>
      %parallel_loop3A_263 = arith.select %parallel_loop3A_258, %parallel_loop3A_38, %parallel_loop3A_228 : vector<16xi1>, vector<16xi32>
      %parallel_loop3A_264 = arith.select %parallel_loop3A_257, %parallel_loop3A_226, %parallel_loop3A_263 : vector<16xi1>, vector<16xi32>
      %parallel_loop3A_265 = arith.cmpf ogt, %parallel_loop3A_218, %parallel_loop3A_231 : vector<16xf32>
      %parallel_loop3A_266 = arith.cmpf ogt, %parallel_loop3A_218, %parallel_loop3A_233 : vector<16xf32>
      %parallel_loop3A_267 = arith.select %parallel_loop3A_265, %parallel_loop3A_218, %parallel_loop3A_231 : vector<16xi1>, vector<16xf32>
      %parallel_loop3A_268 = arith.select %parallel_loop3A_266, %parallel_loop3A_218, %parallel_loop3A_233 : vector<16xi1>, vector<16xf32>
      %parallel_loop3A_269 = arith.select %parallel_loop3A_265, %parallel_loop3A_231, %parallel_loop3A_268 : vector<16xi1>, vector<16xf32>
      %parallel_loop3A_270 = arith.select %parallel_loop3A_265, %parallel_loop3A_40, %parallel_loop3A_234 : vector<16xi1>, vector<16xi32>
      %parallel_loop3A_271 = arith.select %parallel_loop3A_266, %parallel_loop3A_40, %parallel_loop3A_236 : vector<16xi1>, vector<16xi32>
      %parallel_loop3A_272 = arith.select %parallel_loop3A_265, %parallel_loop3A_234, %parallel_loop3A_271 : vector<16xi1>, vector<16xi32>
      %parallel_loop3A_273 = arith.cmpf ogt, %parallel_loop3A_219, %parallel_loop3A_239 : vector<16xf32>
      %parallel_loop3A_274 = arith.cmpf ogt, %parallel_loop3A_219, %parallel_loop3A_241 : vector<16xf32>
      %parallel_loop3A_275 = arith.select %parallel_loop3A_273, %parallel_loop3A_219, %parallel_loop3A_239 : vector<16xi1>, vector<16xf32>
      %parallel_loop3A_276 = arith.select %parallel_loop3A_274, %parallel_loop3A_219, %parallel_loop3A_241 : vector<16xi1>, vector<16xf32>
      %parallel_loop3A_277 = arith.select %parallel_loop3A_273, %parallel_loop3A_239, %parallel_loop3A_276 : vector<16xi1>, vector<16xf32>
      %parallel_loop3A_278 = arith.select %parallel_loop3A_273, %parallel_loop3A_42, %parallel_loop3A_242 : vector<16xi1>, vector<16xi32>
      %parallel_loop3A_279 = arith.select %parallel_loop3A_274, %parallel_loop3A_42, %parallel_loop3A_244 : vector<16xi1>, vector<16xi32>
      %parallel_loop3A_280 = arith.select %parallel_loop3A_273, %parallel_loop3A_242, %parallel_loop3A_279 : vector<16xi1>, vector<16xi32>
      %parallel_loop3A_281 = arith.cmpf ogt, %parallel_loop3A_220, %parallel_loop3A_247 : vector<16xf32>
      %parallel_loop3A_282 = arith.cmpf ogt, %parallel_loop3A_220, %parallel_loop3A_249 : vector<16xf32>
      %parallel_loop3A_283 = arith.select %parallel_loop3A_281, %parallel_loop3A_220, %parallel_loop3A_247 : vector<16xi1>, vector<16xf32>
      %parallel_loop3A_284 = arith.select %parallel_loop3A_282, %parallel_loop3A_220, %parallel_loop3A_249 : vector<16xi1>, vector<16xf32>
      %parallel_loop3A_285 = arith.select %parallel_loop3A_281, %parallel_loop3A_247, %parallel_loop3A_284 : vector<16xi1>, vector<16xf32>
      %parallel_loop3A_286 = arith.select %parallel_loop3A_281, %parallel_loop3A_44, %parallel_loop3A_250 : vector<16xi1>, vector<16xi32>
      %parallel_loop3A_287 = arith.select %parallel_loop3A_282, %parallel_loop3A_44, %parallel_loop3A_252 : vector<16xi1>, vector<16xi32>
      %parallel_loop3A_288 = arith.select %parallel_loop3A_281, %parallel_loop3A_250, %parallel_loop3A_287 : vector<16xi1>, vector<16xi32>
      %parallel_loop3A_289 = tpu.vector_load_idx %arg5[%parallel_loop3A_12, %parallel_loop3A_54] : memref<256x64xf32, #tpu.memory_space<vmem>>[vector<16xi32>, vector<16xi32>], vector<16xf32>,
      %parallel_loop3A_290 = tpu.vector_load_idx %arg5[%parallel_loop3A_12, %parallel_loop3A_56] : memref<256x64xf32, #tpu.memory_space<vmem>>[vector<16xi32>, vector<16xi32>], vector<16xf32>,
      %parallel_loop3A_291 = tpu.vector_load_idx %arg5[%parallel_loop3A_12, %parallel_loop3A_58] : memref<256x64xf32, #tpu.memory_space<vmem>>[vector<16xi32>, vector<16xi32>], vector<16xf32>,
      %parallel_loop3A_292 = tpu.vector_load_idx %arg5[%parallel_loop3A_12, %parallel_loop3A_60] : memref<256x64xf32, #tpu.memory_space<vmem>>[vector<16xi32>, vector<16xi32>], vector<16xf32>,
      %parallel_loop3A_293 = arith.cmpf ogt, %parallel_loop3A_253, %parallel_loop3A_259 : vector<16xf32>
      %parallel_loop3A_294 = arith.cmpf ogt, %parallel_loop3A_253, %parallel_loop3A_261 : vector<16xf32>
      %parallel_loop3A_295 = arith.select %parallel_loop3A_293, %parallel_loop3A_253, %parallel_loop3A_259 : vector<16xi1>, vector<16xf32>
      %parallel_loop3A_296 = arith.select %parallel_loop3A_294, %parallel_loop3A_253, %parallel_loop3A_261 : vector<16xi1>, vector<16xf32>
      %parallel_loop3A_297 = arith.select %parallel_loop3A_293, %parallel_loop3A_259, %parallel_loop3A_296 : vector<16xi1>, vector<16xf32>
      %parallel_loop3A_298 = arith.select %parallel_loop3A_293, %parallel_loop3A_46, %parallel_loop3A_262 : vector<16xi1>, vector<16xi32>
      %parallel_loop3A_299 = arith.select %parallel_loop3A_294, %parallel_loop3A_46, %parallel_loop3A_264 : vector<16xi1>, vector<16xi32>
      %parallel_loop3A_300 = arith.select %parallel_loop3A_293, %parallel_loop3A_262, %parallel_loop3A_299 : vector<16xi1>, vector<16xi32>
      %parallel_loop3A_301 = arith.cmpf ogt, %parallel_loop3A_254, %parallel_loop3A_267 : vector<16xf32>
      %parallel_loop3A_302 = arith.cmpf ogt, %parallel_loop3A_254, %parallel_loop3A_269 : vector<16xf32>
      %parallel_loop3A_303 = arith.select %parallel_loop3A_301, %parallel_loop3A_254, %parallel_loop3A_267 : vector<16xi1>, vector<16xf32>
      %parallel_loop3A_304 = arith.select %parallel_loop3A_302, %parallel_loop3A_254, %parallel_loop3A_269 : vector<16xi1>, vector<16xf32>
      %parallel_loop3A_305 = arith.select %parallel_loop3A_301, %parallel_loop3A_267, %parallel_loop3A_304 : vector<16xi1>, vector<16xf32>
      %parallel_loop3A_306 = arith.select %parallel_loop3A_301, %parallel_loop3A_48, %parallel_loop3A_270 : vector<16xi1>, vector<16xi32>
      %parallel_loop3A_307 = arith.select %parallel_loop3A_302, %parallel_loop3A_48, %parallel_loop3A_272 : vector<16xi1>, vector<16xi32>
      %parallel_loop3A_308 = arith.select %parallel_loop3A_301, %parallel_loop3A_270, %parallel_loop3A_307 : vector<16xi1>, vector<16xi32>
      %parallel_loop3A_309 = arith.cmpf ogt, %parallel_loop3A_255, %parallel_loop3A_275 : vector<16xf32>
      %parallel_loop3A_310 = arith.cmpf ogt, %parallel_loop3A_255, %parallel_loop3A_277 : vector<16xf32>
      %parallel_loop3A_311 = arith.select %parallel_loop3A_309, %parallel_loop3A_255, %parallel_loop3A_275 : vector<16xi1>, vector<16xf32>
      %parallel_loop3A_312 = arith.select %parallel_loop3A_310, %parallel_loop3A_255, %parallel_loop3A_277 : vector<16xi1>, vector<16xf32>
      %parallel_loop3A_313 = arith.select %parallel_loop3A_309, %parallel_loop3A_275, %parallel_loop3A_312 : vector<16xi1>, vector<16xf32>
      %parallel_loop3A_314 = arith.select %parallel_loop3A_309, %parallel_loop3A_50, %parallel_loop3A_278 : vector<16xi1>, vector<16xi32>
      %parallel_loop3A_315 = arith.select %parallel_loop3A_310, %parallel_loop3A_50, %parallel_loop3A_280 : vector<16xi1>, vector<16xi32>
      %parallel_loop3A_316 = arith.select %parallel_loop3A_309, %parallel_loop3A_278, %parallel_loop3A_315 : vector<16xi1>, vector<16xi32>
      %parallel_loop3A_317 = arith.cmpf ogt, %parallel_loop3A_256, %parallel_loop3A_283 : vector<16xf32>
      %parallel_loop3A_318 = arith.cmpf ogt, %parallel_loop3A_256, %parallel_loop3A_285 : vector<16xf32>
      %parallel_loop3A_319 = arith.select %parallel_loop3A_317, %parallel_loop3A_256, %parallel_loop3A_283 : vector<16xi1>, vector<16xf32>
      %parallel_loop3A_320 = arith.select %parallel_loop3A_318, %parallel_loop3A_256, %parallel_loop3A_285 : vector<16xi1>, vector<16xf32>
      %parallel_loop3A_321 = arith.select %parallel_loop3A_317, %parallel_loop3A_283, %parallel_loop3A_320 : vector<16xi1>, vector<16xf32>
      %parallel_loop3A_322 = arith.select %parallel_loop3A_317, %parallel_loop3A_52, %parallel_loop3A_286 : vector<16xi1>, vector<16xi32>
      %parallel_loop3A_323 = arith.select %parallel_loop3A_318, %parallel_loop3A_52, %parallel_loop3A_288 : vector<16xi1>, vector<16xi32>
      %parallel_loop3A_324 = arith.select %parallel_loop3A_317, %parallel_loop3A_286, %parallel_loop3A_323 : vector<16xi1>, vector<16xi32>
      %parallel_loop3A_325 = tpu.vector_load_idx %arg5[%parallel_loop3A_12, %parallel_loop3A_62] : memref<256x64xf32, #tpu.memory_space<vmem>>[vector<16xi32>, vector<16xi32>], vector<16xf32>,
      %parallel_loop3A_326 = tpu.vector_load_idx %arg5[%parallel_loop3A_12, %parallel_loop3A_64] : memref<256x64xf32, #tpu.memory_space<vmem>>[vector<16xi32>, vector<16xi32>], vector<16xf32>,
      %parallel_loop3A_327 = tpu.vector_load_idx %arg5[%parallel_loop3A_12, %parallel_loop3A_66] : memref<256x64xf32, #tpu.memory_space<vmem>>[vector<16xi32>, vector<16xi32>], vector<16xf32>,
      %parallel_loop3A_328 = tpu.vector_load_idx %arg5[%parallel_loop3A_12, %parallel_loop3A_68] : memref<256x64xf32, #tpu.memory_space<vmem>>[vector<16xi32>, vector<16xi32>], vector<16xf32>,
      %parallel_loop3A_329 = arith.cmpf ogt, %parallel_loop3A_289, %parallel_loop3A_295 : vector<16xf32>
      %parallel_loop3A_330 = arith.cmpf ogt, %parallel_loop3A_289, %parallel_loop3A_297 : vector<16xf32>
      %parallel_loop3A_331 = arith.select %parallel_loop3A_329, %parallel_loop3A_289, %parallel_loop3A_295 : vector<16xi1>, vector<16xf32>
      %parallel_loop3A_332 = arith.select %parallel_loop3A_330, %parallel_loop3A_289, %parallel_loop3A_297 : vector<16xi1>, vector<16xf32>
      %parallel_loop3A_333 = arith.select %parallel_loop3A_329, %parallel_loop3A_295, %parallel_loop3A_332 : vector<16xi1>, vector<16xf32>
      %parallel_loop3A_334 = arith.select %parallel_loop3A_329, %parallel_loop3A_54, %parallel_loop3A_298 : vector<16xi1>, vector<16xi32>
      %parallel_loop3A_335 = arith.select %parallel_loop3A_330, %parallel_loop3A_54, %parallel_loop3A_300 : vector<16xi1>, vector<16xi32>
      %parallel_loop3A_336 = arith.select %parallel_loop3A_329, %parallel_loop3A_298, %parallel_loop3A_335 : vector<16xi1>, vector<16xi32>
      %parallel_loop3A_337 = arith.cmpf ogt, %parallel_loop3A_290, %parallel_loop3A_303 : vector<16xf32>
      %parallel_loop3A_338 = arith.cmpf ogt, %parallel_loop3A_290, %parallel_loop3A_305 : vector<16xf32>
      %parallel_loop3A_339 = arith.select %parallel_loop3A_337, %parallel_loop3A_290, %parallel_loop3A_303 : vector<16xi1>, vector<16xf32>
      %parallel_loop3A_340 = arith.select %parallel_loop3A_338, %parallel_loop3A_290, %parallel_loop3A_305 : vector<16xi1>, vector<16xf32>
      %parallel_loop3A_341 = arith.select %parallel_loop3A_337, %parallel_loop3A_303, %parallel_loop3A_340 : vector<16xi1>, vector<16xf32>
      %parallel_loop3A_342 = arith.select %parallel_loop3A_337, %parallel_loop3A_56, %parallel_loop3A_306 : vector<16xi1>, vector<16xi32>
      %parallel_loop3A_343 = arith.select %parallel_loop3A_338, %parallel_loop3A_56, %parallel_loop3A_308 : vector<16xi1>, vector<16xi32>
      %parallel_loop3A_344 = arith.select %parallel_loop3A_337, %parallel_loop3A_306, %parallel_loop3A_343 : vector<16xi1>, vector<16xi32>
      %parallel_loop3A_345 = arith.cmpf ogt, %parallel_loop3A_291, %parallel_loop3A_311 : vector<16xf32>
      %parallel_loop3A_346 = arith.cmpf ogt, %parallel_loop3A_291, %parallel_loop3A_313 : vector<16xf32>
      %parallel_loop3A_347 = arith.select %parallel_loop3A_345, %parallel_loop3A_291, %parallel_loop3A_311 : vector<16xi1>, vector<16xf32>
      %parallel_loop3A_348 = arith.select %parallel_loop3A_346, %parallel_loop3A_291, %parallel_loop3A_313 : vector<16xi1>, vector<16xf32>
      %parallel_loop3A_349 = arith.select %parallel_loop3A_345, %parallel_loop3A_311, %parallel_loop3A_348 : vector<16xi1>, vector<16xf32>
      %parallel_loop3A_350 = arith.select %parallel_loop3A_345, %parallel_loop3A_58, %parallel_loop3A_314 : vector<16xi1>, vector<16xi32>
      %parallel_loop3A_351 = arith.select %parallel_loop3A_346, %parallel_loop3A_58, %parallel_loop3A_316 : vector<16xi1>, vector<16xi32>
      %parallel_loop3A_352 = arith.select %parallel_loop3A_345, %parallel_loop3A_314, %parallel_loop3A_351 : vector<16xi1>, vector<16xi32>
      %parallel_loop3A_353 = arith.cmpf ogt, %parallel_loop3A_292, %parallel_loop3A_319 : vector<16xf32>
      %parallel_loop3A_354 = arith.cmpf ogt, %parallel_loop3A_292, %parallel_loop3A_321 : vector<16xf32>
      %parallel_loop3A_355 = arith.select %parallel_loop3A_353, %parallel_loop3A_292, %parallel_loop3A_319 : vector<16xi1>, vector<16xf32>
      %parallel_loop3A_356 = arith.select %parallel_loop3A_354, %parallel_loop3A_292, %parallel_loop3A_321 : vector<16xi1>, vector<16xf32>
      %parallel_loop3A_357 = arith.select %parallel_loop3A_353, %parallel_loop3A_319, %parallel_loop3A_356 : vector<16xi1>, vector<16xf32>
      %parallel_loop3A_358 = arith.select %parallel_loop3A_353, %parallel_loop3A_60, %parallel_loop3A_322 : vector<16xi1>, vector<16xi32>
      %parallel_loop3A_359 = arith.select %parallel_loop3A_354, %parallel_loop3A_60, %parallel_loop3A_324 : vector<16xi1>, vector<16xi32>
      %parallel_loop3A_360 = arith.select %parallel_loop3A_353, %parallel_loop3A_322, %parallel_loop3A_359 : vector<16xi1>, vector<16xi32>
      %parallel_loop3A_361 = tpu.vector_load_idx %arg5[%parallel_loop3A_12, %parallel_loop3A_70] : memref<256x64xf32, #tpu.memory_space<vmem>>[vector<16xi32>, vector<16xi32>], vector<16xf32>,
      %parallel_loop3A_362 = tpu.vector_load_idx %arg5[%parallel_loop3A_12, %parallel_loop3A_72] : memref<256x64xf32, #tpu.memory_space<vmem>>[vector<16xi32>, vector<16xi32>], vector<16xf32>,
      %parallel_loop3A_363 = tpu.vector_load_idx %arg5[%parallel_loop3A_12, %parallel_loop3A_74] : memref<256x64xf32, #tpu.memory_space<vmem>>[vector<16xi32>, vector<16xi32>], vector<16xf32>,
      %parallel_loop3A_364 = tpu.vector_load_idx %arg5[%parallel_loop3A_12, %parallel_loop3A_76] : memref<256x64xf32, #tpu.memory_space<vmem>>[vector<16xi32>, vector<16xi32>], vector<16xf32>,
      %parallel_loop3A_365 = arith.cmpf ogt, %parallel_loop3A_325, %parallel_loop3A_331 : vector<16xf32>
      %parallel_loop3A_366 = arith.cmpf ogt, %parallel_loop3A_325, %parallel_loop3A_333 : vector<16xf32>
      %parallel_loop3A_367 = arith.select %parallel_loop3A_365, %parallel_loop3A_325, %parallel_loop3A_331 : vector<16xi1>, vector<16xf32>
      %parallel_loop3A_368 = arith.select %parallel_loop3A_366, %parallel_loop3A_325, %parallel_loop3A_333 : vector<16xi1>, vector<16xf32>
      %parallel_loop3A_369 = arith.select %parallel_loop3A_365, %parallel_loop3A_331, %parallel_loop3A_368 : vector<16xi1>, vector<16xf32>
      %parallel_loop3A_370 = arith.select %parallel_loop3A_365, %parallel_loop3A_62, %parallel_loop3A_334 : vector<16xi1>, vector<16xi32>
      %parallel_loop3A_371 = arith.select %parallel_loop3A_366, %parallel_loop3A_62, %parallel_loop3A_336 : vector<16xi1>, vector<16xi32>
      %parallel_loop3A_372 = arith.select %parallel_loop3A_365, %parallel_loop3A_334, %parallel_loop3A_371 : vector<16xi1>, vector<16xi32>
      %parallel_loop3A_373 = arith.cmpf ogt, %parallel_loop3A_326, %parallel_loop3A_339 : vector<16xf32>
      %parallel_loop3A_374 = arith.cmpf ogt, %parallel_loop3A_326, %parallel_loop3A_341 : vector<16xf32>
      %parallel_loop3A_375 = arith.select %parallel_loop3A_373, %parallel_loop3A_326, %parallel_loop3A_339 : vector<16xi1>, vector<16xf32>
      %parallel_loop3A_376 = arith.select %parallel_loop3A_374, %parallel_loop3A_326, %parallel_loop3A_341 : vector<16xi1>, vector<16xf32>
      %parallel_loop3A_377 = arith.select %parallel_loop3A_373, %parallel_loop3A_339, %parallel_loop3A_376 : vector<16xi1>, vector<16xf32>
      %parallel_loop3A_378 = arith.select %parallel_loop3A_373, %parallel_loop3A_64, %parallel_loop3A_342 : vector<16xi1>, vector<16xi32>
      %parallel_loop3A_379 = arith.select %parallel_loop3A_374, %parallel_loop3A_64, %parallel_loop3A_344 : vector<16xi1>, vector<16xi32>
      %parallel_loop3A_380 = arith.select %parallel_loop3A_373, %parallel_loop3A_342, %parallel_loop3A_379 : vector<16xi1>, vector<16xi32>
      %parallel_loop3A_381 = arith.cmpf ogt, %parallel_loop3A_327, %parallel_loop3A_347 : vector<16xf32>
      %parallel_loop3A_382 = arith.cmpf ogt, %parallel_loop3A_327, %parallel_loop3A_349 : vector<16xf32>
      %parallel_loop3A_383 = arith.select %parallel_loop3A_381, %parallel_loop3A_327, %parallel_loop3A_347 : vector<16xi1>, vector<16xf32>
      %parallel_loop3A_384 = arith.select %parallel_loop3A_382, %parallel_loop3A_327, %parallel_loop3A_349 : vector<16xi1>, vector<16xf32>
      %parallel_loop3A_385 = arith.select %parallel_loop3A_381, %parallel_loop3A_347, %parallel_loop3A_384 : vector<16xi1>, vector<16xf32>
      %parallel_loop3A_386 = arith.select %parallel_loop3A_381, %parallel_loop3A_66, %parallel_loop3A_350 : vector<16xi1>, vector<16xi32>
      %parallel_loop3A_387 = arith.select %parallel_loop3A_382, %parallel_loop3A_66, %parallel_loop3A_352 : vector<16xi1>, vector<16xi32>
      %parallel_loop3A_388 = arith.select %parallel_loop3A_381, %parallel_loop3A_350, %parallel_loop3A_387 : vector<16xi1>, vector<16xi32>
      %parallel_loop3A_389 = arith.cmpf ogt, %parallel_loop3A_328, %parallel_loop3A_355 : vector<16xf32>
      %parallel_loop3A_390 = arith.cmpf ogt, %parallel_loop3A_328, %parallel_loop3A_357 : vector<16xf32>
      %parallel_loop3A_391 = arith.select %parallel_loop3A_389, %parallel_loop3A_328, %parallel_loop3A_355 : vector<16xi1>, vector<16xf32>
      %parallel_loop3A_392 = arith.select %parallel_loop3A_390, %parallel_loop3A_328, %parallel_loop3A_357 : vector<16xi1>, vector<16xf32>
      %parallel_loop3A_393 = arith.select %parallel_loop3A_389, %parallel_loop3A_355, %parallel_loop3A_392 : vector<16xi1>, vector<16xf32>
      %parallel_loop3A_394 = arith.select %parallel_loop3A_389, %parallel_loop3A_68, %parallel_loop3A_358 : vector<16xi1>, vector<16xi32>
      %parallel_loop3A_395 = arith.select %parallel_loop3A_390, %parallel_loop3A_68, %parallel_loop3A_360 : vector<16xi1>, vector<16xi32>
      %parallel_loop3A_396 = arith.select %parallel_loop3A_389, %parallel_loop3A_358, %parallel_loop3A_395 : vector<16xi1>, vector<16xi32>
      %parallel_loop3A_397 = tpu.vector_load_idx %arg5[%parallel_loop3A_12, %parallel_loop3A_78] : memref<256x64xf32, #tpu.memory_space<vmem>>[vector<16xi32>, vector<16xi32>], vector<16xf32>,
      %parallel_loop3A_398 = tpu.vector_load_idx %arg5[%parallel_loop3A_12, %parallel_loop3A_80] : memref<256x64xf32, #tpu.memory_space<vmem>>[vector<16xi32>, vector<16xi32>], vector<16xf32>,
      %parallel_loop3A_399 = tpu.vector_load_idx %arg5[%parallel_loop3A_12, %parallel_loop3A_82] : memref<256x64xf32, #tpu.memory_space<vmem>>[vector<16xi32>, vector<16xi32>], vector<16xf32>,
      %parallel_loop3A_400 = tpu.vector_load_idx %arg5[%parallel_loop3A_12, %parallel_loop3A_84] : memref<256x64xf32, #tpu.memory_space<vmem>>[vector<16xi32>, vector<16xi32>], vector<16xf32>,
      %parallel_loop3A_401 = arith.cmpf ogt, %parallel_loop3A_361, %parallel_loop3A_367 : vector<16xf32>
      %parallel_loop3A_402 = arith.cmpf ogt, %parallel_loop3A_361, %parallel_loop3A_369 : vector<16xf32>
      %parallel_loop3A_403 = arith.select %parallel_loop3A_401, %parallel_loop3A_361, %parallel_loop3A_367 : vector<16xi1>, vector<16xf32>
      %parallel_loop3A_404 = arith.select %parallel_loop3A_402, %parallel_loop3A_361, %parallel_loop3A_369 : vector<16xi1>, vector<16xf32>
      %parallel_loop3A_405 = arith.select %parallel_loop3A_401, %parallel_loop3A_367, %parallel_loop3A_404 : vector<16xi1>, vector<16xf32>
      %parallel_loop3A_406 = arith.select %parallel_loop3A_401, %parallel_loop3A_70, %parallel_loop3A_370 : vector<16xi1>, vector<16xi32>
      %parallel_loop3A_407 = arith.select %parallel_loop3A_402, %parallel_loop3A_70, %parallel_loop3A_372 : vector<16xi1>, vector<16xi32>
      %parallel_loop3A_408 = arith.select %parallel_loop3A_401, %parallel_loop3A_370, %parallel_loop3A_407 : vector<16xi1>, vector<16xi32>
      %parallel_loop3A_409 = arith.cmpf ogt, %parallel_loop3A_362, %parallel_loop3A_375 : vector<16xf32>
      %parallel_loop3A_410 = arith.cmpf ogt, %parallel_loop3A_362, %parallel_loop3A_377 : vector<16xf32>
      %parallel_loop3A_411 = arith.select %parallel_loop3A_409, %parallel_loop3A_362, %parallel_loop3A_375 : vector<16xi1>, vector<16xf32>
      %parallel_loop3A_412 = arith.select %parallel_loop3A_410, %parallel_loop3A_362, %parallel_loop3A_377 : vector<16xi1>, vector<16xf32>
      %parallel_loop3A_413 = arith.select %parallel_loop3A_409, %parallel_loop3A_375, %parallel_loop3A_412 : vector<16xi1>, vector<16xf32>
      %parallel_loop3A_414 = arith.select %parallel_loop3A_409, %parallel_loop3A_72, %parallel_loop3A_378 : vector<16xi1>, vector<16xi32>
      %parallel_loop3A_415 = arith.select %parallel_loop3A_410, %parallel_loop3A_72, %parallel_loop3A_380 : vector<16xi1>, vector<16xi32>
      %parallel_loop3A_416 = arith.select %parallel_loop3A_409, %parallel_loop3A_378, %parallel_loop3A_415 : vector<16xi1>, vector<16xi32>
      %parallel_loop3A_417 = arith.cmpf ogt, %parallel_loop3A_363, %parallel_loop3A_383 : vector<16xf32>
      %parallel_loop3A_418 = arith.cmpf ogt, %parallel_loop3A_363, %parallel_loop3A_385 : vector<16xf32>
      %parallel_loop3A_419 = arith.select %parallel_loop3A_417, %parallel_loop3A_363, %parallel_loop3A_383 : vector<16xi1>, vector<16xf32>
      %parallel_loop3A_420 = arith.select %parallel_loop3A_418, %parallel_loop3A_363, %parallel_loop3A_385 : vector<16xi1>, vector<16xf32>
      %parallel_loop3A_421 = arith.select %parallel_loop3A_417, %parallel_loop3A_383, %parallel_loop3A_420 : vector<16xi1>, vector<16xf32>
      %parallel_loop3A_422 = arith.select %parallel_loop3A_417, %parallel_loop3A_74, %parallel_loop3A_386 : vector<16xi1>, vector<16xi32>
      %parallel_loop3A_423 = arith.select %parallel_loop3A_418, %parallel_loop3A_74, %parallel_loop3A_388 : vector<16xi1>, vector<16xi32>
      %parallel_loop3A_424 = arith.select %parallel_loop3A_417, %parallel_loop3A_386, %parallel_loop3A_423 : vector<16xi1>, vector<16xi32>
      %parallel_loop3A_425 = arith.cmpf ogt, %parallel_loop3A_364, %parallel_loop3A_391 : vector<16xf32>
      %parallel_loop3A_426 = arith.cmpf ogt, %parallel_loop3A_364, %parallel_loop3A_393 : vector<16xf32>
      %parallel_loop3A_427 = arith.select %parallel_loop3A_425, %parallel_loop3A_364, %parallel_loop3A_391 : vector<16xi1>, vector<16xf32>
      %parallel_loop3A_428 = arith.select %parallel_loop3A_426, %parallel_loop3A_364, %parallel_loop3A_393 : vector<16xi1>, vector<16xf32>
      %parallel_loop3A_429 = arith.select %parallel_loop3A_425, %parallel_loop3A_391, %parallel_loop3A_428 : vector<16xi1>, vector<16xf32>
      %parallel_loop3A_430 = arith.select %parallel_loop3A_425, %parallel_loop3A_76, %parallel_loop3A_394 : vector<16xi1>, vector<16xi32>
      %parallel_loop3A_431 = arith.select %parallel_loop3A_426, %parallel_loop3A_76, %parallel_loop3A_396 : vector<16xi1>, vector<16xi32>
      %parallel_loop3A_432 = arith.select %parallel_loop3A_425, %parallel_loop3A_394, %parallel_loop3A_431 : vector<16xi1>, vector<16xi32>
      %parallel_loop3A_433 = tpu.vector_load_idx %arg5[%parallel_loop3A_12, %parallel_loop3A_86] : memref<256x64xf32, #tpu.memory_space<vmem>>[vector<16xi32>, vector<16xi32>], vector<16xf32>,
      %parallel_loop3A_434 = tpu.vector_load_idx %arg5[%parallel_loop3A_12, %parallel_loop3A_88] : memref<256x64xf32, #tpu.memory_space<vmem>>[vector<16xi32>, vector<16xi32>], vector<16xf32>,
      %parallel_loop3A_435 = tpu.vector_load_idx %arg5[%parallel_loop3A_12, %parallel_loop3A_90] : memref<256x64xf32, #tpu.memory_space<vmem>>[vector<16xi32>, vector<16xi32>], vector<16xf32>,
      %parallel_loop3A_436 = tpu.vector_load_idx %arg5[%parallel_loop3A_12, %parallel_loop3A_92] : memref<256x64xf32, #tpu.memory_space<vmem>>[vector<16xi32>, vector<16xi32>], vector<16xf32>,
      %parallel_loop3A_437 = arith.cmpf ogt, %parallel_loop3A_397, %parallel_loop3A_403 : vector<16xf32>
      %parallel_loop3A_438 = arith.cmpf ogt, %parallel_loop3A_397, %parallel_loop3A_405 : vector<16xf32>
      %parallel_loop3A_439 = arith.select %parallel_loop3A_437, %parallel_loop3A_397, %parallel_loop3A_403 : vector<16xi1>, vector<16xf32>
      %parallel_loop3A_440 = arith.select %parallel_loop3A_438, %parallel_loop3A_397, %parallel_loop3A_405 : vector<16xi1>, vector<16xf32>
      %parallel_loop3A_441 = arith.select %parallel_loop3A_437, %parallel_loop3A_403, %parallel_loop3A_440 : vector<16xi1>, vector<16xf32>
      %parallel_loop3A_442 = arith.select %parallel_loop3A_437, %parallel_loop3A_78, %parallel_loop3A_406 : vector<16xi1>, vector<16xi32>
      %parallel_loop3A_443 = arith.select %parallel_loop3A_438, %parallel_loop3A_78, %parallel_loop3A_408 : vector<16xi1>, vector<16xi32>
      %parallel_loop3A_444 = arith.select %parallel_loop3A_437, %parallel_loop3A_406, %parallel_loop3A_443 : vector<16xi1>, vector<16xi32>
      %parallel_loop3A_445 = arith.cmpf ogt, %parallel_loop3A_398, %parallel_loop3A_411 : vector<16xf32>
      %parallel_loop3A_446 = arith.cmpf ogt, %parallel_loop3A_398, %parallel_loop3A_413 : vector<16xf32>
      %parallel_loop3A_447 = arith.select %parallel_loop3A_445, %parallel_loop3A_398, %parallel_loop3A_411 : vector<16xi1>, vector<16xf32>
      %parallel_loop3A_448 = arith.select %parallel_loop3A_446, %parallel_loop3A_398, %parallel_loop3A_413 : vector<16xi1>, vector<16xf32>
      %parallel_loop3A_449 = arith.select %parallel_loop3A_445, %parallel_loop3A_411, %parallel_loop3A_448 : vector<16xi1>, vector<16xf32>
      %parallel_loop3A_450 = arith.select %parallel_loop3A_445, %parallel_loop3A_80, %parallel_loop3A_414 : vector<16xi1>, vector<16xi32>
      %parallel_loop3A_451 = arith.select %parallel_loop3A_446, %parallel_loop3A_80, %parallel_loop3A_416 : vector<16xi1>, vector<16xi32>
      %parallel_loop3A_452 = arith.select %parallel_loop3A_445, %parallel_loop3A_414, %parallel_loop3A_451 : vector<16xi1>, vector<16xi32>
      %parallel_loop3A_453 = arith.cmpf ogt, %parallel_loop3A_399, %parallel_loop3A_419 : vector<16xf32>
      %parallel_loop3A_454 = arith.cmpf ogt, %parallel_loop3A_399, %parallel_loop3A_421 : vector<16xf32>
      %parallel_loop3A_455 = arith.select %parallel_loop3A_453, %parallel_loop3A_399, %parallel_loop3A_419 : vector<16xi1>, vector<16xf32>
      %parallel_loop3A_456 = arith.select %parallel_loop3A_454, %parallel_loop3A_399, %parallel_loop3A_421 : vector<16xi1>, vector<16xf32>
      %parallel_loop3A_457 = arith.select %parallel_loop3A_453, %parallel_loop3A_419, %parallel_loop3A_456 : vector<16xi1>, vector<16xf32>
      %parallel_loop3A_458 = arith.select %parallel_loop3A_453, %parallel_loop3A_82, %parallel_loop3A_422 : vector<16xi1>, vector<16xi32>
      %parallel_loop3A_459 = arith.select %parallel_loop3A_454, %parallel_loop3A_82, %parallel_loop3A_424 : vector<16xi1>, vector<16xi32>
      %parallel_loop3A_460 = arith.select %parallel_loop3A_453, %parallel_loop3A_422, %parallel_loop3A_459 : vector<16xi1>, vector<16xi32>
      %parallel_loop3A_461 = arith.cmpf ogt, %parallel_loop3A_400, %parallel_loop3A_427 : vector<16xf32>
      %parallel_loop3A_462 = arith.cmpf ogt, %parallel_loop3A_400, %parallel_loop3A_429 : vector<16xf32>
      %parallel_loop3A_463 = arith.select %parallel_loop3A_461, %parallel_loop3A_400, %parallel_loop3A_427 : vector<16xi1>, vector<16xf32>
      %parallel_loop3A_464 = arith.select %parallel_loop3A_462, %parallel_loop3A_400, %parallel_loop3A_429 : vector<16xi1>, vector<16xf32>
      %parallel_loop3A_465 = arith.select %parallel_loop3A_461, %parallel_loop3A_427, %parallel_loop3A_464 : vector<16xi1>, vector<16xf32>
      %parallel_loop3A_466 = arith.select %parallel_loop3A_461, %parallel_loop3A_84, %parallel_loop3A_430 : vector<16xi1>, vector<16xi32>
      %parallel_loop3A_467 = arith.select %parallel_loop3A_462, %parallel_loop3A_84, %parallel_loop3A_432 : vector<16xi1>, vector<16xi32>
      %parallel_loop3A_468 = arith.select %parallel_loop3A_461, %parallel_loop3A_430, %parallel_loop3A_467 : vector<16xi1>, vector<16xi32>
      %parallel_loop3A_469 = tpu.vector_load_idx %arg5[%parallel_loop3A_12, %parallel_loop3A_94] : memref<256x64xf32, #tpu.memory_space<vmem>>[vector<16xi32>, vector<16xi32>], vector<16xf32>,
      %parallel_loop3A_470 = tpu.vector_load_idx %arg5[%parallel_loop3A_12, %parallel_loop3A_96] : memref<256x64xf32, #tpu.memory_space<vmem>>[vector<16xi32>, vector<16xi32>], vector<16xf32>,
      %parallel_loop3A_471 = tpu.vector_load_idx %arg5[%parallel_loop3A_12, %parallel_loop3A_98] : memref<256x64xf32, #tpu.memory_space<vmem>>[vector<16xi32>, vector<16xi32>], vector<16xf32>,
      %parallel_loop3A_472 = tpu.vector_load_idx %arg5[%parallel_loop3A_12, %parallel_loop3A_100] : memref<256x64xf32, #tpu.memory_space<vmem>>[vector<16xi32>, vector<16xi32>], vector<16xf32>,
      %parallel_loop3A_473 = arith.cmpf ogt, %parallel_loop3A_433, %parallel_loop3A_439 : vector<16xf32>
      %parallel_loop3A_474 = arith.cmpf ogt, %parallel_loop3A_433, %parallel_loop3A_441 : vector<16xf32>
      %parallel_loop3A_475 = arith.select %parallel_loop3A_473, %parallel_loop3A_433, %parallel_loop3A_439 : vector<16xi1>, vector<16xf32>
      %parallel_loop3A_476 = arith.select %parallel_loop3A_474, %parallel_loop3A_433, %parallel_loop3A_441 : vector<16xi1>, vector<16xf32>
      %parallel_loop3A_477 = arith.select %parallel_loop3A_473, %parallel_loop3A_439, %parallel_loop3A_476 : vector<16xi1>, vector<16xf32>
      %parallel_loop3A_478 = arith.select %parallel_loop3A_473, %parallel_loop3A_86, %parallel_loop3A_442 : vector<16xi1>, vector<16xi32>
      %parallel_loop3A_479 = arith.select %parallel_loop3A_474, %parallel_loop3A_86, %parallel_loop3A_444 : vector<16xi1>, vector<16xi32>
      %parallel_loop3A_480 = arith.select %parallel_loop3A_473, %parallel_loop3A_442, %parallel_loop3A_479 : vector<16xi1>, vector<16xi32>
      %parallel_loop3A_481 = arith.cmpf ogt, %parallel_loop3A_434, %parallel_loop3A_447 : vector<16xf32>
      %parallel_loop3A_482 = arith.cmpf ogt, %parallel_loop3A_434, %parallel_loop3A_449 : vector<16xf32>
      %parallel_loop3A_483 = arith.select %parallel_loop3A_481, %parallel_loop3A_434, %parallel_loop3A_447 : vector<16xi1>, vector<16xf32>
      %parallel_loop3A_484 = arith.select %parallel_loop3A_482, %parallel_loop3A_434, %parallel_loop3A_449 : vector<16xi1>, vector<16xf32>
      %parallel_loop3A_485 = arith.select %parallel_loop3A_481, %parallel_loop3A_447, %parallel_loop3A_484 : vector<16xi1>, vector<16xf32>
      %parallel_loop3A_486 = arith.select %parallel_loop3A_481, %parallel_loop3A_88, %parallel_loop3A_450 : vector<16xi1>, vector<16xi32>
      %parallel_loop3A_487 = arith.select %parallel_loop3A_482, %parallel_loop3A_88, %parallel_loop3A_452 : vector<16xi1>, vector<16xi32>
      %parallel_loop3A_488 = arith.select %parallel_loop3A_481, %parallel_loop3A_450, %parallel_loop3A_487 : vector<16xi1>, vector<16xi32>
      %parallel_loop3A_489 = arith.cmpf ogt, %parallel_loop3A_435, %parallel_loop3A_455 : vector<16xf32>
      %parallel_loop3A_490 = arith.cmpf ogt, %parallel_loop3A_435, %parallel_loop3A_457 : vector<16xf32>
      %parallel_loop3A_491 = arith.select %parallel_loop3A_489, %parallel_loop3A_435, %parallel_loop3A_455 : vector<16xi1>, vector<16xf32>
      %parallel_loop3A_492 = arith.select %parallel_loop3A_490, %parallel_loop3A_435, %parallel_loop3A_457 : vector<16xi1>, vector<16xf32>
      %parallel_loop3A_493 = arith.select %parallel_loop3A_489, %parallel_loop3A_455, %parallel_loop3A_492 : vector<16xi1>, vector<16xf32>
      %parallel_loop3A_494 = arith.select %parallel_loop3A_489, %parallel_loop3A_90, %parallel_loop3A_458 : vector<16xi1>, vector<16xi32>
      %parallel_loop3A_495 = arith.select %parallel_loop3A_490, %parallel_loop3A_90, %parallel_loop3A_460 : vector<16xi1>, vector<16xi32>
      %parallel_loop3A_496 = arith.select %parallel_loop3A_489, %parallel_loop3A_458, %parallel_loop3A_495 : vector<16xi1>, vector<16xi32>
      %parallel_loop3A_497 = arith.cmpf ogt, %parallel_loop3A_436, %parallel_loop3A_463 : vector<16xf32>
      %parallel_loop3A_498 = arith.cmpf ogt, %parallel_loop3A_436, %parallel_loop3A_465 : vector<16xf32>
      %parallel_loop3A_499 = arith.select %parallel_loop3A_497, %parallel_loop3A_436, %parallel_loop3A_463 : vector<16xi1>, vector<16xf32>
      %parallel_loop3A_500 = arith.select %parallel_loop3A_498, %parallel_loop3A_436, %parallel_loop3A_465 : vector<16xi1>, vector<16xf32>
      %parallel_loop3A_501 = arith.select %parallel_loop3A_497, %parallel_loop3A_463, %parallel_loop3A_500 : vector<16xi1>, vector<16xf32>
      %parallel_loop3A_502 = arith.select %parallel_loop3A_497, %parallel_loop3A_92, %parallel_loop3A_466 : vector<16xi1>, vector<16xi32>
      %parallel_loop3A_503 = arith.select %parallel_loop3A_498, %parallel_loop3A_92, %parallel_loop3A_468 : vector<16xi1>, vector<16xi32>
      %parallel_loop3A_504 = arith.select %parallel_loop3A_497, %parallel_loop3A_466, %parallel_loop3A_503 : vector<16xi1>, vector<16xi32>
      %parallel_loop3A_505 = tpu.vector_load_idx %arg5[%parallel_loop3A_12, %parallel_loop3A_102] : memref<256x64xf32, #tpu.memory_space<vmem>>[vector<16xi32>, vector<16xi32>], vector<16xf32>,
      %parallel_loop3A_506 = tpu.vector_load_idx %arg5[%parallel_loop3A_12, %parallel_loop3A_104] : memref<256x64xf32, #tpu.memory_space<vmem>>[vector<16xi32>, vector<16xi32>], vector<16xf32>,
      %parallel_loop3A_507 = tpu.vector_load_idx %arg5[%parallel_loop3A_12, %parallel_loop3A_106] : memref<256x64xf32, #tpu.memory_space<vmem>>[vector<16xi32>, vector<16xi32>], vector<16xf32>,
      %parallel_loop3A_508 = tpu.vector_load_idx %arg5[%parallel_loop3A_12, %parallel_loop3A_108] : memref<256x64xf32, #tpu.memory_space<vmem>>[vector<16xi32>, vector<16xi32>], vector<16xf32>,
      %parallel_loop3A_509 = arith.cmpf ogt, %parallel_loop3A_469, %parallel_loop3A_475 : vector<16xf32>
      %parallel_loop3A_510 = arith.cmpf ogt, %parallel_loop3A_469, %parallel_loop3A_477 : vector<16xf32>
      %parallel_loop3A_511 = arith.select %parallel_loop3A_509, %parallel_loop3A_469, %parallel_loop3A_475 : vector<16xi1>, vector<16xf32>
      %parallel_loop3A_512 = arith.select %parallel_loop3A_510, %parallel_loop3A_469, %parallel_loop3A_477 : vector<16xi1>, vector<16xf32>
      %parallel_loop3A_513 = arith.select %parallel_loop3A_509, %parallel_loop3A_475, %parallel_loop3A_512 : vector<16xi1>, vector<16xf32>
      %parallel_loop3A_514 = arith.select %parallel_loop3A_509, %parallel_loop3A_94, %parallel_loop3A_478 : vector<16xi1>, vector<16xi32>
      %parallel_loop3A_515 = arith.select %parallel_loop3A_510, %parallel_loop3A_94, %parallel_loop3A_480 : vector<16xi1>, vector<16xi32>
      %parallel_loop3A_516 = arith.select %parallel_loop3A_509, %parallel_loop3A_478, %parallel_loop3A_515 : vector<16xi1>, vector<16xi32>
      %parallel_loop3A_517 = arith.cmpf ogt, %parallel_loop3A_470, %parallel_loop3A_483 : vector<16xf32>
      %parallel_loop3A_518 = arith.cmpf ogt, %parallel_loop3A_470, %parallel_loop3A_485 : vector<16xf32>
      %parallel_loop3A_519 = arith.select %parallel_loop3A_517, %parallel_loop3A_470, %parallel_loop3A_483 : vector<16xi1>, vector<16xf32>
      %parallel_loop3A_520 = arith.select %parallel_loop3A_518, %parallel_loop3A_470, %parallel_loop3A_485 : vector<16xi1>, vector<16xf32>
      %parallel_loop3A_521 = arith.select %parallel_loop3A_517, %parallel_loop3A_483, %parallel_loop3A_520 : vector<16xi1>, vector<16xf32>
      %parallel_loop3A_522 = arith.select %parallel_loop3A_517, %parallel_loop3A_96, %parallel_loop3A_486 : vector<16xi1>, vector<16xi32>
      %parallel_loop3A_523 = arith.select %parallel_loop3A_518, %parallel_loop3A_96, %parallel_loop3A_488 : vector<16xi1>, vector<16xi32>
      %parallel_loop3A_524 = arith.select %parallel_loop3A_517, %parallel_loop3A_486, %parallel_loop3A_523 : vector<16xi1>, vector<16xi32>
      %parallel_loop3A_525 = arith.cmpf ogt, %parallel_loop3A_471, %parallel_loop3A_491 : vector<16xf32>
      %parallel_loop3A_526 = arith.cmpf ogt, %parallel_loop3A_471, %parallel_loop3A_493 : vector<16xf32>
      %parallel_loop3A_527 = arith.select %parallel_loop3A_525, %parallel_loop3A_471, %parallel_loop3A_491 : vector<16xi1>, vector<16xf32>
      %parallel_loop3A_528 = arith.select %parallel_loop3A_526, %parallel_loop3A_471, %parallel_loop3A_493 : vector<16xi1>, vector<16xf32>
      %parallel_loop3A_529 = arith.select %parallel_loop3A_525, %parallel_loop3A_491, %parallel_loop3A_528 : vector<16xi1>, vector<16xf32>
      %parallel_loop3A_530 = arith.select %parallel_loop3A_525, %parallel_loop3A_98, %parallel_loop3A_494 : vector<16xi1>, vector<16xi32>
      %parallel_loop3A_531 = arith.select %parallel_loop3A_526, %parallel_loop3A_98, %parallel_loop3A_496 : vector<16xi1>, vector<16xi32>
      %parallel_loop3A_532 = arith.select %parallel_loop3A_525, %parallel_loop3A_494, %parallel_loop3A_531 : vector<16xi1>, vector<16xi32>
      %parallel_loop3A_533 = arith.cmpf ogt, %parallel_loop3A_472, %parallel_loop3A_499 : vector<16xf32>
      %parallel_loop3A_534 = arith.cmpf ogt, %parallel_loop3A_472, %parallel_loop3A_501 : vector<16xf32>
      %parallel_loop3A_535 = arith.select %parallel_loop3A_533, %parallel_loop3A_472, %parallel_loop3A_499 : vector<16xi1>, vector<16xf32>
      %parallel_loop3A_536 = arith.select %parallel_loop3A_534, %parallel_loop3A_472, %parallel_loop3A_501 : vector<16xi1>, vector<16xf32>
      %parallel_loop3A_537 = arith.select %parallel_loop3A_533, %parallel_loop3A_499, %parallel_loop3A_536 : vector<16xi1>, vector<16xf32>
      %parallel_loop3A_538 = arith.select %parallel_loop3A_533, %parallel_loop3A_100, %parallel_loop3A_502 : vector<16xi1>, vector<16xi32>
      %parallel_loop3A_539 = arith.select %parallel_loop3A_534, %parallel_loop3A_100, %parallel_loop3A_504 : vector<16xi1>, vector<16xi32>
      %parallel_loop3A_540 = arith.select %parallel_loop3A_533, %parallel_loop3A_502, %parallel_loop3A_539 : vector<16xi1>, vector<16xi32>
      %parallel_loop3A_541 = tpu.vector_load_idx %arg5[%parallel_loop3A_12, %parallel_loop3A_110] : memref<256x64xf32, #tpu.memory_space<vmem>>[vector<16xi32>, vector<16xi32>], vector<16xf32>,
      %parallel_loop3A_542 = tpu.vector_load_idx %arg5[%parallel_loop3A_12, %parallel_loop3A_112] : memref<256x64xf32, #tpu.memory_space<vmem>>[vector<16xi32>, vector<16xi32>], vector<16xf32>,
      %parallel_loop3A_543 = tpu.vector_load_idx %arg5[%parallel_loop3A_12, %parallel_loop3A_114] : memref<256x64xf32, #tpu.memory_space<vmem>>[vector<16xi32>, vector<16xi32>], vector<16xf32>,
      %parallel_loop3A_544 = tpu.vector_load_idx %arg5[%parallel_loop3A_12, %parallel_loop3A_116] : memref<256x64xf32, #tpu.memory_space<vmem>>[vector<16xi32>, vector<16xi32>], vector<16xf32>,
      %parallel_loop3A_545 = arith.cmpf ogt, %parallel_loop3A_505, %parallel_loop3A_511 : vector<16xf32>
      %parallel_loop3A_546 = arith.cmpf ogt, %parallel_loop3A_505, %parallel_loop3A_513 : vector<16xf32>
      %parallel_loop3A_547 = arith.select %parallel_loop3A_545, %parallel_loop3A_505, %parallel_loop3A_511 : vector<16xi1>, vector<16xf32>
      %parallel_loop3A_548 = arith.select %parallel_loop3A_546, %parallel_loop3A_505, %parallel_loop3A_513 : vector<16xi1>, vector<16xf32>
      %parallel_loop3A_549 = arith.select %parallel_loop3A_545, %parallel_loop3A_511, %parallel_loop3A_548 : vector<16xi1>, vector<16xf32>
      %parallel_loop3A_550 = arith.select %parallel_loop3A_545, %parallel_loop3A_102, %parallel_loop3A_514 : vector<16xi1>, vector<16xi32>
      %parallel_loop3A_551 = arith.select %parallel_loop3A_546, %parallel_loop3A_102, %parallel_loop3A_516 : vector<16xi1>, vector<16xi32>
      %parallel_loop3A_552 = arith.select %parallel_loop3A_545, %parallel_loop3A_514, %parallel_loop3A_551 : vector<16xi1>, vector<16xi32>
      %parallel_loop3A_553 = arith.cmpf ogt, %parallel_loop3A_506, %parallel_loop3A_519 : vector<16xf32>
      %parallel_loop3A_554 = arith.cmpf ogt, %parallel_loop3A_506, %parallel_loop3A_521 : vector<16xf32>
      %parallel_loop3A_555 = arith.select %parallel_loop3A_553, %parallel_loop3A_506, %parallel_loop3A_519 : vector<16xi1>, vector<16xf32>
      %parallel_loop3A_556 = arith.select %parallel_loop3A_554, %parallel_loop3A_506, %parallel_loop3A_521 : vector<16xi1>, vector<16xf32>
      %parallel_loop3A_557 = arith.select %parallel_loop3A_553, %parallel_loop3A_519, %parallel_loop3A_556 : vector<16xi1>, vector<16xf32>
      %parallel_loop3A_558 = arith.select %parallel_loop3A_553, %parallel_loop3A_104, %parallel_loop3A_522 : vector<16xi1>, vector<16xi32>
      %parallel_loop3A_559 = arith.select %parallel_loop3A_554, %parallel_loop3A_104, %parallel_loop3A_524 : vector<16xi1>, vector<16xi32>
      %parallel_loop3A_560 = arith.select %parallel_loop3A_553, %parallel_loop3A_522, %parallel_loop3A_559 : vector<16xi1>, vector<16xi32>
      %parallel_loop3A_561 = arith.cmpf ogt, %parallel_loop3A_507, %parallel_loop3A_527 : vector<16xf32>
      %parallel_loop3A_562 = arith.cmpf ogt, %parallel_loop3A_507, %parallel_loop3A_529 : vector<16xf32>
      %parallel_loop3A_563 = arith.select %parallel_loop3A_561, %parallel_loop3A_507, %parallel_loop3A_527 : vector<16xi1>, vector<16xf32>
      %parallel_loop3A_564 = arith.select %parallel_loop3A_562, %parallel_loop3A_507, %parallel_loop3A_529 : vector<16xi1>, vector<16xf32>
      %parallel_loop3A_565 = arith.select %parallel_loop3A_561, %parallel_loop3A_527, %parallel_loop3A_564 : vector<16xi1>, vector<16xf32>
      %parallel_loop3A_566 = arith.select %parallel_loop3A_561, %parallel_loop3A_106, %parallel_loop3A_530 : vector<16xi1>, vector<16xi32>
      %parallel_loop3A_567 = arith.select %parallel_loop3A_562, %parallel_loop3A_106, %parallel_loop3A_532 : vector<16xi1>, vector<16xi32>
      %parallel_loop3A_568 = arith.select %parallel_loop3A_561, %parallel_loop3A_530, %parallel_loop3A_567 : vector<16xi1>, vector<16xi32>
      %parallel_loop3A_569 = arith.cmpf ogt, %parallel_loop3A_508, %parallel_loop3A_535 : vector<16xf32>
      %parallel_loop3A_570 = arith.cmpf ogt, %parallel_loop3A_508, %parallel_loop3A_537 : vector<16xf32>
      %parallel_loop3A_571 = arith.select %parallel_loop3A_569, %parallel_loop3A_508, %parallel_loop3A_535 : vector<16xi1>, vector<16xf32>
      %parallel_loop3A_572 = arith.select %parallel_loop3A_570, %parallel_loop3A_508, %parallel_loop3A_537 : vector<16xi1>, vector<16xf32>
      %parallel_loop3A_573 = arith.select %parallel_loop3A_569, %parallel_loop3A_535, %parallel_loop3A_572 : vector<16xi1>, vector<16xf32>
      %parallel_loop3A_574 = arith.select %parallel_loop3A_569, %parallel_loop3A_108, %parallel_loop3A_538 : vector<16xi1>, vector<16xi32>
      %parallel_loop3A_575 = arith.select %parallel_loop3A_570, %parallel_loop3A_108, %parallel_loop3A_540 : vector<16xi1>, vector<16xi32>
      %parallel_loop3A_576 = arith.select %parallel_loop3A_569, %parallel_loop3A_538, %parallel_loop3A_575 : vector<16xi1>, vector<16xi32>
      %parallel_loop3A_577 = tpu.vector_load_idx %arg5[%parallel_loop3A_12, %parallel_loop3A_118] : memref<256x64xf32, #tpu.memory_space<vmem>>[vector<16xi32>, vector<16xi32>], vector<16xf32>,
      %parallel_loop3A_578 = tpu.vector_load_idx %arg5[%parallel_loop3A_12, %parallel_loop3A_120] : memref<256x64xf32, #tpu.memory_space<vmem>>[vector<16xi32>, vector<16xi32>], vector<16xf32>,
      %parallel_loop3A_579 = tpu.vector_load_idx %arg5[%parallel_loop3A_12, %parallel_loop3A_122] : memref<256x64xf32, #tpu.memory_space<vmem>>[vector<16xi32>, vector<16xi32>], vector<16xf32>,
      %parallel_loop3A_580 = tpu.vector_load_idx %arg5[%parallel_loop3A_12, %parallel_loop3A_124] : memref<256x64xf32, #tpu.memory_space<vmem>>[vector<16xi32>, vector<16xi32>], vector<16xf32>,
      %parallel_loop3A_581 = arith.cmpf ogt, %parallel_loop3A_541, %parallel_loop3A_547 : vector<16xf32>
      %parallel_loop3A_582 = arith.cmpf ogt, %parallel_loop3A_541, %parallel_loop3A_549 : vector<16xf32>
      %parallel_loop3A_583 = arith.select %parallel_loop3A_581, %parallel_loop3A_541, %parallel_loop3A_547 : vector<16xi1>, vector<16xf32>
      %parallel_loop3A_584 = arith.select %parallel_loop3A_582, %parallel_loop3A_541, %parallel_loop3A_549 : vector<16xi1>, vector<16xf32>
      %parallel_loop3A_585 = arith.select %parallel_loop3A_581, %parallel_loop3A_547, %parallel_loop3A_584 : vector<16xi1>, vector<16xf32>
      %parallel_loop3A_586 = arith.select %parallel_loop3A_581, %parallel_loop3A_110, %parallel_loop3A_550 : vector<16xi1>, vector<16xi32>
      %parallel_loop3A_587 = arith.select %parallel_loop3A_582, %parallel_loop3A_110, %parallel_loop3A_552 : vector<16xi1>, vector<16xi32>
      %parallel_loop3A_588 = arith.select %parallel_loop3A_581, %parallel_loop3A_550, %parallel_loop3A_587 : vector<16xi1>, vector<16xi32>
      %parallel_loop3A_589 = arith.cmpf ogt, %parallel_loop3A_542, %parallel_loop3A_555 : vector<16xf32>
      %parallel_loop3A_590 = arith.cmpf ogt, %parallel_loop3A_542, %parallel_loop3A_557 : vector<16xf32>
      %parallel_loop3A_591 = arith.select %parallel_loop3A_589, %parallel_loop3A_542, %parallel_loop3A_555 : vector<16xi1>, vector<16xf32>
      %parallel_loop3A_592 = arith.select %parallel_loop3A_590, %parallel_loop3A_542, %parallel_loop3A_557 : vector<16xi1>, vector<16xf32>
      %parallel_loop3A_593 = arith.select %parallel_loop3A_589, %parallel_loop3A_555, %parallel_loop3A_592 : vector<16xi1>, vector<16xf32>
      %parallel_loop3A_594 = arith.select %parallel_loop3A_589, %parallel_loop3A_112, %parallel_loop3A_558 : vector<16xi1>, vector<16xi32>
      %parallel_loop3A_595 = arith.select %parallel_loop3A_590, %parallel_loop3A_112, %parallel_loop3A_560 : vector<16xi1>, vector<16xi32>
      %parallel_loop3A_596 = arith.select %parallel_loop3A_589, %parallel_loop3A_558, %parallel_loop3A_595 : vector<16xi1>, vector<16xi32>
      %parallel_loop3A_597 = arith.cmpf ogt, %parallel_loop3A_543, %parallel_loop3A_563 : vector<16xf32>
      %parallel_loop3A_598 = arith.cmpf ogt, %parallel_loop3A_543, %parallel_loop3A_565 : vector<16xf32>
      %parallel_loop3A_599 = arith.select %parallel_loop3A_597, %parallel_loop3A_543, %parallel_loop3A_563 : vector<16xi1>, vector<16xf32>
      %parallel_loop3A_600 = arith.select %parallel_loop3A_598, %parallel_loop3A_543, %parallel_loop3A_565 : vector<16xi1>, vector<16xf32>
      %parallel_loop3A_601 = arith.select %parallel_loop3A_597, %parallel_loop3A_563, %parallel_loop3A_600 : vector<16xi1>, vector<16xf32>
      %parallel_loop3A_602 = arith.select %parallel_loop3A_597, %parallel_loop3A_114, %parallel_loop3A_566 : vector<16xi1>, vector<16xi32>
      %parallel_loop3A_603 = arith.select %parallel_loop3A_598, %parallel_loop3A_114, %parallel_loop3A_568 : vector<16xi1>, vector<16xi32>
      %parallel_loop3A_604 = arith.select %parallel_loop3A_597, %parallel_loop3A_566, %parallel_loop3A_603 : vector<16xi1>, vector<16xi32>
      %parallel_loop3A_605 = arith.cmpf ogt, %parallel_loop3A_544, %parallel_loop3A_571 : vector<16xf32>
      %parallel_loop3A_606 = arith.cmpf ogt, %parallel_loop3A_544, %parallel_loop3A_573 : vector<16xf32>
      %parallel_loop3A_607 = arith.select %parallel_loop3A_605, %parallel_loop3A_544, %parallel_loop3A_571 : vector<16xi1>, vector<16xf32>
      %parallel_loop3A_608 = arith.select %parallel_loop3A_606, %parallel_loop3A_544, %parallel_loop3A_573 : vector<16xi1>, vector<16xf32>
      %parallel_loop3A_609 = arith.select %parallel_loop3A_605, %parallel_loop3A_571, %parallel_loop3A_608 : vector<16xi1>, vector<16xf32>
      %parallel_loop3A_610 = arith.select %parallel_loop3A_605, %parallel_loop3A_116, %parallel_loop3A_574 : vector<16xi1>, vector<16xi32>
      %parallel_loop3A_611 = arith.select %parallel_loop3A_606, %parallel_loop3A_116, %parallel_loop3A_576 : vector<16xi1>, vector<16xi32>
      %parallel_loop3A_612 = arith.select %parallel_loop3A_605, %parallel_loop3A_574, %parallel_loop3A_611 : vector<16xi1>, vector<16xi32>
      %parallel_loop3A_613 = tpu.vector_load_idx %arg5[%parallel_loop3A_12, %parallel_loop3A_126] : memref<256x64xf32, #tpu.memory_space<vmem>>[vector<16xi32>, vector<16xi32>], vector<16xf32>,
      %parallel_loop3A_614 = tpu.vector_load_idx %arg5[%parallel_loop3A_12, %parallel_loop3A_128] : memref<256x64xf32, #tpu.memory_space<vmem>>[vector<16xi32>, vector<16xi32>], vector<16xf32>,
      %parallel_loop3A_615 = tpu.vector_load_idx %arg5[%parallel_loop3A_12, %parallel_loop3A_130] : memref<256x64xf32, #tpu.memory_space<vmem>>[vector<16xi32>, vector<16xi32>], vector<16xf32>,
      %parallel_loop3A_616 = tpu.vector_load_idx %arg5[%parallel_loop3A_12, %parallel_loop3A_132] : memref<256x64xf32, #tpu.memory_space<vmem>>[vector<16xi32>, vector<16xi32>], vector<16xf32>,
      %parallel_loop3A_617 = arith.cmpf ogt, %parallel_loop3A_577, %parallel_loop3A_583 : vector<16xf32>
      %parallel_loop3A_618 = arith.cmpf ogt, %parallel_loop3A_577, %parallel_loop3A_585 : vector<16xf32>
      %parallel_loop3A_619 = arith.select %parallel_loop3A_617, %parallel_loop3A_577, %parallel_loop3A_583 : vector<16xi1>, vector<16xf32>
      %parallel_loop3A_620 = arith.select %parallel_loop3A_618, %parallel_loop3A_577, %parallel_loop3A_585 : vector<16xi1>, vector<16xf32>
      %parallel_loop3A_621 = arith.select %parallel_loop3A_617, %parallel_loop3A_583, %parallel_loop3A_620 : vector<16xi1>, vector<16xf32>
      %parallel_loop3A_622 = arith.select %parallel_loop3A_617, %parallel_loop3A_118, %parallel_loop3A_586 : vector<16xi1>, vector<16xi32>
      %parallel_loop3A_623 = arith.select %parallel_loop3A_618, %parallel_loop3A_118, %parallel_loop3A_588 : vector<16xi1>, vector<16xi32>
      %parallel_loop3A_624 = arith.select %parallel_loop3A_617, %parallel_loop3A_586, %parallel_loop3A_623 : vector<16xi1>, vector<16xi32>
      %parallel_loop3A_625 = arith.cmpf ogt, %parallel_loop3A_578, %parallel_loop3A_591 : vector<16xf32>
      %parallel_loop3A_626 = arith.cmpf ogt, %parallel_loop3A_578, %parallel_loop3A_593 : vector<16xf32>
      %parallel_loop3A_627 = arith.select %parallel_loop3A_625, %parallel_loop3A_578, %parallel_loop3A_591 : vector<16xi1>, vector<16xf32>
      %parallel_loop3A_628 = arith.select %parallel_loop3A_626, %parallel_loop3A_578, %parallel_loop3A_593 : vector<16xi1>, vector<16xf32>
      %parallel_loop3A_629 = arith.select %parallel_loop3A_625, %parallel_loop3A_591, %parallel_loop3A_628 : vector<16xi1>, vector<16xf32>
      %parallel_loop3A_630 = arith.select %parallel_loop3A_625, %parallel_loop3A_120, %parallel_loop3A_594 : vector<16xi1>, vector<16xi32>
      %parallel_loop3A_631 = arith.select %parallel_loop3A_626, %parallel_loop3A_120, %parallel_loop3A_596 : vector<16xi1>, vector<16xi32>
      %parallel_loop3A_632 = arith.select %parallel_loop3A_625, %parallel_loop3A_594, %parallel_loop3A_631 : vector<16xi1>, vector<16xi32>
      %parallel_loop3A_633 = arith.cmpf ogt, %parallel_loop3A_579, %parallel_loop3A_599 : vector<16xf32>
      %parallel_loop3A_634 = arith.cmpf ogt, %parallel_loop3A_579, %parallel_loop3A_601 : vector<16xf32>
      %parallel_loop3A_635 = arith.select %parallel_loop3A_633, %parallel_loop3A_579, %parallel_loop3A_599 : vector<16xi1>, vector<16xf32>
      %parallel_loop3A_636 = arith.select %parallel_loop3A_634, %parallel_loop3A_579, %parallel_loop3A_601 : vector<16xi1>, vector<16xf32>
      %parallel_loop3A_637 = arith.select %parallel_loop3A_633, %parallel_loop3A_599, %parallel_loop3A_636 : vector<16xi1>, vector<16xf32>
      %parallel_loop3A_638 = arith.select %parallel_loop3A_633, %parallel_loop3A_122, %parallel_loop3A_602 : vector<16xi1>, vector<16xi32>
      %parallel_loop3A_639 = arith.select %parallel_loop3A_634, %parallel_loop3A_122, %parallel_loop3A_604 : vector<16xi1>, vector<16xi32>
      %parallel_loop3A_640 = arith.select %parallel_loop3A_633, %parallel_loop3A_602, %parallel_loop3A_639 : vector<16xi1>, vector<16xi32>
      %parallel_loop3A_641 = arith.cmpf ogt, %parallel_loop3A_580, %parallel_loop3A_607 : vector<16xf32>
      %parallel_loop3A_642 = arith.cmpf ogt, %parallel_loop3A_580, %parallel_loop3A_609 : vector<16xf32>
      %parallel_loop3A_643 = arith.select %parallel_loop3A_641, %parallel_loop3A_580, %parallel_loop3A_607 : vector<16xi1>, vector<16xf32>
      %parallel_loop3A_644 = arith.select %parallel_loop3A_642, %parallel_loop3A_580, %parallel_loop3A_609 : vector<16xi1>, vector<16xf32>
      %parallel_loop3A_645 = arith.select %parallel_loop3A_641, %parallel_loop3A_607, %parallel_loop3A_644 : vector<16xi1>, vector<16xf32>
      %parallel_loop3A_646 = arith.select %parallel_loop3A_641, %parallel_loop3A_124, %parallel_loop3A_610 : vector<16xi1>, vector<16xi32>
      %parallel_loop3A_647 = arith.select %parallel_loop3A_642, %parallel_loop3A_124, %parallel_loop3A_612 : vector<16xi1>, vector<16xi32>
      %parallel_loop3A_648 = arith.select %parallel_loop3A_641, %parallel_loop3A_610, %parallel_loop3A_647 : vector<16xi1>, vector<16xi32>
      %parallel_loop3A_649 = tpu.vector_load_idx %arg5[%parallel_loop3A_12, %parallel_loop3A_134] : memref<256x64xf32, #tpu.memory_space<vmem>>[vector<16xi32>, vector<16xi32>], vector<16xf32>,
      %parallel_loop3A_650 = tpu.vector_load_idx %arg5[%parallel_loop3A_12, %parallel_loop3A_136] : memref<256x64xf32, #tpu.memory_space<vmem>>[vector<16xi32>, vector<16xi32>], vector<16xf32>,
      %parallel_loop3A_651 = tpu.vector_load_idx %arg5[%parallel_loop3A_12, %parallel_loop3A_138] : memref<256x64xf32, #tpu.memory_space<vmem>>[vector<16xi32>, vector<16xi32>], vector<16xf32>,
      %parallel_loop3A_652 = tpu.vector_load_idx %arg5[%parallel_loop3A_12, %parallel_loop3A_140] : memref<256x64xf32, #tpu.memory_space<vmem>>[vector<16xi32>, vector<16xi32>], vector<16xf32>,
      %parallel_loop3A_653 = arith.cmpf ogt, %parallel_loop3A_613, %parallel_loop3A_619 : vector<16xf32>
      %parallel_loop3A_654 = arith.cmpf ogt, %parallel_loop3A_613, %parallel_loop3A_621 : vector<16xf32>
      %parallel_loop3A_655 = arith.select %parallel_loop3A_653, %parallel_loop3A_613, %parallel_loop3A_619 : vector<16xi1>, vector<16xf32>
      %parallel_loop3A_656 = arith.select %parallel_loop3A_654, %parallel_loop3A_613, %parallel_loop3A_621 : vector<16xi1>, vector<16xf32>
      %parallel_loop3A_657 = arith.select %parallel_loop3A_653, %parallel_loop3A_619, %parallel_loop3A_656 : vector<16xi1>, vector<16xf32>
      %parallel_loop3A_658 = arith.select %parallel_loop3A_653, %parallel_loop3A_126, %parallel_loop3A_622 : vector<16xi1>, vector<16xi32>
      %parallel_loop3A_659 = arith.select %parallel_loop3A_654, %parallel_loop3A_126, %parallel_loop3A_624 : vector<16xi1>, vector<16xi32>
      %parallel_loop3A_660 = arith.select %parallel_loop3A_653, %parallel_loop3A_622, %parallel_loop3A_659 : vector<16xi1>, vector<16xi32>
      %parallel_loop3A_661 = arith.cmpf ogt, %parallel_loop3A_614, %parallel_loop3A_627 : vector<16xf32>
      %parallel_loop3A_662 = arith.cmpf ogt, %parallel_loop3A_614, %parallel_loop3A_629 : vector<16xf32>
      %parallel_loop3A_663 = arith.select %parallel_loop3A_661, %parallel_loop3A_614, %parallel_loop3A_627 : vector<16xi1>, vector<16xf32>
      %parallel_loop3A_664 = arith.select %parallel_loop3A_662, %parallel_loop3A_614, %parallel_loop3A_629 : vector<16xi1>, vector<16xf32>
      %parallel_loop3A_665 = arith.select %parallel_loop3A_661, %parallel_loop3A_627, %parallel_loop3A_664 : vector<16xi1>, vector<16xf32>
      %parallel_loop3A_666 = arith.select %parallel_loop3A_661, %parallel_loop3A_128, %parallel_loop3A_630 : vector<16xi1>, vector<16xi32>
      %parallel_loop3A_667 = arith.select %parallel_loop3A_662, %parallel_loop3A_128, %parallel_loop3A_632 : vector<16xi1>, vector<16xi32>
      %parallel_loop3A_668 = arith.select %parallel_loop3A_661, %parallel_loop3A_630, %parallel_loop3A_667 : vector<16xi1>, vector<16xi32>
      %parallel_loop3A_669 = arith.cmpf ogt, %parallel_loop3A_615, %parallel_loop3A_635 : vector<16xf32>
      %parallel_loop3A_670 = arith.cmpf ogt, %parallel_loop3A_615, %parallel_loop3A_637 : vector<16xf32>
      %parallel_loop3A_671 = arith.select %parallel_loop3A_669, %parallel_loop3A_615, %parallel_loop3A_635 : vector<16xi1>, vector<16xf32>
      %parallel_loop3A_672 = arith.select %parallel_loop3A_670, %parallel_loop3A_615, %parallel_loop3A_637 : vector<16xi1>, vector<16xf32>
      %parallel_loop3A_673 = arith.select %parallel_loop3A_669, %parallel_loop3A_635, %parallel_loop3A_672 : vector<16xi1>, vector<16xf32>
      %parallel_loop3A_674 = arith.select %parallel_loop3A_669, %parallel_loop3A_130, %parallel_loop3A_638 : vector<16xi1>, vector<16xi32>
      %parallel_loop3A_675 = arith.select %parallel_loop3A_670, %parallel_loop3A_130, %parallel_loop3A_640 : vector<16xi1>, vector<16xi32>
      %parallel_loop3A_676 = arith.select %parallel_loop3A_669, %parallel_loop3A_638, %parallel_loop3A_675 : vector<16xi1>, vector<16xi32>
      %parallel_loop3A_677 = arith.cmpf ogt, %parallel_loop3A_616, %parallel_loop3A_643 : vector<16xf32>
      %parallel_loop3A_678 = arith.cmpf ogt, %parallel_loop3A_616, %parallel_loop3A_645 : vector<16xf32>
      %parallel_loop3A_679 = arith.select %parallel_loop3A_677, %parallel_loop3A_616, %parallel_loop3A_643 : vector<16xi1>, vector<16xf32>
      %parallel_loop3A_680 = arith.select %parallel_loop3A_678, %parallel_loop3A_616, %parallel_loop3A_645 : vector<16xi1>, vector<16xf32>
      %parallel_loop3A_681 = arith.select %parallel_loop3A_677, %parallel_loop3A_643, %parallel_loop3A_680 : vector<16xi1>, vector<16xf32>
      %parallel_loop3A_682 = arith.select %parallel_loop3A_677, %parallel_loop3A_132, %parallel_loop3A_646 : vector<16xi1>, vector<16xi32>
      %parallel_loop3A_683 = arith.select %parallel_loop3A_678, %parallel_loop3A_132, %parallel_loop3A_648 : vector<16xi1>, vector<16xi32>
      %parallel_loop3A_684 = arith.select %parallel_loop3A_677, %parallel_loop3A_646, %parallel_loop3A_683 : vector<16xi1>, vector<16xi32>
      %parallel_loop3A_685 = arith.cmpf ogt, %parallel_loop3A_649, %parallel_loop3A_655 : vector<16xf32>
      %parallel_loop3A_686 = arith.cmpf ogt, %parallel_loop3A_649, %parallel_loop3A_657 : vector<16xf32>
      %parallel_loop3A_687 = arith.select %parallel_loop3A_685, %parallel_loop3A_649, %parallel_loop3A_655 : vector<16xi1>, vector<16xf32>
      %parallel_loop3A_688 = arith.select %parallel_loop3A_686, %parallel_loop3A_649, %parallel_loop3A_657 : vector<16xi1>, vector<16xf32>
      %parallel_loop3A_689 = arith.select %parallel_loop3A_685, %parallel_loop3A_655, %parallel_loop3A_688 : vector<16xi1>, vector<16xf32>
      %parallel_loop3A_690 = arith.select %parallel_loop3A_685, %parallel_loop3A_134, %parallel_loop3A_658 : vector<16xi1>, vector<16xi32>
      %parallel_loop3A_691 = arith.select %parallel_loop3A_686, %parallel_loop3A_134, %parallel_loop3A_660 : vector<16xi1>, vector<16xi32>
      %parallel_loop3A_692 = arith.select %parallel_loop3A_685, %parallel_loop3A_658, %parallel_loop3A_691 : vector<16xi1>, vector<16xi32>
      %parallel_loop3A_693 = arith.cmpf ogt, %parallel_loop3A_650, %parallel_loop3A_663 : vector<16xf32>
      %parallel_loop3A_694 = arith.cmpf ogt, %parallel_loop3A_650, %parallel_loop3A_665 : vector<16xf32>
      %parallel_loop3A_695 = arith.select %parallel_loop3A_693, %parallel_loop3A_650, %parallel_loop3A_663 : vector<16xi1>, vector<16xf32>
      %parallel_loop3A_696 = arith.select %parallel_loop3A_694, %parallel_loop3A_650, %parallel_loop3A_665 : vector<16xi1>, vector<16xf32>
      %parallel_loop3A_697 = arith.select %parallel_loop3A_693, %parallel_loop3A_663, %parallel_loop3A_696 : vector<16xi1>, vector<16xf32>
      %parallel_loop3A_698 = arith.select %parallel_loop3A_693, %parallel_loop3A_136, %parallel_loop3A_666 : vector<16xi1>, vector<16xi32>
      %parallel_loop3A_699 = arith.select %parallel_loop3A_694, %parallel_loop3A_136, %parallel_loop3A_668 : vector<16xi1>, vector<16xi32>
      %parallel_loop3A_700 = arith.select %parallel_loop3A_693, %parallel_loop3A_666, %parallel_loop3A_699 : vector<16xi1>, vector<16xi32>
      %parallel_loop3A_701 = arith.cmpf ogt, %parallel_loop3A_651, %parallel_loop3A_671 : vector<16xf32>
      %parallel_loop3A_702 = arith.cmpf ogt, %parallel_loop3A_651, %parallel_loop3A_673 : vector<16xf32>
      %parallel_loop3A_703 = arith.select %parallel_loop3A_701, %parallel_loop3A_651, %parallel_loop3A_671 : vector<16xi1>, vector<16xf32>
      %parallel_loop3A_704 = arith.select %parallel_loop3A_702, %parallel_loop3A_651, %parallel_loop3A_673 : vector<16xi1>, vector<16xf32>
      %parallel_loop3A_705 = arith.select %parallel_loop3A_701, %parallel_loop3A_671, %parallel_loop3A_704 : vector<16xi1>, vector<16xf32>
      %parallel_loop3A_706 = arith.select %parallel_loop3A_701, %parallel_loop3A_138, %parallel_loop3A_674 : vector<16xi1>, vector<16xi32>
      %parallel_loop3A_707 = arith.select %parallel_loop3A_702, %parallel_loop3A_138, %parallel_loop3A_676 : vector<16xi1>, vector<16xi32>
      %parallel_loop3A_708 = arith.select %parallel_loop3A_701, %parallel_loop3A_674, %parallel_loop3A_707 : vector<16xi1>, vector<16xi32>
      %parallel_loop3A_709 = arith.cmpf ogt, %parallel_loop3A_652, %parallel_loop3A_679 : vector<16xf32>
      %parallel_loop3A_710 = arith.cmpf ogt, %parallel_loop3A_652, %parallel_loop3A_681 : vector<16xf32>
      %parallel_loop3A_711 = arith.select %parallel_loop3A_709, %parallel_loop3A_652, %parallel_loop3A_679 : vector<16xi1>, vector<16xf32>
      %parallel_loop3A_712 = arith.select %parallel_loop3A_710, %parallel_loop3A_652, %parallel_loop3A_681 : vector<16xi1>, vector<16xf32>
      %parallel_loop3A_713 = arith.select %parallel_loop3A_709, %parallel_loop3A_679, %parallel_loop3A_712 : vector<16xi1>, vector<16xf32>
      %parallel_loop3A_714 = arith.select %parallel_loop3A_709, %parallel_loop3A_140, %parallel_loop3A_682 : vector<16xi1>, vector<16xi32>
      %parallel_loop3A_715 = arith.select %parallel_loop3A_710, %parallel_loop3A_140, %parallel_loop3A_684 : vector<16xi1>, vector<16xi32>
      %parallel_loop3A_716 = arith.select %parallel_loop3A_709, %parallel_loop3A_682, %parallel_loop3A_715 : vector<16xi1>, vector<16xi32>
      %parallel_loop3A_717 = arith.cmpf oge, %parallel_loop3A_687, %parallel_loop3A_695 : vector<16xf32>
      %parallel_loop3A_718 = arith.select %parallel_loop3A_717, %parallel_loop3A_687, %parallel_loop3A_695 : vector<16xi1>, vector<16xf32>
      %parallel_loop3A_719 = arith.select %parallel_loop3A_717, %parallel_loop3A_690, %parallel_loop3A_698 : vector<16xi1>, vector<16xi32>
      %parallel_loop3A_720 = arith.cmpf oge, %parallel_loop3A_689, %parallel_loop3A_695 : vector<16xf32>
      %parallel_loop3A_721 = arith.cmpf oge, %parallel_loop3A_687, %parallel_loop3A_697 : vector<16xf32>
      %parallel_loop3A_722 = arith.select %parallel_loop3A_720, %parallel_loop3A_689, %parallel_loop3A_695 : vector<16xi1>, vector<16xf32>
      %parallel_loop3A_723 = arith.select %parallel_loop3A_721, %parallel_loop3A_687, %parallel_loop3A_697 : vector<16xi1>, vector<16xf32>
      %parallel_loop3A_724 = arith.select %parallel_loop3A_717, %parallel_loop3A_722, %parallel_loop3A_723 : vector<16xi1>, vector<16xf32>
      %parallel_loop3A_725 = arith.select %parallel_loop3A_720, %parallel_loop3A_692, %parallel_loop3A_698 : vector<16xi1>, vector<16xi32>
      %parallel_loop3A_726 = arith.select %parallel_loop3A_721, %parallel_loop3A_690, %parallel_loop3A_700 : vector<16xi1>, vector<16xi32>
      %parallel_loop3A_727 = arith.select %parallel_loop3A_717, %parallel_loop3A_725, %parallel_loop3A_726 : vector<16xi1>, vector<16xi32>
      %parallel_loop3A_728 = arith.cmpf oge, %parallel_loop3A_703, %parallel_loop3A_711 : vector<16xf32>
      %parallel_loop3A_729 = arith.select %parallel_loop3A_728, %parallel_loop3A_703, %parallel_loop3A_711 : vector<16xi1>, vector<16xf32>
      %parallel_loop3A_730 = arith.select %parallel_loop3A_728, %parallel_loop3A_706, %parallel_loop3A_714 : vector<16xi1>, vector<16xi32>
      %parallel_loop3A_731 = arith.cmpf oge, %parallel_loop3A_705, %parallel_loop3A_711 : vector<16xf32>
      %parallel_loop3A_732 = arith.cmpf oge, %parallel_loop3A_703, %parallel_loop3A_713 : vector<16xf32>
      %parallel_loop3A_733 = arith.select %parallel_loop3A_731, %parallel_loop3A_705, %parallel_loop3A_711 : vector<16xi1>, vector<16xf32>
      %parallel_loop3A_734 = arith.select %parallel_loop3A_732, %parallel_loop3A_703, %parallel_loop3A_713 : vector<16xi1>, vector<16xf32>
      %parallel_loop3A_735 = arith.select %parallel_loop3A_728, %parallel_loop3A_733, %parallel_loop3A_734 : vector<16xi1>, vector<16xf32>
      %parallel_loop3A_736 = arith.select %parallel_loop3A_731, %parallel_loop3A_708, %parallel_loop3A_714 : vector<16xi1>, vector<16xi32>
      %parallel_loop3A_737 = arith.select %parallel_loop3A_732, %parallel_loop3A_706, %parallel_loop3A_716 : vector<16xi1>, vector<16xi32>
      %parallel_loop3A_738 = arith.select %parallel_loop3A_728, %parallel_loop3A_736, %parallel_loop3A_737 : vector<16xi1>, vector<16xi32>
      %parallel_loop3A_739 = arith.cmpf oge, %parallel_loop3A_718, %parallel_loop3A_729 : vector<16xf32>
      %parallel_loop3A_740 = arith.select %parallel_loop3A_739, %parallel_loop3A_718, %parallel_loop3A_729 : vector<16xi1>, vector<16xf32>
      %parallel_loop3A_741 = arith.select %parallel_loop3A_739, %parallel_loop3A_719, %parallel_loop3A_730 : vector<16xi1>, vector<16xi32>
      %parallel_loop3A_742 = arith.cmpf oge, %parallel_loop3A_724, %parallel_loop3A_729 : vector<16xf32>
      %parallel_loop3A_743 = arith.cmpf oge, %parallel_loop3A_718, %parallel_loop3A_735 : vector<16xf32>
      %parallel_loop3A_744 = arith.select %parallel_loop3A_742, %parallel_loop3A_724, %parallel_loop3A_729 : vector<16xi1>, vector<16xf32>
      %parallel_loop3A_745 = arith.select %parallel_loop3A_743, %parallel_loop3A_718, %parallel_loop3A_735 : vector<16xi1>, vector<16xf32>
      %parallel_loop3A_746 = arith.select %parallel_loop3A_739, %parallel_loop3A_744, %parallel_loop3A_745 : vector<16xi1>, vector<16xf32>
      %parallel_loop3A_747 = arith.select %parallel_loop3A_742, %parallel_loop3A_727, %parallel_loop3A_730 : vector<16xi1>, vector<16xi32>
      %parallel_loop3A_748 = arith.select %parallel_loop3A_743, %parallel_loop3A_719, %parallel_loop3A_738 : vector<16xi1>, vector<16xi32>
      %parallel_loop3A_749 = arith.select %parallel_loop3A_739, %parallel_loop3A_747, %parallel_loop3A_748 : vector<16xi1>, vector<16xi32>
      %parallel_loop3A_750 = arith.subf %parallel_loop3A_746, %parallel_loop3A_740 : vector<16xf32>
      %parallel_loop3A_751 = math.exp %parallel_loop3A_750 : vector<16xf32>
      %parallel_loop3A_752 = arith.constant 16 : i32
      %parallel_loop3A_753 = arith.muli %parallel_loop3A_8, %parallel_loop3A_752 : i32
      %parallel_loop3A_754 = arith.constant 8 : i32
      %parallel_loop3A_755 = vector.broadcast %parallel_loop3A_754 : i32 to vector<16xi32>
      %parallel_loop3A_756 = arith.shli %parallel_loop3A_741, %parallel_loop3A_755 : vector<16xi32>
      %parallel_loop3A_757 = arith.ori %parallel_loop3A_756, %parallel_loop3A_749 : vector<16xi32>
      %parallel_loop3A_758 = arith.constant 0 : i32
      %parallel_loop3A_759 = arith.index_cast %parallel_loop3A_758 : i32 to index
      %parallel_loop3A_760 = arith.index_cast %parallel_loop3A_753 : i32 to index
      %parallel_loop3A_761 = tpu.vector_load %arg6[%parallel_loop3A_759, %parallel_loop3A_760] {strides = array<i32>} : memref<1x256xi32, #tpu.memory_space<vmem>>, vector<16xi32>,
      tpu.vector_store %arg6[%parallel_loop3A_759, %parallel_loop3A_760], %parallel_loop3A_757 {strides = array<i32>} : memref<1x256xi32, #tpu.memory_space<vmem>>, vector<16xi32>,
      %parallel_loop3A_762 = arith.constant 1.000000e+00 : f32
      %parallel_loop3A_763 = vector.broadcast %parallel_loop3A_762 : f32 to vector<16xf32>
      %parallel_loop3A_764 = arith.addf %parallel_loop3A_763, %parallel_loop3A_751 : vector<16xf32>
      %parallel_loop3A_765 = arith.constant 1.000000e+00 : f32
      %parallel_loop3A_766 = vector.broadcast %parallel_loop3A_765 : f32 to vector<16xf32>
      %parallel_loop3A_767 = arith.divf %parallel_loop3A_766, %parallel_loop3A_764 : vector<16xf32>
      %parallel_loop3A_768 = arith.constant 0 : i32
      %parallel_loop3A_769 = arith.index_cast %parallel_loop3A_768 : i32 to index
      %parallel_loop3A_770 = arith.index_cast %parallel_loop3A_753 : i32 to index
      %parallel_loop3A_771 = tpu.vector_load %arg7[%parallel_loop3A_769, %parallel_loop3A_770] {strides = array<i32>} : memref<1x256xf32, #tpu.memory_space<vmem>>, vector<16xf32>,
      tpu.vector_store %arg7[%parallel_loop3A_769, %parallel_loop3A_770], %parallel_loop3A_767 {strides = array<i32>} : memref<1x256xf32, #tpu.memory_space<vmem>>, vector<16xf32>,
    } {sc.loop_unroll_factor = 1 : i64, sc.parallel_access}
    "tpu.region"() ({
      %run_scoped3A = tpu.sem_alloc : memref<!tpu.dma_semaphore, #tpu.memory_space<semaphore_mem>>
      %dma_start3A = arith.constant 0 : i32
      %dma_start3A_8 = arith.constant 0 : i32
      %dma_start3A_9 = tpu.memref_slice %arg3[%add3A, %dma_start3A, %dma_start3A_8] : memref<32x1x256xi32, #tpu.memory_space<hbm>> -> memref<1x1x256xi32, #tpu.memory_space<hbm>>
      %dma_start3A_10 = tpu.memref_squeeze %dma_start3A_9 : memref<1x1x256xi32, #tpu.memory_space<hbm>> -> memref<1x256xi32, #tpu.memory_space<hbm>>
      %dma_start3A_11 = arith.constant 0 : i32
      %dma_start3A_12 = arith.constant 0 : i32
      %dma_start3A_13 = tpu.memref_slice %arg3[%add3A, %dma_start3A_11, %dma_start3A_12] : memref<32x1x256xi32, #tpu.memory_space<hbm>> -> memref<1x1x256xi32, #tpu.memory_space<hbm>>
      %dma_start3A_14 = tpu.memref_squeeze %dma_start3A_13 : memref<1x1x256xi32, #tpu.memory_space<hbm>> -> memref<1x256xi32, #tpu.memory_space<hbm>>
      tpu.enqueue_dma source(%arg6 : memref<1x256xi32, #tpu.memory_space<vmem>>) target(%dma_start3A_14 : memref<1x256xi32, #tpu.memory_space<hbm>>) target_semaphore(%run_scoped3A : memref<!tpu.dma_semaphore, #tpu.memory_space<semaphore_mem>>)
      %dma_wait3A = arith.constant 0 : i32
      %dma_wait3A_15 = arith.constant 0 : i32
      %dma_wait3A_16 = tpu.memref_slice %arg3[%add3A, %dma_wait3A, %dma_wait3A_15] : memref<32x1x256xi32, #tpu.memory_space<hbm>> -> memref<1x1x256xi32, #tpu.memory_space<hbm>>
      %dma_wait3A_17 = tpu.memref_squeeze %dma_wait3A_16 : memref<1x1x256xi32, #tpu.memory_space<hbm>> -> memref<1x256xi32, #tpu.memory_space<hbm>>
      %dma_wait3A_18 = arith.constant 0 : i32
      %dma_wait3A_19 = arith.constant 0 : i32
      %dma_wait3A_20 = tpu.memref_slice %arg3[%add3A, %dma_wait3A_18, %dma_wait3A_19] : memref<32x1x256xi32, #tpu.memory_space<hbm>> -> memref<1x1x256xi32, #tpu.memory_space<hbm>>
      %dma_wait3A_21 = tpu.memref_squeeze %dma_wait3A_20 : memref<1x1x256xi32, #tpu.memory_space<hbm>> -> memref<1x256xi32, #tpu.memory_space<hbm>>
      tpu.wait_dma2 semaphore(%run_scoped3A : memref<!tpu.dma_semaphore, #tpu.memory_space<semaphore_mem>>) src(%arg6 : memref<1x256xi32, #tpu.memory_space<vmem>>) dst(%dma_wait3A_21 : memref<1x256xi32, #tpu.memory_space<hbm>>)
      tpu.yield
    }) : () -> ()
    "tpu.region"() ({
      %run_scoped3A = tpu.sem_alloc : memref<!tpu.dma_semaphore, #tpu.memory_space<semaphore_mem>>
      %dma_start3A = arith.constant 0 : i32
      %dma_start3A_8 = arith.constant 0 : i32
      %dma_start3A_9 = tpu.memref_slice %arg4[%add3A, %dma_start3A, %dma_start3A_8] : memref<32x1x256xf32, #tpu.memory_space<hbm>> -> memref<1x1x256xf32, #tpu.memory_space<hbm>>
      %dma_start3A_10 = tpu.memref_squeeze %dma_start3A_9 : memref<1x1x256xf32, #tpu.memory_space<hbm>> -> memref<1x256xf32, #tpu.memory_space<hbm>>
      %dma_start3A_11 = arith.constant 0 : i32
      %dma_start3A_12 = arith.constant 0 : i32
      %dma_start3A_13 = tpu.memref_slice %arg4[%add3A, %dma_start3A_11, %dma_start3A_12] : memref<32x1x256xf32, #tpu.memory_space<hbm>> -> memref<1x1x256xf32, #tpu.memory_space<hbm>>
      %dma_start3A_14 = tpu.memref_squeeze %dma_start3A_13 : memref<1x1x256xf32, #tpu.memory_space<hbm>> -> memref<1x256xf32, #tpu.memory_space<hbm>>
      tpu.enqueue_dma source(%arg7 : memref<1x256xf32, #tpu.memory_space<vmem>>) target(%dma_start3A_14 : memref<1x256xf32, #tpu.memory_space<hbm>>) target_semaphore(%run_scoped3A : memref<!tpu.dma_semaphore, #tpu.memory_space<semaphore_mem>>)
      %dma_wait3A = arith.constant 0 : i32
      %dma_wait3A_15 = arith.constant 0 : i32
      %dma_wait3A_16 = tpu.memref_slice %arg4[%add3A, %dma_wait3A, %dma_wait3A_15] : memref<32x1x256xf32, #tpu.memory_space<hbm>> -> memref<1x1x256xf32, #tpu.memory_space<hbm>>
      %dma_wait3A_17 = tpu.memref_squeeze %dma_wait3A_16 : memref<1x1x256xf32, #tpu.memory_space<hbm>> -> memref<1x256xf32, #tpu.memory_space<hbm>>
      %dma_wait3A_18 = arith.constant 0 : i32
      %dma_wait3A_19 = arith.constant 0 : i32
      %dma_wait3A_20 = tpu.memref_slice %arg4[%add3A, %dma_wait3A_18, %dma_wait3A_19] : memref<32x1x256xf32, #tpu.memory_space<hbm>> -> memref<1x1x256xf32, #tpu.memory_space<hbm>>
      %dma_wait3A_21 = tpu.memref_squeeze %dma_wait3A_20 : memref<1x1x256xf32, #tpu.memory_space<hbm>> -> memref<1x256xf32, #tpu.memory_space<hbm>>
      tpu.wait_dma2 semaphore(%run_scoped3A : memref<!tpu.dma_semaphore, #tpu.memory_space<semaphore_mem>>) src(%arg7 : memref<1x256xf32, #tpu.memory_space<vmem>>) dst(%dma_wait3A_21 : memref<1x256xf32, #tpu.memory_space<hbm>>)
      tpu.yield
    }) : () -> ()
    return
  }
}

module attributes {stable_mosaic.version = 14 : i64} {
  func.func @_logits_body(%arg0: i32, %arg1: memref<1024x2048xf32, #tpu.memory_space<vmem>>, %arg2: memref<2048x128xf32, #tpu.memory_space<vmem>>, %arg3: memref<1024x64xf32, #tpu.memory_space<vmem>>, %arg4: memref<1024x64xf32, #tpu.memory_space<vmem>>) attributes {dimension_semantics = [#tpu.dimension_semantics<arbitrary>], iteration_bounds = array<i64: 8>, scalar_prefetch = 0 : i64, scratch_operands = 0 : i64, tpu.core_type = #tpu.core_type<tc>, window_params = [{transform_indices = @transform_0, window_bounds = array<i64: 1024, 2048>}, {pipeline_mode = #tpu.pipeline_mode<synchronous>, transform_indices = @transform_1, window_bounds = array<i64: 2048, 128>}, {transform_indices = @transform_2, window_bounds = array<i64: 1024, 64>}, {transform_indices = @transform_3, window_bounds = array<i64: 1024, 64>}]} {
    %get3A = arith.constant 0 : index
    %get3A_0 = arith.constant 0 : index
    %get3A_1 = vector.load %arg1[%get3A, %get3A_0] : memref<1024x2048xf32, #tpu.memory_space<vmem>>, vector<1024x2048xf32>
    %get3A_2 = arith.constant 0 : index
    %get3A_3 = arith.constant 0 : index
    %get3A_4 = vector.load %arg2[%get3A_2, %get3A_3] : memref<2048x128xf32, #tpu.memory_space<vmem>>, vector<2048x128xf32>
    %dot_general3A = arith.constant dense<0.000000e+00> : vector<1024x128xf32>
    %dot_general3A_5 = tpu.matmul %get3A_1, %get3A_4, %dot_general3A {dimension_numbers = #tpu.dot_dimension_numbers<[1], [0], [0], [1], [0, 0, 1, 1], [], []>, transpose_lhs_hint = false} : vector<1024x2048xf32>, vector<2048x128xf32>, vector<1024x128xf32> -> vector<1024x128xf32>
    %slice3A = vector.extract_strided_slice %dot_general3A_5 {offsets = [0, 0], sizes = [1024, 64], strides = [1, 1]} : vector<1024x128xf32> to vector<1024x64xf32>
    %slice3A_6 = vector.extract_strided_slice %dot_general3A_5 {offsets = [0, 64], sizes = [1024, 64], strides = [1, 1]} : vector<1024x128xf32> to vector<1024x64xf32>
    %max3A = arith.constant 0.000000e+00 : f32
    %max3A_7 = vector.broadcast %max3A : f32 to vector<1024x64xf32>
    %max3A_8 = arith.maximumf %slice3A_6, %max3A_7 : vector<1024x64xf32>
    %abs3A = math.absf %slice3A_6 : vector<1024x64xf32>
    %neg3A = arith.constant 0.000000e+00 : f32
    %neg3A_9 = vector.broadcast %neg3A : f32 to vector<1024x64xf32>
    %neg3A_10 = arith.subf %neg3A_9, %abs3A : vector<1024x64xf32>
    %exp3A = math.exp %neg3A_10 : vector<1024x64xf32>
    %log1p3A = math.log1p %exp3A : vector<1024x64xf32>
    %add3A = arith.addf %max3A_8, %log1p3A : vector<1024x64xf32>
    %get3A_11 = arith.constant 0 : index
    %get3A_12 = arith.constant 0 : index
    %get3A_13 = vector.load %arg3[%get3A_11, %get3A_12] : memref<1024x64xf32, #tpu.memory_space<vmem>>, vector<1024x64xf32>
    %mul3A = arith.mulf %add3A, %get3A_13 : vector<1024x64xf32>
    %add3A_14 = arith.addf %slice3A, %mul3A : vector<1024x64xf32>
    %swap3A = arith.constant 0 : index
    %swap3A_15 = arith.constant 0 : index
    %swap3A_16 = vector.load %arg4[%swap3A, %swap3A_15] : memref<1024x64xf32, #tpu.memory_space<vmem>>, vector<1024x64xf32>
    tpu.vector_store %arg4[%swap3A, %swap3A_15], %add3A_14 {strides = array<i32>} : memref<1024x64xf32, #tpu.memory_space<vmem>>, vector<1024x64xf32>,
    return
  }
  func.func @transform_0(%arg0: i32) -> (i32, i32) {
    %add3A = arith.constant 0 : i32
    %add3A_0 = arith.addi %arg0, %add3A : i32
    %c0_i32 = arith.constant 0 : i32
    %c0_i32_1 = arith.constant 0 : i32
    return %add3A_0, %c0_i32 : i32, i32
  }
  func.func @transform_1(%arg0: i32) -> (i32, i32) {
    %c0_i32 = arith.constant 0 : i32
    %c0_i32_0 = arith.constant 0 : i32
    %c0_i32_1 = arith.constant 0 : i32
    return %c0_i32, %c0_i32_0 : i32, i32
  }
  func.func @transform_2(%arg0: i32) -> (i32, i32) {
    %add3A = arith.constant 0 : i32
    %add3A_0 = arith.addi %arg0, %add3A : i32
    %c0_i32 = arith.constant 0 : i32
    %c0_i32_1 = arith.constant 0 : i32
    return %add3A_0, %c0_i32 : i32, i32
  }
  func.func @transform_3(%arg0: i32) -> (i32, i32) {
    %c0_i32 = arith.constant 0 : i32
    %c0_i32_0 = arith.constant 0 : i32
    return %arg0, %c0_i32 : i32, i32
  }
}

module attributes {stable_mosaic.version = 14 : i64} {
  func.func @_logits_body(%arg0: i32, %arg1: memref<1024x2048xf32, #tpu.memory_space<vmem>>, %arg2: memref<2048x128xf32, #tpu.memory_space<vmem>>, %arg3: memref<1024x64xf32, #tpu.memory_space<vmem>>, %arg4: memref<1024x64xf32, #tpu.memory_space<vmem>>) attributes {dimension_semantics = [#tpu.dimension_semantics<arbitrary>], iteration_bounds = array<i64: 8>, scalar_prefetch = 0 : i64, scratch_operands = 0 : i64, tpu.core_type = #tpu.core_type<tc>, window_params = [{transform_indices = @transform_0, window_bounds = array<i64: 1024, 2048>}, {pipeline_mode = #tpu.pipeline_mode<synchronous>, transform_indices = @transform_1, window_bounds = array<i64: 2048, 128>}, {transform_indices = @transform_2, window_bounds = array<i64: 1024, 64>}, {transform_indices = @transform_3, window_bounds = array<i64: 1024, 64>}]} {
    %get3A = arith.constant 0 : index
    %get3A_0 = arith.constant 0 : index
    %get3A_1 = vector.load %arg1[%get3A, %get3A_0] : memref<1024x2048xf32, #tpu.memory_space<vmem>>, vector<1024x2048xf32>
    %get3A_2 = arith.constant 0 : index
    %get3A_3 = arith.constant 0 : index
    %get3A_4 = vector.load %arg2[%get3A_2, %get3A_3] : memref<2048x128xf32, #tpu.memory_space<vmem>>, vector<2048x128xf32>
    %dot_general3A = arith.constant dense<0.000000e+00> : vector<1024x128xf32>
    %dot_general3A_5 = tpu.matmul %get3A_1, %get3A_4, %dot_general3A {dimension_numbers = #tpu.dot_dimension_numbers<[1], [0], [0], [1], [0, 0, 1, 1], [], []>, transpose_lhs_hint = false} : vector<1024x2048xf32>, vector<2048x128xf32>, vector<1024x128xf32> -> vector<1024x128xf32>
    %slice3A = vector.extract_strided_slice %dot_general3A_5 {offsets = [0, 0], sizes = [1024, 64], strides = [1, 1]} : vector<1024x128xf32> to vector<1024x64xf32>
    %slice3A_6 = vector.extract_strided_slice %dot_general3A_5 {offsets = [0, 64], sizes = [1024, 64], strides = [1, 1]} : vector<1024x128xf32> to vector<1024x64xf32>
    %max3A = arith.constant 0.000000e+00 : f32
    %max3A_7 = vector.broadcast %max3A : f32 to vector<1024x64xf32>
    %max3A_8 = arith.maximumf %slice3A_6, %max3A_7 : vector<1024x64xf32>
    %abs3A = math.absf %slice3A_6 : vector<1024x64xf32>
    %neg3A = arith.constant 0.000000e+00 : f32
    %neg3A_9 = vector.broadcast %neg3A : f32 to vector<1024x64xf32>
    %neg3A_10 = arith.subf %neg3A_9, %abs3A : vector<1024x64xf32>
    %exp3A = math.exp %neg3A_10 : vector<1024x64xf32>
    %log1p3A = math.log1p %exp3A : vector<1024x64xf32>
    %add3A = arith.addf %max3A_8, %log1p3A : vector<1024x64xf32>
    %get3A_11 = arith.constant 0 : index
    %get3A_12 = arith.constant 0 : index
    %get3A_13 = vector.load %arg3[%get3A_11, %get3A_12] : memref<1024x64xf32, #tpu.memory_space<vmem>>, vector<1024x64xf32>
    %mul3A = arith.mulf %add3A, %get3A_13 : vector<1024x64xf32>
    %add3A_14 = arith.addf %slice3A, %mul3A : vector<1024x64xf32>
    %swap3A = arith.constant 0 : index
    %swap3A_15 = arith.constant 0 : index
    %swap3A_16 = vector.load %arg4[%swap3A, %swap3A_15] : memref<1024x64xf32, #tpu.memory_space<vmem>>, vector<1024x64xf32>
    tpu.vector_store %arg4[%swap3A, %swap3A_15], %add3A_14 {strides = array<i32>} : memref<1024x64xf32, #tpu.memory_space<vmem>>, vector<1024x64xf32>,
    return
  }
  func.func @transform_0(%arg0: i32) -> (i32, i32) {
    %add3A = arith.constant 8 : i32
    %add3A_0 = arith.addi %arg0, %add3A : i32
    %c0_i32 = arith.constant 0 : i32
    %c0_i32_1 = arith.constant 0 : i32
    return %add3A_0, %c0_i32 : i32, i32
  }
  func.func @transform_1(%arg0: i32) -> (i32, i32) {
    %c0_i32 = arith.constant 0 : i32
    %c0_i32_0 = arith.constant 0 : i32
    %c0_i32_1 = arith.constant 0 : i32
    return %c0_i32, %c0_i32_0 : i32, i32
  }
  func.func @transform_2(%arg0: i32) -> (i32, i32) {
    %add3A = arith.constant 8 : i32
    %add3A_0 = arith.addi %arg0, %add3A : i32
    %c0_i32 = arith.constant 0 : i32
    %c0_i32_1 = arith.constant 0 : i32
    return %add3A_0, %c0_i32 : i32, i32
  }
  func.func @transform_3(%arg0: i32) -> (i32, i32) {
    %c0_i32 = arith.constant 0 : i32
    %c0_i32_0 = arith.constant 0 : i32
    return %arg0, %c0_i32 : i32, i32
  }
}

module attributes {stable_mosaic.version = 14 : i64} {
  func.func @_expand_body(%arg0: i32, %arg1: memref<4x1x256xi32, #tpu.memory_space<vmem>>, %arg2: memref<4x1x256xf32, #tpu.memory_space<vmem>>, %arg3: memref<1x64xf32, #tpu.memory_space<vmem>>, %arg4: memref<1024x64xf32, #tpu.memory_space<vmem>>, %arg5: memref<1x64xf32, #tpu.memory_space<vmem>>, %arg6: memref<1x64xf32, #tpu.memory_space<vmem>>) attributes {dimension_semantics = [#tpu.dimension_semantics<arbitrary>], iteration_bounds = array<i64: 8>, scalar_prefetch = 0 : i64, scratch_operands = 1 : i64, tpu.core_type = #tpu.core_type<tc>, window_params = [{transform_indices = @transform_0, window_bounds = array<i64: 4, 1, 256>}, {transform_indices = @transform_1, window_bounds = array<i64: 4, 1, 256>}, {pipeline_mode = #tpu.pipeline_mode<synchronous>, transform_indices = @transform_2, window_bounds = array<i64: 1, 64>}, {transform_indices = @transform_3, window_bounds = array<i64: 1024, 64>}, {pipeline_mode = #tpu.pipeline_mode<synchronous>, transform_indices = @transform_4, window_bounds = array<i64: 1, 64>}]} {
    %eq3A = arith.constant 0 : i32
    %eq3A_0 = arith.cmpi eq, %arg0, %eq3A : i32
    %convert_element_type3A = arith.extui %eq3A_0 : i1 to i32
    %cond3A = arith.constant 0 : i32
    %cond3A_1 = arith.cmpi ne, %convert_element_type3A, %cond3A : i32
    scf.if %cond3A_1 {
      %get3A_68 = arith.constant 0 : index
      %get3A_69 = arith.constant 0 : index
      %get3A_70 = vector.load %arg3[%get3A_68, %get3A_69] : memref<1x64xf32, #tpu.memory_space<vmem>>, vector<1x64xf32>
      %swap3A_71 = arith.constant 0 : index
      %swap3A_72 = arith.constant 0 : index
      %swap3A_73 = vector.load %arg6[%swap3A_71, %swap3A_72] : memref<1x64xf32, #tpu.memory_space<vmem>>, vector<1x64xf32>
      tpu.vector_store %arg6[%swap3A_71, %swap3A_72], %get3A_70 {strides = array<i32>} : memref<1x64xf32, #tpu.memory_space<vmem>>, vector<1x64xf32>,
    } else {
    }
    %get3A = arith.constant 0 : index
    %get3A_2 = arith.constant 0 : index
    %get3A_3 = arith.constant 0 : index
    %get3A_4 = vector.load %arg1[%get3A, %get3A_2, %get3A_3] : memref<4x1x256xi32, #tpu.memory_space<vmem>>, vector<1x1x256xi32>
    %get3A_5 = arith.constant 1 : index
    %get3A_6 = arith.constant 0 : index
    %get3A_7 = arith.constant 0 : index
    %get3A_8 = vector.load %arg1[%get3A_5, %get3A_6, %get3A_7] : memref<4x1x256xi32, #tpu.memory_space<vmem>>, vector<1x1x256xi32>
    %get3A_9 = arith.constant 2 : index
    %get3A_10 = arith.constant 0 : index
    %get3A_11 = arith.constant 0 : index
    %get3A_12 = vector.load %arg1[%get3A_9, %get3A_10, %get3A_11] : memref<4x1x256xi32, #tpu.memory_space<vmem>>, vector<1x1x256xi32>
    %get3A_13 = arith.constant 3 : index
    %get3A_14 = arith.constant 0 : index
    %get3A_15 = arith.constant 0 : index
    %get3A_16 = vector.load %arg1[%get3A_13, %get3A_14, %get3A_15] : memref<4x1x256xi32, #tpu.memory_space<vmem>>, vector<1x1x256xi32>
    %concatenate3A = tpu.concatenate %get3A_4, %get3A_8, %get3A_12, %get3A_16 in 2 : vector<1x1x256xi32>, vector<1x1x256xi32>, vector<1x1x256xi32>, vector<1x1x256xi32> -> vector<1x1x1024xi32>
    %reshape3A = vector.shape_cast %concatenate3A : vector<1x1x1024xi32> to vector<1024x1xi32>
    %get3A_17 = arith.constant 0 : index
    %get3A_18 = arith.constant 0 : index
    %get3A_19 = arith.constant 0 : index
    %get3A_20 = vector.load %arg2[%get3A_17, %get3A_18, %get3A_19] : memref<4x1x256xf32, #tpu.memory_space<vmem>>, vector<1x1x256xf32>
    %get3A_21 = arith.constant 1 : index
    %get3A_22 = arith.constant 0 : index
    %get3A_23 = arith.constant 0 : index
    %get3A_24 = vector.load %arg2[%get3A_21, %get3A_22, %get3A_23] : memref<4x1x256xf32, #tpu.memory_space<vmem>>, vector<1x1x256xf32>
    %get3A_25 = arith.constant 2 : index
    %get3A_26 = arith.constant 0 : index
    %get3A_27 = arith.constant 0 : index
    %get3A_28 = vector.load %arg2[%get3A_25, %get3A_26, %get3A_27] : memref<4x1x256xf32, #tpu.memory_space<vmem>>, vector<1x1x256xf32>
    %get3A_29 = arith.constant 3 : index
    %get3A_30 = arith.constant 0 : index
    %get3A_31 = arith.constant 0 : index
    %get3A_32 = vector.load %arg2[%get3A_29, %get3A_30, %get3A_31] : memref<4x1x256xf32, #tpu.memory_space<vmem>>, vector<1x1x256xf32>
    %concatenate3A_33 = tpu.concatenate %get3A_20, %get3A_24, %get3A_28, %get3A_32 in 2 : vector<1x1x256xf32>, vector<1x1x256xf32>, vector<1x1x256xf32>, vector<1x1x256xf32> -> vector<1x1x1024xf32>
    %reshape3A_34 = vector.shape_cast %concatenate3A_33 : vector<1x1x1024xf32> to vector<1024x1xf32>
    %shift_right_logical3A = arith.constant 8 : i32
    %shift_right_logical3A_35 = vector.broadcast %shift_right_logical3A : i32 to vector<1024x1xi32>
    %shift_right_logical3A_36 = arith.shrui %reshape3A, %shift_right_logical3A_35 : vector<1024x1xi32>
    %and3A = arith.constant 255 : i32
    %and3A_37 = vector.broadcast %and3A : i32 to vector<1024x1xi32>
    %and3A_38 = arith.andi %reshape3A, %and3A_37 : vector<1024x1xi32>
    %sub3A = arith.constant 1.000000e+00 : f32
    %sub3A_39 = vector.broadcast %sub3A : f32 to vector<1024x1xf32>
    %sub3A_40 = arith.subf %sub3A_39, %reshape3A_34 : vector<1024x1xf32>
    %iota3A = tpu.iota {dimensions = array<i32: 1>} : vector<1024x64xi32>
    %eq3A_41 = vector.broadcast %shift_right_logical3A_36 : vector<1024x1xi32> to vector<1024x64xi32>
    %eq3A_42 = arith.cmpi eq, %iota3A, %eq3A_41 : vector<1024x64xi32>
    %jit3A = arith.constant 0.000000e+00 : f32
    %broadcast_in_dim3A = vector.shape_cast %reshape3A_34 : vector<1024x1xf32> to vector<1024x1xf32>
    %broadcast_in_dim3A_43 = vector.broadcast %broadcast_in_dim3A : vector<1024x1xf32> to vector<1024x64xf32>
    %broadcast_in_dim3A_44 = vector.broadcast %jit3A : f32 to vector<1024x64xf32>
    %select_n3A = arith.select %eq3A_42, %broadcast_in_dim3A_43, %broadcast_in_dim3A_44 : vector<1024x64xi1>, vector<1024x64xf32>
    %eq3A_45 = vector.broadcast %and3A_38 : vector<1024x1xi32> to vector<1024x64xi32>
    %eq3A_46 = arith.cmpi eq, %iota3A, %eq3A_45 : vector<1024x64xi32>
    %jit3A_47 = arith.constant 0.000000e+00 : f32
    %broadcast_in_dim3A_48 = vector.shape_cast %sub3A_40 : vector<1024x1xf32> to vector<1024x1xf32>
    %broadcast_in_dim3A_49 = vector.broadcast %broadcast_in_dim3A_48 : vector<1024x1xf32> to vector<1024x64xf32>
    %broadcast_in_dim3A_50 = vector.broadcast %jit3A_47 : f32 to vector<1024x64xf32>
    %select_n3A_51 = arith.select %eq3A_46, %broadcast_in_dim3A_49, %broadcast_in_dim3A_50 : vector<1024x64xi1>, vector<1024x64xf32>
    %add3A = arith.addf %select_n3A, %select_n3A_51 : vector<1024x64xf32>
    %swap3A = arith.constant 0 : index
    %swap3A_52 = arith.constant 0 : index
    %swap3A_53 = vector.load %arg4[%swap3A, %swap3A_52] : memref<1024x64xf32, #tpu.memory_space<vmem>>, vector<1024x64xf32>
    tpu.vector_store %arg4[%swap3A, %swap3A_52], %add3A {strides = array<i32>} : memref<1024x64xf32, #tpu.memory_space<vmem>>, vector<1024x64xf32>,
    %get3A_54 = arith.constant 0 : index
    %get3A_55 = arith.constant 0 : index
    %get3A_56 = vector.load %arg6[%get3A_54, %get3A_55] : memref<1x64xf32, #tpu.memory_space<vmem>>, vector<1x64xf32>
    %reduce_sum3A = arith.constant dense<0.000000e+00> : vector<64xf32>
    %reduce_sum3A_57 = vector.multi_reduction <add>, %add3A, %reduce_sum3A [0] : vector<1024x64xf32> to vector<64xf32>
    %broadcast_in_dim3A_58 = vector.shape_cast %reduce_sum3A_57 : vector<64xf32> to vector<1x64xf32>
    %add3A_59 = arith.addf %get3A_56, %broadcast_in_dim3A_58 : vector<1x64xf32>
    %swap3A_60 = arith.constant 0 : index
    %swap3A_61 = arith.constant 0 : index
    %swap3A_62 = vector.load %arg6[%swap3A_60, %swap3A_61] : memref<1x64xf32, #tpu.memory_space<vmem>>, vector<1x64xf32>
    tpu.vector_store %arg6[%swap3A_60, %swap3A_61], %add3A_59 {strides = array<i32>} : memref<1x64xf32, #tpu.memory_space<vmem>>, vector<1x64xf32>,
    %eq3A_63 = arith.constant 7 : i32
    %eq3A_64 = arith.cmpi eq, %arg0, %eq3A_63 : i32
    %convert_element_type3A_65 = arith.extui %eq3A_64 : i1 to i32
    %cond3A_66 = arith.constant 0 : i32
    %cond3A_67 = arith.cmpi ne, %convert_element_type3A_65, %cond3A_66 : i32
    scf.if %cond3A_67 {
      %get3A_68 = arith.constant 0 : index
      %get3A_69 = arith.constant 0 : index
      %get3A_70 = vector.load %arg6[%get3A_68, %get3A_69] : memref<1x64xf32, #tpu.memory_space<vmem>>, vector<1x64xf32>
      %swap3A_71 = arith.constant 0 : index
      %swap3A_72 = arith.constant 0 : index
      %swap3A_73 = vector.load %arg5[%swap3A_71, %swap3A_72] : memref<1x64xf32, #tpu.memory_space<vmem>>, vector<1x64xf32>
      tpu.vector_store %arg5[%swap3A_71, %swap3A_72], %get3A_70 {strides = array<i32>} : memref<1x64xf32, #tpu.memory_space<vmem>>, vector<1x64xf32>,
    } else {
    }
    return
  }
  func.func @transform_0(%arg0: i32) -> (i32, i32, i32) {
    %c0_i32 = arith.constant 0 : i32
    %c0_i32_0 = arith.constant 0 : i32
    %c0_i32_1 = arith.constant 0 : i32
    return %arg0, %c0_i32, %c0_i32_0 : i32, i32, i32
  }
  func.func @transform_1(%arg0: i32) -> (i32, i32, i32) {
    %c0_i32 = arith.constant 0 : i32
    %c0_i32_0 = arith.constant 0 : i32
    %c0_i32_1 = arith.constant 0 : i32
    return %arg0, %c0_i32, %c0_i32_0 : i32, i32, i32
  }
  func.func @transform_2(%arg0: i32) -> (i32, i32) {
    %c0_i32 = arith.constant 0 : i32
    %c0_i32_0 = arith.constant 0 : i32
    %c0_i32_1 = arith.constant 0 : i32
    return %c0_i32, %c0_i32_0 : i32, i32
  }
  func.func @transform_3(%arg0: i32) -> (i32, i32) {
    %c0_i32 = arith.constant 0 : i32
    %c0_i32_0 = arith.constant 0 : i32
    return %arg0, %c0_i32 : i32, i32
  }
  func.func @transform_4(%arg0: i32) -> (i32, i32) {
    %c0_i32 = arith.constant 0 : i32
    %c0_i32_0 = arith.constant 0 : i32
    %c0_i32_1 = arith.constant 0 : i32
    return %c0_i32, %c0_i32_0 : i32, i32
  }
}

module attributes {stable_mosaic.version = 14 : i64} {
  func.func @_expand_body(%arg0: i32, %arg1: memref<4x1x256xi32, #tpu.memory_space<vmem>>, %arg2: memref<4x1x256xf32, #tpu.memory_space<vmem>>, %arg3: memref<1x64xf32, #tpu.memory_space<vmem>>, %arg4: memref<1024x64xf32, #tpu.memory_space<vmem>>, %arg5: memref<1x1xf32, #tpu.memory_space<smem>>, %arg6: memref<1x64xf32, #tpu.memory_space<vmem>>) attributes {dimension_semantics = [#tpu.dimension_semantics<arbitrary>], iteration_bounds = array<i64: 8>, scalar_prefetch = 0 : i64, scratch_operands = 1 : i64, tpu.core_type = #tpu.core_type<tc>, window_params = [{transform_indices = @transform_0, window_bounds = array<i64: 4, 1, 256>}, {transform_indices = @transform_1, window_bounds = array<i64: 4, 1, 256>}, {pipeline_mode = #tpu.pipeline_mode<synchronous>, transform_indices = @transform_2, window_bounds = array<i64: 1, 64>}, {transform_indices = @transform_3, window_bounds = array<i64: 1024, 64>}, {transform_indices = @transform_4, window_bounds = array<i64: 1, 1>}]} {
    %eq3A = arith.constant 0 : i32
    %eq3A_0 = arith.cmpi eq, %arg0, %eq3A : i32
    %convert_element_type3A = arith.extui %eq3A_0 : i1 to i32
    %cond3A = arith.constant 0 : i32
    %cond3A_1 = arith.cmpi ne, %convert_element_type3A, %cond3A : i32
    scf.if %cond3A_1 {
      %get3A_68 = arith.constant 0 : index
      %get3A_69 = arith.constant 0 : index
      %get3A_70 = vector.load %arg3[%get3A_68, %get3A_69] : memref<1x64xf32, #tpu.memory_space<vmem>>, vector<1x64xf32>
      %swap3A_71 = arith.constant 0 : index
      %swap3A_72 = arith.constant 0 : index
      %swap3A_73 = vector.load %arg6[%swap3A_71, %swap3A_72] : memref<1x64xf32, #tpu.memory_space<vmem>>, vector<1x64xf32>
      tpu.vector_store %arg6[%swap3A_71, %swap3A_72], %get3A_70 {strides = array<i32>} : memref<1x64xf32, #tpu.memory_space<vmem>>, vector<1x64xf32>,
    } else {
    }
    %get3A = arith.constant 0 : index
    %get3A_2 = arith.constant 0 : index
    %get3A_3 = arith.constant 0 : index
    %get3A_4 = vector.load %arg1[%get3A, %get3A_2, %get3A_3] : memref<4x1x256xi32, #tpu.memory_space<vmem>>, vector<1x1x256xi32>
    %get3A_5 = arith.constant 1 : index
    %get3A_6 = arith.constant 0 : index
    %get3A_7 = arith.constant 0 : index
    %get3A_8 = vector.load %arg1[%get3A_5, %get3A_6, %get3A_7] : memref<4x1x256xi32, #tpu.memory_space<vmem>>, vector<1x1x256xi32>
    %get3A_9 = arith.constant 2 : index
    %get3A_10 = arith.constant 0 : index
    %get3A_11 = arith.constant 0 : index
    %get3A_12 = vector.load %arg1[%get3A_9, %get3A_10, %get3A_11] : memref<4x1x256xi32, #tpu.memory_space<vmem>>, vector<1x1x256xi32>
    %get3A_13 = arith.constant 3 : index
    %get3A_14 = arith.constant 0 : index
    %get3A_15 = arith.constant 0 : index
    %get3A_16 = vector.load %arg1[%get3A_13, %get3A_14, %get3A_15] : memref<4x1x256xi32, #tpu.memory_space<vmem>>, vector<1x1x256xi32>
    %concatenate3A = tpu.concatenate %get3A_4, %get3A_8, %get3A_12, %get3A_16 in 2 : vector<1x1x256xi32>, vector<1x1x256xi32>, vector<1x1x256xi32>, vector<1x1x256xi32> -> vector<1x1x1024xi32>
    %reshape3A = vector.shape_cast %concatenate3A : vector<1x1x1024xi32> to vector<1024x1xi32>
    %get3A_17 = arith.constant 0 : index
    %get3A_18 = arith.constant 0 : index
    %get3A_19 = arith.constant 0 : index
    %get3A_20 = vector.load %arg2[%get3A_17, %get3A_18, %get3A_19] : memref<4x1x256xf32, #tpu.memory_space<vmem>>, vector<1x1x256xf32>
    %get3A_21 = arith.constant 1 : index
    %get3A_22 = arith.constant 0 : index
    %get3A_23 = arith.constant 0 : index
    %get3A_24 = vector.load %arg2[%get3A_21, %get3A_22, %get3A_23] : memref<4x1x256xf32, #tpu.memory_space<vmem>>, vector<1x1x256xf32>
    %get3A_25 = arith.constant 2 : index
    %get3A_26 = arith.constant 0 : index
    %get3A_27 = arith.constant 0 : index
    %get3A_28 = vector.load %arg2[%get3A_25, %get3A_26, %get3A_27] : memref<4x1x256xf32, #tpu.memory_space<vmem>>, vector<1x1x256xf32>
    %get3A_29 = arith.constant 3 : index
    %get3A_30 = arith.constant 0 : index
    %get3A_31 = arith.constant 0 : index
    %get3A_32 = vector.load %arg2[%get3A_29, %get3A_30, %get3A_31] : memref<4x1x256xf32, #tpu.memory_space<vmem>>, vector<1x1x256xf32>
    %concatenate3A_33 = tpu.concatenate %get3A_20, %get3A_24, %get3A_28, %get3A_32 in 2 : vector<1x1x256xf32>, vector<1x1x256xf32>, vector<1x1x256xf32>, vector<1x1x256xf32> -> vector<1x1x1024xf32>
    %reshape3A_34 = vector.shape_cast %concatenate3A_33 : vector<1x1x1024xf32> to vector<1024x1xf32>
    %shift_right_logical3A = arith.constant 8 : i32
    %shift_right_logical3A_35 = vector.broadcast %shift_right_logical3A : i32 to vector<1024x1xi32>
    %shift_right_logical3A_36 = arith.shrui %reshape3A, %shift_right_logical3A_35 : vector<1024x1xi32>
    %and3A = arith.constant 255 : i32
    %and3A_37 = vector.broadcast %and3A : i32 to vector<1024x1xi32>
    %and3A_38 = arith.andi %reshape3A, %and3A_37 : vector<1024x1xi32>
    %sub3A = arith.constant 1.000000e+00 : f32
    %sub3A_39 = vector.broadcast %sub3A : f32 to vector<1024x1xf32>
    %sub3A_40 = arith.subf %sub3A_39, %reshape3A_34 : vector<1024x1xf32>
    %iota3A = tpu.iota {dimensions = array<i32: 1>} : vector<1024x64xi32>
    %eq3A_41 = vector.broadcast %shift_right_logical3A_36 : vector<1024x1xi32> to vector<1024x64xi32>
    %eq3A_42 = arith.cmpi eq, %iota3A, %eq3A_41 : vector<1024x64xi32>
    %jit3A = arith.constant 0.000000e+00 : f32
    %broadcast_in_dim3A = vector.shape_cast %reshape3A_34 : vector<1024x1xf32> to vector<1024x1xf32>
    %broadcast_in_dim3A_43 = vector.broadcast %broadcast_in_dim3A : vector<1024x1xf32> to vector<1024x64xf32>
    %broadcast_in_dim3A_44 = vector.broadcast %jit3A : f32 to vector<1024x64xf32>
    %select_n3A = arith.select %eq3A_42, %broadcast_in_dim3A_43, %broadcast_in_dim3A_44 : vector<1024x64xi1>, vector<1024x64xf32>
    %eq3A_45 = vector.broadcast %and3A_38 : vector<1024x1xi32> to vector<1024x64xi32>
    %eq3A_46 = arith.cmpi eq, %iota3A, %eq3A_45 : vector<1024x64xi32>
    %jit3A_47 = arith.constant 0.000000e+00 : f32
    %broadcast_in_dim3A_48 = vector.shape_cast %sub3A_40 : vector<1024x1xf32> to vector<1024x1xf32>
    %broadcast_in_dim3A_49 = vector.broadcast %broadcast_in_dim3A_48 : vector<1024x1xf32> to vector<1024x64xf32>
    %broadcast_in_dim3A_50 = vector.broadcast %jit3A_47 : f32 to vector<1024x64xf32>
    %select_n3A_51 = arith.select %eq3A_46, %broadcast_in_dim3A_49, %broadcast_in_dim3A_50 : vector<1024x64xi1>, vector<1024x64xf32>
    %add3A = arith.addf %select_n3A, %select_n3A_51 : vector<1024x64xf32>
    %swap3A = arith.constant 0 : index
    %swap3A_52 = arith.constant 0 : index
    %swap3A_53 = vector.load %arg4[%swap3A, %swap3A_52] : memref<1024x64xf32, #tpu.memory_space<vmem>>, vector<1024x64xf32>
    tpu.vector_store %arg4[%swap3A, %swap3A_52], %add3A {strides = array<i32>} : memref<1024x64xf32, #tpu.memory_space<vmem>>, vector<1024x64xf32>,
    %get3A_54 = arith.constant 0 : index
    %get3A_55 = arith.constant 0 : index
    %get3A_56 = vector.load %arg6[%get3A_54, %get3A_55] : memref<1x64xf32, #tpu.memory_space<vmem>>, vector<1x64xf32>
    %reduce_sum3A = arith.constant dense<0.000000e+00> : vector<64xf32>
    %reduce_sum3A_57 = vector.multi_reduction <add>, %add3A, %reduce_sum3A [0] : vector<1024x64xf32> to vector<64xf32>
    %broadcast_in_dim3A_58 = vector.shape_cast %reduce_sum3A_57 : vector<64xf32> to vector<1x64xf32>
    %add3A_59 = arith.addf %get3A_56, %broadcast_in_dim3A_58 : vector<1x64xf32>
    %swap3A_60 = arith.constant 0 : index
    %swap3A_61 = arith.constant 0 : index
    %swap3A_62 = vector.load %arg6[%swap3A_60, %swap3A_61] : memref<1x64xf32, #tpu.memory_space<vmem>>, vector<1x64xf32>
    tpu.vector_store %arg6[%swap3A_60, %swap3A_61], %add3A_59 {strides = array<i32>} : memref<1x64xf32, #tpu.memory_space<vmem>>, vector<1x64xf32>,
    %eq3A_63 = arith.constant 7 : i32
    %eq3A_64 = arith.cmpi eq, %arg0, %eq3A_63 : i32
    %convert_element_type3A_65 = arith.extui %eq3A_64 : i1 to i32
    %cond3A_66 = arith.constant 0 : i32
    %cond3A_67 = arith.cmpi ne, %convert_element_type3A_65, %cond3A_66 : i32
    scf.if %cond3A_67 {
      %get3A_68 = arith.constant 0 : index
      %get3A_69 = arith.constant 0 : index
      %get3A_70 = vector.load %arg6[%get3A_68, %get3A_69] : memref<1x64xf32, #tpu.memory_space<vmem>>, vector<1x64xf32>
      %reduce_sum3A_71 = vector.shape_cast %get3A_70 : vector<1x64xf32> to vector<1x1x64xf32>
      %reduce_sum3A_72 = arith.constant dense<0.000000e+00> : vector<1xf32>
      %reduce_sum3A_73 = vector.multi_reduction <add>, %reduce_sum3A_71, %reduce_sum3A_72 [1, 2] : vector<1x1x64xf32> to vector<1xf32>
      %reduce_sum3A_74 = vector.shape_cast %reduce_sum3A_73 : vector<1xf32> to vector<1x1x1xf32>
      %reduce_sum3A_75 = vector.extract %reduce_sum3A_74[0, 0, 0] : f32 from vector<1x1x1xf32>
      %div3A = arith.constant 6.400000e+01 : f32
      %div3A_76 = arith.divf %reduce_sum3A_75, %div3A : f32
      %sub3A_77 = vector.broadcast %div3A_76 : f32 to vector<1x64xf32>
      %sub3A_78 = arith.subf %get3A_70, %sub3A_77 : vector<1x64xf32>
      %integer_pow3A = arith.mulf %sub3A_78, %sub3A_78 : vector<1x64xf32>
      %reduce_sum3A_79 = vector.shape_cast %integer_pow3A : vector<1x64xf32> to vector<1x1x64xf32>
      %reduce_sum3A_80 = arith.constant dense<0.000000e+00> : vector<1xf32>
      %reduce_sum3A_81 = vector.multi_reduction <add>, %reduce_sum3A_79, %reduce_sum3A_80 [1, 2] : vector<1x1x64xf32> to vector<1xf32>
      %reduce_sum3A_82 = vector.shape_cast %reduce_sum3A_81 : vector<1xf32> to vector<1x1x1xf32>
      %reduce_sum3A_83 = vector.extract %reduce_sum3A_82[0, 0, 0] : f32 from vector<1x1x1xf32>
      %div3A_84 = arith.constant 6.400000e+01 : f32
      %div3A_85 = arith.divf %reduce_sum3A_83, %div3A_84 : f32
      %mul3A = arith.constant 0.00999999977 : f32
      %mul3A_86 = arith.mulf %mul3A, %div3A_85 : f32
      %mul3A_87 = arith.mulf %div3A_76, %div3A_76 : f32
      %div3A_88 = arith.divf %mul3A_86, %mul3A_87 : f32
      %swap3A_89 = arith.constant 0 : index
      %swap3A_90 = arith.constant 0 : index
      %swap3A_91 = memref.load %arg5[%swap3A_89, %swap3A_90] : memref<1x1xf32, #tpu.memory_space<smem>>
      memref.store %div3A_88, %arg5[%swap3A_89, %swap3A_90] : memref<1x1xf32, #tpu.memory_space<smem>>
    } else {
    }
    return
  }
  func.func @transform_0(%arg0: i32) -> (i32, i32, i32) {
    %c0_i32 = arith.constant 0 : i32
    %c0_i32_0 = arith.constant 0 : i32
    %c0_i32_1 = arith.constant 0 : i32
    return %arg0, %c0_i32, %c0_i32_0 : i32, i32, i32
  }
  func.func @transform_1(%arg0: i32) -> (i32, i32, i32) {
    %c0_i32 = arith.constant 0 : i32
    %c0_i32_0 = arith.constant 0 : i32
    %c0_i32_1 = arith.constant 0 : i32
    return %arg0, %c0_i32, %c0_i32_0 : i32, i32, i32
  }
  func.func @transform_2(%arg0: i32) -> (i32, i32) {
    %c0_i32 = arith.constant 0 : i32
    %c0_i32_0 = arith.constant 0 : i32
    %c0_i32_1 = arith.constant 0 : i32
    return %c0_i32, %c0_i32_0 : i32, i32
  }
  func.func @transform_3(%arg0: i32) -> (i32, i32) {
    %c0_i32 = arith.constant 0 : i32
    %c0_i32_0 = arith.constant 0 : i32
    return %arg0, %c0_i32 : i32, i32
  }
  func.func @transform_4(%arg0: i32) -> (i32, i32) {
    %c0_i32 = arith.constant 0 : i32
    %c0_i32_0 = arith.constant 0 : i32
    %c0_i32_1 = arith.constant 0 : i32
    return %c0_i32, %c0_i32_0 : i32, i32
  }
}

</mosaic_0001>

<sc_bundles>
// kernel: kernel.11.cloned.1.call-start
scs
__scs_entry_jumppad:
0x0: {  	(pc) =	sbr.rel $0x88, $3  }
0x1: {  	(tag) =	ssettag $0x0;
	lr =	simm.s32 $0x1  }
0x2: {  	[smem:$0x3F9D] =	sst lr;
	_ =	strace $0xD0000000  }
0x3: {  	_ = 	snop  }
0x4: {  	_ = 	snop  }
0x5: {  	_ = 	snop  }
0x6: {  	_ = 	snop  }
0x7: {  	_ = 	snop  }
__scs_overlays_trampoline_lowered:
0x8: {  	[smem:$0x3FAC] =	sst s0  }
0x9: {  	[smem:$0x3FAD] =	sst s1  }
0xa: {  	[smem:$0x3FAE] =	sst s2  }
0xb: {  	[smem:$0x3FAF] =	sst s3  }
0xc: {  	[smem:$0x3FB0] =	sst s4  }
0xd: {  	[smem:$0x3FB1] =	sst s5  }
0xe: {  	[smem:$0x3FB2] =	sst s6  }
0xf: {  	[smem:$0x3FB3] =	sst s7  }
0x10: {  	[smem:$0x3FB4] =	sst s8  }
0x11: {  	[smem:$0x3FB5] =	sst s9;
	s0 =	simm.s32 @!p0 $0x0  }
0x12: {  	s1 =	sld [smem:$0x3F9B];
	s0 =	simm.s32 @p0 $0x1  }
0x13: {  	[smem:$0x3FB6] =	sst s0;
	s0 =	simm.s32 @!p1 $0x0  }
0x14: {  	s2 =	sld [smem:$0x3F9A];
	s0 =	simm.s32 @p1 $0x1  }
0x15: {  	[smem:$0x3FB7] =	sst s0;
	s0 =	simm.s32 @!p2 $0x0  }
0x16: {  	s3 =	sld [smem:$0x3FDB];
	s0 =	simm.s32 @p2 $0x1  }
0x17: {  	s4 =	simm.s32 $0x1BF5;
	[smem:$0x3FB9] =	sst s0  }
0x18: {  	s0 =	sld [smem:$0x3F9C];
	_ =	swait.ge [sflag:s4], $0x0  }
0x19: {  	s7 =	sld [smem:$0x3F9D]  }
0x1a: {  	s8 =	sadd.s32 $0xFFFFE003, lr  }
0x1b: {  	s9 =	sadd.s32 $0xFFFFFEF7, lr;
	s5 =	simm.s32 $0xFFFFFFFF;
	p2 =	slt.u32 s8, $0xFFFFF086  }
0x1c: {  	p1 =	slt.u32 s9, $0xF7A;
	s5 =	simm.s32 @!p2 $0x0  }
0x1d: {  	s5 =	simm.s32 @p1 $0x1;
	p0 =	seq.s32 s7, s2  }
0x1e: {  	s7 =	smul.u32 @!p0 $0xF7A, s2;
	p2 =	seq.s32 @!p0 s5, $0x0  }
0x1f: {  	s9 =	smul.u32 $0xF7A, s1;
	s8 =	simm.s32 @!p0 $0x1BF5;
	p2 =	por !p2, p0  }
0x20: {  	[sflag:s8] =	ssyncset.s32 @!p0 $0xFFFFF086;
	s6 =	sadd.s32 @!p0 s3, s7;
	s7 =	simm.s32 @!p0 $0x108  }
0x21: {  	s3 =	sadd.s32 s3, s9;
	s6 =	sadd.s32 @!p0 $0x88, s6;
	s7 =	simm.s32 @p2 $0x1082  }
0x22: {  	[simem:s7], [sflag:s8] =	dma.local @!p0 [hbm:s6], $0xF7A  }
0x23: {  	s9 =	sor.u32 $0xD0000000, s2;
	s6 =	simm.s32 $0x108;
	_ =	swait.ge @!p0 [sflag:s8], $0x0  }
0x24: {  	s3 =	sadd.s32 $0x88, s3;
	s6 =	simm.s32 @!p1 $0x1082;
	[sflag:s4] =	ssyncset.s32 $0xFFFFF086  }
0x25: {  	[simem:s6], [sflag:s4] =	dma.local [hbm:s3], $0xF7A  }
0x26: {  	[smem:$0x3F9D] =	sst s1;
	(tag) =	ssettag s2;
	_ =	strace s9  }
0x27: {  	s1 =	sld [smem:$0x3FAD]  }
0x28: {  	s2 =	sld [smem:$0x3FAE]  }
0x29: {  	s4 =	sld [smem:$0x3FB0]  }
0x2a: {  	p0 =	seq.s32 s5, $0x0;
	s5 =	sld [smem:$0x3FB1]  }
0x2b: {  	s6 =	sld [smem:$0x3FB2]  }
0x2c: {  	s7 =	sld [smem:$0x3FB3]  }
0x2d: {  	s3 =	simm.s32 $0x108;
	s8 =	sld [smem:$0x3FB4]  }
0x2e: {  	s3 =	simm.s32 @!p0 $0x1082;
	s9 =	sld [smem:$0x3FB5]  }
0x2f: {  	lr =	sadd.s32 s0, s3;
	s0 =	sld [smem:$0x3FAC]  }
0x30: {  	s3 =	sld [smem:$0x3FAF]  }
0x31: {  	[smem:$0x3FB8] =	sst s10  }
0x32: {  	s10 =	sld [smem:$0x3FB6];
	_ =	sdelay $0x3  }
0x33: {  	p0 =	seq.s32 s10, $0x1;
	s10 =	sld [smem:$0x3FB8];
	_ =	sdelay $0x3  }
0x34: {  	[smem:$0x3FB8] =	sst s10  }
0x35: {  	s10 =	sld [smem:$0x3FB7];
	_ =	sdelay $0x3  }
0x36: {  	p1 =	seq.s32 s10, $0x1;
	s10 =	sld [smem:$0x3FB8];
	_ =	sdelay $0x3  }
0x37: {  	[smem:$0x3FB8] =	sst s10  }
0x38: {  	s10 =	sld [smem:$0x3FB9]  }
0x39: {  	_ = 	snop;
	(pc) =	sbr.ind lr, $3  }
0x3a: {  	_ = 	snop  }
0x3b: {  	_ = 	snop  }
0x3c: {  	p2 =	seq.s32 s10, $0x1;
	s10 =	sld [smem:$0x3FB8]  }
0x3d: {  	_ =	shalt  }
0x3e: {  	_ =	shalt  }
0x3f: {  	_ =	shalt  }
0x40: {  	_ =	shalt  }
0x41: {  	_ =	shalt  }
0x42: {  	_ =	shalt  }
0x43: {  	_ =	shalt  }
0x44: {  	_ =	shalt  }
0x45: {  	_ =	shalt  }
0x46: {  	_ =	shalt  }
0x47: {  	_ =	shalt  }
0x48: {  	_ =	shalt  }
0x49: {  	_ =	shalt  }
0x4a: {  	_ =	shalt  }
0x4b: {  	_ =	shalt  }
0x4c: {  	_ =	shalt  }
0x4d: {  	_ =	shalt  }
0x4e: {  	_ =	shalt  }
0x4f: {  	_ =	shalt  }
0x50: {  	_ =	shalt  }
0x51: {  	_ =	shalt  }
0x52: {  	_ =	shalt  }
0x53: {  	_ =	shalt  }
0x54: {  	_ =	shalt  }
0x55: {  	_ =	shalt  }
0x56: {  	_ =	shalt  }
0x57: {  	_ =	shalt  }
0x58: {  	_ =	shalt  }
0x59: {  	_ =	shalt  }
0x5a: {  	_ =	shalt  }
0x5b: {  	_ =	shalt  }
0x5c: {  	_ =	shalt  }
0x5d: {  	_ =	shalt  }
0x5e: {  	_ =	shalt  }
0x5f: {  	_ =	shalt  }
0x60: {  	_ =	shalt  }
0x61: {  	_ =	shalt  }
0x62: {  	_ =	shalt  }
0x63: {  	_ =	shalt  }
0x64: {  	_ =	shalt  }
0x65: {  	_ =	shalt  }
0x66: {  	_ =	shalt  }
0x67: {  	_ =	shalt  }
0x68: {  	_ =	shalt  }
0x69: {  	_ =	shalt  }
0x6a: {  	_ =	shalt  }
0x6b: {  	_ =	shalt  }
0x6c: {  	_ =	shalt  }
0x6d: {  	_ =	shalt  }
0x6e: {  	_ =	shalt  }
0x6f: {  	_ =	shalt  }
0x70: {  	_ =	shalt  }
0x71: {  	_ =	shalt  }
0x72: {  	_ =	shalt  }
0x73: {  	_ =	shalt  }
0x74: {  	_ =	shalt  }
0x75: {  	_ =	shalt  }
0x76: {  	_ =	shalt  }
0x77: {  	_ =	shalt  }
0x78: {  	_ =	shalt  }
0x79: {  	_ =	shalt  }
0x7a: {  	_ =	shalt  }
0x7b: {  	_ =	shalt  }
0x7c: {  	_ =	shalt  }
0x7d: {  	_ =	shalt  }
0x7e: {  	_ =	shalt  }
0x7f: {  	_ =	shalt  }
0x80: {  	_ =	shalt  }
0x81: {  	_ =	shalt  }
0x82: {  	_ =	shalt  }
0x83: {  	_ =	shalt  }
0x84: {  	_ =	shalt  }
0x85: {  	_ =	shalt  }
0x86: {  	_ =	shalt  }
0x87: {  	_ =	shalt  }
.Lfunc_end0:
.L_simem_size_0:
called_computation.1_lowered:
.L_overlay_start_0:
0x88: {  	s2 =	sld [smem:$0x3FD9]  }
0x89: {  	s3 =	sld [smem:$0x3FFE];
	_ =	sdelay $0x1  }
0x8a: {  	s1 =	srdreg.scid  }
0x8b: {  	s0 =	sand.u32 $0x1, s1  }
0x8c: {  	s15 =	sshll.u32 s0, $0xA;
	s2 =	sadd.s32 s3, s2  }
0x8d: {  	s2 =	sadd.s32 s2, s15  }
0x8e: {  	[smem:$0x3FC4] =	sst s2  }
0x8f: {  	_ = 	snop  }
0x90: {  	s2 =	sld [smem:$0x3FD0];
	_ =	sdelay $0x2  }
0x91: {  	s16 =	simm.s32 $0xB;
	s4 =	simm.s32 $0x10  }
0x92: {  	[smem:s4], [sflag:s16] =	dma.local [hbm:s2], $0x1  }
0x93: {  	_ =	swait.eq [sflag:s16], $0x1  }
0x94: {  	[sflag:s16] =	ssyncset.done $0x0  }
0x95: {  	[sflag:s16] =	ssyncadd.s32 $0xFFFFFFFF  }
0x96: {  	s17 =	sld [smem:$0x10];
	(tm) =	ssettm $0x1  }
0x97: {  	s18 =	sld [smem:$0x3FFB];
	_ =	sdelay $0x3  }
0x98: {  	_ =	strace s18  }
0x99: {  	s2 =	sld [smem:$0x3FFC];
	_ =	sdelay $0x3  }
0x9a: {  	_ =	strace s2  }
0x9b: {  	s2 =	sld [smem:$0x3FFD];
	_ =	sdelay $0x3  }
0x9c: {  	_ =	strace s2  }
0x9d: {  	_ =	strace $0x8FFFFFFF  }
0x9e: {  	s19 =	sld [smem:$0x3FDB];
	_ =	sdelay $0x1  }
0x9f: {  	s20 =	simm.s32 $_scs_section_size  }
0xa0: {  	s5 =	simm.s32 $_size__tile_overlayer_lowered;
	s6 =	simm.s32 $_tile_overlayer_lowered  }
0xa1: {  	s7 =	simm.s32 $0x1BFF;
	s21 =	sshll.u32 s6, $0x1;
	s4 =	sadd.s32 s20, s19  }
0xa2: {  	s22 =	simm.s32 $0x0;
	s5 =	sshll.u32 s5, $0x1;
	s6 =	sadd.s32 s21, s4  }
0xa3: {  	[timem:s22], [sflag:s7] =	dma.local [hbm:s6], s5  }
0xa4: {  	_ =	swait.ge [sflag:s7], s5  }
0xa5: {  	s5 =	ssub.s32 $0x0, s5;
	[sflag:s7] =	ssyncset.done $0x0  }
0xa6: {  	[sflag:s7] =	ssyncadd.s32 s5;
	_ =	sdelay $0x1  }
0xa7: {  	s23 =	simm.s32 $0x1B8B  }
0xa8: {  	_ =	swait.ge [sflag:s23], $0x1  }
0xa9: {  	[sflag:s23] =	ssyncset.done $0x0  }
0xaa: {  	[sflag:s23] =	ssyncadd.s32 $0xFFFFFFFF  }
0xab: {  	s5 =	sld [smem:$0x0]  }
0xac: {  	s6 =	sand.u32 $0xFFFFFFFE, s1  }
0xad: {  	p0 =	sne.s32 s1, s6  }
0xae: {  	s6 =	sshll.u32 @p0 s6, $0xE  }
0xaf: {  	s6 =	sadd.s32 @p0 $0x11B8D, s6;
	s7 =	sshll.u32 @p0 s5, $0x11  }
0xb0: {  	s6 =	sor.u32 @p0 s7, s6  }
0xb1: {  	[sflag:s6] =	ssyncadd.remote.s32 @p0 $0x1;
	_ =	sdelay $0x1  }
0xb2: {  	s6 =	simm.s32 @p0 $0x1B8D  }
0xb3: {  	_ =	swait.eq @p0 [sflag:s6], $0x1  }
0xb4: {  	[sflag:s6] =	ssyncadd.s32 @p0 $0xFFFFFFFF  }
0xb5: {  	s7 =	sshll.u32 @!p0 s1, $0xE  }
0xb6: {  	s7 =	sor.u32 @!p0 $0x4000, s7;
	s6 =	simm.s32 @!p0 $0x1B8D  }
0xb7: {  	s5 =	sshll.u32 @!p0 s5, $0x11;
	s7 =	sadd.s32 @!p0 $0x11B8D, s7;
	_ =	swait.eq @!p0 [sflag:s6], $0x1  }
0xb8: {  	s5 =	sor.u32 @!p0 s5, s7;
	[sflag:s6] =	ssyncadd.s32 @!p0 $0xFFFFFFFF  }
0xb9: {  	s25 =	simm.s32 $0x1B8E;
	s24 =	sld [smem:$0x3FFE];
	[sflag:s5] =	ssyncadd.remote.s32 @!p0 $0x1  }
0xba: {  	s26 =	simm.s32 $execute0_lowered;
	[smem:$0x3FD2] =	sst s25  }
0xbb: {  	s6 =	sshll.u32 s26, $0x1;
	_ =	strace $0x80000049;
	[dreg:$0x1] =	wrdreg $0xFFFFFFFF  }
0xbc: {  	s28 =	simm.s32 $_size_execute0_lowered;
	s4 =	sadd.s32 s4, s6;
	[dreg:$0x0] =	wrdreg $0x0  }
0xbd: {  	s6 =	sshll.u32 s28, $0x1;
	[dreg:$0x2] =	wrdreg s4  }
0xbe: {  	[dreg:$0x3] =	wrdreg s6  }
0xbf: {  	[dreg:$0x4] =	wrdreg $0xC0  }
0xc0: {  	_ =	task [dreg:s22], $0x5FFFF  }
0xc1: {  	[dreg:$0x1] =	wrdreg $0xFFFFFFFF  }
0xc2: {  	[dreg:$0x0] =	wrdreg $0x60  }
0xc3: {  	[dreg:$0x2] =	wrdreg s17  }
0xc4: {  	[dreg:$0x3] =	wrdreg s24  }
0xc5: {  	[dreg:$0x4] =	wrdreg $0xA  }
0xc6: {  	_ =	task.clear_ibuf [dreg:s22], $0x5FFFF;
	_ =	strace $0x90000049  }
0xc7: {  	s29 =	simm.s32 $0xA;
	_ =	strace $0x8000004B  }
0xc8: {  	_ =	swait.ge [sflag:s29], $0x1  }
0xc9: {  	[sflag:s29] =	ssyncadd.s32 $0xFFFFFFFF  }
0xca: {  	_ =	strace $0x9000004B  }
0xcb: {  	_ =	sfence  }
0xcc: {  	s30 =	sld [smem:$0x0];
	_ =	sdelay $0x2  }
0xcd: {  	s31 =	sshll.u32 s1, $0xD;
	s1 =	sshrl.u32 s1, $0x2  }
0xce: {  	s4 =	sand.u32 $0x4000, s31;
	s1 =	sadd.s32 s1, s30  }
0xcf: {  	s0 =	sor.u32 s4, s0;
	s1 =	sshll.u32 s1, $0x11  }
0xd0: {  	s0 =	sor.u32 s1, s0  }
0xd1: {  	s0 =	sadd.s32 $0x8F2B, s0  }
0xd2: {  	[sflag:s0] =	ssyncadd.remote.s32 $0x1  }
0xd3: {  	_ =	sfence.sel $0xFFFF  }
0xd4: {  	[dreg:$0x0] =	wrdreg $0xFFFFFFFF;
	(pc) =	sbr.abs _section_cstart, $3  }
0xd5: {  	[dreg:$0x1] =	wrdreg $0xFFFFFFFF  }
0xd6: {  	_ =	task.clear_ibuf [dreg:s22], $0x2FFFF;
	_ =	strace $0x9FFFFFFF  }
0xd7: {  	(tm) =	ssettm $0x7FFFFFFF  }
tec
execute0_lowered:
.L_overlay_start_1:
0x0: {  	(tag) =	ssettag $0x1  }
0x1: {  	s3 =	rddreg [dreg:$0x0]  }
0x2: {  	s4 =	rddreg [dreg:$0x1];
	s2 =	srdreg.scid  }
0x3: {  	s0 =	rddreg [dreg:$0x2];
	s1 =	stileid.u32  }
0x4: {  	s9 =	simm.s32 $0x8100;
	s10 =	simm.s32 $0x0;
	s5 =	sand.u32 $0x1, s2  }
0x5: {  	s2 =	simm.s32 $0x0;
	s6 =	sshll.u32 s1, $0x9;
	s7 =	sshll.u32 s5, $0x8  }
0x6: {  	[smem:$0x7FF] =	sst s2;
	s5 =	ssub.s32 $0x2, s5;
	s6 =	sor.u32 s7, s6  }
0x7: {  	v0 =	vlaneseq.u32;
	_ =	strace $0x8000004A;
	s31 =	sshrl.u32 s5, $0x1;
	s7 =	sshrl.u32 s6, $0x3  }
0x8: {  	v1 =	vmul.u32 $0x80, v0;
	s6 =	sshll.u32 s6, $0x4;
	s8 =	ssub.s32 s5, s31;
	s7 =	sadd.s32 s7, s4  }
0x9: {  	s3 =	sadd.s32 s3, s6;
	s6 =	smax.u32 s8, $0x1;
	s8 =	simm.s32 $0x8000  }
0xa: {  	v2 =	vimm.s32 $0x0;
	[tilespmem:$0x1FFF0] =	vst v1;
	s4 =	sadd.s32 $0x22800, s7;
	s5 =	sadd.s32 $0x22C00, s7;
	s7 =	simm.s32 $0x1  }
.LBB2_1:
0xb: {  	v0 =	vmov s2  }
0xc: {  	v0 =	vshll.u32 v0, $0x7  }
0xd: {  	v39 =	vor.u32 v1, v0  }
0xe: {  	v6 =	vor.u32 $0xF, v39  }
0xf: {  	v4 =	vor.u32 $0x1F, v39;
	v3 =	vor.u32 $0x2F, v39;
	v11 =	vor.u32 $0xE, v39  }
0x10: {  	v8 =	vor.u32 $0x1E, v39;
	v0 =	vor.u32 $0x3F, v39;
	v13 =	vor.u32 $0xD, v39  }
0x11: {  	[tilespmem:s2], [sflag:$0x1] =	stream.linear.gather [hbm4b:s3+s2], $0x8000, $0x38;
	v7 =	vor.u32 $0x2E, v39;
	v5 =	vor.u32 $0x3E, v39;
	v12 =	vor.u32 $0x1D, v39;
	[tilespmem:$0x8200] =	vst v63  }
0x12: {  	v10 =	vor.u32 $0x2D, v39;
	v9 =	vor.u32 $0x3D, v39;
	v1 =	vor.u32 $0x1, v39;
	[tilespmem:$0x1FCD0] =	vst v0  }
0x13: {  	v19 =	vor.u32 $0xC, v39;
	v16 =	vor.u32 $0x1C, v39;
	v36 =	vor.u32 $0x11, v39;
	_ =	swait.ge [sflag:s7], $0x8000  }
0x14: {  	v15 =	vor.u32 $0x2C, v39;
	v22 =	vor.u32 $0xB, v39;
	v37 =	vor.u32 $0x21, v39;
	[sflag:s7] =	ssyncset.done $0x0  }
0x15: {  	v20 =	vor.u32 $0x1B, v39;
	v14 =	vor.u32 $0x3C, v39;
	v40 =	vor.u32 $0x31, v39;
	[sflag:s7] =	ssyncadd.s32 $0xFFFF8000  }
0x16: {  	v25 =	vor.u32 $0xA, v39;
	v18 =	vor.u32 $0x2B, v39;
	v46 =	vor.u32 $0x10, v39;
	v45 =	vld.idx.msk [tilespmem:v39+s2+$0x0], $0xffff  }
0x17: {  	v17 =	vor.u32 $0x3B, v39;
	v24 =	vor.u32 $0x1A, v39;
	v47 =	vor.u32 $0x20, v39;
	v48 =	vld.idx.msk [tilespmem:v1+s2+$0x0], $0xffff  }
0x18: {  	v23 =	vor.u32 $0x2A, v39;
	v21 =	vor.u32 $0x3A, v39;
	v49 =	vor.u32 $0x30, v39;
	v50 =	vld.idx.msk [tilespmem:v36+s2+$0x0], $0xffff  }
0x19: {  	v29 =	vor.u32 $0x9, v39;
	v28 =	vor.u32 $0x19, v39;
	v55 =	vor.u32 $0x2, v39;
	v51 =	vld.idx.msk [tilespmem:v37+s2+$0x0], $0xffff  }
0x1a: {  	v27 =	vor.u32 $0x29, v39;
	v26 =	vor.u32 $0x39, v39;
	v58 =	vor.u32 $0x12, v39;
	v52 =	vld.idx.msk [tilespmem:v40+s2+$0x0], $0xffff  }
0x1b: {  	v32 =	vor.u32 $0x18, v39;
	v31 =	vor.u32 $0x28, v39;
	v59 =	vor.u32 $0x22, v39;
	v46 =	vld.idx.msk [tilespmem:v46+s2+$0x0], $0xffff  }
0x1c: {  	v30 =	vor.u32 $0x38, v39;
	v35 =	vor.u32 $0x7, v39;
	v53 =	vor.u32 $0x3, v39;
	v47 =	vld.idx.msk [tilespmem:v47+s2+$0x0], $0xffff  }
0x1d: {  	v34 =	vor.u32 $0x17, v39;
	v33 =	vor.u32 $0x27, v39;
	v60 =	vor.u32 $0x32, v39;
	v49 =	vld.idx.msk [tilespmem:v49+s2+$0x0], $0xffff  }
0x1e: {  	v41 =	vor.u32 $0x6, v39;
	v38 =	vor.u32 $0x16, v39;
	v44 =	vor.u32 $0x5, v39;
	v55 =	vld.idx.msk [tilespmem:v55+s2+$0x0], $0xffff  }
0x1f: {  	v43 =	vor.u32 $0x15, v39;
	v42 =	vor.u32 $0x25, v39;
	v54 =	vor.u32 $0x13, v39;
	v58 =	vld.idx.msk [tilespmem:v58+s2+$0x0], $0xffff  }
0x20: {  	v56 =	vor.u32 $0x23, v39;
	v57 =	vor.u32 $0x33, v39;
	v0 =	vor.u32 $0x8, v39;
	v59 =	vld.idx.msk [tilespmem:v59+s2+$0x0], $0xffff  }
0x21: {  	v1 =	vor.u32 $0x37, v39;
	v37 =	vor.u32 $0x26, v39;
	v36 =	vor.u32 $0x36, v39;
	v53 =	vld.idx.msk [tilespmem:v53+s2+$0x0], $0xffff  }
0x22: {  	v40 =	vor.u32 $0x35, v39;
	v60 =	vld.idx.msk [tilespmem:v60+s2+$0x0], $0xffff;
	[tilespmem:$0x1FCB0] =	vst v0;
	v0 =	vimm.s32 $0x0;
	vm0 =	vgt.f32 v45, $-Inf  }
0x23: {  	vm9 =	vlt.f32 v48, $-Inf;
	vm11 =	vgt.f32 v48, $-Inf;
	vm2 =	vlt.f32 v50, $-Inf  }
0x24: {  	vm3 =	vgt.f32 v50, $-Inf;
	vm4 =	vlt.f32 v51, $-Inf;
	vm5 =	vgt.f32 v51, $-Inf  }
0x25: {  	vm6 =	vlt.f32 v52, $-Inf;
	vm7 =	vlt.f32 v46, $-Inf;
	vm8 =	vgt.f32 v46, $-Inf  }
0x26: {  	vm13 =	vgt.f32 v52, $-Inf;
	vm14 =	vlt.f32 v47, $-Inf;
	vm15 =	vgt.f32 v47, $-Inf  }
0x27: {  	vm1 =	vgt.f32 v49, $-Inf;
	v45 =	vnsel vm0, $0xFF800000, v45;
	vm0 =	vlt.f32 v49, $-Inf  }
0x28: {  	vm9 =	vmor vm11, vm9;
	vm12 =	vmor vm3, vm2;
	vm11 =	vmor vm5, vm4  }
0x29: {  	vm4 =	vmor vm13, vm6;
	vm2 =	vmor vm8, vm7;
	vm3 =	vmor vm15, vm14  }
0x2a: {  	vm10 =	vgt.f32 v48, v45;
	vm5 =	vmor vm1, vm0;
	v61 =	vsel vm2, $0x10, v2  }
0x2b: {  	v62 =	vsel vm3, $0x20, v2;
	v63 =	vnsel vm9, $0xFF800000, v48;
	v46 =	vnsel vm2, $0xFF800000, v46  }
0x2c: {  	v47 =	vnsel vm3, $0xFF800000, v47;
	v48 =	vsel vm10, v48, v45;
	v45 =	vsel vm10, v45, v63  }
0x2d: {  	vm1 =	vgt.f32 v50, v46;
	v63 =	vnsel vm12, $0xFF800000, v50;
	vm0 =	vgt.f32 v51, v47  }
0x2e: {  	v49 =	vnsel vm5, $0xFF800000, v49;
	v50 =	vsel vm1, v50, v46;
	v46 =	vsel vm1, v46, v63  }
0x2f: {  	v63 =	vnsel vm11, $0xFF800000, v51;
	v51 =	vsel vm0, v51, v47;
	vm8 =	vgt.f32 v55, v48  }
0x30: {  	vm2 =	vgt.f32 v52, v49;
	vm6 =	vgt.f32 v55, v45;
	v47 =	vsel vm0, v47, v63  }
0x31: {  	v63 =	vnsel vm4, $0xFF800000, v52;
	v52 =	vsel vm2, v52, v49;
	v45 =	vsel vm6, v55, v45  }
0x32: {  	v55 =	vsel vm8, v55, v48;
	vm7 =	vgt.f32 v58, v46;
	vm3 =	vgt.f32 v59, v51  }
0x33: {  	v49 =	vsel vm2, v49, v63;
	v63 =	vsel vm10, $0x1, v2;
	v45 =	vsel vm8, v48, v45  }
0x34: {  	v48 =	vsel vm5, $0x30, v2;
	v0 =	vsel vm7, $0xFFFFFFFF, v0;
	vm5 =	vgt.f32 v58, v50  }
0x35: {  	v46 =	vsel vm7, v58, v46;
	vm7 =	vgt.f32 v59, v47;
	vm10 =	vmneg vm10  }
0x36: {  	vm13 =	vgt.f32 v53, v55;
	[tilespmem:$0x1FCC0] =	vst v0;
	v58 =	vsel vm5, v58, v50;
	v46 =	vsel vm5, v50, v46  }
0x37: {  	v50 =	vsel vm12, $0x11, v2;
	v47 =	vsel vm7, v59, v47;
	v59 =	vsel vm3, v59, v51;
	v0 =	vld [tilespmem:$0x1FCB0]  }
0x38: {  	vm15 =	vgt.f32 v53, v45;
	v47 =	vsel vm3, v51, v47;
	v51 =	vsel vm11, $0x21, v2;
	v54 =	vld.idx.msk [tilespmem:v54+s2+$0x0], $0xffff  }
0x39: {  	vm11 =	vmand vm9, vm10;
	vm10 =	vgt.f32 v60, v49;
	v56 =	vld.idx.msk [tilespmem:v56+s2+$0x0], $0xffff;
	vm9 =	vgt.f32 v60, v52  }
0x3a: {  	v45 =	vsel vm15, v53, v45;
	v53 =	vsel vm13, v53, v55;
	v57 =	vld.idx.msk [tilespmem:v57+s2+$0x0], $0xffff;
	v50 =	vsel vm1, v61, v50  }
0x3b: {  	v61 =	vsel vm1, $0x11, v61;
	v49 =	vsel vm10, v60, v49;
	v60 =	vsel vm9, v60, v52  }
0x3c: {  	v45 =	vsel vm13, v55, v45;
	v49 =	vsel vm9, v52, v49;
	v52 =	vsel vm11, $0x1, v2  }
0x3d: {  	v55 =	vsel vm4, $0x31, v2;
	v51 =	vsel vm0, v62, v51;
	v52 =	vsel vm6, $0x2, v52  }
0x3e: {  	vm14 =	vgt.f32 v54, v46;
	vm11 =	vgt.f32 v54, v58;
	vm4 =	vgt.f32 v56, v59  }
0x3f: {  	vm12 =	vgt.f32 v56, v47;
	vm6 =	vgt.f32 v57, v49;
	vm1 =	vgt.f32 v57, v60  }
0x40: {  	v46 =	vsel vm14, v54, v46;
	v54 =	vsel vm11, v54, v58;
	v47 =	vsel vm12, v56, v47  }
0x41: {  	v56 =	vsel vm4, v56, v59;
	v46 =	vsel vm11, v58, v46;
	v58 =	vor.u32 $0x4, v39  }
0x42: {  	v49 =	vsel vm6, v57, v49;
	v47 =	vsel vm4, v59, v47;
	v59 =	vor.u32 $0x14, v39  }
0x43: {  	v2 =	vld [tilespmem:$0x1FCC0];
	v57 =	vsel vm1, v57, v60;
	v49 =	vsel vm1, v60, v49;
	v60 =	vor.u32 $0x24, v39  }
0x44: {  	v62 =	vsel vm0, $0x21, v62;
	v51 =	vsel vm7, $0x22, v51;
	v39 =	vor.u32 $0x34, v39  }
0x45: {  	v55 =	vsel vm2, v48, v55;
	v48 =	vsel vm2, $0x31, v48;
	v51 =	vsel vm3, v62, v51  }
0x46: {  	v62 =	vsel vm3, $0x22, v62;
	v55 =	vsel vm10, $0x32, v55;
	v52 =	vsel vm8, v63, v52;
	v58 =	vld.idx.msk [tilespmem:v58+s2+$0x0], $0xffff  }
0x47: {  	v63 =	vsel vm8, $0x2, v63;
	v55 =	vsel vm9, v48, v55;
	v52 =	vsel vm15, $0x3, v52;
	v59 =	vld.idx.msk [tilespmem:v59+s2+$0x0], $0xffff  }
0x48: {  	v48 =	vsel vm9, $0x32, v48;
	v52 =	vsel vm13, v63, v52;
	vm0 =	vnez.u8 v2;
	v60 =	vld.idx.msk [tilespmem:v60+s2+$0x0], $0xffff  }
0x49: {  	v63 =	vsel vm13, $0x3, v63;
	v51 =	vsel vm12, $0x23, v51;
	v50 =	vsel vm0, $0x12, v50;
	v39 =	vld.idx.msk [tilespmem:v39+s2+$0x0], $0xffff  }
0x4a: {  	v55 =	vsel vm6, $0x33, v55;
	v51 =	vsel vm4, v62, v51;
	v50 =	vsel vm5, v61, v50  }
0x4b: {  	v62 =	vsel vm4, $0x23, v62;
	v61 =	vsel vm5, $0x12, v61;
	v50 =	vsel vm14, $0x13, v50  }
0x4c: {  	v55 =	vsel vm1, v48, v55;
	v48 =	vsel vm1, $0x33, v48;
	v50 =	vsel vm11, v61, v50  }
0x4d: {  	v61 =	vsel vm11, $0x13, v61;
	vm0 =	vgt.f32 v58, v45;
	vm2 =	vgt.f32 v58, v53  }
0x4e: {  	v44 =	vld.idx.msk [tilespmem:v44+s2+$0x0], $0xffff;
	vm1 =	vgt.f32 v59, v54;
	vm6 =	vgt.f32 v60, v56;
	vm3 =	vgt.f32 v39, v57  }
0x4f: {  	vm4 =	vgt.f32 v59, v46;
	vm5 =	vgt.f32 v39, v49;
	v52 =	vsel vm0, $0x4, v52  }
0x50: {  	v43 =	vld.idx.msk [tilespmem:v43+s2+$0x0], $0xffff;
	v45 =	vsel vm0, v58, v45;
	v58 =	vsel vm2, v58, v53;
	v50 =	vsel vm4, $0x14, v50  }
0x51: {  	v40 =	vld.idx.msk [tilespmem:v40+s2+$0x0], $0xffff;
	v55 =	vsel vm5, $0x34, v55;
	v46 =	vsel vm4, v59, v46;
	v59 =	vsel vm1, v59, v54  }
0x52: {  	v49 =	vsel vm5, v39, v49;
	v39 =	vsel vm3, v39, v57;
	v52 =	vsel vm2, v63, v52  }
0x53: {  	v63 =	vsel vm2, $0x4, v63;
	vm0 =	vgt.f32 v44, v58;
	v45 =	vsel vm2, v53, v45  }
0x54: {  	v41 =	vld.idx.msk [tilespmem:v41+s2+$0x0], $0xffff;
	v53 =	vsel vm1, $0x14, v61;
	vm2 =	vgt.f32 v60, v47;
	v50 =	vsel vm1, v61, v50  }
0x55: {  	v42 =	vld.idx.msk [tilespmem:v42+s2+$0x0], $0xffff;
	v61 =	vsel vm6, $0x24, v62;
	v55 =	vsel vm3, v48, v55;
	v48 =	vsel vm3, $0x34, v48  }
0x56: {  	v46 =	vsel vm1, v54, v46;
	vm4 =	vgt.f32 v43, v59;
	vm1 =	vgt.f32 v40, v39  }
0x57: {  	v49 =	vsel vm3, v57, v49;
	v51 =	vsel vm2, $0x24, v51;
	v54 =	vsel vm0, v44, v58  }
0x58: {  	v47 =	vsel vm2, v60, v47;
	v60 =	vsel vm6, v60, v56;
	vm9 =	vgt.f32 v40, v49  }
0x59: {  	v51 =	vsel vm6, v62, v51;
	v62 =	vsel vm0, $0x5, v63;
	vm2 =	vgt.f32 v41, v54  }
0x5a: {  	vm5 =	vgt.f32 v42, v60;
	v47 =	vsel vm6, v56, v47;
	v56 =	vsel vm4, $0x15, v53  }
0x5b: {  	v35 =	vld.idx.msk [tilespmem:v35+s2+$0x0], $0xffff;
	vm6 =	vgt.f32 v44, v45;
	v49 =	vsel vm9, v40, v49;
	v40 =	vsel vm1, v40, v39  }
0x5c: {  	v36 =	vld.idx.msk [tilespmem:v36+s2+$0x0], $0xffff;
	v55 =	vsel vm9, $0x35, v55;
	v57 =	vsel vm5, $0x25, v61;
	v52 =	vsel vm6, $0x5, v52  }
0x5d: {  	v38 =	vld.idx.msk [tilespmem:v38+s2+$0x0], $0xffff;
	v44 =	vsel vm6, v44, v45;
	v45 =	vsel vm2, $0x6, v62;
	vm6 =	vgt.f32 v43, v46  }
0x5e: {  	v37 =	vld.idx.msk [tilespmem:v37+s2+$0x0], $0xffff;
	vm8 =	vgt.f32 v42, v47;
	v39 =	vsel vm1, v39, v49;
	v52 =	vsel vm0, v63, v52  }
0x5f: {  	v63 =	vsel vm1, $0x35, v48;
	v44 =	vsel vm0, v58, v44;
	v58 =	vsel vm2, v41, v54  }
0x60: {  	v46 =	vsel vm6, v43, v46;
	v43 =	vsel vm4, v43, v59;
	v47 =	vsel vm8, v42, v47  }
0x61: {  	v42 =	vsel vm5, v42, v60;
	v50 =	vsel vm6, $0x15, v50;
	vm6 =	vgt.f32 v36, v40  }
0x62: {  	v51 =	vsel vm8, $0x25, v51;
	v48 =	vsel vm1, v48, v55;
	vm3 =	vgt.f32 v38, v43  }
0x63: {  	v34 =	vld.idx.msk [tilespmem:v34+s2+$0x0], $0xffff;
	vm0 =	vgt.f32 v35, v58;
	vm7 =	vgt.f32 v37, v42;
	v50 =	vsel vm4, v53, v50  }
0x64: {  	v0 =	vld.idx.msk [tilespmem:v0+s2+$0x0], $0xffff;
	v51 =	vsel vm5, v61, v51;
	v46 =	vsel vm4, v59, v46;
	v59 =	vsel vm6, $0x36, v63  }
0x65: {  	v33 =	vld.idx.msk [tilespmem:v33+s2+$0x0], $0xffff;
	v47 =	vsel vm5, v60, v47;
	vm4 =	vgt.f32 v41, v44;
	v53 =	vsel vm3, $0x16, v56  }
0x66: {  	v61 =	vsel vm7, $0x26, v57;
	v55 =	vsel vm0, $0x7, v45;
	v60 =	vsel vm0, v35, v58  }
0x67: {  	v1 =	vld.idx.msk [tilespmem:v1+s2+$0x0], $0xffff;
	v49 =	vsel vm3, v38, v43;
	v52 =	vsel vm4, $0x6, v52;
	v41 =	vsel vm4, v41, v44  }
0x68: {  	v44 =	vsel vm7, v37, v42;
	vm5 =	vgt.f32 v38, v46;
	v52 =	vsel vm2, v62, v52  }
0x69: {  	v62 =	vsel vm6, v36, v40;
	vm4 =	vgt.f32 v0, v60;
	vm11 =	vgt.f32 v34, v49  }
0x6a: {  	vm8 =	vgt.f32 v33, v44;
	v41 =	vsel vm2, v54, v41;
	v50 =	vsel vm5, $0x16, v50  }
0x6b: {  	v38 =	vsel vm5, v38, v46;
	vm2 =	vgt.f32 v37, v47;
	vm5 =	vgt.f32 v36, v39  }
0x6c: {  	v29 =	vld.idx.msk [tilespmem:v29+s2+$0x0], $0xffff;
	vm1 =	vgt.f32 v1, v62;
	v54 =	vsel vm11, $0x17, v53;
	v46 =	vsel vm4, $0x8, v55  }
0x6d: {  	v32 =	vld.idx.msk [tilespmem:v32+s2+$0x0], $0xffff;
	v50 =	vsel vm3, v56, v50;
	v56 =	vsel vm8, $0x27, v61;
	v37 =	vsel vm2, v37, v47  }
0x6e: {  	v31 =	vld.idx.msk [tilespmem:v31+s2+$0x0], $0xffff;
	v36 =	vsel vm5, v36, v39;
	v39 =	vsel vm4, v0, v60;
	v51 =	vsel vm2, $0x26, v51  }
0x6f: {  	v30 =	vld.idx.msk [tilespmem:v30+s2+$0x0], $0xffff;
	v48 =	vsel vm5, $0x36, v48;
	v38 =	vsel vm3, v43, v38;
	v47 =	vsel vm1, $0x37, v59  }
0x70: {  	v51 =	vsel vm7, v57, v51;
	v57 =	vsel vm11, v34, v49;
	v48 =	vsel vm6, v63, v48  }
0x71: {  	v63 =	vsel vm8, v33, v44;
	v43 =	vsel vm1, v1, v62;
	vm2 =	vgt.f32 v29, v39  }
0x72: {  	v37 =	vsel vm7, v42, v37;
	v40 =	vsel vm6, v40, v36;
	vm6 =	vgt.f32 v35, v41  }
0x73: {  	vm12 =	vgt.f32 v34, v38;
	vm10 =	vgt.f32 v32, v57;
	vm5 =	vgt.f32 v31, v63  }
0x74: {  	v25 =	vld.idx.msk [tilespmem:v25+s2+$0x0], $0xffff;
	vm3 =	vgt.f32 v30, v43;
	v36 =	vsel vm2, $0x9, v46;
	v35 =	vsel vm6, v35, v41  }
0x75: {  	v28 =	vld.idx.msk [tilespmem:v28+s2+$0x0], $0xffff;
	v52 =	vsel vm6, $0x7, v52;
	v34 =	vsel vm12, v34, v38;
	vm13 =	vgt.f32 v33, v37  }
0x76: {  	v27 =	vld.idx.msk [tilespmem:v27+s2+$0x0], $0xffff;
	vm14 =	vgt.f32 v1, v40;
	v50 =	vsel vm12, $0x17, v50;
	v42 =	vsel vm10, $0x18, v54  }
0x77: {  	v26 =	vld.idx.msk [tilespmem:v26+s2+$0x0], $0xffff;
	v41 =	vsel vm5, $0x28, v56;
	v45 =	vsel vm0, v45, v52;
	v52 =	vsel vm3, $0x38, v47  }
0x78: {  	v35 =	vsel vm0, v58, v35;
	v58 =	vsel vm10, v32, v57;
	v38 =	vsel vm5, v31, v63  }
0x79: {  	v33 =	vsel vm13, v33, v37;
	v37 =	vsel vm2, v29, v39;
	v1 =	vsel vm14, v1, v40  }
0x7a: {  	v40 =	vsel vm3, v30, v43;
	v50 =	vsel vm11, v53, v50;
	v51 =	vsel vm13, $0x27, v51  }
0x7b: {  	v48 =	vsel vm14, $0x37, v48;
	v34 =	vsel vm11, v49, v34;
	vm0 =	vgt.f32 v25, v37  }
0x7c: {  	vm7 =	vgt.f32 v28, v58;
	vm9 =	vgt.f32 v27, v38;
	vm6 =	vgt.f32 v26, v40  }
0x7d: {  	v24 =	vld.idx.msk [tilespmem:v24+s2+$0x0], $0xffff;
	v51 =	vsel vm8, v61, v51;
	v48 =	vsel vm1, v59, v48;
	v33 =	vsel vm8, v44, v33  }
0x7e: {  	v2 =	vld.idx.msk [tilespmem:v23+s2+$0x0], $0xffff;
	v1 =	vsel vm1, v62, v1;
	vm1 =	vgt.f32 v0, v35;
	v62 =	vimm.s32 $0x0  }
0x7f: {  	v22 =	vld.idx.msk [tilespmem:v22+s2+$0x0], $0xffff;
	v53 =	vsel vm7, $0x19, v42;
	v23 =	vsel vm0, $0xA, v36;
	v59 =	vsel vm9, $0x29, v41  }
0x80: {  	v49 =	vsel vm6, $0x39, v52;
	v44 =	vsel vm7, v28, v58;
	v61 =	vsel vm9, v27, v38  }
0x81: {  	v21 =	vld.idx.msk [tilespmem:v21+s2+$0x0], $0xffff;
	v0 =	vsel vm1, v0, v35;
	v35 =	vsel vm0, v25, v37;
	v45 =	vsel vm1, $0x8, v45  }
0x82: {  	vm13 =	vgt.f32 v31, v33;
	vm14 =	vgt.f32 v30, v1;
	v45 =	vsel vm4, v55, v45  }
0x83: {  	v55 =	vsel vm6, v26, v40;
	vm12 =	vgt.f32 v24, v44;
	vm11 =	vgt.f32 v2, v61  }
0x84: {  	v19 =	vld.idx.msk [tilespmem:v19+s2+$0x0], $0xffff;
	vm1 =	vgt.f32 v22, v35;
	v60 =	vsel vm4, v60, v0;
	vm4 =	vgt.f32 v32, v34  }
0x85: {  	v31 =	vsel vm13, v31, v33;
	v30 =	vsel vm14, v30, v1;
	v51 =	vsel vm13, $0x28, v51  }
0x86: {  	v17 =	vld.idx.msk [tilespmem:v17+s2+$0x0], $0xffff;
	v48 =	vsel vm14, $0x38, v48;
	vm8 =	vgt.f32 v21, v55;
	v0 =	vsel vm1, $0xB, v23  }
0x87: {  	v32 =	vsel vm4, v32, v34;
	v34 =	vsel vm12, $0x1A, v53;
	v50 =	vsel vm4, $0x18, v50  }
0x88: {  	v51 =	vsel vm5, v56, v51;
	v47 =	vsel vm3, v47, v48;
	v48 =	vsel vm1, v22, v35  }
0x89: {  	v18 =	vld.idx.msk [tilespmem:v18+s2+$0x0], $0xffff;
	v50 =	vsel vm10, v54, v50;
	v32 =	vsel vm10, v57, v32;
	vm10 =	vgt.f32 v19, v48  }
0x8a: {  	v20 =	vld.idx.msk [tilespmem:v20+s2+$0x0], $0xffff;
	v56 =	vsel vm11, v2, v61;
	v57 =	vsel vm8, v21, v55;
	v62 =	vsel vm10, $0xFFFFFFFF, v62  }
0x8b: {  	v31 =	vsel vm5, v63, v31;
	vm15 =	vgt.f32 v17, v57;
	[tilespmem:$0x1FCF0] =	vst v62;
	v62 =	vimm.s32 $0x0  }
0x8c: {  	vm4 =	vgt.f32 v29, v60;
	v30 =	vsel vm3, v43, v30;
	v62 =	vsel vm15, $0xFFFFFFFF, v62  }
0x8d: {  	v63 =	vimm.s32 $0x0;
	v1 =	vsel vm8, $0x3A, v49;
	v54 =	vsel vm12, v24, v44;
	[tilespmem:$0x1FCE0] =	vst v62  }
0x8e: {  	vm13 =	vgt.f32 v18, v56;
	v45 =	vsel vm4, $0x9, v45;
	v29 =	vsel vm4, v29, v60;
	v16 =	vld.idx.msk [tilespmem:v16+s2+$0x0], $0xffff  }
0x8f: {  	vm3 =	vgt.f32 v27, v31;
	vm14 =	vgt.f32 v20, v54;
	v45 =	vsel vm2, v46, v45  }
0x90: {  	v46 =	vsel vm10, v19, v48;
	v29 =	vsel vm2, v39, v29;
	v39 =	vsel vm13, v18, v56;
	v62 =	vld.idx.msk [tilespmem:v15+s2+$0x0], $0xffff  }
0x91: {  	vm2 =	vgt.f32 v28, v32;
	v51 =	vsel vm3, $0x29, v51;
	v27 =	vsel vm3, v27, v31;
	v43 =	vld.idx.msk [tilespmem:v13+s2+$0x0], $0xffff  }
0x92: {  	v31 =	vimm.s32 $0x0;
	v60 =	vsel vm14, v20, v54;
	v28 =	vsel vm2, v28, v32;
	v14 =	vld.idx.msk [tilespmem:v14+s2+$0x0], $0xffff  }
0x93: {  	v32 =	vsel vm15, v17, v57;
	v50 =	vsel vm2, $0x19, v50;
	vm5 =	vgt.f32 v16, v60  }
0x94: {  	v41 =	vsel vm9, v41, v51;
	v27 =	vsel vm9, v38, v27;
	v63 =	vsel vm5, $0xFFFFFFFF, v63  }
0x95: {  	v51 =	vimm.s32 $0x0;
	vm4 =	vgt.f32 v62, v39;
	[tilespmem:$0x1FD10] =	vst v63;
	v63 =	vimm.s32 $0x0  }
0x96: {  	v42 =	vsel vm7, v42, v50;
	v28 =	vsel vm7, v58, v28;
	v63 =	vsel vm4, $0xFFFFFFFF, v63  }
0x97: {  	vm2 =	vgt.f32 v43, v46;
	vm3 =	vgt.f32 v14, v32;
	[tilespmem:$0x1FD20] =	vst v63;
	v63 =	vimm.s32 $0x0  }
0x98: {  	v50 =	vsel vm2, v43, v46;
	v63 =	vsel vm2, $0xFFFFFFFF, v63;
	vm2 =	vgt.f32 v26, v30  }
0x99: {  	v31 =	vsel vm3, $0xFFFFFFFF, v31;
	v58 =	vsel vm4, v62, v39;
	v26 =	vsel vm2, v26, v30  }
0x9a: {  	v30 =	vsel vm3, v14, v32;
	v47 =	vsel vm2, $0x39, v47;
	vm2 =	vgt.f32 v25, v29  }
0x9b: {  	v12 =	vld.idx.msk [tilespmem:v12+s2+$0x0], $0xffff;
	[tilespmem:$0x1FD50] =	vst v63;
	v63 =	vimm.s32 $0x0;
	v47 =	vsel vm6, v52, v47;
	v26 =	vsel vm6, v40, v26  }
0x9c: {  	v11 =	vld.idx.msk [tilespmem:v11+s2+$0x0], $0xffff;
	[tilespmem:$0x1FD40] =	vst v31;
	v40 =	vimm.s32 $0x0;
	v25 =	vsel vm2, v25, v29;
	v29 =	vsel vm2, $0xA, v45  }
0x9d: {  	vm2 =	vgt.f32 v24, v28;
	v10 =	vld.idx.msk [tilespmem:v10+s2+$0x0], $0xffff;
	v25 =	vsel vm0, v37, v25;
	v29 =	vsel vm0, v36, v29  }
0x9e: {  	vm0 =	vgt.f32 v2, v27;
	v24 =	vsel vm2, v24, v28;
	v28 =	vsel vm2, $0x1A, v42  }
0x9f: {  	vm2 =	vgt.f32 v21, v26;
	v2 =	vsel vm0, v2, v27;
	v27 =	vsel vm0, $0x2A, v41  }
0xa0: {  	v21 =	vsel vm2, v21, v26;
	v26 =	vsel vm2, $0x3A, v47;
	v24 =	vsel vm12, v44, v24  }
0xa1: {  	v28 =	vsel vm12, v53, v28;
	v2 =	vsel vm11, v61, v2;
	vm3 =	vgt.f32 v11, v50  }
0xa2: {  	v27 =	vsel vm11, v59, v27;
	v38 =	vsel vm3, $0xFFFFFFFF, v40;
	vm0 =	vgt.f32 v10, v58  }
0xa3: {  	v9 =	vld.idx.msk [tilespmem:v9+s2+$0x0], $0xffff;
	[tilespmem:$0x1FDC0] =	vst v38;
	v36 =	vsel vm0, $0xFFFFFFFF, v51;
	v38 =	vsel vm0, v10, v58;
	vm0 =	vgt.f32 v22, v25  }
0xa4: {  	v21 =	vsel vm8, v55, v21;
	v26 =	vsel vm8, v49, v26;
	v22 =	vsel vm0, v22, v25  }
0xa5: {  	v51 =	vld [tilespmem:$0x1FCE0];
	v25 =	vsel vm0, $0xB, v29;
	vm0 =	vgt.f32 v20, v24;
	v22 =	vsel vm1, v35, v22  }
0xa6: {  	v20 =	vsel vm0, v20, v24;
	v24 =	vsel vm0, $0x1B, v28;
	vm0 =	vgt.f32 v18, v2  }
0xa7: {  	v2 =	vsel vm0, v18, v2;
	v18 =	vsel vm0, $0x2B, v27;
	vm0 =	vgt.f32 v17, v21  }
0xa8: {  	v53 =	vld [tilespmem:$0x1FCF0];
	v17 =	vsel vm0, v17, v21;
	v21 =	vsel vm0, $0x3B, v26;
	vm0 =	vgt.f32 v19, v22  }
0xa9: {  	v8 =	vld.idx.msk [tilespmem:v8+s2+$0x0], $0xffff;
	v23 =	vsel vm1, v23, v25;
	v20 =	vsel vm14, v54, v20;
	v19 =	vsel vm0, v19, v22  }
0xaa: {  	v25 =	vld [tilespmem:$0x1FCD0];
	v22 =	vsel vm0, $0xC, v23;
	vm1 =	vnez.u8 v51;
	vm0 =	vgt.f32 v16, v20  }
0xab: {  	v31 =	vsel vm5, v16, v60;
	v17 =	vsel vm1, v57, v17;
	v16 =	vsel vm0, v16, v20;
	v20 =	vld [tilespmem:$0x1FD10]  }
0xac: {  	v52 =	vimm.s32 $0x0;
	vm10 =	vgt.f32 v12, v31;
	v7 =	vld.idx.msk [tilespmem:v7+s2+$0x0], $0xffff;
	vm8 =	vgt.f32 v14, v17  }
0xad: {  	v37 =	vsel vm10, $0xFFFFFFFF, v52;
	vm2 =	vgt.f32 v9, v30;
	[tilespmem:$0x1FD90] =	vst v36;
	v14 =	vsel vm8, v14, v17;
	v17 =	vld [tilespmem:$0x1FD20]  }
0xae: {  	v41 =	vsel vm2, $0xFFFFFFFF, v63;
	v6 =	vld.idx.msk [tilespmem:v6+s2+$0x0], $0xffff;
	[tilespmem:$0x1FD70] =	vst v37  }
0xaf: {  	v52 =	vimm.s32 $0x0;
	v40 =	vsel vm2, v9, v30;
	vm6 =	vnez.u8 v53;
	[tilespmem:$0x1FDA0] =	vst v41  }
0xb0: {  	v37 =	vsel vm3, v11, v50;
	v5 =	vld.idx.msk [tilespmem:v5+s2+$0x0], $0xffff;
	v41 =	vsel vm0, $0xFFFFFFFF, v52;
	vm0 =	vnez.u8 v20  }
0xb1: {  	vm3 =	vmmov vm2;
	v4 =	vld.idx.msk [tilespmem:v4+s2+$0x0], $0xffff;
	v19 =	vsel vm6, v48, v19;
	v16 =	vsel vm0, v60, v16  }
0xb2: {  	v3 =	vld.idx.msk [tilespmem:v3+s2+$0x0], $0xffff;
	vm0 =	vgt.f32 v43, v19;
	vm2 =	vnez.u8 v17;
	v17 =	vimm.s32 $0x0  }
0xb3: {  	v25 =	vld.idx.msk [tilespmem:v25+s2+$0x0], $0xffff;
	v17 =	vsel vm0, $0xFFFFFFFF, v17  }
0xb4: {  	[tilespmem:$0x1FD30] =	vst v17;
	v17 =	vld [tilespmem:$0x1FD40];
	_ =	sdelay $0x1  }
0xb5: {  	v33 =	vsel vm11, $0x2A, v59;
	v15 =	vsel vm14, $0x1B, v34;
	v2 =	vsel vm13, v56, v2  }
0xb6: {  	v13 =	vsel vm13, $0x2B, v33;
	v36 =	vsel vm10, v12, v31;
	vm9 =	vgt.f32 v62, v2  }
0xb7: {  	v29 =	vimm.s32 $0x0;
	v28 =	vimm.s32 $0x0;
	v2 =	vsel vm9, v62, v2  }
0xb8: {  	v27 =	vimm.s32 $0x0;
	v2 =	vsel vm2, v39, v2;
	vm2 =	vnez.u8 v17  }
0xb9: {  	v17 =	vsel vm0, v43, v19;
	vm0 =	vgt.f32 v12, v16;
	v19 =	vimm.s32 $0x0  }
0xba: {  	v24 =	vsel vm14, v34, v24;
	v18 =	vsel vm13, v33, v18;
	v19 =	vsel vm0, $0xFFFFFFFF, v19  }
0xbb: {  	vm4 =	vgt.f32 v8, v36;
	vm12 =	vgt.f32 v7, v38;
	vm5 =	vgt.f32 v6, v37;
	[tilespmem:$0x1FD60] =	vst v19;
	v19 =	vld [tilespmem:$0x1FD50]  }
0xbc: {  	vm11 =	vmmov vm4;
	v12 =	vsel vm0, v12, v16;
	vm0 =	vgt.f32 v10, v2  }
0xbd: {  	v27 =	vsel vm5, $0xFFFFFFFF, v27;
	v2 =	vsel vm0, v10, v2;
	v10 =	vsel vm10, v31, v12;
	v12 =	vld [tilespmem:$0x1FD90]  }
0xbe: {  	v28 =	vsel vm4, $0xFFFFFFFF, v28;
	v29 =	vsel vm12, $0xFFFFFFFF, v29;
	vm15 =	vgt.f32 v5, v40;
	[tilespmem:$0x1FE10] =	vst v27  }
0xbf: {  	v26 =	vsel vm5, v6, v37;
	v27 =	vsel vm4, v8, v36;
	[tilespmem:$0x1FDE0] =	vst v28;
	v28 =	vsel vm12, v7, v38  }
0xc0: {  	v14 =	vsel vm2, v32, v14;
	v16 =	vimm.s32 $0x0;
	vm2 =	vnez.u8 v19  }
0xc1: {  	[tilespmem:$0x1FE00] =	vst v29;
	v29 =	vsel vm15, v5, v40;
	v16 =	vsel vm0, $0xFFFFFFFF, v16;
	v17 =	vsel vm2, v46, v17  }
0xc2: {  	vm2 =	vnez.u8 v12;
	v12 =	vimm.s32 $0x0;
	vm0 =	vgt.f32 v11, v17  }
0xc3: {  	vm14 =	vgt.f32 v4, v27;
	vm7 =	vgt.f32 v3, v28;
	v12 =	vsel vm0, $0xFFFFFFFF, v12  }
0xc4: {  	v11 =	vsel vm0, v11, v17;
	vm0 =	vgt.f32 v8, v10;
	[tilespmem:$0x1FDB0] =	vst v12;
	v12 =	vimm.s32 $0x0  }
0xc5: {  	v23 =	vsel vm14, v4, v27;
	v45 =	vsel vm7, v3, v28;
	v12 =	vsel vm0, $0xFFFFFFFF, v12  }
0xc6: {  	vm13 =	vge.f32 v26, v23;
	vm4 =	vgt.f32 v25, v29;
	vm10 =	vgt.f32 v9, v14;
	[tilespmem:$0x1FDD0] =	vst v12;
	v12 =	vld [tilespmem:$0x1FDC0]  }
0xc7: {  	v49 =	vsel vm13, v26, v23;
	v47 =	vsel vm4, v25, v29;
	v9 =	vsel vm10, v9, v14  }
0xc8: {  	v9 =	vsel vm3, v30, v9;
	vm3 =	vge.f32 v45, v47;
	v2 =	vsel vm2, v58, v2  }
0xc9: {  	v8 =	vsel vm0, v8, v10;
	v10 =	vimm.s32 $0x0;
	vm0 =	vgt.f32 v7, v2  }
0xca: {  	v2 =	vsel vm0, v7, v2;
	v7 =	vsel vm11, v36, v8;
	vm11 =	vgt.f32 v5, v9  }
0xcb: {  	v8 =	vimm.s32 $0x0;
	v5 =	vsel vm11, v5, v9;
	vm2 =	vnez.u8 v12  }
0xcc: {  	v2 =	vsel vm12, v38, v2;
	v11 =	vsel vm2, v50, v11;
	vm2 =	vgt.f32 v4, v7  }
0xcd: {  	v5 =	vsel vm15, v40, v5;
	vm12 =	vgt.f32 v6, v11;
	v8 =	vsel vm2, $0xFFFFFFFF, v8  }
0xce: {  	v4 =	vsel vm2, v4, v7;
	vm2 =	vgt.f32 v3, v2;
	v7 =	vimm.s32 $0x0  }
0xcf: {  	v6 =	vsel vm12, v6, v11;
	v7 =	vsel vm2, $0xFFFFFFFF, v7;
	v2 =	vsel vm2, v3, v2  }
0xd0: {  	v3 =	vsel vm14, v27, v4;
	vm2 =	vgt.f32 v25, v5;
	v4 =	vimm.s32 $0x0  }
0xd1: {  	v10 =	vsel vm0, $0xFFFFFFFF, v10;
	v6 =	vsel vm5, v37, v6;
	v4 =	vsel vm2, $0xFFFFFFFF, v4  }
0xd2: {  	[tilespmem:$0x1FE40] =	vst v4;
	v4 =	vsel vm2, v25, v5;
	vm2 =	vge.f32 v6, v23;
	v5 =	vimm.s32 $0x0  }
0xd3: {  	v2 =	vsel vm7, v28, v2;
	vm0 =	vge.f32 v26, v3;
	v5 =	vsel vm2, $0xFFFFFFFF, v5  }
0xd4: {  	v3 =	vsel vm0, v26, v3;
	[tilespmem:$0x1FE50] =	vst v5;
	v5 =	vsel vm2, v6, v23;
	v6 =	vimm.s32 $0x0  }
0xd5: {  	v4 =	vsel vm4, v29, v4;
	vm2 =	vge.f32 v2, v47;
	v6 =	vsel vm0, $0xFFFFFFFF, v6  }
0xd6: {  	vm0 =	vge.f32 v45, v4;
	v2 =	vsel vm2, v2, v47;
	[tilespmem:$0x1FE60] =	vst v6;
	v6 =	vimm.s32 $0x0  }
0xd7: {  	v3 =	vsel vm13, v5, v3;
	v4 =	vsel vm0, v45, v4;
	v6 =	vsel vm2, $0xFFFFFFFF, v6  }
0xd8: {  	v5 =	vsel vm3, v45, v47;
	v2 =	vsel vm3, v2, v4;
	[tilespmem:$0x1FE70] =	vst v6;
	v6 =	vimm.s32 $0x0  }
0xd9: {  	vm5 =	vge.f32 v3, v5;
	v6 =	vsel vm0, $0xFFFFFFFF, v6;
	vm0 =	vge.f32 v49, v2  }
0xda: {  	v3 =	vsel vm5, v3, v5;
	vm2 =	vge.f32 v49, v5;
	v2 =	vsel vm0, v49, v2  }
0xdb: {  	[tilespmem:$0x1FD00] =	vst v41;
	v5 =	vsel vm2, v49, v5;
	v2 =	vsel vm2, v3, v2  }
0xdc: {  	v2 =	vsub.f32 v2, v5;
	v5 =	vld [tilespmem:$0x1FD00]  }
0xdd: {  	[tilespmem:$0x1FE30] =	vst v7;
	v7 =	vld [tilespmem:$0x1FD10]  }
0xde: {  	[tilespmem:$0x1FE20] =	vst v8;
	v8 =	vld [tilespmem:$0x1FD20]  }
0xdf: {  	v9 =	vld [tilespmem:$0x1FD30];
	[tilespmem:$0x1FE80] =	vst v6;
	v6 =	vimm.s32 $0x0  }
0xe0: {  	v6 =	vsel vm0, $0xFFFFFFFF, v6  }
0xe1: {  	[tilespmem:$0x1FE90] =	vst v6;
	v6 =	vsel vm9, $0x2C, v18;
	vm0 =	vnez.u8 v5  }
0xe2: {  	v2 =	vmul.f32 $1.442695020e+00, v2;
	v5 =	vsel vm0, $0x1C, v24;
	vm0 =	vnez.u8 v7  }
0xe3: {  	v7 =	vsel vm0, $0x1C, v15;
	v5 =	vsel vm0, v15, v5;
	vm0 =	vnez.u8 v8  }
0xe4: {  	v8 =	vsel vm0, $0x2C, v13;
	v6 =	vsel vm0, v13, v6;
	vm0 =	vnez.u8 v9;
	v9 =	vld [tilespmem:$0x1FD40]  }
0xe5: {  	(erf) = vpow2.f32 v2;
	v2 =	vld [tilespmem:$0x1FD50];
	_ =	sdelay $0x1  }
0xe6: {  	v4 =	vsel vm1, $0x3B, v1  }
0xe7: {  	v1 =	vsel vm1, v1, v21;
	v3 =	vsel vm6, $0xC, v0;
	v0 =	vsel vm6, v0, v22  }
0xe8: {  	v1 =	vsel vm8, $0x3C, v1;
	v0 =	vsel vm0, $0xD, v0;
	vm0 =	vnez.u8 v9  }
0xe9: {  	v9 =	vsel vm0, $0x3C, v4;
	v1 =	vsel vm0, v4, v1;
	vm0 =	vnez.u8 v2  }
0xea: {  	v2 =	vsel vm0, $0xD, v3;
	v0 =	vsel vm0, v3, v0;
	v3 =	vld [tilespmem:$0x1FD60];
	_ =	sdelay $0x4  }
0xeb: {  	[tilespmem:$0x1FD80] =	vst v16;
	v4 =	vld [tilespmem:$0x1FD70];
	vm0 =	vnez.u8 v3  }
0xec: {  	v3 =	vsel vm0, $0x1D, v5;
	v5 =	vld [tilespmem:$0x1FD80];
	_ =	sdelay $0x3  }
0xed: {  	vm0 =	vnez.u8 v4  }
0xee: {  	v4 =	vsel vm0, $0x1D, v7;
	v3 =	vsel vm0, v7, v3;
	vm0 =	vnez.u8 v5  }
0xef: {  	v5 =	vsel vm0, $0x2D, v6;
	v6 =	vld [tilespmem:$0x1FD90];
	_ =	sdelay $0x4  }
0xf0: {  	v7 =	vld [tilespmem:$0x1FDA0];
	vm0 =	vnez.u8 v6  }
0xf1: {  	v6 =	vsel vm0, $0x2D, v8;
	v5 =	vsel vm0, v8, v5;
	v8 =	vld [tilespmem:$0x1FDB0];
	_ =	sdelay $0x3  }
0xf2: {  	v1 =	vsel vm10, $0x3D, v1;
	vm0 =	vnez.u8 v7  }
0xf3: {  	v7 =	vsel vm0, $0x3D, v9;
	v1 =	vsel vm0, v9, v1;
	vm0 =	vnez.u8 v8;
	v8 =	vld [tilespmem:$0x1FDC0];
	_ =	sdelay $0x4  }
0xf4: {  	v0 =	vsel vm0, $0xE, v0;
	vm0 =	vnez.u8 v8  }
0xf5: {  	v8 =	vsel vm0, $0xE, v2;
	v0 =	vsel vm0, v2, v0;
	v2 =	vld [tilespmem:$0x1FDD0];
	_ =	sdelay $0x4  }
0xf6: {  	vm0 =	vnez.u8 v2  }
0xf7: {  	v2 =	vsel vm0, $0x1E, v3;
	v3 =	vld [tilespmem:$0x1FDE0];
	_ =	sdelay $0x4  }
0xf8: {  	[tilespmem:$0x1FDF0] =	vst v10;
	vm0 =	vnez.u8 v3  }
0xf9: {  	v3 =	vsel vm0, $0x1E, v4;
	v2 =	vsel vm0, v4, v2;
	v4 =	vld [tilespmem:$0x1FDF0];
	_ =	sdelay $0x4  }
0xfa: {  	vm0 =	vnez.u8 v4  }
0xfb: {  	v4 =	vsel vm0, $0x2E, v5;
	v5 =	vld [tilespmem:$0x1FE00];
	_ =	sdelay $0x3  }
0xfc: {  	v1 =	vsel vm11, $0x3E, v1  }
0xfd: {  	v1 =	vsel vm15, v7, v1;
	vm0 =	vnez.u8 v5  }
0xfe: {  	v5 =	vsel vm0, $0x2E, v6;
	v4 =	vsel vm0, v6, v4;
	v6 =	vsel vm15, $0x3E, v7;
	v7 =	vld [tilespmem:$0x1FE10];
	_ =	sdelay $0x4  }
0xff: {  	v0 =	vsel vm12, $0xF, v0;
	vm0 =	vnez.u8 v7  }
0x100: {  	v7 =	vsel vm0, $0xF, v8;
	v0 =	vsel vm0, v8, v0;
	v8 =	vld [tilespmem:$0x1FE20];
	_ =	sdelay $0x4  }
0x101: {  	vm0 =	vnez.u8 v8;
	v8 =	vld [tilespmem:$0x1FE30]  }
0x102: {  	v2 =	vsel vm0, $0x1F, v2  }
0x103: {  	v9 =	vsel vm14, $0x1F, v3;
	v2 =	vsel vm14, v3, v2;
	v3 =	vld [tilespmem:$0x1FE40];
	_ =	sdelay $0x2  }
0x104: {  	vm0 =	vnez.u8 v8  }
0x105: {  	v4 =	vsel vm0, $0x2F, v4  }
0x106: {  	vm0 =	vnez.u8 v3;
	v3 =	vsel vm7, v5, v4;
	v4 =	vld [tilespmem:$0x1FE50];
	_ =	sdelay $0x4  }
0x107: {  	v1 =	vsel vm0, $0x3F, v1;
	vm0 =	vnez.u8 v4;
	v4 =	vld [tilespmem:$0x1FE60];
	_ =	sdelay $0x4  }
0x108: {  	v0 =	vsel vm0, v0, v9;
	vm0 =	vnez.u8 v4;
	v4 =	vld [tilespmem:$0x1FE70];
	_ =	sdelay $0x4  }
0x109: {  	v2 =	vsel vm0, v7, v2;
	vm0 =	vnez.u8 v4;
	v4 =	vld [tilespmem:$0x1FE80];
	_ =	sdelay $0x3  }
0x10a: {  	v10 =	vsel vm7, $0x2F, v5;
	v12 =	vsel vm4, $0x3F, v6  }
0x10b: {  	v1 =	vsel vm4, v6, v1;
	v3 =	vsel vm0, v3, v12;
	vm0 =	vnez.u8 v4  }
0x10c: {  	v1 =	vsel vm0, v10, v1  }
0x10d: {  	v1 =	vsel vm3, v3, v1;
	v3 =	vld [tilespmem:$0x1FE90];
	_ =	sdelay $0x3  }
0x10e: {  	v13 =	vsel vm13, v7, v9  }
0x10f: {  	v0 =	vsel vm13, v0, v2;
	v4 =	vsel vm3, v10, v12;
	vm0 =	vnez.u8 v3  }
0x110: {  	v2 =	vsel vm2, v13, v4;
	v0 =	vsel vm5, v0, v4;
	v1 =	vsel vm0, v13, v1  }
0x111: {  	v0 =	vsel vm2, v0, v1;
	v1 =	vshll.u32 v2, $0x8  }
0x112: {  	v5 =	vor.u32 v1, v0;
	v0 =	vld [tilespmem:$0x1FFF0];
	_ =	sdelay $0x1  }
0x113: {  	s11 =	simm.s32 $0x10  }
0x114: {  	v3 =	vmov s11  }
0x115: {  	v2 =	vshll.u32 v3, $0x7  }
0x116: {  	v37 =	vor.u32 v0, v2  }
0x117: {  	v0 =	vor.u32 $0xF, v37  }
0x118: {  	[tilespmem:$0x1FEA0] =	vst v0;
	v0 =	vor.u32 $0x1F, v37  }
0x119: {  	[tilespmem:$0x1FEB0] =	vst v0;
	v0 =	vor.u32 $0x2F, v37  }
0x11a: {  	[tilespmem:$0x1FEC0] =	vst v0;
	v0 =	vor.u32 $0xE, v37  }
0x11b: {  	v11 =	vpop (erf);
	[tilespmem:$0x1FED0] =	vst v0;
	v0 =	vor.u32 $0x1E, v37  }
0x11c: {  	v11 =	vadd.f32 $1.000000000e+00, v11;
	[tilespmem:$0x1FEE0] =	vst v0;
	v0 =	vor.u32 $0x3F, v37  }
0x11d: {  	[tilespmem:$0x1FEF0] =	vst v0;
	v0 =	vor.u32 $0xD, v37  }
0x11e: {  	v19 =	vimm.s32 $0x0;
	(erf) = vrcp.f32 v11;
	[tilespmem:$0x1FF00] =	vst v0;
	v0 =	vor.u32 $0x2E, v37  }
0x11f: {  	v20 =	vor.u32 $0xC, v37;
	v24 =	vor.u32 $0xB, v37;
	[tilespmem:$0x1FF10] =	vst v0;
	v0 =	vor.u32 $0x3E, v37  }
0x120: {  	v17 =	vor.u32 $0x1B, v37;
	v27 =	vor.u32 $0xA, v37;
	[tilespmem:$0x1FF20] =	vst v0;
	v0 =	vor.u32 $0x1D, v37  }
0x121: {  	v15 =	vor.u32 $0x2B, v37;
	v25 =	vor.u32 $0x1A, v37;
	[tilespmem:$0x1FF30] =	vst v0;
	v0 =	vor.u32 $0x2D, v37  }
0x122: {  	v18 =	vor.u32 $0x2A, v37;
	v22 =	vor.u32 $0x3A, v37;
	[tilespmem:$0x1FF40] =	vst v0;
	v0 =	vor.u32 $0x3D, v37  }
0x123: {  	v1 =	vor.u32 $0x1, v37;
	v30 =	vor.u32 $0x9, v37;
	[tilespmem:$0x1FF50] =	vst v0;
	v0 =	vor.u32 $0x1C, v37  }
0x124: {  	v59 =	vor.u32 $0x19, v37;
	v6 =	vor.u32 $0x11, v37;
	[tilespmem:$0x1FF60] =	vst v0;
	v0 =	vor.u32 $0x2C, v37  }
0x125: {  	v28 =	vor.u32 $0x29, v37;
	v26 =	vor.u32 $0x39, v37;
	[tilespmem:$0x1FF70] =	vst v0;
	v0 =	vor.u32 $0x3C, v37  }
0x126: {  	v7 =	vor.u32 $0x21, v37;
	v32 =	vor.u32 $0x18, v37;
	[tilespmem:$0x1FF80] =	vst v0;
	v0 =	vor.u32 $0x3B, v37  }
0x127: {  	v10 =	vor.u32 $0x31, v37;
	v31 =	vor.u32 $0x28, v37;
	v29 =	vor.u32 $0x38, v37;
	[tilespmem:$0x1FF90] =	vst v0  }
0x128: {  	v13 =	vor.u32 $0x10, v37;
	v4 =	vor.u32 $0x7, v37;
	v3 =	vor.u32 $0x17, v37;
	v11 =	vld.idx.msk [tilespmem:v37+s2+$0x0], $0xffff  }
0x129: {  	v21 =	vor.u32 $0x20, v37;
	v2 =	vor.u32 $0x27, v37;
	v51 =	vor.u32 $0x37, v37;
	v54 =	vld.idx.msk [tilespmem:v1+s2+$0x0], $0xffff  }
0x12a: {  	v55 =	vor.u32 $0x30, v37;
	v8 =	vor.u32 $0x6, v37;
	v35 =	vor.u32 $0x16, v37;
	v6 =	vld.idx.msk [tilespmem:v6+s2+$0x0], $0xffff  }
0x12b: {  	v9 =	vor.u32 $0x5, v37;
	v34 =	vor.u32 $0x26, v37;
	v60 =	vor.u32 $0x32, v37;
	v7 =	vld.idx.msk [tilespmem:v7+s2+$0x0], $0xffff  }
0x12c: {  	v33 =	vor.u32 $0x36, v37;
	v14 =	vor.u32 $0x15, v37;
	v12 =	vor.u32 $0x25, v37;
	v10 =	vld.idx.msk [tilespmem:v10+s2+$0x0], $0xffff  }
0x12d: {  	v40 =	vor.u32 $0x4, v37;
	v41 =	vor.u32 $0x3, v37;
	v42 =	vor.u32 $0x13, v37;
	v13 =	vld.idx.msk [tilespmem:v13+s2+$0x0], $0xffff  }
0x12e: {  	v56 =	vor.u32 $0x2, v37;
	v44 =	vor.u32 $0x23, v37;
	v45 =	vor.u32 $0x33, v37;
	v21 =	vld.idx.msk [tilespmem:v21+s2+$0x0], $0xffff  }
0x12f: {  	v57 =	vor.u32 $0x12, v37;
	v58 =	vor.u32 $0x22, v37;
	v0 =	vor.u32 $0x8, v37;
	v39 =	vld.idx.msk [tilespmem:v55+s2+$0x0], $0xffff  }
0x130: {  	v1 =	vimm.s32 $0x0;
	v48 =	vld.idx.msk [tilespmem:v60+s2+$0x0], $0xffff;
	v60 =	vor.u32 $0x35, v37;
	vm0 =	vgt.f32 v11, $-Inf  }
0x131: {  	vm5 =	vlt.f32 v54, $-Inf;
	vm12 =	vgt.f32 v54, $-Inf;
	vm2 =	vlt.f32 v6, $-Inf  }
0x132: {  	vm3 =	vgt.f32 v6, $-Inf;
	vm4 =	vlt.f32 v7, $-Inf;
	vm6 =	vgt.f32 v7, $-Inf  }
0x133: {  	vm7 =	vlt.f32 v10, $-Inf;
	vm9 =	vlt.f32 v13, $-Inf;
	vm11 =	vgt.f32 v13, $-Inf  }
0x134: {  	vm8 =	vgt.f32 v10, $-Inf;
	vm14 =	vlt.f32 v21, $-Inf;
	vm15 =	vgt.f32 v21, $-Inf  }
0x135: {  	vm1 =	vgt.f32 v39, $-Inf;
	v11 =	vnsel vm0, $0xFF800000, v11;
	vm0 =	vlt.f32 v39, $-Inf  }
0x136: {  	vm5 =	vmor vm12, vm5;
	vm13 =	vmor vm3, vm2;
	vm12 =	vmor vm6, vm4  }
0x137: {  	vm8 =	vmor vm8, vm7;
	vm2 =	vmor vm11, vm9;
	vm4 =	vmor vm15, vm14  }
0x138: {  	vm10 =	vgt.f32 v54, v11;
	vm3 =	vmor vm1, vm0;
	v38 =	vnsel vm5, $0xFF800000, v54  }
0x139: {  	v62 =	vnsel vm13, $0xFF800000, v6;
	v13 =	vnsel vm2, $0xFF800000, v13;
	v63 =	vnsel vm12, $0xFF800000, v7  }
0x13a: {  	v43 =	vld.idx.msk [tilespmem:v56+s2+$0x0], $0xffff;
	v21 =	vnsel vm4, $0xFF800000, v21;
	v52 =	vnsel vm8, $0xFF800000, v10;
	v53 =	vsel vm2, $0x10, v1  }
0x13b: {  	v46 =	vld.idx.msk [tilespmem:v57+s2+$0x0], $0xffff;
	v56 =	vsel vm12, $0x21, v1;
	v57 =	vsel vm8, $0x31, v1;
	v61 =	vsel vm10, v54, v11  }
0x13c: {  	v11 =	vsel vm10, v11, v38;
	vm11 =	vgt.f32 v6, v13;
	v39 =	vnsel vm3, $0xFF800000, v39  }
0x13d: {  	vm1 =	vgt.f32 v7, v21;
	v54 =	vsel vm4, $0x20, v1;
	v55 =	vsel vm10, $0x1, v1  }
0x13e: {  	vm10 =	vmneg vm10;
	v6 =	vsel vm11, v6, v13;
	v13 =	vsel vm11, v13, v62  }
0x13f: {  	v47 =	vld.idx.msk [tilespmem:v58+s2+$0x0], $0xffff;
	vm0 =	vgt.f32 v10, v39;
	v7 =	vsel vm1, v7, v21;
	v21 =	vsel vm1, v21, v63  }
0x140: {  	vm14 =	vgt.f32 v43, v61;
	vm15 =	vgt.f32 v43, v11;
	vm10 =	vmand vm5, vm10  }
0x141: {  	v38 =	vsel vm11, $0x11, v53;
	v50 =	vsel vm1, $0x21, v54;
	v62 =	vor.u32 $0x24, v37  }
0x142: {  	v41 =	vld.idx.msk [tilespmem:v41+s2+$0x0], $0xffff;
	v10 =	vsel vm0, v10, v39;
	v39 =	vsel vm0, v39, v52;
	v11 =	vsel vm15, v43, v11  }
0x143: {  	v43 =	vsel vm14, v43, v61;
	vm6 =	vgt.f32 v46, v13;
	vm2 =	vgt.f32 v46, v6  }
0x144: {  	vm4 =	vgt.f32 v47, v7;
	vm7 =	vgt.f32 v47, v21;
	v49 =	vsel vm14, $0x2, v55  }
0x145: {  	v42 =	vld.idx.msk [tilespmem:v42+s2+$0x0], $0xffff;
	v11 =	vsel vm14, v61, v11;
	v13 =	vsel vm6, v46, v13;
	v46 =	vsel vm2, v46, v6  }
0x146: {  	vm9 =	vgt.f32 v48, v39;
	v21 =	vsel vm7, v47, v21;
	v47 =	vsel vm4, v47, v7  }
0x147: {  	vm12 =	vgt.f32 v41, v43;
	v61 =	vor.u32 $0x14, v37;
	v37 =	vor.u32 $0x34, v37  }
0x148: {  	v44 =	vld.idx.msk [tilespmem:v44+s2+$0x0], $0xffff;
	v6 =	vsel vm2, v6, v13;
	v13 =	vsel vm3, $0x30, v1;
	vm3 =	vgt.f32 v48, v10  }
0x149: {  	v39 =	vsel vm9, v48, v39;
	v7 =	vsel vm4, v7, v21;
	v21 =	vsel vm13, $0x11, v1  }
0x14a: {  	v45 =	vld.idx.msk [tilespmem:v45+s2+$0x0], $0xffff;
	vm13 =	vgt.f32 v41, v11;
	v1 =	vimm.s32 $0x0;
	vm5 =	vgt.f32 v42, v46  }
0x14b: {  	v40 =	vld.idx.msk [tilespmem:v40+s2+$0x0], $0xffff;
	v48 =	vsel vm3, v48, v10;
	v10 =	vsel vm3, v10, v39;
	v11 =	vsel vm13, v41, v11  }
0x14c: {  	v41 =	vsel vm12, v41, v43;
	vm8 =	vgt.f32 v42, v6;
	v58 =	vsel vm10, $0x1, v1  }
0x14d: {  	v21 =	vsel vm11, v53, v21;
	vm11 =	vgt.f32 v44, v47;
	v39 =	vsel vm1, v54, v56  }
0x14e: {  	v11 =	vsel vm12, v43, v11;
	v6 =	vsel vm8, v42, v6;
	v42 =	vsel vm5, v42, v46  }
0x14f: {  	vm10 =	vgt.f32 v45, v48;
	v43 =	vsel vm0, v13, v57;
	v13 =	vsel vm0, $0x31, v13  }
0x150: {  	vm0 =	vgt.f32 v40, v41;
	v21 =	vsel vm6, $0x12, v21;
	v39 =	vsel vm7, $0x22, v39  }
0x151: {  	v6 =	vsel vm5, v46, v6;
	v46 =	vsel vm15, $0x2, v58;
	vm15 =	vgt.f32 v45, v10  }
0x152: {  	vm1 =	vgt.f32 v40, v11;
	v21 =	vsel vm2, v38, v21;
	v38 =	vsel vm2, $0x12, v38  }
0x153: {  	v43 =	vsel vm9, $0x32, v43;
	v39 =	vsel vm4, v50, v39;
	v50 =	vsel vm4, $0x22, v50  }
0x154: {  	v46 =	vsel vm14, v55, v46;
	vm14 =	vgt.f32 v44, v7;
	v10 =	vsel vm15, v45, v10  }
0x155: {  	v45 =	vsel vm10, v45, v48;
	v11 =	vsel vm1, v40, v11;
	v40 =	vsel vm0, v40, v41  }
0x156: {  	v43 =	vsel vm3, v13, v43;
	v13 =	vsel vm3, $0x32, v13;
	v21 =	vsel vm8, $0x13, v21  }
0x157: {  	v9 =	vld.idx.msk [tilespmem:v9+s2+$0x0], $0xffff;
	v7 =	vsel vm14, v44, v7;
	v44 =	vsel vm11, v44, v47;
	v10 =	vsel vm10, v48, v10  }
0x158: {  	v37 =	vld.idx.msk [tilespmem:v37+s2+$0x0], $0xffff;
	v11 =	vsel vm0, v41, v11;
	v46 =	vsel vm13, $0x3, v46;
	v21 =	vsel vm5, v38, v21  }
0x159: {  	v48 =	vld.idx.msk [tilespmem:v61+s2+$0x0], $0xffff;
	v38 =	vsel vm5, $0x13, v38;
	v39 =	vsel vm14, $0x23, v39;
	v43 =	vsel vm15, $0x33, v43  }
0x15a: {  	v41 =	vld.idx.msk [tilespmem:v62+s2+$0x0], $0xffff;
	v7 =	vsel vm11, v47, v7;
	v46 =	vsel vm12, v49, v46;
	v49 =	vsel vm12, $0x3, v49  }
0x15b: {  	v39 =	vsel vm11, v50, v39;
	v50 =	vsel vm11, $0x23, v50;
	v46 =	vsel vm1, $0x4, v46  }
0x15c: {  	v43 =	vsel vm10, v13, v43;
	v13 =	vsel vm10, $0x33, v13;
	v46 =	vsel vm0, v49, v46  }
0x15d: {  	v49 =	vsel vm0, $0x4, v49;
	vm0 =	vgt.f32 v9, v40;
	vm7 =	vgt.f32 v37, v45  }
0x15e: {  	vm5 =	vgt.f32 v37, v10;
	v63 =	vsel vm0, $0x5, v49;
	vm1 =	vgt.f32 v48, v42  }
0x15f: {  	vm2 =	vgt.f32 v41, v44;
	vm3 =	vgt.f32 v48, v6;
	vm4 =	vgt.f32 v41, v7  }
0x160: {  	v14 =	vld.idx.msk [tilespmem:v14+s2+$0x0], $0xffff;
	v43 =	vsel vm5, $0x34, v43;
	v10 =	vsel vm5, v37, v10;
	v37 =	vsel vm7, v37, v45  }
0x161: {  	v12 =	vld.idx.msk [tilespmem:v12+s2+$0x0], $0xffff;
	v21 =	vsel vm3, $0x14, v21;
	v39 =	vsel vm4, $0x24, v39;
	v6 =	vsel vm3, v48, v6  }
0x162: {  	v47 =	vld.idx.msk [tilespmem:v60+s2+$0x0], $0xffff;
	v48 =	vsel vm1, v48, v42;
	v7 =	vsel vm4, v41, v7;
	v43 =	vsel vm7, v13, v43  }
0x163: {  	v8 =	vld.idx.msk [tilespmem:v8+s2+$0x0], $0xffff;
	v13 =	vsel vm7, $0x34, v13;
	v41 =	vsel vm2, v41, v44;
	vm3 =	vgt.f32 v9, v11  }
0x164: {  	v10 =	vsel vm7, v45, v10;
	v21 =	vsel vm1, v38, v21;
	v38 =	vsel vm1, $0x14, v38  }
0x165: {  	v39 =	vsel vm2, v50, v39;
	v50 =	vsel vm2, $0x24, v50;
	v6 =	vsel vm1, v42, v6  }
0x166: {  	v7 =	vsel vm2, v44, v7;
	v44 =	vsel vm0, v9, v40;
	vm5 =	vgt.f32 v14, v48  }
0x167: {  	vm6 =	vgt.f32 v12, v41;
	vm2 =	vgt.f32 v47, v37;
	v46 =	vsel vm3, $0x5, v46  }
0x168: {  	v9 =	vsel vm3, v9, v11;
	vm8 =	vgt.f32 v47, v10;
	vm1 =	vgt.f32 v8, v44  }
0x169: {  	v4 =	vld.idx.msk [tilespmem:v4+s2+$0x0], $0xffff;
	v45 =	vsel vm5, $0x15, v38;
	v55 =	vsel vm6, $0x25, v50;
	vm3 =	vgt.f32 v14, v6  }
0x16a: {  	v46 =	vsel vm0, v49, v46;
	v9 =	vsel vm0, v40, v9;
	v40 =	vld.idx.msk [tilespmem:v33+s2+$0x0], $0xffff;
	v58 =	vsel vm2, $0x35, v13  }
0x16b: {  	vm7 =	vgt.f32 v12, v7;
	v10 =	vsel vm8, v47, v10;
	v33 =	vld.idx.msk [tilespmem:v0+s2+$0x0], $0xffff;
	v0 =	vsel vm8, $0x35, v43  }
0x16c: {  	v36 =	vsel vm1, $0x6, v63;
	v21 =	vsel vm3, $0x15, v21;
	v1 =	vsel vm1, v8, v44  }
0x16d: {  	v6 =	vsel vm3, v14, v6;
	v14 =	vsel vm5, v14, v48;
	v7 =	vsel vm7, v12, v7  }
0x16e: {  	v11 =	vld.idx.msk [tilespmem:v35+s2+$0x0], $0xffff;
	v12 =	vsel vm6, v12, v41;
	v57 =	vsel vm7, $0x25, v39;
	v13 =	vsel vm2, v13, v0  }
0x16f: {  	v49 =	vld.idx.msk [tilespmem:v34+s2+$0x0], $0xffff;
	v10 =	vsel vm2, v37, v10;
	v21 =	vsel vm5, v38, v21;
	v38 =	vsel vm2, v47, v37  }
0x170: {  	vm3 =	vgt.f32 v4, v1;
	v39 =	vsel vm6, v50, v57;
	v6 =	vsel vm5, v48, v6  }
0x171: {  	v7 =	vsel vm6, v41, v7;
	vm5 =	vgt.f32 v8, v9;
	v34 =	vsel vm3, $0x7, v36  }
0x172: {  	v35 =	vsel vm3, v4, v1;
	v60 =	vsel vm5, $0x6, v46;
	v8 =	vsel vm5, v8, v9  }
0x173: {  	v3 =	vld.idx.msk [tilespmem:v3+s2+$0x0], $0xffff;
	vm0 =	vgt.f32 v11, v14;
	v9 =	vsel vm1, v63, v60;
	v8 =	vsel vm1, v44, v8  }
0x174: {  	vm1 =	vgt.f32 v11, v6;
	vm4 =	vgt.f32 v49, v12;
	vm9 =	vgt.f32 v40, v38  }
0x175: {  	v53 =	vsel vm0, $0x16, v45;
	v0 =	vsel vm0, v11, v14;
	vm5 =	vgt.f32 v33, v35  }
0x176: {  	v2 =	vld.idx.msk [tilespmem:v2+s2+$0x0], $0xffff;
	v21 =	vsel vm1, $0x16, v21;
	v6 =	vsel vm1, v11, v6;
	vm1 =	vgt.f32 v49, v7  }
0x177: {  	v47 =	vld.idx.msk [tilespmem:v51+s2+$0x0], $0xffff;
	vm2 =	vgt.f32 v40, v10;
	v54 =	vsel vm4, $0x26, v55;
	v16 =	vsel vm9, $0x36, v58  }
0x178: {  	v30 =	vld.idx.msk [tilespmem:v30+s2+$0x0], $0xffff;
	v62 =	vsel vm4, v49, v12;
	v63 =	vsel vm9, v40, v38;
	vm8 =	vgt.f32 v3, v0  }
0x179: {  	v52 =	vld.idx.msk [tilespmem:v31+s2+$0x0], $0xffff;
	v21 =	vsel vm0, v45, v21;
	v31 =	vsel vm5, $0x8, v34;
	v7 =	vsel vm1, v49, v7  }
0x17a: {  	v11 =	vsel vm1, $0x26, v39;
	v10 =	vsel vm2, v40, v10;
	v19 =	vsel vm5, $0xFFFFFFFF, v19  }
0x17b: {  	v48 =	vld.idx.msk [tilespmem:v32+s2+$0x0], $0xffff;
	v32 =	vsel vm5, v33, v35;
	v13 =	vsel vm2, $0x36, v13;
	vm6 =	vgt.f32 v2, v62  }
0x17c: {  	vm7 =	vgt.f32 v47, v63;
	v51 =	vsel vm8, $0x17, v53;
	v50 =	vsel vm4, v55, v11  }
0x17d: {  	v60 =	vsel vm8, v3, v0;
	v61 =	vsel vm9, v58, v13;
	v11 =	vsel vm0, v14, v6  }
0x17e: {  	v56 =	vld.idx.msk [tilespmem:v29+s2+$0x0], $0xffff;
	vm10 =	vgt.f32 v30, v32;
	v7 =	vsel vm4, v12, v7;
	vm4 =	vgt.f32 v4, v8  }
0x17f: {  	[tilespmem:$0x1FFA0] =	vst v19;
	v12 =	vsel vm9, v38, v10;
	v57 =	vsel vm6, $0x27, v54;
	v58 =	vsel vm6, v2, v62  }
0x180: {  	v29 =	vld.idx.msk [tilespmem:v27+s2+$0x0], $0xffff;
	v23 =	vsel vm7, v47, v63;
	vm0 =	vgt.f32 v48, v60;
	v6 =	vsel vm4, $0x7, v9  }
0x181: {  	v42 =	vld.idx.msk [tilespmem:v59+s2+$0x0], $0xffff;
	v4 =	vsel vm4, v4, v8;
	v8 =	vsel vm10, v30, v32;
	vm4 =	vgt.f32 v3, v11  }
0x182: {  	v41 =	vld.idx.msk [tilespmem:v22+s2+$0x0], $0xffff;
	vm9 =	vgt.f32 v47, v12;
	v22 =	vsel vm10, $0x9, v31;
	vm2 =	vgt.f32 v52, v58  }
0x183: {  	v45 =	vld.idx.msk [tilespmem:v28+s2+$0x0], $0xffff;
	vm1 =	vgt.f32 v56, v23;
	v37 =	vsel vm0, v48, v60;
	v6 =	vsel vm3, v36, v6  }
0x184: {  	v49 =	vld.idx.msk [tilespmem:v26+s2+$0x0], $0xffff;
	v10 =	vsel vm3, v1, v4;
	v11 =	vsel vm4, v3, v11;
	vm3 =	vgt.f32 v2, v7  }
0x185: {  	v26 =	vld.idx.msk [tilespmem:v24+s2+$0x0], $0xffff;
	v9 =	vsel vm9, v47, v12;
	v14 =	vsel vm4, $0x17, v21;
	v4 =	vsel vm7, $0x37, v16  }
0x186: {  	v39 =	vld.idx.msk [tilespmem:v25+s2+$0x0], $0xffff;
	v1 =	vsel vm0, $0x18, v51;
	v3 =	vimm.s32 $0x0;
	v38 =	vsel vm2, v52, v58  }
0x187: {  	v40 =	vld.idx.msk [tilespmem:v18+s2+$0x0], $0xffff;
	[tilespmem:$0x1FFB0] =	vst v8;
	v43 =	vsel vm1, v56, v23;
	v13 =	vsel vm3, v2, v7;
	v21 =	vsel vm3, $0x27, v50  }
0x188: {  	v7 =	vsel vm9, $0x37, v61;
	v28 =	vld.idx.msk [tilespmem:v20+s2+$0x0], $0xffff;
	v2 =	vsel vm2, $0x28, v57;
	[tilespmem:s8+$0x0] =	vst v5;
	v3 =	vsel vm1, $0xFFFFFFFF, v3  }
0x189: {  	v50 =	vld.idx.msk [tilespmem:v17+s2+$0x0], $0xffff;
	v5 =	vimm.s32 $0x0;
	[tilespmem:$0x1FFC0] =	vst v3;
	v3 =	vsel vm1, $0x38, v4;
	vm14 =	vgt.f32 v29, v8  }
0x18a: {  	vm12 =	vgt.f32 v42, v37;
	vm13 =	vgt.f32 v45, v38;
	vm11 =	vgt.f32 v49, v43  }
0x18b: {  	v46 =	vsel vm12, v42, v37;
	v44 =	vsel vm13, v45, v38;
	v25 =	vsel vm14, v29, v8  }
0x18c: {  	v47 =	vsel vm11, v49, v43;
	v24 =	vsel vm12, $0x19, v1;
	v5 =	vsel vm14, $0xFFFFFFFF, v5  }
0x18d: {  	v8 =	vpop (erf);
	v36 =	vsel vm13, $0x29, v2;
	v27 =	vsel vm11, $0x39, v3;
	vm5 =	vgt.f32 v39, v46;
	[tilespmem:$0x1FFD0] =	vst v5  }
0x18e: {  	vm15 =	vgt.f32 v40, v44;
	vm4 =	vgt.f32 v26, v25;
	v5 =	vsel vm14, $0xA, v22;
	[tilespmem:s9+$0x0] =	vst v8  }
0x18f: {  	s13 =	simm.s32 $0x20;
	s12 =	simm.s32 $0x8000;
	s11 =	simm.s32 $0x8100;
	vm3 =	vgt.f32 v41, v47;
	vm14 =	vmmov vm4;
	v55 =	vld.idx.msk [tilespmem:v15+s2+$0x0], $0xffff;
	v20 =	vsel vm4, $0xB, v5;
	[tilespmem:$0x1FFE0] =	vst v5  }
.LBB2_2:
0x190: {  	v0 =	vsel vm8, v0, v11;
	v11 =	vimm.s32 $0x0  }
0x191: {  	v11 =	vsel vm3, $0xFFFFFFFF, v11  }
0x192: {  	[tilespmem:$0x1F990] =	vst v11;
	v11 =	vsel vm6, v62, v13;
	v13 =	vld [tilespmem:$0x1FF00];
	_ =	sdelay $0x4  }
0x193: {  	v5 =	vld [tilespmem:$0x1FF90];
	_ =	sdelay $0x2  }
0x194: {  	v61 =	vld.idx.msk [tilespmem:v13+s2+$0x0], $0xffff  }
0x195: {  	v13 =	vld [tilespmem:$0x1FF60];
	_ =	sdelay $0x2  }
0x196: {  	v12 =	vimm.s32 $0x0  }
0x197: {  	v8 =	vld.idx.msk [tilespmem:v5+s2+$0x0], $0xffff;
	v5 =	vsel vm5, $0xFFFFFFFF, v12  }
0x198: {  	[tilespmem:$0x1F960] =	vst v5;
	v5 =	vimm.s32 $0x0  }
0x199: {  	v15 =	vsel vm15, $0x2A, v36;
	v5 =	vsel vm15, $0xFFFFFFFF, v5  }
0x19a: {  	v17 =	vsel vm6, v54, v21;
	[tilespmem:$0x1F970] =	vst v5;
	v5 =	vsel vm8, v53, v14;
	v53 =	vsel vm14, v26, v25  }
0x19b: {  	v54 =	vsel vm15, v40, v44;
	vm15 =	vgt.f32 v28, v53;
	v62 =	vld.idx.msk [tilespmem:v13+s2+$0x0], $0xffff;
	v13 =	vimm.s32 $0x0  }
0x19c: {  	v13 =	vsel vm15, $0xFFFFFFFF, v13  }
0x19d: {  	[tilespmem:$0x1FA70] =	vst v13;
	v13 =	vld [tilespmem:$0x1FF70];
	_ =	sdelay $0x6  }
0x19e: {  	v7 =	vsel vm7, v16, v7;
	v12 =	vsel vm5, v39, v46  }
0x19f: {  	v9 =	vsel vm7, v63, v9;
	vm7 =	vgt.f32 v50, v12;
	v63 =	vld.idx.msk [tilespmem:v13+s2+$0x0], $0xffff;
	v13 =	vimm.s32 $0x0  }
0x1a0: {  	v19 =	vsel vm5, $0x1A, v24;
	v13 =	vsel vm7, $0xFFFFFFFF, v13  }
0x1a1: {  	vm1 =	vmmov vm3;
	vm5 =	vgt.f32 v55, v54;
	[tilespmem:$0x1FA00] =	vst v13;
	v13 =	vimm.s32 $0x0  }
0x1a2: {  	v14 =	vsel vm1, v41, v47;
	v13 =	vsel vm5, $0xFFFFFFFF, v13  }
0x1a3: {  	vm8 =	vgt.f32 v8, v14;
	[tilespmem:$0x1FA30] =	vst v13;
	v13 =	vimm.s32 $0x0  }
0x1a4: {  	v13 =	vsel vm8, $0xFFFFFFFF, v13  }
0x1a5: {  	[tilespmem:$0x1FA50] =	vst v13;
	v13 =	vld [tilespmem:$0x1FFA0];
	_ =	sdelay $0x4  }
0x1a6: {  	vm1 =	vnez.u8 v13;
	v13 =	vld [tilespmem:$0x1FF80]  }
0x1a7: {  	v18 =	vsel vm3, $0x3A, v27;
	vm3 =	vgt.f32 v33, v10  }
0x1a8: {  	v6 =	vsel vm3, $0x8, v6;
	v10 =	vsel vm3, v33, v10;
	vm3 =	vgt.f32 v48, v0  }
0x1a9: {  	v0 =	vsel vm3, v48, v0  }
0x1aa: {  	v60 =	vsel vm0, v60, v0;
	v0 =	vld [tilespmem:$0x1FF30];
	_ =	sdelay $0x2  }
0x1ab: {  	[tilespmem:$0x1F8E0] =	vst v25  }
0x1ac: {  	[tilespmem:$0x1FA40] =	vst v18;
	v25 =	vmov v31;
	v31 =	vsel vm8, $0x3B, v18;
	v18 =	vld.idx.msk [tilespmem:v13+s2+$0x0], $0xffff;
	_ =	sdelay $0x2  }
0x1ad: {  	[tilespmem:$0x1F8D0] =	vst v1;
	v1 =	vmovc v24;
	v16 =	vmovc v51;
	vm4 =	vgt.f32 v52, v11;
	v51 =	vsel vm5, $0x2B, v15;
	v24 =	vsel vm7, $0x1B, v19  }
0x1ae: {  	[tilespmem:$0x1F9F0] =	vst v19;
	v48 =	vld.idx.msk [tilespmem:v0+s2+$0x0], $0xffff;
	v0 =	vimm.s32 $0x0;
	v59 =	vsel vm15, $0xC, v20;
	v19 =	vsel vm8, v8, v14  }
0x1af: {  	[tilespmem:$0x1FA60] =	vst v20;
	v20 =	vsel vm4, $0x28, v17;
	v17 =	vsel vm5, v55, v54;
	vm5 =	vgt.f32 v18, v19  }
0x1b0: {  	v0 =	vsel vm5, $0xFFFFFFFF, v0  }
0x1b1: {  	[tilespmem:$0x1FB10] =	vst v0;
	v0 =	vld [tilespmem:$0x1FF40];
	_ =	sdelay $0x5  }
0x1b2: {  	[tilespmem:$0x1FA20] =	vst v15;
	v15 =	vsel vm1, v35, v10;
	v10 =	vsel vm4, v52, v11;
	v11 =	vld [tilespmem:$0x1FFC0];
	_ =	sdelay $0x1  }
0x1b3: {  	v52 =	vld.idx.msk [tilespmem:v0+s2+$0x0], $0xffff  }
0x1b4: {  	vm6 =	vgt.f32 v56, v9;
	v0 =	vld [tilespmem:$0x1FF50]  }
0x1b5: {  	v7 =	vsel vm6, $0x38, v7  }
0x1b6: {  	v21 =	vsel vm7, v50, v12;
	v5 =	vsel vm3, $0x18, v5;
	vm8 =	vnez.u8 v11  }
0x1b7: {  	vm3 =	vgt.f32 v62, v21;
	v7 =	vsel vm8, v4, v7;
	v4 =	vimm.s32 $0x0  }
0x1b8: {  	v4 =	vsel vm3, $0xFFFFFFFF, v4  }
0x1b9: {  	v5 =	vsel vm0, v16, v5;
	vm4 =	vgt.f32 v63, v17;
	[tilespmem:$0x1FAC0] =	vst v4;
	v4 =	vimm.s32 $0x0  }
0x1ba: {  	v6 =	vsel vm1, v34, v6;
	vm0 =	vgt.f32 v30, v15;
	v4 =	vsel vm4, $0xFFFFFFFF, v4  }
0x1bb: {  	v6 =	vsel vm0, $0x9, v6;
	[tilespmem:$0x1FAE0] =	vst v4;
	v4 =	vld [tilespmem:$0x1FED0]  }
0x1bc: {  	v9 =	vsel vm6, v56, v9;
	v56 =	vld.idx.msk [tilespmem:v0+s2+$0x0], $0xffff;
	v0 =	vsel vm10, v25, v6  }
0x1bd: {  	[tilespmem:$0x1F900] =	vst v0;
	v0 =	vld [tilespmem:$0x1FEA0];
	_ =	sdelay $0x4  }
0x1be: {  	v34 =	vsel vm15, v28, v53  }
0x1bf: {  	vm1 =	vgt.f32 v61, v34;
	v35 =	vld.idx.msk [tilespmem:v4+s2+$0x0], $0xffff;
	v4 =	vimm.s32 $0x0  }
0x1c0: {  	[tilespmem:$0x1FB00] =	vst v31;
	v4 =	vsel vm1, $0xFFFFFFFF, v4  }
0x1c1: {  	[tilespmem:$0x1FB30] =	vst v4;
	v4 =	vsel vm2, v58, v10;
	v10 =	vsel vm5, $0x3C, v31;
	v31 =	vld.idx.msk [tilespmem:v0+s2+$0x0], $0xffff  }
0x1c2: {  	v0 =	vld [tilespmem:$0x1FEE0];
	_ =	sdelay $0x6  }
0x1c3: {  	v30 =	vsel vm0, v30, v15  }
0x1c4: {  	v32 =	vsel vm10, v32, v30;
	v30 =	vld.idx.msk [tilespmem:v0+s2+$0x0], $0xffff  }
0x1c5: {  	v0 =	vld [tilespmem:$0x1FF10];
	_ =	sdelay $0x5  }
0x1c6: {  	v16 =	vsel vm8, v23, v9  }
0x1c7: {  	v20 =	vsel vm2, v57, v20;
	vm2 =	vgt.f32 v49, v16  }
0x1c8: {  	v16 =	vsel vm2, v49, v16;
	v49 =	vld.idx.msk [tilespmem:v0+s2+$0x0], $0xffff  }
0x1c9: {  	v0 =	vld [tilespmem:$0x1FF20];
	_ =	sdelay $0x4  }
0x1ca: {  	v33 =	vmov v1;
	v1 =	vld [tilespmem:$0x1FEC0];
	_ =	sdelay $0x1  }
0x1cb: {  	[tilespmem:$0x1F980] =	vst v36;
	v36 =	vmovc v3;
	v3 =	vmov v2;
	v2 =	vsel vm1, $0xD, v59;
	vm0 =	vgt.f32 v42, v60  }
0x1cc: {  	[tilespmem:$0x1FAD0] =	vst v51;
	v42 =	vsel vm0, v42, v60;
	v9 =	vsel vm4, $0x2C, v51;
	v51 =	vsel vm1, v61, v34;
	v60 =	vld.idx.msk [tilespmem:v0+s2+$0x0], $0xffff  }
0x1cd: {  	vm9 =	vgt.f32 v35, v51;
	v0 =	vld [tilespmem:$0x1F8D0]  }
0x1ce: {  	[tilespmem:$0x1FBB0] =	vst v2;
	v13 =	vsel vm9, $0xE, v2;
	v2 =	vmov v27;
	v27 =	vld [tilespmem:$0x1FFD0];
	_ =	sdelay $0x1  }
0x1cf: {  	[tilespmem:$0x1F920] =	vst v22;
	v57 =	vsel vm3, v62, v21;
	v22 =	vsel vm0, $0x19, v5;
	v37 =	vsel vm12, v37, v42  }
0x1d0: {  	v42 =	vld.idx.msk [tilespmem:v1+s2+$0x0], $0xffff;
	v58 =	vsel vm4, v63, v17;
	vm4 =	vgt.f32 v48, v57;
	vm1 =	vgt.f32 v45, v4  }
0x1d1: {  	v1 =	vld [tilespmem:$0x1FEF0];
	v45 =	vsel vm1, v45, v4;
	v4 =	vsel vm12, v0, v22;
	v0 =	vimm.s32 $0x0  }
0x1d2: {  	vm15 =	vnez.u8 v27;
	v27 =	vld [tilespmem:$0x1FFB0];
	v0 =	vsel vm4, $0xFFFFFFFF, v0  }
0x1d3: {  	[tilespmem:$0x1FB50] =	vst v0;
	v0 =	vimm.s32 $0x0  }
0x1d4: {  	v20 =	vsel vm1, $0x29, v20;
	vm1 =	vgt.f32 v29, v32;
	v0 =	vsel vm9, $0xFFFFFFFF, v0  }
0x1d5: {  	v38 =	vsel vm13, v38, v45;
	v29 =	vsel vm1, v29, v32;
	[tilespmem:$0x1FBC0] =	vst v0;
	v0 =	vimm.s32 $0x0  }
0x1d6: {  	vm12 =	vgt.f32 v40, v38;
	v0 =	vsel vm1, $0xFFFFFFFF, v0;
	vm1 =	vgt.f32 v39, v37  }
0x1d7: {  	v27 =	vsel vm15, v27, v29;
	v29 =	vsel vm1, v39, v37;
	v37 =	vsel vm12, v40, v38;
	v40 =	vld [tilespmem:$0x1F960];
	_ =	sdelay $0x1  }
0x1d8: {  	v16 =	vsel vm11, v43, v16;
	v43 =	vld.idx.msk [tilespmem:v1+s2+$0x0], $0xffff;
	v1 =	vimm.s32 $0x0  }
0x1d9: {  	v1 =	vsel vm14, $0xFFFFFFFF, v1;
	v22 =	vsel vm9, v35, v51  }
0x1da: {  	[tilespmem:$0x1F9B0] =	vst v1;
	v1 =	vimm.s32 $0x0;
	vm0 =	vgt.f32 v31, v22  }
0x1db: {  	v1 =	vsel vm0, $0xFFFFFFFF, v1;
	v32 =	vsel vm0, v31, v22;
	vm0 =	vnez.u8 v40  }
0x1dc: {  	v29 =	vsel vm0, v46, v29;
	v46 =	vld [tilespmem:$0x1F970]  }
0x1dd: {  	v40 =	vld [tilespmem:$0x1F990];
	_ =	sdelay $0x1  }
0x1de: {  	v23 =	vsel vm2, $0x39, v7  }
0x1df: {  	v15 =	vsel vm13, v3, v20;
	v3 =	vsel vm11, v36, v23;
	vm13 =	vgt.f32 v41, v16  }
0x1e0: {  	v16 =	vsel vm13, v41, v16;
	v41 =	vimm.s32 $0x0;
	vm0 =	vnez.u8 v46  }
0x1e1: {  	[tilespmem:$0x1FC10] =	vst v1;
	v1 =	vimm.s32 $0x0;
	v37 =	vsel vm0, v44, v37;
	vm0 =	vnez.u8 v40  }
0x1e2: {  	v1 =	vsel vm1, $0xFFFFFFFF, v1;
	vm1 =	vgt.f32 v26, v27;
	v16 =	vsel vm0, v47, v16  }
0x1e3: {  	v36 =	vsel vm1, $0xFFFFFFFF, v41;
	v26 =	vsel vm1, v26, v27;
	vm1 =	vgt.f32 v8, v16  }
0x1e4: {  	v8 =	vsel vm1, v8, v16;
	v16 =	vld [tilespmem:$0x1FA00];
	_ =	sdelay $0x3  }
0x1e5: {  	v41 =	vimm.s32 $0x0;
	vm0 =	vgt.f32 v50, v29  }
0x1e6: {  	[tilespmem:$0x1F9A0] =	vst v36;
	v47 =	vld [tilespmem:$0x1F8E0];
	v36 =	vsel vm0, $0xFFFFFFFF, v41;
	v29 =	vsel vm0, v50, v29;
	vm0 =	vnez.u8 v16  }
0x1e7: {  	vm2 =	vgt.f32 v55, v37;
	v12 =	vsel vm0, v12, v29;
	v29 =	vld [tilespmem:$0x1FA30]  }
0x1e8: {  	v50 =	vsel vm2, v55, v37;
	v55 =	vld [tilespmem:$0x1FA50];
	_ =	sdelay $0x1  }
0x1e9: {  	vm7 =	vmmov vm14;
	v44 =	vimm.s32 $0x0  }
0x1ea: {  	v46 =	vimm.s32 $0x0;
	[tilespmem:$0x1F9C0] =	vst v36;
	v36 =	vsel vm2, $0xFFFFFFFF, v44;
	v26 =	vsel vm7, v47, v26  }
0x1eb: {  	[tilespmem:$0x1F9D0] =	vst v36;
	v36 =	vsel vm1, $0xFFFFFFFF, v46;
	vm1 =	vgt.f32 v28, v26;
	vm0 =	vnez.u8 v29  }
0x1ec: {  	v16 =	vimm.s32 $0x0;
	v29 =	vsel vm0, v54, v50;
	vm0 =	vnez.u8 v55  }
0x1ed: {  	v16 =	vsel vm1, $0xFFFFFFFF, v16;
	v8 =	vsel vm0, v14, v8  }
0x1ee: {  	v14 =	vsel vm1, v28, v26;
	vm1 =	vgt.f32 v62, v12;
	v26 =	vimm.s32 $0x0  }
0x1ef: {  	v26 =	vsel vm1, $0xFFFFFFFF, v26  }
0x1f0: {  	vm6 =	vgt.f32 v63, v29;
	[tilespmem:$0x1FA80] =	vst v26;
	v26 =	vimm.s32 $0x0  }
0x1f1: {  	v26 =	vsel vm6, $0xFFFFFFFF, v26  }
0x1f2: {  	vm2 =	vgt.f32 v18, v8;
	[tilespmem:$0x1FA90] =	vst v26;
	v26 =	vimm.s32 $0x0  }
0x1f3: {  	v26 =	vsel vm2, $0xFFFFFFFF, v26  }
0x1f4: {  	[tilespmem:$0x1FAA0] =	vst v26;
	v26 =	vld [tilespmem:$0x1FA70];
	_ =	sdelay $0x4  }
0x1f5: {  	vm0 =	vnez.u8 v26  }
0x1f6: {  	[tilespmem:$0x1FB20] =	vst v59;
	v59 =	vsel vm5, v18, v19;
	v12 =	vsel vm1, v62, v12;
	v14 =	vsel vm0, v53, v14  }
0x1f7: {  	v8 =	vsel vm2, v18, v8;
	v18 =	vimm.s32 $0x0;
	vm1 =	vgt.f32 v61, v14  }
0x1f8: {  	v28 =	vld [tilespmem:$0x1FAC0];
	v18 =	vsel vm1, $0xFFFFFFFF, v18  }
0x1f9: {  	[tilespmem:$0x1FAF0] =	vst v18;
	v18 =	vld [tilespmem:$0x1FAE0];
	_ =	sdelay $0x3  }
0x1fa: {  	vm0 =	vnez.u8 v28  }
0x1fb: {  	v12 =	vsel vm0, v21, v12;
	vm0 =	vnez.u8 v18;
	v18 =	vld [tilespmem:$0x1FB10];
	_ =	sdelay $0x3  }
0x1fc: {  	v26 =	vsel vm6, v63, v29;
	vm6 =	vgt.f32 v48, v12  }
0x1fd: {  	v17 =	vsel vm0, v17, v26;
	vm0 =	vnez.u8 v18;
	v18 =	vimm.s32 $0x0  }
0x1fe: {  	v18 =	vsel vm6, $0xFFFFFFFF, v18  }
0x1ff: {  	v14 =	vsel vm1, v61, v14;
	vm1 =	vgt.f32 v52, v17;
	[tilespmem:$0x1FB40] =	vst v18;
	v18 =	vimm.s32 $0x0  }
0x200: {  	v8 =	vsel vm0, v19, v8;
	v18 =	vsel vm1, $0xFFFFFFFF, v18  }
0x201: {  	vm2 =	vgt.f32 v56, v8;
	[tilespmem:$0x1FB60] =	vst v18;
	v18 =	vimm.s32 $0x0  }
0x202: {  	v18 =	vsel vm2, $0xFFFFFFFF, v18  }
0x203: {  	[tilespmem:$0x1FB70] =	vst v18;
	v18 =	vld [tilespmem:$0x1FB30];
	_ =	sdelay $0x2  }
0x204: {  	vm8 =	vgt.f32 v52, v58;
	[tilespmem:$0x1F910] =	vst v0;
	v0 =	vimm.s32 $0x0  }
0x205: {  	v0 =	vsel vm8, $0xFFFFFFFF, v0  }
0x206: {  	vm10 =	vgt.f32 v56, v59;
	[tilespmem:$0x1FB80] =	vst v0;
	v0 =	vimm.s32 $0x0;
	vm0 =	vnez.u8 v18  }
0x207: {  	v11 =	vsel vm3, $0x1C, v24;
	v0 =	vsel vm10, $0xFFFFFFFF, v0;
	v14 =	vsel vm0, v34, v14  }
0x208: {  	v12 =	vsel vm6, v48, v12;
	v18 =	vimm.s32 $0x0;
	vm0 =	vgt.f32 v35, v14  }
0x209: {  	[tilespmem:$0x1FB90] =	vst v0;
	v0 =	vld [tilespmem:$0x1FEB0];
	v12 =	vsel vm4, v57, v12;
	v17 =	vsel vm1, v52, v17;
	v18 =	vsel vm0, $0xFFFFFFFF, v18  }
0x20a: {  	v8 =	vsel vm2, v56, v8;
	vm2 =	vgt.f32 v30, v12;
	[tilespmem:$0x1FBA0] =	vst v18;
	v18 =	vimm.s32 $0x0  }
0x20b: {  	[tilespmem:$0x1FAB0] =	vst v24;
	v24 =	vsel vm10, v56, v59;
	v17 =	vsel vm8, v58, v17;
	v18 =	vsel vm2, $0xFFFFFFFF, v18  }
0x20c: {  	v14 =	vsel vm0, v35, v14;
	vm0 =	vgt.f32 v49, v17;
	[tilespmem:$0x1FBD0] =	vst v18;
	v18 =	vimm.s32 $0x0  }
0x20d: {  	vm3 =	vgt.f32 v60, v24;
	[tilespmem:$0x1F930] =	vst v1;
	v8 =	vsel vm10, v59, v8;
	v18 =	vsel vm0, $0xFFFFFFFF, v18  }
0x20e: {  	v1 =	vimm.s32 $0x0;
	vm1 =	vgt.f32 v60, v8;
	[tilespmem:$0x1FBE0] =	vst v18;
	v18 =	vimm.s32 $0x0  }
0x20f: {  	v1 =	vsel vm3, $0xFFFFFFFF, v1;
	v14 =	vsel vm9, v51, v14;
	v18 =	vsel vm1, $0xFFFFFFFF, v18  }
0x210: {  	v17 =	vsel vm0, v49, v17;
	vm0 =	vgt.f32 v31, v14;
	[tilespmem:$0x1FBF0] =	vst v18;
	v18 =	vimm.s32 $0x0  }
0x211: {  	[tilespmem:$0x1F8F0] =	vst v1;
	v0 =	vld.idx.msk [tilespmem:v0+s2+$0x0], $0xffff;
	v18 =	vsel vm0, $0xFFFFFFFF, v18  }
0x212: {  	[tilespmem:$0x1FC00] =	vst v18;
	v18 =	vld [tilespmem:$0x1F8F0];
	_ =	sdelay $0x1  }
0x213: {  	v7 =	vsel vm4, $0x1D, v11;
	v20 =	vsel vm4, v48, v57  }
0x214: {  	v23 =	vsel vm8, v52, v58;
	vm5 =	vgt.f32 v30, v20;
	v12 =	vsel vm2, v30, v12  }
0x215: {  	vm11 =	vgt.f32 v49, v23;
	v1 =	vimm.s32 $0x0;
	v12 =	vsel vm5, v20, v12  }
0x216: {  	vm6 =	vgt.f32 v0, v12;
	vm4 =	vnez.u8 v18;
	v18 =	vimm.s32 $0x0  }
0x217: {  	v1 =	vsel vm12, $0xFFFFFFFF, v1;
	v17 =	vsel vm11, v23, v17;
	v18 =	vsel vm6, $0xFFFFFFFF, v18  }
0x218: {  	v8 =	vsel vm1, v60, v8;
	vm1 =	vgt.f32 v42, v17;
	[tilespmem:$0x1FC20] =	vst v18;
	v18 =	vimm.s32 $0x0  }
0x219: {  	[tilespmem:$0x1F940] =	vst v1;
	v1 =	vimm.s32 $0x0;
	v8 =	vsel vm4, v24, v8;
	v18 =	vsel vm1, $0xFFFFFFFF, v18  }
0x21a: {  	v1 =	vsel vm13, $0xFFFFFFFF, v1;
	vm2 =	vgt.f32 v43, v8;
	[tilespmem:$0x1FC30] =	vst v18;
	v18 =	vimm.s32 $0x0  }
0x21b: {  	v6 =	vsel vm8, $0x2D, v9;
	[tilespmem:$0x1F950] =	vst v1;
	v18 =	vsel vm2, $0xFFFFFFFF, v18  }
0x21c: {  	v5 =	vsel vm10, $0x3D, v10;
	v25 =	vsel vm11, v49, v23;
	v1 =	vsel vm3, v60, v24;
	[tilespmem:$0x1FC40] =	vst v18;
	v18 =	vld [tilespmem:$0x1FC10]  }
0x21d: {  	v45 =	vsel vm5, v30, v20;
	vm3 =	vgt.f32 v42, v25;
	vm14 =	vgt.f32 v43, v1  }
0x21e: {  	v27 =	vsel vm3, v42, v25;
	v39 =	vsel vm14, v43, v1;
	vm13 =	vgt.f32 v0, v45  }
0x21f: {  	vm12 =	vge.f32 v27, v39;
	v38 =	vsel vm13, v0, v45;
	v0 =	vsel vm6, v0, v12  }
0x220: {  	v0 =	vsel vm13, v45, v0;
	vm9 =	vmmov vm11;
	v14 =	vsel vm0, v31, v14  }
0x221: {  	v12 =	vsel vm1, v42, v17;
	v8 =	vsel vm2, v43, v8;
	vm0 =	vnez.u8 v18  }
0x222: {  	v12 =	vsel vm3, v25, v12;
	v1 =	vsel vm14, v1, v8;
	v14 =	vsel vm0, v22, v14  }
0x223: {  	vm10 =	vge.f32 v12, v39;
	vm11 =	vge.f32 v27, v1;
	vm1 =	vge.f32 v14, v38  }
0x224: {  	v12 =	vsel vm10, v12, v39;
	v1 =	vsel vm11, v27, v1;
	v8 =	vsel vm1, v14, v38;
	v14 =	vld [tilespmem:$0x1F910]  }
0x225: {  	vm7 =	vge.f32 v32, v38;
	vm8 =	vge.f32 v32, v0;
	v1 =	vsel vm12, v12, v1;
	v12 =	vld [tilespmem:$0x1F900]  }
0x226: {  	[tilespmem:$0x1FA10] =	vst v16;
	v16 =	vsel vm7, v32, v38;
	v0 =	vsel vm8, v32, v0  }
0x227: {  	v17 =	vimm.s32 $0x0;
	vm2 =	vmmov vm3;
	vm6 =	vge.f32 v16, v1  }
0x228: {  	v1 =	vsel vm6, v16, v1;
	v0 =	vsel vm7, v8, v0;
	v8 =	vsel vm12, v27, v39  }
0x229: {  	v17 =	vsel vm1, $0xFFFFFFFF, v17;
	vm3 =	vge.f32 v0, v8;
	vm1 =	vnez.u8 v14  }
0x22a: {  	v0 =	vsel vm3, v0, v8;
	v12 =	vsel vm1, $0xA, v12;
	vm1 =	vge.f32 v16, v8  }
0x22b: {  	v8 =	vsel vm1, v16, v8;
	v0 =	vsel vm1, v0, v1  }
0x22c: {  	v0 =	vsub.f32 v0, v8;
	v8 =	vld [tilespmem:$0x1F920];
	_ =	sdelay $0x4  }
0x22d: {  	v8 =	vsel vm15, v8, v12;
	v12 =	vld [tilespmem:$0x1F930]  }
0x22e: {  	[tilespmem:$0x1FC50] =	vst v17;
	v17 =	vld [tilespmem:$0x1F940];
	_ =	sdelay $0x3  }
0x22f: {  	v14 =	vsel vm0, $0xF, v13;
	vm0 =	vnez.u8 v12  }
0x230: {  	v4 =	vsel vm0, $0x1A, v4;
	vm0 =	vnez.u8 v17;
	v17 =	vld [tilespmem:$0x1F950];
	_ =	sdelay $0x4  }
0x231: {  	v15 =	vsel vm0, $0x2A, v15;
	vm0 =	vnez.u8 v17;
	v17 =	vld [tilespmem:$0x1F960];
	_ =	sdelay $0x4  }
0x232: {  	v3 =	vsel vm0, $0x3A, v3;
	vm0 =	vnez.u8 v17;
	v17 =	vld [tilespmem:$0x1F970];
	_ =	sdelay $0x4  }
0x233: {  	vm15 =	vnez.u8 v17;
	v17 =	vld [tilespmem:$0x1F980];
	_ =	sdelay $0x4  }
0x234: {  	v15 =	vsel vm15, v17, v15;
	v17 =	vld [tilespmem:$0x1F990];
	_ =	sdelay $0x4  }
0x235: {  	vm15 =	vnez.u8 v17  }
0x236: {  	v3 =	vsel vm15, v2, v3;
	v2 =	vld [tilespmem:$0x1F9A0];
	_ =	sdelay $0x4  }
0x237: {  	v4 =	vsel vm0, v33, v4;
	vm0 =	vnez.u8 v2;
	v2 =	vld [tilespmem:$0x1F9B0];
	_ =	sdelay $0x1  }
0x238: {  	v0 =	vmul.f32 $1.442695020e+00, v0;
	_ =	sdelay $0x1  }
0x239: {  	(erf) = vpow2.f32 v0;
	v0 =	vld [tilespmem:$0x1FFE0]  }
0x23a: {  	v8 =	vsel vm0, $0xB, v8;
	vm0 =	vnez.u8 v2;
	v2 =	vld [tilespmem:$0x1F9C0];
	_ =	sdelay $0x4  }
0x23b: {  	v0 =	vsel vm0, v0, v8;
	vm0 =	vnez.u8 v2;
	v2 =	vld [tilespmem:$0x1F9D0];
	_ =	sdelay $0x3  }
0x23c: {  	[tilespmem:$0x1F9E0] =	vst v36  }
0x23d: {  	v4 =	vsel vm0, $0x1B, v4;
	vm0 =	vnez.u8 v2;
	v2 =	vld [tilespmem:$0x1F9E0];
	_ =	sdelay $0x3  }
0x23e: {  	v19 =	vld [tilespmem:$0x1FA00]  }
0x23f: {  	v15 =	vsel vm0, $0x2B, v15;
	vm0 =	vnez.u8 v2;
	v2 =	vld [tilespmem:$0x1F9F0];
	_ =	sdelay $0x3  }
0x240: {  	vm15 =	vnez.u8 v19  }
0x241: {  	v4 =	vsel vm15, v2, v4;
	v2 =	vld [tilespmem:$0x1FA10];
	_ =	sdelay $0x3  }
0x242: {  	v20 =	vld [tilespmem:$0x1FA30]  }
0x243: {  	v3 =	vsel vm0, $0x3B, v3;
	vm0 =	vnez.u8 v2;
	v2 =	vld [tilespmem:$0x1FA20];
	_ =	sdelay $0x3  }
0x244: {  	vm15 =	vnez.u8 v20;
	v20 =	vld [tilespmem:$0x1FA50]  }
0x245: {  	v15 =	vsel vm15, v2, v15;
	v2 =	vld [tilespmem:$0x1FA40];
	_ =	sdelay $0x3  }
0x246: {  	vm15 =	vnez.u8 v20;
	v20 =	vld [tilespmem:$0x1FA70]  }
0x247: {  	v3 =	vsel vm15, v2, v3;
	v2 =	vld [tilespmem:$0x1FA60];
	_ =	sdelay $0x3  }
0x248: {  	v0 =	vsel vm0, $0xC, v0;
	vm15 =	vnez.u8 v20  }
0x249: {  	v0 =	vsel vm15, v2, v0;
	v2 =	vld [tilespmem:$0x1FA80];
	_ =	sdelay $0x4  }
0x24a: {  	vm0 =	vnez.u8 v2;
	v2 =	vld [tilespmem:$0x1FA90];
	_ =	sdelay $0x4  }
0x24b: {  	v4 =	vsel vm0, $0x1C, v4;
	vm0 =	vnez.u8 v2;
	v2 =	vld [tilespmem:$0x1FAA0];
	_ =	sdelay $0x3  }
0x24c: {  	v20 =	vld [tilespmem:$0x1FAC0]  }
0x24d: {  	v15 =	vsel vm0, $0x2C, v15;
	vm0 =	vnez.u8 v2;
	v2 =	vld [tilespmem:$0x1FAB0];
	_ =	sdelay $0x3  }
0x24e: {  	v3 =	vsel vm0, $0x3C, v3;
	vm0 =	vnez.u8 v20;
	v20 =	vld [tilespmem:$0x1FAE0]  }
0x24f: {  	v4 =	vsel vm0, v2, v4;
	v2 =	vld [tilespmem:$0x1FAD0];
	_ =	sdelay $0x3  }
0x250: {  	vm0 =	vnez.u8 v20  }
0x251: {  	v15 =	vsel vm0, v2, v15;
	v2 =	vld [tilespmem:$0x1FAF0];
	_ =	sdelay $0x3  }
0x252: {  	v20 =	vld [tilespmem:$0x1FB10]  }
0x253: {  	vm0 =	vnez.u8 v2;
	v2 =	vld [tilespmem:$0x1FB00];
	_ =	sdelay $0x3  }
0x254: {  	v0 =	vsel vm0, $0xD, v0;
	vm0 =	vnez.u8 v20;
	v20 =	vld [tilespmem:$0x1FB30]  }
0x255: {  	v3 =	vsel vm0, v2, v3;
	v2 =	vld [tilespmem:$0x1FB20];
	_ =	sdelay $0x3  }
0x256: {  	vm15 =	vnez.u8 v20  }
0x257: {  	v0 =	vsel vm15, v2, v0;
	v2 =	vld [tilespmem:$0x1FB40];
	_ =	sdelay $0x4  }
0x258: {  	vm0 =	vnez.u8 v2;
	v2 =	vld [tilespmem:$0x1FB50];
	_ =	sdelay $0x4  }
0x259: {  	v4 =	vsel vm0, $0x1D, v4;
	vm0 =	vnez.u8 v2;
	v2 =	vld [tilespmem:$0x1FB60];
	_ =	sdelay $0x4  }
0x25a: {  	v4 =	vsel vm0, v11, v4;
	vm0 =	vnez.u8 v2;
	v2 =	vld [tilespmem:$0x1FB70];
	_ =	sdelay $0x4  }
0x25b: {  	v11 =	vsel vm0, $0x2D, v15;
	vm0 =	vnez.u8 v2;
	v2 =	vld [tilespmem:$0x1FB80];
	_ =	sdelay $0x4  }
0x25c: {  	v3 =	vsel vm0, $0x3D, v3;
	vm0 =	vnez.u8 v2;
	v2 =	vld [tilespmem:$0x1FB90];
	_ =	sdelay $0x4  }
0x25d: {  	v9 =	vsel vm0, v9, v11;
	vm0 =	vnez.u8 v2;
	v2 =	vld [tilespmem:$0x1FBA0];
	_ =	sdelay $0x3  }
0x25e: {  	v11 =	vld [tilespmem:$0x1FBC0]  }
0x25f: {  	v3 =	vsel vm0, v10, v3;
	vm0 =	vnez.u8 v2;
	v2 =	vld [tilespmem:$0x1FBB0];
	_ =	sdelay $0x3  }
0x260: {  	v0 =	vsel vm0, $0xE, v0;
	vm0 =	vnez.u8 v11  }
0x261: {  	v0 =	vsel vm0, v2, v0;
	v2 =	vld [tilespmem:$0x1FBD0];
	_ =	sdelay $0x4  }
0x262: {  	vm0 =	vnez.u8 v2;
	v2 =	vld [tilespmem:$0x1FBE0];
	_ =	sdelay $0x4  }
0x263: {  	v4 =	vsel vm0, $0x1E, v4;
	vm0 =	vnez.u8 v2;
	v2 =	vld [tilespmem:$0x1FBF0];
	_ =	sdelay $0x3  }
0x264: {  	v1 =	vsel vm5, $0x1E, v7  }
0x265: {  	v4 =	vsel vm5, v7, v4;
	v7 =	vsel vm0, $0x2E, v9;
	vm0 =	vnez.u8 v2;
	v2 =	vld [tilespmem:$0x1FC00];
	_ =	sdelay $0x3  }
0x266: {  	v3 =	vsel vm0, $0x3E, v3  }
0x267: {  	vm0 =	vnez.u8 v2;
	v2 =	vsel vm4, v5, v3;
	v3 =	vld [tilespmem:$0x1FC10];
	_ =	sdelay $0x4  }
0x268: {  	v0 =	vsel vm0, $0xF, v0;
	vm0 =	vnez.u8 v3;
	v3 =	vld [tilespmem:$0x1FC20];
	_ =	sdelay $0x4  }
0x269: {  	v0 =	vsel vm0, v13, v0;
	vm0 =	vnez.u8 v3  }
0x26a: {  	v3 =	vsel vm0, $0x1F, v4  }
0x26b: {  	v17 =	vsel vm13, $0x1F, v1;
	v1 =	vsel vm13, v1, v3;
	v3 =	vld [tilespmem:$0x1FC30]  }
0x26c: {  	v4 =	vld [tilespmem:$0x1FC40];
	_ =	sdelay $0x3  }
0x26d: {  	v16 =	vsel vm9, $0x2E, v6;
	v6 =	vsel vm9, v6, v7;
	vm0 =	vnez.u8 v3  }
0x26e: {  	v3 =	vsel vm0, $0x2F, v6;
	vm0 =	vnez.u8 v4;
	v4 =	vld [tilespmem:$0x1FC50]  }
0x26f: {  	v10 =	vpop (erf)  }
0x270: {  	v12 =	vsel vm4, $0x3E, v5;
	v10 =	vadd.f32 $1.000000000e+00, v10  }
0x271: {  	v18 =	vsel vm14, $0x3F, v12;
	v19 =	vsel vm7, v14, v17;
	v8 =	vsel vm2, $0x2F, v16  }
0x272: {  	(erf) = vrcp.f32 v10;
	v1 =	vsel vm8, v14, v1;
	v2 =	vsel vm0, $0x3F, v2  }
0x273: {  	v3 =	vsel vm2, v16, v3;
	v2 =	vsel vm14, v12, v2;
	vm0 =	vnez.u8 v4  }
0x274: {  	v3 =	vsel vm10, v3, v18;
	v2 =	vsel vm11, v8, v2;
	v0 =	vsel vm0, v0, v17  }
0x275: {  	v2 =	vsel vm12, v3, v2;
	v0 =	vsel vm7, v0, v1;
	v1 =	vsel vm12, v8, v18  }
0x276: {  	v3 =	vsel vm1, v19, v1;
	v0 =	vsel vm3, v0, v1;
	v1 =	vsel vm6, v19, v2  }
0x277: {  	v4 =	vsel vm1, v0, v1;
	v1 =	vshll.u32 v3, $0x8  }
0x278: {  	v3 =	vor.u32 v1, v4;
	v1 =	vld [tilespmem:$0x1FFF0];
	_ =	sdelay $0x2  }
0x279: {  	v2 =	vmov s13  }
0x27a: {  	s12 =	sadd.s32 $0x10, s12;
	v2 =	vshll.u32 v2, $0x7  }
0x27b: {  	s11 =	sadd.s32 $0x10, s11;
	v5 =	vimm.s32 $0x0;
	[tilespmem:s12+$0x0] =	vst v3;
	v0 =	vpop (erf);
	v6 =	vor.u32 v1, v2  }
0x27c: {  	[tilespmem:s11+$0x0] =	vst v0;
	v1 =	vor.u32 $0xF, v6;
	v0 =	vor.u32 $0xE, v6;
	v22 =	vor.u32 $0xA, v6  }
0x27d: {  	v25 =	vor.u32 $0x1A, v6;
	v24 =	vor.u32 $0x2A, v6;
	v30 =	vor.u32 $0x9, v6  }
0x27e: {  	v27 =	vor.u32 $0x19, v6;
	v2 =	vor.u32 $0x11, v6;
	v28 =	vor.u32 $0x29, v6  }
0x27f: {  	v26 =	vor.u32 $0x39, v6;
	v3 =	vor.u32 $0x21, v6;
	v33 =	vor.u32 $0x8, v6  }
0x280: {  	v32 =	vor.u32 $0x18, v6;
	v4 =	vor.u32 $0x31, v6;
	v31 =	vor.u32 $0x28, v6  }
0x281: {  	v29 =	vor.u32 $0x38, v6;
	v9 =	vor.u32 $0x10, v6;
	v36 =	vor.u32 $0x17, v6  }
0x282: {  	v10 =	vor.u32 $0x20, v6;
	v35 =	vor.u32 $0x27, v6;
	v34 =	vor.u32 $0x37, v6;
	[tilespmem:$0x1FEA0] =	vst v1  }
0x283: {  	v13 =	vor.u32 $0x30, v6;
	v38 =	vor.u32 $0x6, v6;
	v1 =	vor.u32 $0x1F, v6;
	[tilespmem:$0x1FED0] =	vst v0  }
0x284: {  	v8 =	vor.u32 $0x5, v6;
	v39 =	vor.u32 $0x15, v6;
	v0 =	vor.u32 $0x1E, v6;
	[tilespmem:$0x1FEB0] =	vst v1  }
0x285: {  	v37 =	vor.u32 $0x25, v6;
	v42 =	vor.u32 $0x4, v6;
	v1 =	vor.u32 $0x2F, v6;
	[tilespmem:$0x1FEE0] =	vst v0  }
0x286: {  	v20 =	vor.u32 $0x14, v6;
	v12 =	vor.u32 $0x24, v6;
	v0 =	vor.u32 $0x3F, v6;
	[tilespmem:$0x1FEC0] =	vst v1;
	v7 =	vld.idx.msk [tilespmem:v6+s2+$0x0], $0xffff  }
0x287: {  	v43 =	vor.u32 $0x3, v6;
	v44 =	vor.u32 $0x13, v6;
	[tilespmem:$0x1FEF0] =	vst v0;
	v0 =	vor.u32 $0xD, v6;
	v16 =	vld.idx.msk [tilespmem:v2+s2+$0x0], $0xffff  }
0x288: {  	v14 =	vor.u32 $0x34, v6;
	v1 =	vor.u32 $0x1, v6;
	[tilespmem:$0x1FF00] =	vst v0;
	v0 =	vor.u32 $0x2E, v6;
	v40 =	vld.idx.msk [tilespmem:v3+s2+$0x0], $0xffff  }
0x289: {  	v59 =	vor.u32 $0x2, v6;
	v46 =	vor.u32 $0x23, v6;
	[tilespmem:$0x1FF10] =	vst v0;
	v0 =	vor.u32 $0x3E, v6;
	v41 =	vld.idx.msk [tilespmem:v4+s2+$0x0], $0xffff  }
0x28a: {  	v47 =	vor.u32 $0x33, v6;
	v48 =	vor.u32 $0x12, v6;
	v9 =	vld.idx.msk [tilespmem:v9+s2+$0x0], $0xffff;
	[tilespmem:$0x1FF20] =	vst v0;
	v0 =	vor.u32 $0x1D, v6  }
0x28b: {  	v49 =	vor.u32 $0x22, v6;
	v2 =	vor.u32 $0x16, v6;
	v10 =	vld.idx.msk [tilespmem:v10+s2+$0x0], $0xffff;
	[tilespmem:$0x1FF30] =	vst v0;
	v0 =	vor.u32 $0x2D, v6  }
0x28c: {  	v3 =	vor.u32 $0x26, v6;
	v4 =	vor.u32 $0x35, v6;
	v13 =	vld.idx.msk [tilespmem:v13+s2+$0x0], $0xffff;
	[tilespmem:$0x1FF40] =	vst v0;
	v0 =	vor.u32 $0x3D, v6  }
0x28d: {  	v11 =	vld.idx.msk [tilespmem:v1+s2+$0x0], $0xffff;
	v1 =	vor.u32 $0x36, v6;
	[tilespmem:$0x1FF50] =	vst v0;
	v0 =	vor.u32 $0xC, v6;
	vm0 =	vgt.f32 v7, $-Inf  }
0x28e: {  	[tilespmem:$0x1FC80] =	vst v0;
	v0 =	vor.u32 $0x1C, v6;
	v7 =	vnsel vm0, $0xFF800000, v7;
	vm3 =	vlt.f32 v16, $-Inf  }
0x28f: {  	vm4 =	vgt.f32 v16, $-Inf;
	vm5 =	vlt.f32 v40, $-Inf;
	vm6 =	vgt.f32 v40, $-Inf  }
0x290: {  	vm7 =	vlt.f32 v41, $-Inf;
	vm8 =	vlt.f32 v9, $-Inf;
	vm9 =	vgt.f32 v9, $-Inf  }
0x291: {  	vm10 =	vgt.f32 v41, $-Inf;
	vm11 =	vlt.f32 v10, $-Inf;
	[tilespmem:$0x1FF60] =	vst v0;
	v0 =	vor.u32 $0x2C, v6  }
0x292: {  	vm12 =	vgt.f32 v10, $-Inf;
	vm13 =	vlt.f32 v13, $-Inf;
	[tilespmem:$0x1FF70] =	vst v0;
	v0 =	vor.u32 $0xB, v6  }
0x293: {  	vm14 =	vgt.f32 v13, $-Inf;
	[tilespmem:$0x1FC60] =	vst v0;
	v0 =	vor.u32 $0x1B, v6;
	vm0 =	vlt.f32 v11, $-Inf  }
0x294: {  	vm2 =	vgt.f32 v11, $-Inf;
	vm1 =	vgt.f32 v11, v7;
	[tilespmem:$0x1FC90] =	vst v0;
	v0 =	vor.u32 $0x3C, v6  }
0x295: {  	vm0 =	vmor vm2, vm0;
	vm2 =	vmor vm4, vm3;
	vm3 =	vmor vm6, vm5  }
0x296: {  	vm4 =	vmor vm10, vm7;
	vm5 =	vmor vm9, vm8;
	vm6 =	vmor vm12, vm11  }
0x297: {  	vm7 =	vmor vm14, vm13;
	v52 =	vsel vm1, $0x1, v5;
	vm8 =	vmneg vm1  }
0x298: {  	v45 =	vld.idx.msk [tilespmem:v59+s2+$0x0], $0xffff;
	v56 =	vsel vm1, v11, v7;
	[tilespmem:$0x1FF80] =	vst v0;
	v0 =	vor.u32 $0x2B, v6;
	v50 =	vsel vm5, $0x10, v5  }
0x299: {  	v51 =	vsel vm6, $0x20, v5;
	v53 =	vsel vm7, $0x30, v5;
	v54 =	vsel vm2, $0x11, v5  }
0x29a: {  	v55 =	vsel vm3, $0x21, v5;
	v57 =	vsel vm4, $0x31, v5;
	v11 =	vnsel vm0, $0xFF800000, v11  }
0x29b: {  	v58 =	vnsel vm2, $0xFF800000, v16;
	v59 =	vnsel vm3, $0xFF800000, v40;
	v9 =	vnsel vm5, $0xFF800000, v9  }
0x29c: {  	v10 =	vnsel vm6, $0xFF800000, v10;
	v60 =	vnsel vm4, $0xFF800000, v41;
	v13 =	vnsel vm7, $0xFF800000, v13  }
0x29d: {  	vm2 =	vmand vm0, vm8;
	vm0 =	vgt.f32 v45, v56;
	[tilespmem:$0x1FCA0] =	vst v0;
	v0 =	vor.u32 $0x3B, v6  }
0x29e: {  	v7 =	vsel vm1, v7, v11;
	vm1 =	vgt.f32 v16, v9;
	vm3 =	vgt.f32 v40, v10  }
0x29f: {  	v43 =	vld.idx.msk [tilespmem:v43+s2+$0x0], $0xffff;
	vm4 =	vgt.f32 v41, v13;
	v61 =	vsel vm0, $0x2, v52;
	v62 =	vsel vm2, $0x1, v5  }
0x2a0: {  	v11 =	vld.idx.msk [tilespmem:v49+s2+$0x0], $0xffff;
	[tilespmem:$0x1FF90] =	vst v0;
	v0 =	vor.u32 $0x3A, v6;
	v49 =	vsel vm1, $0x11, v50;
	v63 =	vsel vm3, $0x21, v51  }
0x2a1: {  	v48 =	vld.idx.msk [tilespmem:v48+s2+$0x0], $0xffff;
	v15 =	vsel vm4, $0x31, v53;
	v50 =	vsel vm1, v50, v54;
	v51 =	vsel vm3, v51, v55  }
0x2a2: {  	v53 =	vsel vm4, v53, v57;
	v16 =	vsel vm1, v16, v9;
	v54 =	vsel vm3, v40, v10  }
0x2a3: {  	v55 =	vsel vm0, v45, v56;
	v9 =	vsel vm1, v9, v58;
	v41 =	vsel vm4, v41, v13  }
0x2a4: {  	v44 =	vld.idx.msk [tilespmem:v44+s2+$0x0], $0xffff;
	vm1 =	vgt.f32 v45, v7;
	v10 =	vsel vm3, v10, v59;
	v13 =	vsel vm4, v13, v60  }
0x2a5: {  	[tilespmem:$0x1FC70] =	vst v0;
	v0 =	vor.u32 $0x7, v6;
	v6 =	vor.u32 $0x32, v6;
	v40 =	vsel vm1, $0x2, v62  }
0x2a6: {  	v7 =	vsel vm1, v45, v7;
	vm5 =	vgt.f32 v48, v16;
	vm1 =	vgt.f32 v43, v55  }
0x2a7: {  	vm2 =	vgt.f32 v48, v9;
	v57 =	vsel vm1, $0x3, v61;
	v58 =	vsel vm5, $0x12, v49  }
0x2a8: {  	v52 =	vsel vm0, v52, v40;
	v40 =	vsel vm2, $0x12, v50;
	v50 =	vsel vm5, v48, v16  }
0x2a9: {  	v46 =	vld.idx.msk [tilespmem:v46+s2+$0x0], $0xffff;
	v7 =	vsel vm0, v56, v7;
	v9 =	vsel vm2, v48, v9;
	vm2 =	vgt.f32 v44, v50  }
0x2aa: {  	v45 =	vld.idx.msk [tilespmem:v42+s2+$0x0], $0xffff;
	vm0 =	vgt.f32 v43, v7;
	vm6 =	vgt.f32 v11, v54;
	vm3 =	vgt.f32 v11, v10  }
0x2ab: {  	v56 =	vsel vm6, v11, v54;
	v10 =	vsel vm3, v11, v10;
	v11 =	vsel vm5, v49, v40;
	v40 =	vld.idx.msk [tilespmem:v8+s2+$0x0], $0xffff  }
0x2ac: {  	v7 =	vsel vm0, v43, v7;
	v59 =	vsel vm6, $0x22, v63;
	v42 =	vsel vm3, $0x22, v51;
	v6 =	vld.idx.msk [tilespmem:v6+s2+$0x0], $0xffff  }
0x2ad: {  	v8 =	vsel vm5, v16, v9;
	v16 =	vld.idx.msk [tilespmem:v12+s2+$0x0], $0xffff;
	v49 =	vsel vm2, $0x13, v58;
	v12 =	vsel vm0, $0x3, v52  }
0x2ae: {  	v52 =	vsel vm2, v44, v50;
	v7 =	vsel vm1, v55, v7;
	v10 =	vsel vm6, v54, v10  }
0x2af: {  	vm9 =	vgt.f32 v44, v8;
	v12 =	vsel vm1, v61, v12;
	vm10 =	vgt.f32 v46, v10  }
0x2b0: {  	v9 =	vld.idx.msk [tilespmem:v20+s2+$0x0], $0xffff;
	v11 =	vsel vm9, $0x13, v11;
	v8 =	vsel vm9, v44, v8;
	vm9 =	vgt.f32 v45, v7  }
0x2b1: {  	v47 =	vld.idx.msk [tilespmem:v47+s2+$0x0], $0xffff;
	v10 =	vsel vm10, v46, v10;
	v11 =	vsel vm2, v58, v11;
	vm7 =	vgt.f32 v6, v41  }
0x2b2: {  	v23 =	vsel vm2, v50, v8;
	vm4 =	vgt.f32 v6, v13;
	v60 =	vsel vm7, $0x32, v15  }
0x2b3: {  	v51 =	vsel vm4, $0x32, v53;
	v53 =	vsel vm1, v43, v55;
	v62 =	vsel vm7, v6, v41  }
0x2b4: {  	v6 =	vsel vm4, v6, v13;
	v13 =	vsel vm6, v63, v42;
	vm4 =	vgt.f32 v46, v56  }
0x2b5: {  	vm6 =	vgt.f32 v9, v52;
	v15 =	vsel vm7, v15, v51;
	vm3 =	vgt.f32 v45, v53  }
0x2b6: {  	v48 =	vld.idx.msk [tilespmem:v14+s2+$0x0], $0xffff;
	vm5 =	vgt.f32 v47, v62;
	v6 =	vsel vm7, v41, v6;
	v51 =	vsel vm4, $0x23, v59  }
0x2b7: {  	v63 =	vsel vm4, v46, v56;
	v13 =	vsel vm10, $0x23, v13;
	v17 =	vsel vm6, $0x14, v49  }
0x2b8: {  	v42 =	vsel vm3, $0x4, v57;
	v54 =	vsel vm5, $0x33, v60;
	v20 =	vsel vm3, v45, v53  }
0x2b9: {  	v5 =	vsel vm5, v47, v62;
	vm11 =	vgt.f32 v47, v6;
	vm7 =	vgt.f32 v16, v63  }
0x2ba: {  	v38 =	vld.idx.msk [tilespmem:v38+s2+$0x0], $0xffff;
	v44 =	vsel vm4, v59, v13;
	v45 =	vsel vm9, v45, v7;
	v14 =	vsel vm11, $0x33, v15  }
0x2bb: {  	v18 =	vld.idx.msk [tilespmem:v37+s2+$0x0], $0xffff;
	vm0 =	vgt.f32 v40, v20;
	vm8 =	vgt.f32 v48, v5;
	v6 =	vsel vm11, v47, v6  }
0x2bc: {  	v4 =	vld.idx.msk [tilespmem:v4+s2+$0x0], $0xffff;
	v19 =	vsel vm7, $0x24, v51;
	v61 =	vsel vm7, v16, v63;
	v45 =	vsel vm3, v53, v45  }
0x2bd: {  	v37 =	vsel vm0, $0x5, v42;
	v58 =	vsel vm8, $0x34, v54;
	v47 =	vsel vm5, v60, v14  }
0x2be: {  	v15 =	vld.idx.msk [tilespmem:v39+s2+$0x0], $0xffff;
	v14 =	vsel vm6, v9, v52;
	v39 =	vsel vm0, v40, v20;
	v59 =	vsel vm8, v48, v5  }
0x2bf: {  	v60 =	vsel vm4, v56, v10;
	v62 =	vsel vm5, v62, v6;
	v6 =	vsel vm9, $0x4, v12  }
0x2c0: {  	v8 =	vld.idx.msk [tilespmem:v0+s2+$0x0], $0xffff;
	vm5 =	vgt.f32 v18, v61;
	vm9 =	vgt.f32 v9, v23;
	vm4 =	vgt.f32 v38, v39  }
0x2c1: {  	v43 =	vld.idx.msk [tilespmem:v2+s2+$0x0], $0xffff;
	vm2 =	vgt.f32 v4, v59;
	vm10 =	vgt.f32 v16, v60;
	vm11 =	vgt.f32 v48, v62  }
0x2c2: {  	v46 =	vld.idx.msk [tilespmem:v3+s2+$0x0], $0xffff;
	v41 =	vsel vm5, $0x25, v19;
	v0 =	vsel vm3, v57, v6;
	v2 =	vsel vm9, $0x14, v11  }
0x2c3: {  	v11 =	vsel vm5, v18, v61;
	v9 =	vsel vm9, v9, v23;
	v7 =	vsel vm4, $0x6, v37  }
0x2c4: {  	v13 =	vld.idx.msk [tilespmem:v1+s2+$0x0], $0xffff;
	v6 =	vsel vm2, $0x35, v58;
	v1 =	vsel vm10, $0x24, v44;
	v3 =	vsel vm11, $0x34, v47  }
0x2c5: {  	v12 =	vsel vm4, v38, v39;
	v44 =	vsel vm2, v4, v59;
	v16 =	vsel vm10, v16, v60  }
0x2c6: {  	v50 =	vld.idx.msk [tilespmem:v36+s2+$0x0], $0xffff;
	v2 =	vsel vm6, v49, v2;
	v23 =	vsel vm11, v48, v62;
	vm10 =	vgt.f32 v40, v45  }
0x2c7: {  	vm15 =	vgt.f32 v46, v11;
	v36 =	vsel vm6, v52, v9;
	v49 =	vld.idx.msk [tilespmem:v26+s2+$0x0], $0xffff;
	v26 =	vimm.s32 $0x0  }
0x2c8: {  	v1 =	vsel vm7, v51, v1;
	v3 =	vsel vm8, v54, v3;
	vm3 =	vgt.f32 v8, v12  }
0x2c9: {  	vm14 =	vgt.f32 v13, v44;
	v57 =	vsel vm7, v63, v16;
	v5 =	vsel vm8, v5, v23  }
0x2ca: {  	v33 =	vld.idx.msk [tilespmem:v33+s2+$0x0], $0xffff;
	v23 =	vsel vm10, $0x5, v0;
	v62 =	vsel vm15, v46, v11;
	v40 =	vsel vm10, v40, v45  }
0x2cb: {  	v55 =	vld.idx.msk [tilespmem:v35+s2+$0x0], $0xffff;
	vm1 =	vgt.f32 v15, v14;
	v16 =	vsel vm14, $0x36, v6;
	v35 =	vsel vm3, v8, v12  }
0x2cc: {  	vm11 =	vgt.f32 v15, v36;
	vm12 =	vgt.f32 v18, v57;
	v42 =	vsel vm0, v42, v23  }
0x2cd: {  	vm13 =	vgt.f32 v4, v5;
	v20 =	vsel vm0, v20, v40;
	v10 =	vsel vm1, $0x15, v17  }
0x2ce: {  	v47 =	vsel vm1, v15, v14;
	v2 =	vsel vm11, $0x15, v2;
	v1 =	vsel vm12, $0x25, v1  }
0x2cf: {  	v3 =	vsel vm13, $0x35, v3;
	vm10 =	vgt.f32 v33, v35;
	v15 =	vsel vm11, v15, v36  }
0x2d0: {  	v18 =	vsel vm12, v18, v57;
	v5 =	vsel vm13, v4, v5;
	vm11 =	vgt.f32 v38, v20  }
0x2d1: {  	v30 =	vld.idx.msk [tilespmem:v30+s2+$0x0], $0xffff;
	v17 =	vsel vm1, v17, v2;
	v36 =	vsel vm2, v58, v3;
	v14 =	vsel vm1, v14, v15  }
0x2d2: {  	v9 =	vld.idx.msk [tilespmem:v34+s2+$0x0], $0xffff;
	v15 =	vsel vm5, v61, v18;
	v5 =	vsel vm2, v59, v5;
	v2 =	vsel vm11, $0x6, v42  }
0x2d3: {  	v56 =	vld.idx.msk [tilespmem:v29+s2+$0x0], $0xffff;
	v18 =	vsel vm11, v38, v20;
	vm11 =	vgt.f32 v43, v14;
	vm13 =	vgt.f32 v13, v5  }
0x2d4: {  	v29 =	vld.idx.msk [tilespmem:v22+s2+$0x0], $0xffff;
	vm9 =	vgt.f32 v43, v47;
	v17 =	vsel vm11, $0x16, v17;
	v21 =	vsel vm13, $0x36, v36  }
0x2d5: {  	v53 =	vsel vm9, $0x16, v10;
	v10 =	vsel vm9, v10, v17;
	v17 =	vsel vm14, v6, v21;
	v6 =	vld [tilespmem:$0x1FC60]  }
0x2d6: {  	v48 =	vld.idx.msk [tilespmem:v32+s2+$0x0], $0xffff;
	v63 =	vsel vm14, v13, v44;
	v19 =	vsel vm5, v19, v1;
	v32 =	vsel vm10, v33, v35  }
0x2d7: {  	v0 =	vsel vm9, v43, v47;
	vm7 =	vgt.f32 v9, v63;
	vm1 =	vgt.f32 v30, v32  }
0x2d8: {  	vm12 =	vgt.f32 v46, v15;
	v20 =	vsel vm4, v37, v2;
	v18 =	vsel vm4, v39, v18  }
0x2d9: {  	v45 =	vld.idx.msk [tilespmem:v28+s2+$0x0], $0xffff;
	v23 =	vsel vm7, v9, v63;
	v19 =	vsel vm12, $0x26, v19;
	v28 =	vsel vm1, v30, v32  }
0x2da: {  	v14 =	vsel vm11, v43, v14;
	v5 =	vsel vm13, v13, v5;
	vm5 =	vgt.f32 v56, v23  }
0x2db: {  	v13 =	vsel vm15, v41, v19;
	vm4 =	vgt.f32 v29, v28;
	v19 =	vsel vm9, v47, v14  }
0x2dc: {  	v52 =	vld.idx.msk [tilespmem:v31+s2+$0x0], $0xffff;
	v26 =	vsel vm5, $0xFFFFFFFF, v26;
	vm9 =	vmmov vm4;
	vm4 =	vgt.f32 v8, v18  }
0x2dd: {  	[tilespmem:$0x1FFC0] =	vst v26;
	v8 =	vsel vm4, v8, v18;
	v26 =	vld.idx.msk [tilespmem:v6+s2+$0x0], $0xffff;
	v6 =	vsel vm4, $0x7, v20;
	vm4 =	vgt.f32 v50, v19  }
0x2de: {  	v54 =	vsel vm15, $0x26, v41;
	vm6 =	vgt.f32 v55, v62;
	v14 =	vsel vm4, $0x17, v10;
	v10 =	vld [tilespmem:$0x1FC80]  }
0x2df: {  	v34 =	vsel vm3, $0x7, v7;
	v57 =	vsel vm6, $0x27, v54;
	v1 =	vimm.s32 $0x0  }
0x2e0: {  	v31 =	vsel vm10, $0x8, v34;
	v58 =	vsel vm6, v55, v62;
	v1 =	vsel vm10, $0xFFFFFFFF, v1  }
0x2e1: {  	v40 =	vld.idx.msk [tilespmem:v24+s2+$0x0], $0xffff;
	vm2 =	vgt.f32 v52, v58;
	vm8 =	vgt.f32 v50, v0;
	v15 =	vsel vm12, v46, v15  }
0x2e2: {  	v4 =	vsel vm7, $0x37, v16;
	v22 =	vsel vm1, $0x9, v31;
	v15 =	vsel vm15, v11, v15;
	v11 =	vld [tilespmem:$0x1FC70]  }
0x2e3: {  	v42 =	vld.idx.msk [tilespmem:v27+s2+$0x0], $0xffff;
	v2 =	vsel vm2, $0x28, v57;
	v38 =	vsel vm2, v52, v58;
	v5 =	vsel vm14, v44, v5  }
0x2e4: {  	v39 =	vld.idx.msk [tilespmem:v25+s2+$0x0], $0xffff;
	v51 =	vsel vm8, $0x17, v53;
	v60 =	vsel vm8, v50, v0;
	vm14 =	vgt.f32 v9, v5  }
0x2e5: {  	vm13 =	vgt.f32 v45, v38;
	vm0 =	vgt.f32 v48, v60;
	v9 =	vsel vm14, v9, v5;
	v5 =	vld [tilespmem:$0x1FCA0]  }
0x2e6: {  	[tilespmem:$0x1FFB0] =	vst v28;
	v3 =	vsel vm5, $0x38, v4;
	v43 =	vsel vm5, v56, v23;
	v25 =	vsel vm9, v29, v28;
	v28 =	vld.idx.msk [tilespmem:v10+s2+$0x0], $0xffff  }
0x2e7: {  	v36 =	vsel vm13, $0x29, v2;
	v44 =	vsel vm13, v45, v38;
	v10 =	vsel vm3, v12, v8;
	v8 =	vld [tilespmem:$0x1FC90]  }
0x2e8: {  	[tilespmem:$0x1FFA0] =	vst v1;
	v1 =	vsel vm0, $0x18, v51;
	v37 =	vsel vm0, v48, v60;
	vm11 =	vgt.f32 v49, v43  }
0x2e9: {  	v59 =	vsel vm9, $0xA, v22;
	vm15 =	vgt.f32 v40, v44;
	vm12 =	vgt.f32 v42, v37  }
0x2ea: {  	p0 =	sne.s32 s13, $0xF0;
	v27 =	vsel vm11, $0x39, v3;
	v47 =	vsel vm11, v49, v43;
	v46 =	vsel vm12, v42, v37;
	v41 =	vld.idx.msk [tilespmem:v11+s2+$0x0], $0xffff  }
.Ltmp0:
0x2eb: {  	v24 =	vsel vm12, $0x19, v1;
	vm5 =	vgt.f32 v39, v46;
	v11 =	vimm.s32 $0x0;
	(pc) =	sbr.rel @p0 .LBB2_2-.Ltmp0, $4  }
0x2ec: {  	v11 =	vsel vm9, $0xFFFFFFFF, v11;
	v6 =	vsel vm3, v7, v6;
	vm9 =	vgt.f32 v55, v15  }
0x2ed: {  	v7 =	vsel vm14, $0x37, v17;
	v21 =	vsel vm9, $0x27, v13;
	vm10 =	vgt.f32 v26, v25  }
0x2ee: {  	[tilespmem:$0x1FFD0] =	vst v11;
	v11 =	vsel vm4, v50, v19;
	v13 =	vsel vm9, v55, v15;
	v55 =	vld.idx.msk [tilespmem:v5+s2+$0x0], $0xffff;
	vm14 =	vmmov vm10  }
0x2ef: {  	s13 =	sadd.s32 $0x10, s13;
	[tilespmem:$0x1FFE0] =	vst v59;
	vm10 =	vmmov vm1;
	v20 =	vsel vm14, $0xB, v59;
	vm3 =	vgt.f32 v41, v47;
	v50 =	vld.idx.msk [tilespmem:v8+s2+$0x0], $0xffff  }
0x2f0: {  	v5 =	vsel vm8, v53, v14;
	v8 =	vsel vm6, v54, v21  }
0x2f1: {  	v7 =	vsel vm7, v16, v7;
	v0 =	vsel vm8, v0, v11;
	v21 =	vsel vm6, v62, v13  }
0x2f2: {  	vm9 =	vmmov vm3;
	vm8 =	vgt.f32 v33, v10;
	v9 =	vsel vm7, v63, v9  }
0x2f3: {  	v54 =	vsel vm5, v39, v46;
	v59 =	vsel vm14, v26, v25;
	v61 =	vimm.s32 $0x0  }
0x2f4: {  	v19 =	vimm.s32 $0x0;
	v15 =	vimm.s32 $0x0;
	v10 =	vsel vm8, v33, v10  }
0x2f5: {  	v12 =	vld [tilespmem:$0x1FFA0];
	v6 =	vsel vm8, $0x8, v6;
	vm3 =	vgt.f32 v48, v0;
	vm4 =	vgt.f32 v52, v21  }
0x2f6: {  	v33 =	vimm.s32 $0x0;
	v17 =	vsel vm9, $0x3A, v27;
	v0 =	vsel vm3, v48, v0  }
0x2f7: {  	v11 =	vsel vm4, v52, v21;
	v5 =	vsel vm3, $0x18, v5;
	v8 =	vsel vm4, $0x28, v8  }
0x2f8: {  	v21 =	vimm.s32 $0x0;
	v5 =	vsel vm0, v51, v5;
	v0 =	vsel vm0, v60, v0  }
0x2f9: {  	v8 =	vsel vm2, v57, v8;
	v57 =	vsel vm9, v41, v47;
	vm0 =	vgt.f32 v42, v0  }
0x2fa: {  	v60 =	vimm.s32 $0x0;
	vm1 =	vnez.u8 v12;
	v0 =	vsel vm0, v42, v0  }
0x2fb: {  	v5 =	vsel vm0, $0x19, v5;
	v42 =	vimm.s32 $0x0;
	v6 =	vsel vm1, v34, v6  }
0x2fc: {  	v52 =	vld [tilespmem:$0x1FFD0];
	v10 =	vsel vm1, v35, v10;
	vm1 =	vgt.f32 v56, v9;
	v35 =	vsel vm2, v58, v11  }
0x2fd: {  	v1 =	vsel vm12, v1, v5;
	v0 =	vsel vm12, v37, v0;
	v37 =	vsel vm15, $0x2A, v36  }
0x2fe: {  	v9 =	vsel vm1, v56, v9;
	v7 =	vsel vm1, $0x38, v7;
	vm7 =	vgt.f32 v30, v10  }
0x2ff: {  	vm8 =	vgt.f32 v45, v35;
	vm3 =	vgt.f32 v39, v0;
	v56 =	vsel vm15, v40, v44  }
0x300: {  	v34 =	vld [tilespmem:$0x1FFC0];
	v6 =	vsel vm7, $0x9, v6;
	v10 =	vsel vm7, v30, v10;
	v8 =	vsel vm8, $0x29, v8  }
0x301: {  	vm7 =	vnez.u8 v52;
	v0 =	vsel vm3, v39, v0;
	vm12 =	vgt.f32 v55, v56  }
0x302: {  	v1 =	vsel vm3, $0x1A, v1;
	v39 =	vimm.s32 $0x0;
	v6 =	vsel vm10, v31, v6  }
0x303: {  	v10 =	vsel vm10, v32, v10;
	v2 =	vsel vm13, v2, v8;
	v0 =	vsel vm5, v46, v0  }
0x304: {  	v63 =	vsel vm12, v55, v56;
	v32 =	vimm.s32 $0x0;
	vm1 =	vgt.f32 v50, v0  }
0x305: {  	v58 =	vld [tilespmem:$0x1FF90];
	v1 =	vsel vm5, v24, v1;
	vm6 =	vnez.u8 v34;
	v0 =	vsel vm1, v50, v0  }
0x306: {  	v34 =	vsel vm5, $0x1A, v24;
	v1 =	vsel vm1, $0x1B, v1;
	v24 =	vimm.s32 $0x0  }
0x307: {  	v4 =	vsel vm6, v4, v7;
	v9 =	vsel vm6, v23, v9;
	v7 =	vsel vm8, v45, v35  }
0x308: {  	v53 =	vld [tilespmem:$0x1FFB0];
	vm8 =	vgt.f32 v29, v10;
	v23 =	vimm.s32 $0x0;
	vm10 =	vgt.f32 v49, v9  }
0x309: {  	v18 =	vld [tilespmem:$0x1FF60];
	v48 =	vsel vm13, v38, v7;
	vm13 =	vgt.f32 v50, v54;
	v6 =	vsel vm8, $0xA, v6  }
0x30a: {  	v9 =	vsel vm10, v49, v9;
	v4 =	vsel vm10, $0x39, v4;
	v49 =	vsel vm8, v29, v10  }
0x30b: {  	vm4 =	vgt.f32 v40, v48;
	v13 =	vsel vm13, $0xFFFFFFFF, v60;
	v62 =	vsel vm13, v50, v54  }
0x30c: {  	v0 =	vsel vm13, v54, v0;
	v6 =	vsel vm7, v22, v6;
	v29 =	vimm.s32 $0x0  }
0x30d: {  	v11 =	vld.idx.msk [tilespmem:v58+s2+$0x0], $0xffff;
	v54 =	vimm.s32 $0x0;
	v58 =	vimm.s32 $0x0;
	v60 =	vimm.s32 $0x0  }
0x30e: {  	v3 =	vsel vm11, v3, v4;
	v51 =	vsel vm11, v43, v9;
	v5 =	vsel vm7, v53, v49  }
0x30f: {  	v22 =	vld [tilespmem:$0x1FF70];
	v4 =	vsel vm4, v40, v48;
	[tilespmem:$0x1F700] =	vst v13;
	v13 =	vsel vm12, $0xFFFFFFFF, v61;
	vm2 =	vgt.f32 v41, v51  }
0x310: {  	v4 =	vsel vm15, v44, v4;
	vm6 =	vgt.f32 v26, v5;
	[tilespmem:$0x1F720] =	vst v13;
	v7 =	vsel vm2, v41, v51  }
0x311: {  	v5 =	vsel vm6, v26, v5;
	vm0 =	vgt.f32 v55, v4;
	v9 =	vld.idx.msk [tilespmem:v18+s2+$0x0], $0xffff;
	v6 =	vsel vm6, $0xB, v6  }
0x312: {  	v7 =	vsel vm9, v47, v7;
	v5 =	vsel vm14, v25, v5;
	v4 =	vsel vm0, v55, v4;
	v25 =	vld [tilespmem:$0x1FFE0]  }
0x313: {  	v30 =	vld [tilespmem:$0x1FF00];
	v4 =	vsel vm12, v56, v4;
	vm13 =	vgt.f32 v11, v57;
	vm12 =	vgt.f32 v11, v7  }
0x314: {  	v31 =	vld [tilespmem:$0x1FF80];
	v14 =	vsel vm13, $0xFFFFFFFF, v19;
	v7 =	vsel vm12, v11, v7;
	v11 =	vsel vm13, v11, v57  }
0x315: {  	[tilespmem:$0x1F730] =	vst v14;
	v14 =	vsel vm12, $0xFFFFFFFF, v21;
	v7 =	vsel vm13, v57, v7;
	vm13 =	vgt.f32 v28, v5  }
0x316: {  	v26 =	vimm.s32 $0x0;
	[tilespmem:$0x1F6F0] =	vst v14;
	v10 =	vsel vm13, $0xFFFFFFFF, v23;
	vm12 =	vgt.f32 v9, v62  }
0x317: {  	v14 =	vld.idx.msk [tilespmem:v22+s2+$0x0], $0xffff;
	[tilespmem:$0x1F710] =	vst v10;
	v6 =	vsel vm14, v25, v6;
	vm14 =	vgt.f32 v28, v59;
	v15 =	vsel vm12, $0xFFFFFFFF, v15  }
0x318: {  	v5 =	vsel vm13, v28, v5;
	vm13 =	vgt.f32 v9, v0;
	v10 =	vsel vm14, $0xFFFFFFFF, v26;
	[tilespmem:$0x1F780] =	vst v15  }
0x319: {  	v35 =	vld [tilespmem:$0x1FF30];
	v2 =	vsel vm4, $0x2A, v2;
	v49 =	vimm.s32 $0x0;
	v15 =	vsel vm13, $0xFFFFFFFF, v29;
	[tilespmem:$0x1F740] =	vst v10  }
0x31a: {  	v38 =	vld [tilespmem:$0x1FF40];
	v2 =	vsel vm15, v36, v2;
	v44 =	vimm.s32 $0x0;
	v3 =	vsel vm2, $0x3A, v3;
	[tilespmem:$0x1F750] =	vst v15  }
0x31b: {  	v18 =	vimm.s32 $0x0;
	v51 =	vimm.s32 $0x0;
	v3 =	vsel vm9, v27, v3;
	v12 =	vld.idx.msk [tilespmem:v30+s2+$0x0], $0xffff  }
0x31c: {  	v2 =	vsel vm0, $0x2B, v2;
	v47 =	vimm.s32 $0x0;
	v27 =	vimm.s32 $0x0;
	v13 =	vld.idx.msk [tilespmem:v31+s2+$0x0], $0xffff  }
0x31d: {  	v40 =	vld [tilespmem:$0x1FF50];
	v28 =	vsel vm14, v28, v59;
	v5 =	vsel vm14, v59, v5;
	vm14 =	vgt.f32 v14, v4  }
0x31e: {  	v56 =	vimm.s32 $0x0;
	vm7 =	vgt.f32 v14, v63;
	v15 =	vsel vm14, $0xFFFFFFFF, v32  }
0x31f: {  	v41 =	vld [tilespmem:$0x1FED0];
	v19 =	vimm.s32 $0x0;
	v23 =	vimm.s32 $0x0;
	[tilespmem:$0x1F760] =	vst v15;
	v15 =	vsel vm7, $0xFFFFFFFF, v33  }
0x320: {  	v46 =	vld [tilespmem:$0x1FF10];
	v0 =	vsel vm13, v9, v0;
	v9 =	vsel vm12, v9, v62;
	[tilespmem:$0x1F790] =	vst v15;
	vm8 =	vgt.f32 v12, v28  }
0x321: {  	v22 =	vimm.s32 $0x0;
	vm9 =	vgt.f32 v13, v7;
	v15 =	vld.idx.msk [tilespmem:v35+s2+$0x0], $0xffff;
	v18 =	vsel vm8, $0xFFFFFFFF, v18  }
0x322: {  	v43 =	vld [tilespmem:$0x1FEE0];
	v0 =	vsel vm12, v62, v0;
	vm10 =	vgt.f32 v12, v5;
	v19 =	vsel vm9, $0xFFFFFFFF, v19;
	[tilespmem:$0x1F7B0] =	vst v18  }
0x323: {  	v62 =	vimm.s32 $0x0;
	v4 =	vsel vm14, v14, v4;
	v18 =	vld.idx.msk [tilespmem:v38+s2+$0x0], $0xffff;
	[tilespmem:$0x1F770] =	vst v19;
	v19 =	vsel vm10, $0xFFFFFFFF, v39  }
0x324: {  	v48 =	vld [tilespmem:$0x1FF20];
	v14 =	vsel vm7, v14, v63;
	vm15 =	vgt.f32 v13, v11;
	v7 =	vsel vm9, v13, v7;
	[tilespmem:$0x1F7A0] =	vst v19  }
0x325: {  	v4 =	vsel vm7, v63, v4;
	v13 =	vsel vm15, v13, v11;
	v7 =	vsel vm15, v11, v7;
	v11 =	vld.idx.msk [tilespmem:v40+s2+$0x0], $0xffff  }
0x326: {  	v50 =	vld [tilespmem:$0x1FEA0];
	v5 =	vsel vm10, v12, v5;
	v12 =	vsel vm8, v12, v28;
	vm11 =	vgt.f32 v15, v0  }
0x327: {  	v5 =	vsel vm8, v28, v5;
	v10 =	vld.idx.msk [tilespmem:v41+s2+$0x0], $0xffff;
	vm13 =	vgt.f32 v15, v9;
	v19 =	vsel vm11, $0xFFFFFFFF, v42  }
0x328: {  	v0 =	vsel vm11, v15, v0;
	v15 =	vsel vm13, v15, v9;
	vm12 =	vgt.f32 v18, v4  }
0x329: {  	v53 =	vld [tilespmem:$0x1FEB0];
	[tilespmem:$0x1F7C0] =	vst v19;
	vm14 =	vgt.f32 v18, v14;
	v0 =	vsel vm13, v9, v0;
	v21 =	vsel vm12, $0xFFFFFFFF, v44  }
0x32a: {  	v19 =	vld.idx.msk [tilespmem:v43+s2+$0x0], $0xffff;
	v4 =	vsel vm12, v18, v4;
	v45 =	vsel vm14, v18, v14;
	vm4 =	vgt.f32 v11, v7  }
0x32b: {  	v55 =	vld [tilespmem:$0x1FEC0];
	[tilespmem:$0x1F7D0] =	vst v21;
	v4 =	vsel vm14, v14, v4;
	vm12 =	vgt.f32 v11, v13;
	v18 =	vsel vm4, $0xFFFFFFFF, v47  }
0x32c: {  	v28 =	vimm.s32 $0x0;
	vm5 =	vgt.f32 v10, v5;
	vm10 =	vgt.f32 v10, v12;
	v14 =	vld.idx.msk [tilespmem:v46+s2+$0x0], $0xffff;
	[tilespmem:$0x1F7E0] =	vst v18  }
0x32d: {  	v7 =	vsel vm4, v11, v7;
	v11 =	vsel vm12, v11, v13;
	v21 =	vsel vm5, $0xFFFFFFFF, v49;
	v18 =	vld.idx.msk [tilespmem:v48+s2+$0x0], $0xffff  }
0x32e: {  	v57 =	vld [tilespmem:$0x1FEF0];
	v5 =	vsel vm5, v10, v5;
	v10 =	vsel vm10, v10, v12;
	v7 =	vsel vm12, v13, v7;
	[tilespmem:$0x1F7F0] =	vst v21  }
0x32f: {  	v5 =	vsel vm10, v12, v5;
	v13 =	vld.idx.msk [tilespmem:v50+s2+$0x0], $0xffff;
	vm11 =	vgt.f32 v19, v15;
	vm6 =	vgt.f32 v19, v0  }
0x330: {  	v21 =	vsel vm6, $0xFFFFFFFF, v51;
	v0 =	vsel vm6, v19, v0;
	v52 =	vsel vm11, v19, v15  }
0x331: {  	[tilespmem:$0x1F800] =	vst v21;
	v0 =	vsel vm11, v15, v0;
	vm9 =	vgt.f32 v14, v45;
	vm7 =	vgt.f32 v14, v4  }
0x332: {  	v15 =	vld.idx.msk [tilespmem:v53+s2+$0x0], $0xffff;
	v19 =	vsel vm7, $0xFFFFFFFF, v54;
	v4 =	vsel vm7, v14, v4;
	vm8 =	vgt.f32 v18, v7  }
0x333: {  	v14 =	vsel vm9, v14, v45;
	[tilespmem:$0x1F810] =	vst v19;
	v4 =	vsel vm9, v45, v4;
	v21 =	vsel vm8, $0xFFFFFFFF, v56  }
0x334: {  	v19 =	vld.idx.msk [tilespmem:v55+s2+$0x0], $0xffff;
	v7 =	vsel vm8, v18, v7;
	vm8 =	vgt.f32 v18, v11;
	vm4 =	vgt.f32 v13, v5  }
0x335: {  	vm7 =	vgt.f32 v13, v10;
	[tilespmem:$0x1F820] =	vst v21;
	v18 =	vsel vm8, v18, v11;
	v21 =	vsel vm4, $0xFFFFFFFF, v58  }
0x336: {  	v7 =	vsel vm8, v11, v7;
	v5 =	vsel vm4, v13, v5;
	v59 =	vsel vm7, v13, v10  }
0x337: {  	v9 =	vld.idx.msk [tilespmem:v57+s2+$0x0], $0xffff;
	[tilespmem:$0x1F830] =	vst v21;
	v5 =	vsel vm7, v10, v5;
	v21 =	vimm.s32 $0x0;
	vm5 =	vgt.f32 v15, v0  }
0x338: {  	vm6 =	vgt.f32 v15, v52;
	v10 =	vsel vm5, $0xFFFFFFFF, v60;
	v0 =	vsel vm5, v15, v0  }
0x339: {  	v61 =	vsel vm6, v15, v52;
	vm4 =	vgt.f32 v19, v4;
	v0 =	vsel vm6, v52, v0  }
0x33a: {  	vm3 =	vgt.f32 v19, v14;
	vm0 =	vge.f32 v5, v61;
	v13 =	vsel vm4, $0xFFFFFFFF, v62  }
0x33b: {  	v4 =	vsel vm4, v19, v4;
	v63 =	vsel vm3, v19, v14;
	v19 =	vimm.s32 $0x0  }
0x33c: {  	v5 =	vsel vm0, v5, v61;
	vm4 =	vgt.f32 v9, v18;
	vm5 =	vgt.f32 v9, v7  }
0x33d: {  	[tilespmem:$0x1F850] =	vst v13;
	v4 =	vsel vm3, v14, v4;
	v13 =	vsel vm5, $0xFFFFFFFF, v19;
	v7 =	vsel vm5, v9, v7  }
0x33e: {  	v26 =	vld [tilespmem:$0x1F6F0];
	[tilespmem:$0x1F840] =	vst v10;
	v9 =	vsel vm4, v9, v18;
	vm5 =	vge.f32 v59, v61;
	v7 =	vsel vm4, v18, v7  }
0x33f: {  	[tilespmem:$0x1F860] =	vst v13;
	v13 =	vsel vm0, $0xFFFFFFFF, v21;
	v10 =	vsel vm5, v59, v61;
	vm0 =	vge.f32 v59, v0  }
0x340: {  	vm2 =	vge.f32 v63, v9;
	[tilespmem:$0x1F870] =	vst v13;
	v13 =	vsel vm0, $0xFFFFFFFF, v22;
	v0 =	vsel vm0, v59, v0  }
0x341: {  	vm0 =	vge.f32 v4, v9;
	vm1 =	vge.f32 v63, v7;
	v25 =	vsel vm2, v63, v9  }
0x342: {  	v11 =	vsel vm0, $0xFFFFFFFF, v23;
	v4 =	vsel vm0, v4, v9;
	v7 =	vsel vm1, v63, v7  }
0x343: {  	v29 =	vld [tilespmem:$0x1F700];
	v0 =	vsel vm5, v5, v0;
	vm0 =	vnez.u8 v26;
	[tilespmem:$0x1F890] =	vst v11;
	v11 =	vsel vm1, $0xFFFFFFFF, v24  }
0x344: {  	v30 =	vld [tilespmem:$0x1F710];
	v4 =	vsel vm2, v4, v7;
	v3 =	vsel vm0, $0x3B, v3;
	vm0 =	vge.f32 v0, v25  }
0x345: {  	v31 =	vld [tilespmem:$0x1F720];
	v7 =	vsel vm0, $0xFFFFFFFF, v27;
	vm1 =	vge.f32 v10, v4;
	v0 =	vsel vm0, v0, v25  }
0x346: {  	[tilespmem:$0x1F8B0] =	vst v7;
	v7 =	vsel vm1, $0xFFFFFFFF, v28;
	v4 =	vsel vm1, v10, v4;
	vm1 =	vge.f32 v10, v25  }
0x347: {  	v32 =	vld [tilespmem:$0x1F730];
	v5 =	vsel vm1, v10, v25;
	v0 =	vsel vm1, v0, v4  }
0x348: {  	v33 =	vld [tilespmem:$0x1F740];
	vm0 =	vnez.u8 v29;
	v0 =	vsub.f32 v0, v5  }
0x349: {  	v1 =	vsel vm0, v34, v1;
	v4 =	vsel vm0, $0x1B, v34;
	vm0 =	vnez.u8 v30;
	v34 =	vld [tilespmem:$0x1F750]  }
0x34a: {  	v35 =	vld [tilespmem:$0x1F760];
	v6 =	vsel vm0, $0xC, v6;
	vm0 =	vnez.u8 v31;
	v0 =	vmul.f32 $1.442695020e+00, v0  }
0x34b: {  	v36 =	vld [tilespmem:$0x1F770];
	v5 =	vsel vm0, $0x2B, v37  }
0x34c: {  	v2 =	vsel vm0, v37, v2;
	vm0 =	vnez.u8 v32;
	(erf) = vpow2.f32 v0;
	v0 =	vld [tilespmem:$0x1F780]  }
0x34d: {  	[tilespmem:$0x1F8C0] =	vst v7;
	v37 =	vld [tilespmem:$0x1F790];
	v7 =	vsel vm0, $0x3B, v17;
	v3 =	vsel vm0, v17, v3;
	vm0 =	vnez.u8 v33  }
0x34e: {  	v38 =	vld [tilespmem:$0x1F7A0];
	v8 =	vsel vm0, $0xC, v20;
	v6 =	vsel vm0, v20, v6;
	vm0 =	vnez.u8 v34  }
0x34f: {  	v40 =	vld [tilespmem:$0x1F7B0];
	v1 =	vsel vm0, $0x1C, v1;
	vm0 =	vnez.u8 v35  }
0x350: {  	v41 =	vld [tilespmem:$0x1F7C0];
	v2 =	vsel vm0, $0x2C, v2;
	vm0 =	vnez.u8 v36  }
0x351: {  	v39 =	vsel vm15, $0x3C, v7;
	v3 =	vsel vm0, $0x3C, v3;
	vm0 =	vnez.u8 v0  }
0x352: {  	v0 =	vsel vm0, $0x1C, v4;
	v1 =	vsel vm0, v4, v1;
	vm0 =	vnez.u8 v37  }
0x353: {  	v4 =	vsel vm0, $0x2C, v5;
	v2 =	vsel vm0, v5, v2;
	vm0 =	vnez.u8 v38  }
0x354: {  	v3 =	vsel vm15, v7, v3;
	vm15 =	vnez.u8 v40;
	v5 =	vsel vm0, $0xD, v6  }
0x355: {  	v7 =	vsel vm15, $0xD, v8;
	v5 =	vsel vm15, v8, v5;
	vm15 =	vnez.u8 v41  }
0x356: {  	v1 =	vsel vm15, $0x1D, v1  }
0x357: {  	v42 =	vsel vm13, $0x1D, v0;
	v0 =	vsel vm13, v0, v1;
	v1 =	vld [tilespmem:$0x1F7D0];
	_ =	sdelay $0x4  }
0x358: {  	v46 =	vld [tilespmem:$0x1F800];
	vm15 =	vnez.u8 v1  }
0x359: {  	v1 =	vsel vm15, $0x2D, v2;
	v2 =	vld [tilespmem:$0x1F7E0]  }
0x35a: {  	v48 =	vld [tilespmem:$0x1F810]  }
0x35b: {  	v49 =	vld [tilespmem:$0x1F820];
	[tilespmem:$0x1F8A0] =	vst v11  }
0x35c: {  	v62 =	vld [tilespmem:$0x1F8A0];
	v43 =	vsel vm12, $0x3D, v39  }
0x35d: {  	v55 =	vld [tilespmem:$0x1F850];
	v52 =	vsel vm8, $0x3E, v43  }
0x35e: {  	v56 =	vld [tilespmem:$0x1F860];
	v58 =	vsel vm4, $0x3F, v52;
	v1 =	vsel vm14, v4, v1;
	vm13 =	vnez.u8 v2  }
0x35f: {  	v2 =	vsel vm13, $0x3D, v3;
	v3 =	vsel vm14, $0x2D, v4;
	vm13 =	vnez.u8 v48  }
0x360: {  	v61 =	vld [tilespmem:$0x1F890];
	vm14 =	vnez.u8 v49;
	v2 =	vsel vm12, v39, v2;
	vm12 =	vnez.u8 v46  }
0x361: {  	v1 =	vsel vm13, $0x2E, v1;
	v50 =	vsel vm9, $0x2E, v3;
	vm13 =	vnez.u8 v62  }
0x362: {  	v0 =	vsel vm12, $0x1E, v0;
	v2 =	vsel vm14, $0x3E, v2;
	v1 =	vsel vm9, v3, v1  }
0x363: {  	vm9 =	vnez.u8 v56;
	v2 =	vsel vm8, v43, v2;
	vm8 =	vnez.u8 v55  }
0x364: {  	v44 =	vld [tilespmem:$0x1F7F0];
	v57 =	vsel vm3, $0x2F, v50;
	v1 =	vsel vm8, $0x2F, v1;
	v2 =	vsel vm9, $0x3F, v2  }
0x365: {  	vm12 =	vnez.u8 v61;
	v1 =	vsel vm3, v50, v1;
	v2 =	vsel vm4, v52, v2  }
0x366: {  	v51 =	vld [tilespmem:$0x1F830];
	v1 =	vsel vm12, v1, v58;
	v2 =	vsel vm13, v57, v2  }
0x367: {  	v1 =	vsel vm2, v1, v2;
	v2 =	vld [tilespmem:$0x1F8B0]  }
0x368: {  	v54 =	vld [tilespmem:$0x1F840]  }
0x369: {  	[tilespmem:$0x1F880] =	vst v13;
	v59 =	vld [tilespmem:$0x1F870];
	v45 =	vsel vm10, $0xE, v7;
	vm15 =	vnez.u8 v44  }
0x36a: {  	v60 =	vld [tilespmem:$0x1F880];
	v53 =	vsel vm7, $0xF, v45;
	v5 =	vsel vm15, $0xE, v5  }
0x36b: {  	v47 =	vsel vm11, $0x1E, v42;
	vm15 =	vnez.u8 v51;
	v5 =	vsel vm10, v7, v5;
	v3 =	vpop (erf)  }
0x36c: {  	v5 =	vsel vm15, $0xF, v5;
	v3 =	vadd.f32 $1.000000000e+00, v3;
	vm14 =	vnez.u8 v2;
	v2 =	vld [tilespmem:$0x1F8C0]  }
0x36d: {  	v5 =	vsel vm7, v45, v5;
	vm7 =	vnez.u8 v54;
	v0 =	vsel vm11, v42, v0  }
0x36e: {  	vm10 =	vnez.u8 v59;
	v0 =	vsel vm7, $0x1F, v0;
	(erf) = vrcp.f32 v3  }
0x36f: {  	vm11 =	vnez.u8 v60;
	v0 =	vsel vm6, v47, v0;
	v3 =	vsel vm6, $0x1F, v47  }
0x370: {  	v63 =	vsel vm2, v57, v58;
	v0 =	vsel vm11, v53, v0;
	v5 =	vsel vm10, v5, v3  }
0x371: {  	v3 =	vsel vm5, v53, v3;
	v0 =	vsel vm5, v5, v0;
	vm15 =	vnez.u8 v2  }
0x372: {  	v0 =	vsel vm14, v0, v63;
	v2 =	vsel vm1, v3, v63;
	v1 =	vsel vm15, v3, v1  }
0x373: {  	v0 =	vsel vm1, v0, v1;
	v1 =	vshll.u32 v2, $0x8  }
0x374: {  	v0 =	vor.u32 v1, v0;
	_ =	sdelay $0x1  }
0x375: {  	s12 =	sadd.s32 $0x10, s12  }
0x376: {  	s11 =	sadd.s32 $0x10, s11;
	[tilespmem:s12+$0x0] =	vst v0;
	v0 =	vpop (erf)  }
0x377: {  	[tilespmem:s11+$0x0] =	vst v0  }
0x378: {  	[hbm4b:s4+s2] =	stream.linear.scatter [tilespmem:s8], [sflag:$0x1], $0x100, $0x38;
	[tilespmem:$0x8200] =	vst v63  }
0x379: {  	_ =	swait.ge [sflag:s7], $0x100  }
0x37a: {  	s10 =	sadd.s32 $0x1, s10;
	[sflag:s7] =	ssyncset.done $0x0  }
0x37b: {  	p0 =	sne.s32 s10, s6;
	[sflag:s7] =	ssyncadd.s32 $0xFFFFFF00  }
0x37c: {  	[hbm4b:s5+s2] =	stream.linear.scatter [tilespmem:s9], [sflag:$0x1], $0x100, $0x38;
	[tilespmem:$0x8200] =	vst v63  }
.Ltmp1:
0x37d: {  	_ = 	snop;
	(pc) =	sbr.rel @p0 .LBB2_1-.Ltmp1, $4  }
0x37e: {  	_ =	swait.ge [sflag:s7], $0x100  }
0x37f: {  	v1 =	vld [tilespmem:$0x1FFF0]  }
0x380: {  	[sflag:s7] =	ssyncset.done $0x0  }
0x381: {  	v2 =	vimm.s32 $0x0;
	[sflag:s7] =	ssyncadd.s32 $0xFFFFFF00  }
0x382: {  	_ =	sfence.sel $0x180000  }
0x383: {  	[bflag:$0x0] =	sbarrier.arrive $0xFFFF  }
0x384: {  	p0 =	sne.s32 s1, $0x0;
	_ =	strace $0x9000004A  }
0x385: {  	s0 =	sadd.s32 @!p0 $0x100000, s0;
	[bflag:$0x2] =	sbarrier.arrive $0xFFFF  }
0x386: {  	[sflag:s0] =	ssyncadd.tile.s32 @!p0 $0x1;
	_ =	shalt  }
.Lfunc_end2:
_tile_overlayer_lowered:
.L_overlay_start_2:
0x387: {  	(tag) =	ssettag $0x2  }
0x388: {  	s0 =	rddreg [dreg:$0x0];
	s2 =	stileid.u32  }
0x389: {  	s1 =	rddreg [dreg:$0x1];
	p0 =	sne.s32 s2, $0x0  }
0x38a: {  	s3 =	rddreg [dreg:$0x2];
	[bflag:$0x3] =	sbarrier.arrive $0xFFFF;
	s2 =	simm.s32 @!p0 $0x1C01  }
0x38b: {  	[timem:s3], [sflag:s2] =	dma.local @!p0 [hbm:s0], s1  }
0x38c: {  	s0 =	simm.s32 @!p0 $0x1  }
0x38d: {  	_ =	swait.ge @!p0 [sflag:s0], s1  }
0x38e: {  	s1 =	ssub.s32 @!p0 $0x0, s1;
	[sflag:s0] =	ssyncset.done @!p0 $0x0  }
0x38f: {  	[sflag:s0] =	ssyncadd.s32 @!p0 s1  }
0x390: {  	[bflag:$0x3] =	sbarrier.arrive $0xFFFF  }
0x391: {  	_ =	shalt  }

// kernel: kernel.8.cloned.1.call-start
scs
__scs_entry_jumppad:
0x0: {  	(pc) =	sbr.rel $0x88, $3  }
0x1: {  	(tag) =	ssettag $0x0;
	lr =	simm.s32 $0x1  }
0x2: {  	[smem:$0x3F9D] =	sst lr;
	_ =	strace $0xD0000000  }
0x3: {  	_ = 	snop  }
0x4: {  	_ = 	snop  }
0x5: {  	_ = 	snop  }
0x6: {  	_ = 	snop  }
0x7: {  	_ = 	snop  }
__scs_overlays_trampoline_lowered:
0x8: {  	[smem:$0x3FAC] =	sst s0  }
0x9: {  	[smem:$0x3FAD] =	sst s1  }
0xa: {  	[smem:$0x3FAE] =	sst s2  }
0xb: {  	[smem:$0x3FAF] =	sst s3  }
0xc: {  	[smem:$0x3FB0] =	sst s4  }
0xd: {  	[smem:$0x3FB1] =	sst s5  }
0xe: {  	[smem:$0x3FB2] =	sst s6  }
0xf: {  	[smem:$0x3FB3] =	sst s7  }
0x10: {  	[smem:$0x3FB4] =	sst s8  }
0x11: {  	[smem:$0x3FB5] =	sst s9;
	s0 =	simm.s32 @!p0 $0x0  }
0x12: {  	s1 =	sld [smem:$0x3F9B];
	s0 =	simm.s32 @p0 $0x1  }
0x13: {  	[smem:$0x3FB6] =	sst s0;
	s0 =	simm.s32 @!p1 $0x0  }
0x14: {  	s2 =	sld [smem:$0x3F9A];
	s0 =	simm.s32 @p1 $0x1  }
0x15: {  	[smem:$0x3FB7] =	sst s0;
	s0 =	simm.s32 @!p2 $0x0  }
0x16: {  	s3 =	sld [smem:$0x3FDB];
	s0 =	simm.s32 @p2 $0x1  }
0x17: {  	s4 =	simm.s32 $0x1BF5;
	[smem:$0x3FB9] =	sst s0  }
0x18: {  	s0 =	sld [smem:$0x3F9C];
	_ =	swait.ge [sflag:s4], $0x0  }
0x19: {  	s7 =	sld [smem:$0x3F9D]  }
0x1a: {  	s8 =	sadd.s32 $0xFFFFE003, lr  }
0x1b: {  	s9 =	sadd.s32 $0xFFFFFEF7, lr;
	s5 =	simm.s32 $0xFFFFFFFF;
	p2 =	slt.u32 s8, $0xFFFFF086  }
0x1c: {  	p1 =	slt.u32 s9, $0xF7A;
	s5 =	simm.s32 @!p2 $0x0  }
0x1d: {  	s5 =	simm.s32 @p1 $0x1;
	p0 =	seq.s32 s7, s2  }
0x1e: {  	s7 =	smul.u32 @!p0 $0xF7A, s2;
	p2 =	seq.s32 @!p0 s5, $0x0  }
0x1f: {  	s9 =	smul.u32 $0xF7A, s1;
	s8 =	simm.s32 @!p0 $0x1BF5;
	p2 =	por !p2, p0  }
0x20: {  	[sflag:s8] =	ssyncset.s32 @!p0 $0xFFFFF086;
	s6 =	sadd.s32 @!p0 s3, s7;
	s7 =	simm.s32 @!p0 $0x108  }
0x21: {  	s3 =	sadd.s32 s3, s9;
	s6 =	sadd.s32 @!p0 $0x88, s6;
	s7 =	simm.s32 @p2 $0x1082  }
0x22: {  	[simem:s7], [sflag:s8] =	dma.local @!p0 [hbm:s6], $0xF7A  }
0x23: {  	s9 =	sor.u32 $0xD0000000, s2;
	s6 =	simm.s32 $0x108;
	_ =	swait.ge @!p0 [sflag:s8], $0x0  }
0x24: {  	s3 =	sadd.s32 $0x88, s3;
	s6 =	simm.s32 @!p1 $0x1082;
	[sflag:s4] =	ssyncset.s32 $0xFFFFF086  }
0x25: {  	[simem:s6], [sflag:s4] =	dma.local [hbm:s3], $0xF7A  }
0x26: {  	[smem:$0x3F9D] =	sst s1;
	(tag) =	ssettag s2;
	_ =	strace s9  }
0x27: {  	s1 =	sld [smem:$0x3FAD]  }
0x28: {  	s2 =	sld [smem:$0x3FAE]  }
0x29: {  	s4 =	sld [smem:$0x3FB0]  }
0x2a: {  	p0 =	seq.s32 s5, $0x0;
	s5 =	sld [smem:$0x3FB1]  }
0x2b: {  	s6 =	sld [smem:$0x3FB2]  }
0x2c: {  	s7 =	sld [smem:$0x3FB3]  }
0x2d: {  	s3 =	simm.s32 $0x108;
	s8 =	sld [smem:$0x3FB4]  }
0x2e: {  	s3 =	simm.s32 @!p0 $0x1082;
	s9 =	sld [smem:$0x3FB5]  }
0x2f: {  	lr =	sadd.s32 s0, s3;
	s0 =	sld [smem:$0x3FAC]  }
0x30: {  	s3 =	sld [smem:$0x3FAF]  }
0x31: {  	[smem:$0x3FB8] =	sst s10  }
0x32: {  	s10 =	sld [smem:$0x3FB6];
	_ =	sdelay $0x3  }
0x33: {  	p0 =	seq.s32 s10, $0x1;
	s10 =	sld [smem:$0x3FB8];
	_ =	sdelay $0x3  }
0x34: {  	[smem:$0x3FB8] =	sst s10  }
0x35: {  	s10 =	sld [smem:$0x3FB7];
	_ =	sdelay $0x3  }
0x36: {  	p1 =	seq.s32 s10, $0x1;
	s10 =	sld [smem:$0x3FB8];
	_ =	sdelay $0x3  }
0x37: {  	[smem:$0x3FB8] =	sst s10  }
0x38: {  	s10 =	sld [smem:$0x3FB9]  }
0x39: {  	_ = 	snop;
	(pc) =	sbr.ind lr, $3  }
0x3a: {  	_ = 	snop  }
0x3b: {  	_ = 	snop  }
0x3c: {  	p2 =	seq.s32 s10, $0x1;
	s10 =	sld [smem:$0x3FB8]  }
0x3d: {  	_ =	shalt  }
0x3e: {  	_ =	shalt  }
0x3f: {  	_ =	shalt  }
0x40: {  	_ =	shalt  }
0x41: {  	_ =	shalt  }
0x42: {  	_ =	shalt  }
0x43: {  	_ =	shalt  }
0x44: {  	_ =	shalt  }
0x45: {  	_ =	shalt  }
0x46: {  	_ =	shalt  }
0x47: {  	_ =	shalt  }
0x48: {  	_ =	shalt  }
0x49: {  	_ =	shalt  }
0x4a: {  	_ =	shalt  }
0x4b: {  	_ =	shalt  }
0x4c: {  	_ =	shalt  }
0x4d: {  	_ =	shalt  }
0x4e: {  	_ =	shalt  }
0x4f: {  	_ =	shalt  }
0x50: {  	_ =	shalt  }
0x51: {  	_ =	shalt  }
0x52: {  	_ =	shalt  }
0x53: {  	_ =	shalt  }
0x54: {  	_ =	shalt  }
0x55: {  	_ =	shalt  }
0x56: {  	_ =	shalt  }
0x57: {  	_ =	shalt  }
0x58: {  	_ =	shalt  }
0x59: {  	_ =	shalt  }
0x5a: {  	_ =	shalt  }
0x5b: {  	_ =	shalt  }
0x5c: {  	_ =	shalt  }
0x5d: {  	_ =	shalt  }
0x5e: {  	_ =	shalt  }
0x5f: {  	_ =	shalt  }
0x60: {  	_ =	shalt  }
0x61: {  	_ =	shalt  }
0x62: {  	_ =	shalt  }
0x63: {  	_ =	shalt  }
0x64: {  	_ =	shalt  }
0x65: {  	_ =	shalt  }
0x66: {  	_ =	shalt  }
0x67: {  	_ =	shalt  }
0x68: {  	_ =	shalt  }
0x69: {  	_ =	shalt  }
0x6a: {  	_ =	shalt  }
0x6b: {  	_ =	shalt  }
0x6c: {  	_ =	shalt  }
0x6d: {  	_ =	shalt  }
0x6e: {  	_ =	shalt  }
0x6f: {  	_ =	shalt  }
0x70: {  	_ =	shalt  }
0x71: {  	_ =	shalt  }
0x72: {  	_ =	shalt  }
0x73: {  	_ =	shalt  }
0x74: {  	_ =	shalt  }
0x75: {  	_ =	shalt  }
0x76: {  	_ =	shalt  }
0x77: {  	_ =	shalt  }
0x78: {  	_ =	shalt  }
0x79: {  	_ =	shalt  }
0x7a: {  	_ =	shalt  }
0x7b: {  	_ =	shalt  }
0x7c: {  	_ =	shalt  }
0x7d: {  	_ =	shalt  }
0x7e: {  	_ =	shalt  }
0x7f: {  	_ =	shalt  }
0x80: {  	_ =	shalt  }
0x81: {  	_ =	shalt  }
0x82: {  	_ =	shalt  }
0x83: {  	_ =	shalt  }
0x84: {  	_ =	shalt  }
0x85: {  	_ =	shalt  }
0x86: {  	_ =	shalt  }
0x87: {  	_ =	shalt  }
.Lfunc_end0:
.L_simem_size_0:
called_computation_lowered:
.L_overlay_start_0:
0x88: {  	s2 =	sld [smem:$0x3FD9]  }
0x89: {  	s3 =	sld [smem:$0x3FFE];
	_ =	sdelay $0x1  }
0x8a: {  	s1 =	srdreg.scid  }
0x8b: {  	s0 =	sand.u32 $0x1, s1  }
0x8c: {  	s16 =	sshll.u32 s0, $0xA;
	s2 =	sadd.s32 s3, s2  }
0x8d: {  	s2 =	sadd.s32 s2, s16  }
0x8e: {  	[smem:$0x3FC4] =	sst s2  }
0x8f: {  	_ = 	snop  }
0x90: {  	(tm) =	ssettm $0x1  }
0x91: {  	s17 =	sld [smem:$0x3FFB];
	_ =	sdelay $0x3  }
0x92: {  	_ =	strace s17  }
0x93: {  	s2 =	sld [smem:$0x3FFC];
	_ =	sdelay $0x3  }
0x94: {  	_ =	strace s2  }
0x95: {  	s2 =	sld [smem:$0x3FFD];
	_ =	sdelay $0x3  }
0x96: {  	_ =	strace s2  }
0x97: {  	_ =	strace $0x8FFFFFFF  }
0x98: {  	s18 =	sld [smem:$0x3FDB];
	_ =	sdelay $0x1  }
0x99: {  	s19 =	simm.s32 $_scs_section_size  }
0x9a: {  	s4 =	simm.s32 $_size__tile_overlayer_lowered;
	s5 =	simm.s32 $_tile_overlayer_lowered  }
0x9b: {  	s22 =	simm.s32 $0x1BFF;
	s21 =	sshll.u32 s5, $0x1;
	s2 =	sadd.s32 s19, s18  }
0x9c: {  	s6 =	simm.s32 $0x0;
	s20 =	sshll.u32 s4, $0x1;
	s4 =	sadd.s32 s21, s2  }
0x9d: {  	[timem:s6], [sflag:s22] =	dma.local [hbm:s4], s20  }
0x9e: {  	_ =	swait.ge [sflag:s22], s20  }
0x9f: {  	s3 =	ssub.s32 $0x0, s20;
	[sflag:s22] =	ssyncset.done $0x0  }
0xa0: {  	[sflag:s22] =	ssyncadd.s32 s3;
	_ =	sdelay $0x1  }
0xa1: {  	s23 =	simm.s32 $0x1B8B  }
0xa2: {  	_ =	swait.ge [sflag:s23], $0x1  }
0xa3: {  	[sflag:s23] =	ssyncset.done $0x0  }
0xa4: {  	s25 =	simm.s32 $0x1B8E;
	s24 =	sld [smem:$0x3FFE];
	[sflag:s23] =	ssyncadd.s32 $0xFFFFFFFF  }
0xa5: {  	s26 =	simm.s32 $execute0_lowered;
	[smem:$0x3FD2] =	sst s25  }
0xa6: {  	s4 =	sshll.u32 s26, $0x1;
	_ =	strace $0x80000046;
	[dreg:$0x1] =	wrdreg $0xFFFFFFFF  }
0xa7: {  	s28 =	simm.s32 $_size_execute0_lowered;
	s2 =	sadd.s32 s2, s4;
	[dreg:$0x0] =	wrdreg $0x0  }
0xa8: {  	s4 =	sshll.u32 s28, $0x1;
	[dreg:$0x2] =	wrdreg s2  }
0xa9: {  	[dreg:$0x3] =	wrdreg s4  }
0xaa: {  	[dreg:$0x4] =	wrdreg $0xC0  }
0xab: {  	_ =	task [dreg:s6], $0x5FFFF  }
0xac: {  	[dreg:$0x1] =	wrdreg $0xFFFFFFFF  }
0xad: {  	[dreg:$0x0] =	wrdreg $0x60  }
0xae: {  	[dreg:$0x2] =	wrdreg s24  }
0xaf: {  	[dreg:$0x3] =	wrdreg $0x9  }
0xb0: {  	_ =	task.clear_ibuf [dreg:s6], $0x4FFFF;
	_ =	strace $0x90000046  }
0xb1: {  	s29 =	simm.s32 $0x9;
	_ =	strace $0x80000048  }
0xb2: {  	_ =	swait.ge [sflag:s29], $0x1  }
0xb3: {  	[sflag:s29] =	ssyncadd.s32 $0xFFFFFFFF  }
0xb4: {  	_ =	strace $0x90000048  }
0xb5: {  	_ =	sfence  }
0xb6: {  	s30 =	sld [smem:$0x0];
	_ =	sdelay $0x2  }
0xb7: {  	s31 =	sshll.u32 s1, $0xD;
	s1 =	sshrl.u32 s1, $0x2  }
0xb8: {  	s3 =	sand.u32 $0x4000, s31;
	s1 =	sadd.s32 s1, s30  }
0xb9: {  	s0 =	sor.u32 s3, s0;
	s1 =	sshll.u32 s1, $0x11  }
0xba: {  	s0 =	sor.u32 s1, s0  }
0xbb: {  	s0 =	sadd.s32 $0x8F2B, s0  }
0xbc: {  	[sflag:s0] =	ssyncadd.remote.s32 $0x1  }
0xbd: {  	_ =	sfence.sel $0xFFFF  }
0xbe: {  	[dreg:$0x0] =	wrdreg $0xFFFFFFFF;
	(pc) =	sbr.abs _section_cstart, $3  }
0xbf: {  	[dreg:$0x1] =	wrdreg $0xFFFFFFFF  }
0xc0: {  	_ =	task.clear_ibuf [dreg:s6], $0x2FFFF;
	_ =	strace $0x9FFFFFFF  }
0xc1: {  	(tm) =	ssettm $0x7FFFFFFF  }
tec
execute0_lowered:
.L_overlay_start_1:
0x0: {  	(tag) =	ssettag $0x1  }
0x1: {  	s3 =	rddreg [dreg:$0x0]  }
0x2: {  	s0 =	rddreg [dreg:$0x1]  }
0x3: {  	s4 =	srdreg.scid;
	s2 =	simm.s32 $0x0;
	s1 =	stileid.u32  }
0x4: {  	s8 =	simm.s32 $0x8000;
	s9 =	simm.s32 $0x8100;
	s4 =	sand.u32 $0x1, s4  }
0x5: {  	[smem:$0x7FF] =	sst s2;
	s5 =	sshll.u32 s1, $0x9;
	s6 =	sshll.u32 s4, $0x8  }
0x6: {  	s10 =	simm.s32 $0x0;
	_ =	strace $0x80000047;
	s5 =	sor.u32 s6, s5  }
0x7: {  	v0 =	vlaneseq.u32;
	s4 =	ssub.s32 $0x2, s4;
	s6 =	sshll.u32 s5, $0x4;
	s5 =	sshrl.u32 s5, $0x3  }
0x8: {  	v1 =	vmul.u32 $0x80, v0;
	s31 =	sshrl.u32 s4, $0x1;
	s6 =	sadd.s32 s6, s3;
	s5 =	sadd.s32 s5, s3  }
0x9: {  	s7 =	ssub.s32 s4, s31;
	s3 =	sadd.s32 $0x2000, s6;
	s4 =	sadd.s32 $0x22000, s5  }
0xa: {  	v2 =	vimm.s32 $0x0;
	[tilespmem:$0x1FFF0] =	vst v1;
	s5 =	sadd.s32 $0x22400, s5;
	s6 =	smax.u32 s7, $0x1;
	s7 =	simm.s32 $0x1  }
.LBB2_1:
0xb: {  	v0 =	vmov s2  }
0xc: {  	v0 =	vshll.u32 v0, $0x7  }
0xd: {  	v39 =	vor.u32 v1, v0  }
0xe: {  	v6 =	vor.u32 $0xF, v39  }
0xf: {  	v4 =	vor.u32 $0x1F, v39;
	v3 =	vor.u32 $0x2F, v39;
	v11 =	vor.u32 $0xE, v39  }
0x10: {  	v8 =	vor.u32 $0x1E, v39;
	v0 =	vor.u32 $0x3F, v39;
	v13 =	vor.u32 $0xD, v39  }
0x11: {  	[tilespmem:s2], [sflag:$0x1] =	stream.linear.gather [hbm4b:s3+s2], $0x8000, $0x38;
	v7 =	vor.u32 $0x2E, v39;
	v5 =	vor.u32 $0x3E, v39;
	v12 =	vor.u32 $0x1D, v39;
	[tilespmem:$0x8200] =	vst v63  }
0x12: {  	v10 =	vor.u32 $0x2D, v39;
	v9 =	vor.u32 $0x3D, v39;
	v1 =	vor.u32 $0x1, v39;
	[tilespmem:$0x1FCD0] =	vst v0  }
0x13: {  	v19 =	vor.u32 $0xC, v39;
	v16 =	vor.u32 $0x1C, v39;
	v36 =	vor.u32 $0x11, v39;
	_ =	swait.ge [sflag:s7], $0x8000  }
0x14: {  	v15 =	vor.u32 $0x2C, v39;
	v22 =	vor.u32 $0xB, v39;
	v37 =	vor.u32 $0x21, v39;
	[sflag:s7] =	ssyncset.done $0x0  }
0x15: {  	v20 =	vor.u32 $0x1B, v39;
	v14 =	vor.u32 $0x3C, v39;
	v40 =	vor.u32 $0x31, v39;
	[sflag:s7] =	ssyncadd.s32 $0xFFFF8000  }
0x16: {  	v25 =	vor.u32 $0xA, v39;
	v18 =	vor.u32 $0x2B, v39;
	v46 =	vor.u32 $0x10, v39;
	v45 =	vld.idx.msk [tilespmem:v39+s2+$0x0], $0xffff  }
0x17: {  	v17 =	vor.u32 $0x3B, v39;
	v24 =	vor.u32 $0x1A, v39;
	v47 =	vor.u32 $0x20, v39;
	v48 =	vld.idx.msk [tilespmem:v1+s2+$0x0], $0xffff  }
0x18: {  	v23 =	vor.u32 $0x2A, v39;
	v21 =	vor.u32 $0x3A, v39;
	v49 =	vor.u32 $0x30, v39;
	v50 =	vld.idx.msk [tilespmem:v36+s2+$0x0], $0xffff  }
0x19: {  	v29 =	vor.u32 $0x9, v39;
	v28 =	vor.u32 $0x19, v39;
	v55 =	vor.u32 $0x2, v39;
	v51 =	vld.idx.msk [tilespmem:v37+s2+$0x0], $0xffff  }
0x1a: {  	v27 =	vor.u32 $0x29, v39;
	v26 =	vor.u32 $0x39, v39;
	v58 =	vor.u32 $0x12, v39;
	v52 =	vld.idx.msk [tilespmem:v40+s2+$0x0], $0xffff  }
0x1b: {  	v32 =	vor.u32 $0x18, v39;
	v31 =	vor.u32 $0x28, v39;
	v59 =	vor.u32 $0x22, v39;
	v46 =	vld.idx.msk [tilespmem:v46+s2+$0x0], $0xffff  }
0x1c: {  	v30 =	vor.u32 $0x38, v39;
	v35 =	vor.u32 $0x7, v39;
	v53 =	vor.u32 $0x3, v39;
	v47 =	vld.idx.msk [tilespmem:v47+s2+$0x0], $0xffff  }
0x1d: {  	v34 =	vor.u32 $0x17, v39;
	v33 =	vor.u32 $0x27, v39;
	v60 =	vor.u32 $0x32, v39;
	v49 =	vld.idx.msk [tilespmem:v49+s2+$0x0], $0xffff  }
0x1e: {  	v41 =	vor.u32 $0x6, v39;
	v38 =	vor.u32 $0x16, v39;
	v44 =	vor.u32 $0x5, v39;
	v55 =	vld.idx.msk [tilespmem:v55+s2+$0x0], $0xffff  }
0x1f: {  	v43 =	vor.u32 $0x15, v39;
	v42 =	vor.u32 $0x25, v39;
	v54 =	vor.u32 $0x13, v39;
	v58 =	vld.idx.msk [tilespmem:v58+s2+$0x0], $0xffff  }
0x20: {  	v56 =	vor.u32 $0x23, v39;
	v57 =	vor.u32 $0x33, v39;
	v0 =	vor.u32 $0x8, v39;
	v59 =	vld.idx.msk [tilespmem:v59+s2+$0x0], $0xffff  }
0x21: {  	v1 =	vor.u32 $0x37, v39;
	v37 =	vor.u32 $0x26, v39;
	v36 =	vor.u32 $0x36, v39;
	v53 =	vld.idx.msk [tilespmem:v53+s2+$0x0], $0xffff  }
0x22: {  	v40 =	vor.u32 $0x35, v39;
	v60 =	vld.idx.msk [tilespmem:v60+s2+$0x0], $0xffff;
	[tilespmem:$0x1FCB0] =	vst v0;
	v0 =	vimm.s32 $0x0;
	vm0 =	vgt.f32 v45, $-Inf  }
0x23: {  	vm9 =	vlt.f32 v48, $-Inf;
	vm11 =	vgt.f32 v48, $-Inf;
	vm2 =	vlt.f32 v50, $-Inf  }
0x24: {  	vm3 =	vgt.f32 v50, $-Inf;
	vm4 =	vlt.f32 v51, $-Inf;
	vm5 =	vgt.f32 v51, $-Inf  }
0x25: {  	vm6 =	vlt.f32 v52, $-Inf;
	vm7 =	vlt.f32 v46, $-Inf;
	vm8 =	vgt.f32 v46, $-Inf  }
0x26: {  	vm13 =	vgt.f32 v52, $-Inf;
	vm14 =	vlt.f32 v47, $-Inf;
	vm15 =	vgt.f32 v47, $-Inf  }
0x27: {  	vm1 =	vgt.f32 v49, $-Inf;
	v45 =	vnsel vm0, $0xFF800000, v45;
	vm0 =	vlt.f32 v49, $-Inf  }
0x28: {  	vm9 =	vmor vm11, vm9;
	vm12 =	vmor vm3, vm2;
	vm11 =	vmor vm5, vm4  }
0x29: {  	vm4 =	vmor vm13, vm6;
	vm2 =	vmor vm8, vm7;
	vm3 =	vmor vm15, vm14  }
0x2a: {  	vm10 =	vgt.f32 v48, v45;
	vm5 =	vmor vm1, vm0;
	v61 =	vsel vm2, $0x10, v2  }
0x2b: {  	v62 =	vsel vm3, $0x20, v2;
	v63 =	vnsel vm9, $0xFF800000, v48;
	v46 =	vnsel vm2, $0xFF800000, v46  }
0x2c: {  	v47 =	vnsel vm3, $0xFF800000, v47;
	v48 =	vsel vm10, v48, v45;
	v45 =	vsel vm10, v45, v63  }
0x2d: {  	vm1 =	vgt.f32 v50, v46;
	v63 =	vnsel vm12, $0xFF800000, v50;
	vm0 =	vgt.f32 v51, v47  }
0x2e: {  	v49 =	vnsel vm5, $0xFF800000, v49;
	v50 =	vsel vm1, v50, v46;
	v46 =	vsel vm1, v46, v63  }
0x2f: {  	v63 =	vnsel vm11, $0xFF800000, v51;
	v51 =	vsel vm0, v51, v47;
	vm8 =	vgt.f32 v55, v48  }
0x30: {  	vm2 =	vgt.f32 v52, v49;
	vm6 =	vgt.f32 v55, v45;
	v47 =	vsel vm0, v47, v63  }
0x31: {  	v63 =	vnsel vm4, $0xFF800000, v52;
	v52 =	vsel vm2, v52, v49;
	v45 =	vsel vm6, v55, v45  }
0x32: {  	v55 =	vsel vm8, v55, v48;
	vm7 =	vgt.f32 v58, v46;
	vm3 =	vgt.f32 v59, v51  }
0x33: {  	v49 =	vsel vm2, v49, v63;
	v63 =	vsel vm10, $0x1, v2;
	v45 =	vsel vm8, v48, v45  }
0x34: {  	v48 =	vsel vm5, $0x30, v2;
	v0 =	vsel vm7, $0xFFFFFFFF, v0;
	vm5 =	vgt.f32 v58, v50  }
0x35: {  	v46 =	vsel vm7, v58, v46;
	vm7 =	vgt.f32 v59, v47;
	vm10 =	vmneg vm10  }
0x36: {  	vm13 =	vgt.f32 v53, v55;
	[tilespmem:$0x1FCC0] =	vst v0;
	v58 =	vsel vm5, v58, v50;
	v46 =	vsel vm5, v50, v46  }
0x37: {  	v50 =	vsel vm12, $0x11, v2;
	v47 =	vsel vm7, v59, v47;
	v59 =	vsel vm3, v59, v51;
	v0 =	vld [tilespmem:$0x1FCB0]  }
0x38: {  	vm15 =	vgt.f32 v53, v45;
	v47 =	vsel vm3, v51, v47;
	v51 =	vsel vm11, $0x21, v2;
	v54 =	vld.idx.msk [tilespmem:v54+s2+$0x0], $0xffff  }
0x39: {  	vm11 =	vmand vm9, vm10;
	vm10 =	vgt.f32 v60, v49;
	v56 =	vld.idx.msk [tilespmem:v56+s2+$0x0], $0xffff;
	vm9 =	vgt.f32 v60, v52  }
0x3a: {  	v45 =	vsel vm15, v53, v45;
	v53 =	vsel vm13, v53, v55;
	v57 =	vld.idx.msk [tilespmem:v57+s2+$0x0], $0xffff;
	v50 =	vsel vm1, v61, v50  }
0x3b: {  	v61 =	vsel vm1, $0x11, v61;
	v49 =	vsel vm10, v60, v49;
	v60 =	vsel vm9, v60, v52  }
0x3c: {  	v45 =	vsel vm13, v55, v45;
	v49 =	vsel vm9, v52, v49;
	v52 =	vsel vm11, $0x1, v2  }
0x3d: {  	v55 =	vsel vm4, $0x31, v2;
	v51 =	vsel vm0, v62, v51;
	v52 =	vsel vm6, $0x2, v52  }
0x3e: {  	vm14 =	vgt.f32 v54, v46;
	vm11 =	vgt.f32 v54, v58;
	vm4 =	vgt.f32 v56, v59  }
0x3f: {  	vm12 =	vgt.f32 v56, v47;
	vm6 =	vgt.f32 v57, v49;
	vm1 =	vgt.f32 v57, v60  }
0x40: {  	v46 =	vsel vm14, v54, v46;
	v54 =	vsel vm11, v54, v58;
	v47 =	vsel vm12, v56, v47  }
0x41: {  	v56 =	vsel vm4, v56, v59;
	v46 =	vsel vm11, v58, v46;
	v58 =	vor.u32 $0x4, v39  }
0x42: {  	v49 =	vsel vm6, v57, v49;
	v47 =	vsel vm4, v59, v47;
	v59 =	vor.u32 $0x14, v39  }
0x43: {  	v2 =	vld [tilespmem:$0x1FCC0];
	v57 =	vsel vm1, v57, v60;
	v49 =	vsel vm1, v60, v49;
	v60 =	vor.u32 $0x24, v39  }
0x44: {  	v62 =	vsel vm0, $0x21, v62;
	v51 =	vsel vm7, $0x22, v51;
	v39 =	vor.u32 $0x34, v39  }
0x45: {  	v55 =	vsel vm2, v48, v55;
	v48 =	vsel vm2, $0x31, v48;
	v51 =	vsel vm3, v62, v51  }
0x46: {  	v62 =	vsel vm3, $0x22, v62;
	v55 =	vsel vm10, $0x32, v55;
	v52 =	vsel vm8, v63, v52;
	v58 =	vld.idx.msk [tilespmem:v58+s2+$0x0], $0xffff  }
0x47: {  	v63 =	vsel vm8, $0x2, v63;
	v55 =	vsel vm9, v48, v55;
	v52 =	vsel vm15, $0x3, v52;
	v59 =	vld.idx.msk [tilespmem:v59+s2+$0x0], $0xffff  }
0x48: {  	v48 =	vsel vm9, $0x32, v48;
	v52 =	vsel vm13, v63, v52;
	vm0 =	vnez.u8 v2;
	v60 =	vld.idx.msk [tilespmem:v60+s2+$0x0], $0xffff  }
0x49: {  	v63 =	vsel vm13, $0x3, v63;
	v51 =	vsel vm12, $0x23, v51;
	v50 =	vsel vm0, $0x12, v50;
	v39 =	vld.idx.msk [tilespmem:v39+s2+$0x0], $0xffff  }
0x4a: {  	v55 =	vsel vm6, $0x33, v55;
	v51 =	vsel vm4, v62, v51;
	v50 =	vsel vm5, v61, v50  }
0x4b: {  	v62 =	vsel vm4, $0x23, v62;
	v61 =	vsel vm5, $0x12, v61;
	v50 =	vsel vm14, $0x13, v50  }
0x4c: {  	v55 =	vsel vm1, v48, v55;
	v48 =	vsel vm1, $0x33, v48;
	v50 =	vsel vm11, v61, v50  }
0x4d: {  	v61 =	vsel vm11, $0x13, v61;
	vm0 =	vgt.f32 v58, v45;
	vm2 =	vgt.f32 v58, v53  }
0x4e: {  	v44 =	vld.idx.msk [tilespmem:v44+s2+$0x0], $0xffff;
	vm1 =	vgt.f32 v59, v54;
	vm6 =	vgt.f32 v60, v56;
	vm3 =	vgt.f32 v39, v57  }
0x4f: {  	vm4 =	vgt.f32 v59, v46;
	vm5 =	vgt.f32 v39, v49;
	v52 =	vsel vm0, $0x4, v52  }
0x50: {  	v43 =	vld.idx.msk [tilespmem:v43+s2+$0x0], $0xffff;
	v45 =	vsel vm0, v58, v45;
	v58 =	vsel vm2, v58, v53;
	v50 =	vsel vm4, $0x14, v50  }
0x51: {  	v40 =	vld.idx.msk [tilespmem:v40+s2+$0x0], $0xffff;
	v55 =	vsel vm5, $0x34, v55;
	v46 =	vsel vm4, v59, v46;
	v59 =	vsel vm1, v59, v54  }
0x52: {  	v49 =	vsel vm5, v39, v49;
	v39 =	vsel vm3, v39, v57;
	v52 =	vsel vm2, v63, v52  }
0x53: {  	v63 =	vsel vm2, $0x4, v63;
	vm0 =	vgt.f32 v44, v58;
	v45 =	vsel vm2, v53, v45  }
0x54: {  	v41 =	vld.idx.msk [tilespmem:v41+s2+$0x0], $0xffff;
	v53 =	vsel vm1, $0x14, v61;
	vm2 =	vgt.f32 v60, v47;
	v50 =	vsel vm1, v61, v50  }
0x55: {  	v42 =	vld.idx.msk [tilespmem:v42+s2+$0x0], $0xffff;
	v61 =	vsel vm6, $0x24, v62;
	v55 =	vsel vm3, v48, v55;
	v48 =	vsel vm3, $0x34, v48  }
0x56: {  	v46 =	vsel vm1, v54, v46;
	vm4 =	vgt.f32 v43, v59;
	vm1 =	vgt.f32 v40, v39  }
0x57: {  	v49 =	vsel vm3, v57, v49;
	v51 =	vsel vm2, $0x24, v51;
	v54 =	vsel vm0, v44, v58  }
0x58: {  	v47 =	vsel vm2, v60, v47;
	v60 =	vsel vm6, v60, v56;
	vm9 =	vgt.f32 v40, v49  }
0x59: {  	v51 =	vsel vm6, v62, v51;
	v62 =	vsel vm0, $0x5, v63;
	vm2 =	vgt.f32 v41, v54  }
0x5a: {  	vm5 =	vgt.f32 v42, v60;
	v47 =	vsel vm6, v56, v47;
	v56 =	vsel vm4, $0x15, v53  }
0x5b: {  	v35 =	vld.idx.msk [tilespmem:v35+s2+$0x0], $0xffff;
	vm6 =	vgt.f32 v44, v45;
	v49 =	vsel vm9, v40, v49;
	v40 =	vsel vm1, v40, v39  }
0x5c: {  	v36 =	vld.idx.msk [tilespmem:v36+s2+$0x0], $0xffff;
	v55 =	vsel vm9, $0x35, v55;
	v57 =	vsel vm5, $0x25, v61;
	v52 =	vsel vm6, $0x5, v52  }
0x5d: {  	v38 =	vld.idx.msk [tilespmem:v38+s2+$0x0], $0xffff;
	v44 =	vsel vm6, v44, v45;
	v45 =	vsel vm2, $0x6, v62;
	vm6 =	vgt.f32 v43, v46  }
0x5e: {  	v37 =	vld.idx.msk [tilespmem:v37+s2+$0x0], $0xffff;
	vm8 =	vgt.f32 v42, v47;
	v39 =	vsel vm1, v39, v49;
	v52 =	vsel vm0, v63, v52  }
0x5f: {  	v63 =	vsel vm1, $0x35, v48;
	v44 =	vsel vm0, v58, v44;
	v58 =	vsel vm2, v41, v54  }
0x60: {  	v46 =	vsel vm6, v43, v46;
	v43 =	vsel vm4, v43, v59;
	v47 =	vsel vm8, v42, v47  }
0x61: {  	v42 =	vsel vm5, v42, v60;
	v50 =	vsel vm6, $0x15, v50;
	vm6 =	vgt.f32 v36, v40  }
0x62: {  	v51 =	vsel vm8, $0x25, v51;
	v48 =	vsel vm1, v48, v55;
	vm3 =	vgt.f32 v38, v43  }
0x63: {  	v34 =	vld.idx.msk [tilespmem:v34+s2+$0x0], $0xffff;
	vm0 =	vgt.f32 v35, v58;
	vm7 =	vgt.f32 v37, v42;
	v50 =	vsel vm4, v53, v50  }
0x64: {  	v0 =	vld.idx.msk [tilespmem:v0+s2+$0x0], $0xffff;
	v51 =	vsel vm5, v61, v51;
	v46 =	vsel vm4, v59, v46;
	v59 =	vsel vm6, $0x36, v63  }
0x65: {  	v33 =	vld.idx.msk [tilespmem:v33+s2+$0x0], $0xffff;
	v47 =	vsel vm5, v60, v47;
	vm4 =	vgt.f32 v41, v44;
	v53 =	vsel vm3, $0x16, v56  }
0x66: {  	v61 =	vsel vm7, $0x26, v57;
	v55 =	vsel vm0, $0x7, v45;
	v60 =	vsel vm0, v35, v58  }
0x67: {  	v1 =	vld.idx.msk [tilespmem:v1+s2+$0x0], $0xffff;
	v49 =	vsel vm3, v38, v43;
	v52 =	vsel vm4, $0x6, v52;
	v41 =	vsel vm4, v41, v44  }
0x68: {  	v44 =	vsel vm7, v37, v42;
	vm5 =	vgt.f32 v38, v46;
	v52 =	vsel vm2, v62, v52  }
0x69: {  	v62 =	vsel vm6, v36, v40;
	vm4 =	vgt.f32 v0, v60;
	vm11 =	vgt.f32 v34, v49  }
0x6a: {  	vm8 =	vgt.f32 v33, v44;
	v41 =	vsel vm2, v54, v41;
	v50 =	vsel vm5, $0x16, v50  }
0x6b: {  	v38 =	vsel vm5, v38, v46;
	vm2 =	vgt.f32 v37, v47;
	vm5 =	vgt.f32 v36, v39  }
0x6c: {  	v29 =	vld.idx.msk [tilespmem:v29+s2+$0x0], $0xffff;
	vm1 =	vgt.f32 v1, v62;
	v54 =	vsel vm11, $0x17, v53;
	v46 =	vsel vm4, $0x8, v55  }
0x6d: {  	v32 =	vld.idx.msk [tilespmem:v32+s2+$0x0], $0xffff;
	v50 =	vsel vm3, v56, v50;
	v56 =	vsel vm8, $0x27, v61;
	v37 =	vsel vm2, v37, v47  }
0x6e: {  	v31 =	vld.idx.msk [tilespmem:v31+s2+$0x0], $0xffff;
	v36 =	vsel vm5, v36, v39;
	v39 =	vsel vm4, v0, v60;
	v51 =	vsel vm2, $0x26, v51  }
0x6f: {  	v30 =	vld.idx.msk [tilespmem:v30+s2+$0x0], $0xffff;
	v48 =	vsel vm5, $0x36, v48;
	v38 =	vsel vm3, v43, v38;
	v47 =	vsel vm1, $0x37, v59  }
0x70: {  	v51 =	vsel vm7, v57, v51;
	v57 =	vsel vm11, v34, v49;
	v48 =	vsel vm6, v63, v48  }
0x71: {  	v63 =	vsel vm8, v33, v44;
	v43 =	vsel vm1, v1, v62;
	vm2 =	vgt.f32 v29, v39  }
0x72: {  	v37 =	vsel vm7, v42, v37;
	v40 =	vsel vm6, v40, v36;
	vm6 =	vgt.f32 v35, v41  }
0x73: {  	vm12 =	vgt.f32 v34, v38;
	vm10 =	vgt.f32 v32, v57;
	vm5 =	vgt.f32 v31, v63  }
0x74: {  	v25 =	vld.idx.msk [tilespmem:v25+s2+$0x0], $0xffff;
	vm3 =	vgt.f32 v30, v43;
	v36 =	vsel vm2, $0x9, v46;
	v35 =	vsel vm6, v35, v41  }
0x75: {  	v28 =	vld.idx.msk [tilespmem:v28+s2+$0x0], $0xffff;
	v52 =	vsel vm6, $0x7, v52;
	v34 =	vsel vm12, v34, v38;
	vm13 =	vgt.f32 v33, v37  }
0x76: {  	v27 =	vld.idx.msk [tilespmem:v27+s2+$0x0], $0xffff;
	vm14 =	vgt.f32 v1, v40;
	v50 =	vsel vm12, $0x17, v50;
	v42 =	vsel vm10, $0x18, v54  }
0x77: {  	v26 =	vld.idx.msk [tilespmem:v26+s2+$0x0], $0xffff;
	v41 =	vsel vm5, $0x28, v56;
	v45 =	vsel vm0, v45, v52;
	v52 =	vsel vm3, $0x38, v47  }
0x78: {  	v35 =	vsel vm0, v58, v35;
	v58 =	vsel vm10, v32, v57;
	v38 =	vsel vm5, v31, v63  }
0x79: {  	v33 =	vsel vm13, v33, v37;
	v37 =	vsel vm2, v29, v39;
	v1 =	vsel vm14, v1, v40  }
0x7a: {  	v40 =	vsel vm3, v30, v43;
	v50 =	vsel vm11, v53, v50;
	v51 =	vsel vm13, $0x27, v51  }
0x7b: {  	v48 =	vsel vm14, $0x37, v48;
	v34 =	vsel vm11, v49, v34;
	vm0 =	vgt.f32 v25, v37  }
0x7c: {  	vm7 =	vgt.f32 v28, v58;
	vm9 =	vgt.f32 v27, v38;
	vm6 =	vgt.f32 v26, v40  }
0x7d: {  	v24 =	vld.idx.msk [tilespmem:v24+s2+$0x0], $0xffff;
	v51 =	vsel vm8, v61, v51;
	v48 =	vsel vm1, v59, v48;
	v33 =	vsel vm8, v44, v33  }
0x7e: {  	v2 =	vld.idx.msk [tilespmem:v23+s2+$0x0], $0xffff;
	v1 =	vsel vm1, v62, v1;
	vm1 =	vgt.f32 v0, v35;
	v62 =	vimm.s32 $0x0  }
0x7f: {  	v22 =	vld.idx.msk [tilespmem:v22+s2+$0x0], $0xffff;
	v53 =	vsel vm7, $0x19, v42;
	v23 =	vsel vm0, $0xA, v36;
	v59 =	vsel vm9, $0x29, v41  }
0x80: {  	v49 =	vsel vm6, $0x39, v52;
	v44 =	vsel vm7, v28, v58;
	v61 =	vsel vm9, v27, v38  }
0x81: {  	v21 =	vld.idx.msk [tilespmem:v21+s2+$0x0], $0xffff;
	v0 =	vsel vm1, v0, v35;
	v35 =	vsel vm0, v25, v37;
	v45 =	vsel vm1, $0x8, v45  }
0x82: {  	vm13 =	vgt.f32 v31, v33;
	vm14 =	vgt.f32 v30, v1;
	v45 =	vsel vm4, v55, v45  }
0x83: {  	v55 =	vsel vm6, v26, v40;
	vm12 =	vgt.f32 v24, v44;
	vm11 =	vgt.f32 v2, v61  }
0x84: {  	v19 =	vld.idx.msk [tilespmem:v19+s2+$0x0], $0xffff;
	vm1 =	vgt.f32 v22, v35;
	v60 =	vsel vm4, v60, v0;
	vm4 =	vgt.f32 v32, v34  }
0x85: {  	v31 =	vsel vm13, v31, v33;
	v30 =	vsel vm14, v30, v1;
	v51 =	vsel vm13, $0x28, v51  }
0x86: {  	v17 =	vld.idx.msk [tilespmem:v17+s2+$0x0], $0xffff;
	v48 =	vsel vm14, $0x38, v48;
	vm8 =	vgt.f32 v21, v55;
	v0 =	vsel vm1, $0xB, v23  }
0x87: {  	v32 =	vsel vm4, v32, v34;
	v34 =	vsel vm12, $0x1A, v53;
	v50 =	vsel vm4, $0x18, v50  }
0x88: {  	v51 =	vsel vm5, v56, v51;
	v47 =	vsel vm3, v47, v48;
	v48 =	vsel vm1, v22, v35  }
0x89: {  	v18 =	vld.idx.msk [tilespmem:v18+s2+$0x0], $0xffff;
	v50 =	vsel vm10, v54, v50;
	v32 =	vsel vm10, v57, v32;
	vm10 =	vgt.f32 v19, v48  }
0x8a: {  	v20 =	vld.idx.msk [tilespmem:v20+s2+$0x0], $0xffff;
	v56 =	vsel vm11, v2, v61;
	v57 =	vsel vm8, v21, v55;
	v62 =	vsel vm10, $0xFFFFFFFF, v62  }
0x8b: {  	v31 =	vsel vm5, v63, v31;
	vm15 =	vgt.f32 v17, v57;
	[tilespmem:$0x1FCF0] =	vst v62;
	v62 =	vimm.s32 $0x0  }
0x8c: {  	vm4 =	vgt.f32 v29, v60;
	v30 =	vsel vm3, v43, v30;
	v62 =	vsel vm15, $0xFFFFFFFF, v62  }
0x8d: {  	v63 =	vimm.s32 $0x0;
	v1 =	vsel vm8, $0x3A, v49;
	v54 =	vsel vm12, v24, v44;
	[tilespmem:$0x1FCE0] =	vst v62  }
0x8e: {  	vm13 =	vgt.f32 v18, v56;
	v45 =	vsel vm4, $0x9, v45;
	v29 =	vsel vm4, v29, v60;
	v16 =	vld.idx.msk [tilespmem:v16+s2+$0x0], $0xffff  }
0x8f: {  	vm3 =	vgt.f32 v27, v31;
	vm14 =	vgt.f32 v20, v54;
	v45 =	vsel vm2, v46, v45  }
0x90: {  	v46 =	vsel vm10, v19, v48;
	v29 =	vsel vm2, v39, v29;
	v39 =	vsel vm13, v18, v56;
	v62 =	vld.idx.msk [tilespmem:v15+s2+$0x0], $0xffff  }
0x91: {  	vm2 =	vgt.f32 v28, v32;
	v51 =	vsel vm3, $0x29, v51;
	v27 =	vsel vm3, v27, v31;
	v43 =	vld.idx.msk [tilespmem:v13+s2+$0x0], $0xffff  }
0x92: {  	v31 =	vimm.s32 $0x0;
	v60 =	vsel vm14, v20, v54;
	v28 =	vsel vm2, v28, v32;
	v14 =	vld.idx.msk [tilespmem:v14+s2+$0x0], $0xffff  }
0x93: {  	v32 =	vsel vm15, v17, v57;
	v50 =	vsel vm2, $0x19, v50;
	vm5 =	vgt.f32 v16, v60  }
0x94: {  	v41 =	vsel vm9, v41, v51;
	v27 =	vsel vm9, v38, v27;
	v63 =	vsel vm5, $0xFFFFFFFF, v63  }
0x95: {  	v51 =	vimm.s32 $0x0;
	vm4 =	vgt.f32 v62, v39;
	[tilespmem:$0x1FD10] =	vst v63;
	v63 =	vimm.s32 $0x0  }
0x96: {  	v42 =	vsel vm7, v42, v50;
	v28 =	vsel vm7, v58, v28;
	v63 =	vsel vm4, $0xFFFFFFFF, v63  }
0x97: {  	vm2 =	vgt.f32 v43, v46;
	vm3 =	vgt.f32 v14, v32;
	[tilespmem:$0x1FD20] =	vst v63;
	v63 =	vimm.s32 $0x0  }
0x98: {  	v50 =	vsel vm2, v43, v46;
	v63 =	vsel vm2, $0xFFFFFFFF, v63;
	vm2 =	vgt.f32 v26, v30  }
0x99: {  	v31 =	vsel vm3, $0xFFFFFFFF, v31;
	v58 =	vsel vm4, v62, v39;
	v26 =	vsel vm2, v26, v30  }
0x9a: {  	v30 =	vsel vm3, v14, v32;
	v47 =	vsel vm2, $0x39, v47;
	vm2 =	vgt.f32 v25, v29  }
0x9b: {  	v12 =	vld.idx.msk [tilespmem:v12+s2+$0x0], $0xffff;
	[tilespmem:$0x1FD50] =	vst v63;
	v63 =	vimm.s32 $0x0;
	v47 =	vsel vm6, v52, v47;
	v26 =	vsel vm6, v40, v26  }
0x9c: {  	v11 =	vld.idx.msk [tilespmem:v11+s2+$0x0], $0xffff;
	[tilespmem:$0x1FD40] =	vst v31;
	v40 =	vimm.s32 $0x0;
	v25 =	vsel vm2, v25, v29;
	v29 =	vsel vm2, $0xA, v45  }
0x9d: {  	vm2 =	vgt.f32 v24, v28;
	v10 =	vld.idx.msk [tilespmem:v10+s2+$0x0], $0xffff;
	v25 =	vsel vm0, v37, v25;
	v29 =	vsel vm0, v36, v29  }
0x9e: {  	vm0 =	vgt.f32 v2, v27;
	v24 =	vsel vm2, v24, v28;
	v28 =	vsel vm2, $0x1A, v42  }
0x9f: {  	vm2 =	vgt.f32 v21, v26;
	v2 =	vsel vm0, v2, v27;
	v27 =	vsel vm0, $0x2A, v41  }
0xa0: {  	v21 =	vsel vm2, v21, v26;
	v26 =	vsel vm2, $0x3A, v47;
	v24 =	vsel vm12, v44, v24  }
0xa1: {  	v28 =	vsel vm12, v53, v28;
	v2 =	vsel vm11, v61, v2;
	vm3 =	vgt.f32 v11, v50  }
0xa2: {  	v27 =	vsel vm11, v59, v27;
	v38 =	vsel vm3, $0xFFFFFFFF, v40;
	vm0 =	vgt.f32 v10, v58  }
0xa3: {  	v9 =	vld.idx.msk [tilespmem:v9+s2+$0x0], $0xffff;
	[tilespmem:$0x1FDC0] =	vst v38;
	v36 =	vsel vm0, $0xFFFFFFFF, v51;
	v38 =	vsel vm0, v10, v58;
	vm0 =	vgt.f32 v22, v25  }
0xa4: {  	v21 =	vsel vm8, v55, v21;
	v26 =	vsel vm8, v49, v26;
	v22 =	vsel vm0, v22, v25  }
0xa5: {  	v51 =	vld [tilespmem:$0x1FCE0];
	v25 =	vsel vm0, $0xB, v29;
	vm0 =	vgt.f32 v20, v24;
	v22 =	vsel vm1, v35, v22  }
0xa6: {  	v20 =	vsel vm0, v20, v24;
	v24 =	vsel vm0, $0x1B, v28;
	vm0 =	vgt.f32 v18, v2  }
0xa7: {  	v2 =	vsel vm0, v18, v2;
	v18 =	vsel vm0, $0x2B, v27;
	vm0 =	vgt.f32 v17, v21  }
0xa8: {  	v53 =	vld [tilespmem:$0x1FCF0];
	v17 =	vsel vm0, v17, v21;
	v21 =	vsel vm0, $0x3B, v26;
	vm0 =	vgt.f32 v19, v22  }
0xa9: {  	v8 =	vld.idx.msk [tilespmem:v8+s2+$0x0], $0xffff;
	v23 =	vsel vm1, v23, v25;
	v20 =	vsel vm14, v54, v20;
	v19 =	vsel vm0, v19, v22  }
0xaa: {  	v25 =	vld [tilespmem:$0x1FCD0];
	v22 =	vsel vm0, $0xC, v23;
	vm1 =	vnez.u8 v51;
	vm0 =	vgt.f32 v16, v20  }
0xab: {  	v31 =	vsel vm5, v16, v60;
	v17 =	vsel vm1, v57, v17;
	v16 =	vsel vm0, v16, v20;
	v20 =	vld [tilespmem:$0x1FD10]  }
0xac: {  	v52 =	vimm.s32 $0x0;
	vm10 =	vgt.f32 v12, v31;
	v7 =	vld.idx.msk [tilespmem:v7+s2+$0x0], $0xffff;
	vm8 =	vgt.f32 v14, v17  }
0xad: {  	v37 =	vsel vm10, $0xFFFFFFFF, v52;
	vm2 =	vgt.f32 v9, v30;
	[tilespmem:$0x1FD90] =	vst v36;
	v14 =	vsel vm8, v14, v17;
	v17 =	vld [tilespmem:$0x1FD20]  }
0xae: {  	v41 =	vsel vm2, $0xFFFFFFFF, v63;
	v6 =	vld.idx.msk [tilespmem:v6+s2+$0x0], $0xffff;
	[tilespmem:$0x1FD70] =	vst v37  }
0xaf: {  	v52 =	vimm.s32 $0x0;
	v40 =	vsel vm2, v9, v30;
	vm6 =	vnez.u8 v53;
	[tilespmem:$0x1FDA0] =	vst v41  }
0xb0: {  	v37 =	vsel vm3, v11, v50;
	v5 =	vld.idx.msk [tilespmem:v5+s2+$0x0], $0xffff;
	v41 =	vsel vm0, $0xFFFFFFFF, v52;
	vm0 =	vnez.u8 v20  }
0xb1: {  	vm3 =	vmmov vm2;
	v4 =	vld.idx.msk [tilespmem:v4+s2+$0x0], $0xffff;
	v19 =	vsel vm6, v48, v19;
	v16 =	vsel vm0, v60, v16  }
0xb2: {  	v3 =	vld.idx.msk [tilespmem:v3+s2+$0x0], $0xffff;
	vm0 =	vgt.f32 v43, v19;
	vm2 =	vnez.u8 v17;
	v17 =	vimm.s32 $0x0  }
0xb3: {  	v25 =	vld.idx.msk [tilespmem:v25+s2+$0x0], $0xffff;
	v17 =	vsel vm0, $0xFFFFFFFF, v17  }
0xb4: {  	[tilespmem:$0x1FD30] =	vst v17;
	v17 =	vld [tilespmem:$0x1FD40];
	_ =	sdelay $0x1  }
0xb5: {  	v33 =	vsel vm11, $0x2A, v59;
	v15 =	vsel vm14, $0x1B, v34;
	v2 =	vsel vm13, v56, v2  }
0xb6: {  	v13 =	vsel vm13, $0x2B, v33;
	v36 =	vsel vm10, v12, v31;
	vm9 =	vgt.f32 v62, v2  }
0xb7: {  	v29 =	vimm.s32 $0x0;
	v28 =	vimm.s32 $0x0;
	v2 =	vsel vm9, v62, v2  }
0xb8: {  	v27 =	vimm.s32 $0x0;
	v2 =	vsel vm2, v39, v2;
	vm2 =	vnez.u8 v17  }
0xb9: {  	v17 =	vsel vm0, v43, v19;
	vm0 =	vgt.f32 v12, v16;
	v19 =	vimm.s32 $0x0  }
0xba: {  	v24 =	vsel vm14, v34, v24;
	v18 =	vsel vm13, v33, v18;
	v19 =	vsel vm0, $0xFFFFFFFF, v19  }
0xbb: {  	vm4 =	vgt.f32 v8, v36;
	vm12 =	vgt.f32 v7, v38;
	vm5 =	vgt.f32 v6, v37;
	[tilespmem:$0x1FD60] =	vst v19;
	v19 =	vld [tilespmem:$0x1FD50]  }
0xbc: {  	vm11 =	vmmov vm4;
	v12 =	vsel vm0, v12, v16;
	vm0 =	vgt.f32 v10, v2  }
0xbd: {  	v27 =	vsel vm5, $0xFFFFFFFF, v27;
	v2 =	vsel vm0, v10, v2;
	v10 =	vsel vm10, v31, v12;
	v12 =	vld [tilespmem:$0x1FD90]  }
0xbe: {  	v28 =	vsel vm4, $0xFFFFFFFF, v28;
	v29 =	vsel vm12, $0xFFFFFFFF, v29;
	vm15 =	vgt.f32 v5, v40;
	[tilespmem:$0x1FE10] =	vst v27  }
0xbf: {  	v26 =	vsel vm5, v6, v37;
	v27 =	vsel vm4, v8, v36;
	[tilespmem:$0x1FDE0] =	vst v28;
	v28 =	vsel vm12, v7, v38  }
0xc0: {  	v14 =	vsel vm2, v32, v14;
	v16 =	vimm.s32 $0x0;
	vm2 =	vnez.u8 v19  }
0xc1: {  	[tilespmem:$0x1FE00] =	vst v29;
	v29 =	vsel vm15, v5, v40;
	v16 =	vsel vm0, $0xFFFFFFFF, v16;
	v17 =	vsel vm2, v46, v17  }
0xc2: {  	vm2 =	vnez.u8 v12;
	v12 =	vimm.s32 $0x0;
	vm0 =	vgt.f32 v11, v17  }
0xc3: {  	vm14 =	vgt.f32 v4, v27;
	vm7 =	vgt.f32 v3, v28;
	v12 =	vsel vm0, $0xFFFFFFFF, v12  }
0xc4: {  	v11 =	vsel vm0, v11, v17;
	vm0 =	vgt.f32 v8, v10;
	[tilespmem:$0x1FDB0] =	vst v12;
	v12 =	vimm.s32 $0x0  }
0xc5: {  	v23 =	vsel vm14, v4, v27;
	v45 =	vsel vm7, v3, v28;
	v12 =	vsel vm0, $0xFFFFFFFF, v12  }
0xc6: {  	vm13 =	vge.f32 v26, v23;
	vm4 =	vgt.f32 v25, v29;
	vm10 =	vgt.f32 v9, v14;
	[tilespmem:$0x1FDD0] =	vst v12;
	v12 =	vld [tilespmem:$0x1FDC0]  }
0xc7: {  	v49 =	vsel vm13, v26, v23;
	v47 =	vsel vm4, v25, v29;
	v9 =	vsel vm10, v9, v14  }
0xc8: {  	v9 =	vsel vm3, v30, v9;
	vm3 =	vge.f32 v45, v47;
	v2 =	vsel vm2, v58, v2  }
0xc9: {  	v8 =	vsel vm0, v8, v10;
	v10 =	vimm.s32 $0x0;
	vm0 =	vgt.f32 v7, v2  }
0xca: {  	v2 =	vsel vm0, v7, v2;
	v7 =	vsel vm11, v36, v8;
	vm11 =	vgt.f32 v5, v9  }
0xcb: {  	v8 =	vimm.s32 $0x0;
	v5 =	vsel vm11, v5, v9;
	vm2 =	vnez.u8 v12  }
0xcc: {  	v2 =	vsel vm12, v38, v2;
	v11 =	vsel vm2, v50, v11;
	vm2 =	vgt.f32 v4, v7  }
0xcd: {  	v5 =	vsel vm15, v40, v5;
	vm12 =	vgt.f32 v6, v11;
	v8 =	vsel vm2, $0xFFFFFFFF, v8  }
0xce: {  	v4 =	vsel vm2, v4, v7;
	vm2 =	vgt.f32 v3, v2;
	v7 =	vimm.s32 $0x0  }
0xcf: {  	v6 =	vsel vm12, v6, v11;
	v7 =	vsel vm2, $0xFFFFFFFF, v7;
	v2 =	vsel vm2, v3, v2  }
0xd0: {  	v3 =	vsel vm14, v27, v4;
	vm2 =	vgt.f32 v25, v5;
	v4 =	vimm.s32 $0x0  }
0xd1: {  	v10 =	vsel vm0, $0xFFFFFFFF, v10;
	v6 =	vsel vm5, v37, v6;
	v4 =	vsel vm2, $0xFFFFFFFF, v4  }
0xd2: {  	[tilespmem:$0x1FE40] =	vst v4;
	v4 =	vsel vm2, v25, v5;
	vm2 =	vge.f32 v6, v23;
	v5 =	vimm.s32 $0x0  }
0xd3: {  	v2 =	vsel vm7, v28, v2;
	vm0 =	vge.f32 v26, v3;
	v5 =	vsel vm2, $0xFFFFFFFF, v5  }
0xd4: {  	v3 =	vsel vm0, v26, v3;
	[tilespmem:$0x1FE50] =	vst v5;
	v5 =	vsel vm2, v6, v23;
	v6 =	vimm.s32 $0x0  }
0xd5: {  	v4 =	vsel vm4, v29, v4;
	vm2 =	vge.f32 v2, v47;
	v6 =	vsel vm0, $0xFFFFFFFF, v6  }
0xd6: {  	vm0 =	vge.f32 v45, v4;
	v2 =	vsel vm2, v2, v47;
	[tilespmem:$0x1FE60] =	vst v6;
	v6 =	vimm.s32 $0x0  }
0xd7: {  	v3 =	vsel vm13, v5, v3;
	v4 =	vsel vm0, v45, v4;
	v6 =	vsel vm2, $0xFFFFFFFF, v6  }
0xd8: {  	v5 =	vsel vm3, v45, v47;
	v2 =	vsel vm3, v2, v4;
	[tilespmem:$0x1FE70] =	vst v6;
	v6 =	vimm.s32 $0x0  }
0xd9: {  	vm5 =	vge.f32 v3, v5;
	v6 =	vsel vm0, $0xFFFFFFFF, v6;
	vm0 =	vge.f32 v49, v2  }
0xda: {  	v3 =	vsel vm5, v3, v5;
	vm2 =	vge.f32 v49, v5;
	v2 =	vsel vm0, v49, v2  }
0xdb: {  	[tilespmem:$0x1FD00] =	vst v41;
	v5 =	vsel vm2, v49, v5;
	v2 =	vsel vm2, v3, v2  }
0xdc: {  	v2 =	vsub.f32 v2, v5;
	v5 =	vld [tilespmem:$0x1FD00]  }
0xdd: {  	[tilespmem:$0x1FE30] =	vst v7;
	v7 =	vld [tilespmem:$0x1FD10]  }
0xde: {  	[tilespmem:$0x1FE20] =	vst v8;
	v8 =	vld [tilespmem:$0x1FD20]  }
0xdf: {  	v9 =	vld [tilespmem:$0x1FD30];
	[tilespmem:$0x1FE80] =	vst v6;
	v6 =	vimm.s32 $0x0  }
0xe0: {  	v6 =	vsel vm0, $0xFFFFFFFF, v6  }
0xe1: {  	[tilespmem:$0x1FE90] =	vst v6;
	v6 =	vsel vm9, $0x2C, v18;
	vm0 =	vnez.u8 v5  }
0xe2: {  	v2 =	vmul.f32 $1.442695020e+00, v2;
	v5 =	vsel vm0, $0x1C, v24;
	vm0 =	vnez.u8 v7  }
0xe3: {  	v7 =	vsel vm0, $0x1C, v15;
	v5 =	vsel vm0, v15, v5;
	vm0 =	vnez.u8 v8  }
0xe4: {  	v8 =	vsel vm0, $0x2C, v13;
	v6 =	vsel vm0, v13, v6;
	vm0 =	vnez.u8 v9;
	v9 =	vld [tilespmem:$0x1FD40]  }
0xe5: {  	(erf) = vpow2.f32 v2;
	v2 =	vld [tilespmem:$0x1FD50];
	_ =	sdelay $0x1  }
0xe6: {  	v4 =	vsel vm1, $0x3B, v1  }
0xe7: {  	v1 =	vsel vm1, v1, v21;
	v3 =	vsel vm6, $0xC, v0;
	v0 =	vsel vm6, v0, v22  }
0xe8: {  	v1 =	vsel vm8, $0x3C, v1;
	v0 =	vsel vm0, $0xD, v0;
	vm0 =	vnez.u8 v9  }
0xe9: {  	v9 =	vsel vm0, $0x3C, v4;
	v1 =	vsel vm0, v4, v1;
	vm0 =	vnez.u8 v2  }
0xea: {  	v2 =	vsel vm0, $0xD, v3;
	v0 =	vsel vm0, v3, v0;
	v3 =	vld [tilespmem:$0x1FD60];
	_ =	sdelay $0x4  }
0xeb: {  	[tilespmem:$0x1FD80] =	vst v16;
	v4 =	vld [tilespmem:$0x1FD70];
	vm0 =	vnez.u8 v3  }
0xec: {  	v3 =	vsel vm0, $0x1D, v5;
	v5 =	vld [tilespmem:$0x1FD80];
	_ =	sdelay $0x3  }
0xed: {  	vm0 =	vnez.u8 v4  }
0xee: {  	v4 =	vsel vm0, $0x1D, v7;
	v3 =	vsel vm0, v7, v3;
	vm0 =	vnez.u8 v5  }
0xef: {  	v5 =	vsel vm0, $0x2D, v6;
	v6 =	vld [tilespmem:$0x1FD90];
	_ =	sdelay $0x4  }
0xf0: {  	v7 =	vld [tilespmem:$0x1FDA0];
	vm0 =	vnez.u8 v6  }
0xf1: {  	v6 =	vsel vm0, $0x2D, v8;
	v5 =	vsel vm0, v8, v5;
	v8 =	vld [tilespmem:$0x1FDB0];
	_ =	sdelay $0x3  }
0xf2: {  	v1 =	vsel vm10, $0x3D, v1;
	vm0 =	vnez.u8 v7  }
0xf3: {  	v7 =	vsel vm0, $0x3D, v9;
	v1 =	vsel vm0, v9, v1;
	vm0 =	vnez.u8 v8;
	v8 =	vld [tilespmem:$0x1FDC0];
	_ =	sdelay $0x4  }
0xf4: {  	v0 =	vsel vm0, $0xE, v0;
	vm0 =	vnez.u8 v8  }
0xf5: {  	v8 =	vsel vm0, $0xE, v2;
	v0 =	vsel vm0, v2, v0;
	v2 =	vld [tilespmem:$0x1FDD0];
	_ =	sdelay $0x4  }
0xf6: {  	vm0 =	vnez.u8 v2  }
0xf7: {  	v2 =	vsel vm0, $0x1E, v3;
	v3 =	vld [tilespmem:$0x1FDE0];
	_ =	sdelay $0x4  }
0xf8: {  	[tilespmem:$0x1FDF0] =	vst v10;
	vm0 =	vnez.u8 v3  }
0xf9: {  	v3 =	vsel vm0, $0x1E, v4;
	v2 =	vsel vm0, v4, v2;
	v4 =	vld [tilespmem:$0x1FDF0];
	_ =	sdelay $0x4  }
0xfa: {  	vm0 =	vnez.u8 v4  }
0xfb: {  	v4 =	vsel vm0, $0x2E, v5;
	v5 =	vld [tilespmem:$0x1FE00];
	_ =	sdelay $0x3  }
0xfc: {  	v1 =	vsel vm11, $0x3E, v1  }
0xfd: {  	v1 =	vsel vm15, v7, v1;
	vm0 =	vnez.u8 v5  }
0xfe: {  	v5 =	vsel vm0, $0x2E, v6;
	v4 =	vsel vm0, v6, v4;
	v6 =	vsel vm15, $0x3E, v7;
	v7 =	vld [tilespmem:$0x1FE10];
	_ =	sdelay $0x4  }
0xff: {  	v0 =	vsel vm12, $0xF, v0;
	vm0 =	vnez.u8 v7  }
0x100: {  	v7 =	vsel vm0, $0xF, v8;
	v0 =	vsel vm0, v8, v0;
	v8 =	vld [tilespmem:$0x1FE20];
	_ =	sdelay $0x4  }
0x101: {  	vm0 =	vnez.u8 v8;
	v8 =	vld [tilespmem:$0x1FE30]  }
0x102: {  	v2 =	vsel vm0, $0x1F, v2  }
0x103: {  	v9 =	vsel vm14, $0x1F, v3;
	v2 =	vsel vm14, v3, v2;
	v3 =	vld [tilespmem:$0x1FE40];
	_ =	sdelay $0x2  }
0x104: {  	vm0 =	vnez.u8 v8  }
0x105: {  	v4 =	vsel vm0, $0x2F, v4  }
0x106: {  	vm0 =	vnez.u8 v3;
	v3 =	vsel vm7, v5, v4;
	v4 =	vld [tilespmem:$0x1FE50];
	_ =	sdelay $0x4  }
0x107: {  	v1 =	vsel vm0, $0x3F, v1;
	vm0 =	vnez.u8 v4;
	v4 =	vld [tilespmem:$0x1FE60];
	_ =	sdelay $0x4  }
0x108: {  	v0 =	vsel vm0, v0, v9;
	vm0 =	vnez.u8 v4;
	v4 =	vld [tilespmem:$0x1FE70];
	_ =	sdelay $0x4  }
0x109: {  	v2 =	vsel vm0, v7, v2;
	vm0 =	vnez.u8 v4;
	v4 =	vld [tilespmem:$0x1FE80];
	_ =	sdelay $0x3  }
0x10a: {  	v10 =	vsel vm7, $0x2F, v5;
	v12 =	vsel vm4, $0x3F, v6  }
0x10b: {  	v1 =	vsel vm4, v6, v1;
	v3 =	vsel vm0, v3, v12;
	vm0 =	vnez.u8 v4  }
0x10c: {  	v1 =	vsel vm0, v10, v1  }
0x10d: {  	v1 =	vsel vm3, v3, v1;
	v3 =	vld [tilespmem:$0x1FE90];
	_ =	sdelay $0x3  }
0x10e: {  	v13 =	vsel vm13, v7, v9  }
0x10f: {  	v0 =	vsel vm13, v0, v2;
	v4 =	vsel vm3, v10, v12;
	vm0 =	vnez.u8 v3  }
0x110: {  	v2 =	vsel vm2, v13, v4;
	v0 =	vsel vm5, v0, v4;
	v1 =	vsel vm0, v13, v1  }
0x111: {  	v0 =	vsel vm2, v0, v1;
	v1 =	vshll.u32 v2, $0x8  }
0x112: {  	v5 =	vor.u32 v1, v0;
	v0 =	vld [tilespmem:$0x1FFF0];
	_ =	sdelay $0x1  }
0x113: {  	s11 =	simm.s32 $0x10  }
0x114: {  	v3 =	vmov s11  }
0x115: {  	v2 =	vshll.u32 v3, $0x7  }
0x116: {  	v37 =	vor.u32 v0, v2  }
0x117: {  	v0 =	vor.u32 $0xF, v37  }
0x118: {  	[tilespmem:$0x1FEA0] =	vst v0;
	v0 =	vor.u32 $0x1F, v37  }
0x119: {  	[tilespmem:$0x1FEB0] =	vst v0;
	v0 =	vor.u32 $0x2F, v37  }
0x11a: {  	[tilespmem:$0x1FEC0] =	vst v0;
	v0 =	vor.u32 $0xE, v37  }
0x11b: {  	v11 =	vpop (erf);
	[tilespmem:$0x1FED0] =	vst v0;
	v0 =	vor.u32 $0x1E, v37  }
0x11c: {  	v11 =	vadd.f32 $1.000000000e+00, v11;
	[tilespmem:$0x1FEE0] =	vst v0;
	v0 =	vor.u32 $0x3F, v37  }
0x11d: {  	[tilespmem:$0x1FEF0] =	vst v0;
	v0 =	vor.u32 $0xD, v37  }
0x11e: {  	v19 =	vimm.s32 $0x0;
	(erf) = vrcp.f32 v11;
	[tilespmem:$0x1FF00] =	vst v0;
	v0 =	vor.u32 $0x2E, v37  }
0x11f: {  	v20 =	vor.u32 $0xC, v37;
	v24 =	vor.u32 $0xB, v37;
	[tilespmem:$0x1FF10] =	vst v0;
	v0 =	vor.u32 $0x3E, v37  }
0x120: {  	v17 =	vor.u32 $0x1B, v37;
	v27 =	vor.u32 $0xA, v37;
	[tilespmem:$0x1FF20] =	vst v0;
	v0 =	vor.u32 $0x1D, v37  }
0x121: {  	v15 =	vor.u32 $0x2B, v37;
	v25 =	vor.u32 $0x1A, v37;
	[tilespmem:$0x1FF30] =	vst v0;
	v0 =	vor.u32 $0x2D, v37  }
0x122: {  	v18 =	vor.u32 $0x2A, v37;
	v22 =	vor.u32 $0x3A, v37;
	[tilespmem:$0x1FF40] =	vst v0;
	v0 =	vor.u32 $0x3D, v37  }
0x123: {  	v1 =	vor.u32 $0x1, v37;
	v30 =	vor.u32 $0x9, v37;
	[tilespmem:$0x1FF50] =	vst v0;
	v0 =	vor.u32 $0x1C, v37  }
0x124: {  	v59 =	vor.u32 $0x19, v37;
	v6 =	vor.u32 $0x11, v37;
	[tilespmem:$0x1FF60] =	vst v0;
	v0 =	vor.u32 $0x2C, v37  }
0x125: {  	v28 =	vor.u32 $0x29, v37;
	v26 =	vor.u32 $0x39, v37;
	[tilespmem:$0x1FF70] =	vst v0;
	v0 =	vor.u32 $0x3C, v37  }
0x126: {  	v7 =	vor.u32 $0x21, v37;
	v32 =	vor.u32 $0x18, v37;
	[tilespmem:$0x1FF80] =	vst v0;
	v0 =	vor.u32 $0x3B, v37  }
0x127: {  	v10 =	vor.u32 $0x31, v37;
	v31 =	vor.u32 $0x28, v37;
	v29 =	vor.u32 $0x38, v37;
	[tilespmem:$0x1FF90] =	vst v0  }
0x128: {  	v13 =	vor.u32 $0x10, v37;
	v4 =	vor.u32 $0x7, v37;
	v3 =	vor.u32 $0x17, v37;
	v11 =	vld.idx.msk [tilespmem:v37+s2+$0x0], $0xffff  }
0x129: {  	v21 =	vor.u32 $0x20, v37;
	v2 =	vor.u32 $0x27, v37;
	v51 =	vor.u32 $0x37, v37;
	v54 =	vld.idx.msk [tilespmem:v1+s2+$0x0], $0xffff  }
0x12a: {  	v55 =	vor.u32 $0x30, v37;
	v8 =	vor.u32 $0x6, v37;
	v35 =	vor.u32 $0x16, v37;
	v6 =	vld.idx.msk [tilespmem:v6+s2+$0x0], $0xffff  }
0x12b: {  	v9 =	vor.u32 $0x5, v37;
	v34 =	vor.u32 $0x26, v37;
	v60 =	vor.u32 $0x32, v37;
	v7 =	vld.idx.msk [tilespmem:v7+s2+$0x0], $0xffff  }
0x12c: {  	v33 =	vor.u32 $0x36, v37;
	v14 =	vor.u32 $0x15, v37;
	v12 =	vor.u32 $0x25, v37;
	v10 =	vld.idx.msk [tilespmem:v10+s2+$0x0], $0xffff  }
0x12d: {  	v40 =	vor.u32 $0x4, v37;
	v41 =	vor.u32 $0x3, v37;
	v42 =	vor.u32 $0x13, v37;
	v13 =	vld.idx.msk [tilespmem:v13+s2+$0x0], $0xffff  }
0x12e: {  	v56 =	vor.u32 $0x2, v37;
	v44 =	vor.u32 $0x23, v37;
	v45 =	vor.u32 $0x33, v37;
	v21 =	vld.idx.msk [tilespmem:v21+s2+$0x0], $0xffff  }
0x12f: {  	v57 =	vor.u32 $0x12, v37;
	v58 =	vor.u32 $0x22, v37;
	v0 =	vor.u32 $0x8, v37;
	v39 =	vld.idx.msk [tilespmem:v55+s2+$0x0], $0xffff  }
0x130: {  	v1 =	vimm.s32 $0x0;
	v48 =	vld.idx.msk [tilespmem:v60+s2+$0x0], $0xffff;
	v60 =	vor.u32 $0x35, v37;
	vm0 =	vgt.f32 v11, $-Inf  }
0x131: {  	vm5 =	vlt.f32 v54, $-Inf;
	vm12 =	vgt.f32 v54, $-Inf;
	vm2 =	vlt.f32 v6, $-Inf  }
0x132: {  	vm3 =	vgt.f32 v6, $-Inf;
	vm4 =	vlt.f32 v7, $-Inf;
	vm6 =	vgt.f32 v7, $-Inf  }
0x133: {  	vm7 =	vlt.f32 v10, $-Inf;
	vm9 =	vlt.f32 v13, $-Inf;
	vm11 =	vgt.f32 v13, $-Inf  }
0x134: {  	vm8 =	vgt.f32 v10, $-Inf;
	vm14 =	vlt.f32 v21, $-Inf;
	vm15 =	vgt.f32 v21, $-Inf  }
0x135: {  	vm1 =	vgt.f32 v39, $-Inf;
	v11 =	vnsel vm0, $0xFF800000, v11;
	vm0 =	vlt.f32 v39, $-Inf  }
0x136: {  	vm5 =	vmor vm12, vm5;
	vm13 =	vmor vm3, vm2;
	vm12 =	vmor vm6, vm4  }
0x137: {  	vm8 =	vmor vm8, vm7;
	vm2 =	vmor vm11, vm9;
	vm4 =	vmor vm15, vm14  }
0x138: {  	vm10 =	vgt.f32 v54, v11;
	vm3 =	vmor vm1, vm0;
	v38 =	vnsel vm5, $0xFF800000, v54  }
0x139: {  	v62 =	vnsel vm13, $0xFF800000, v6;
	v13 =	vnsel vm2, $0xFF800000, v13;
	v63 =	vnsel vm12, $0xFF800000, v7  }
0x13a: {  	v43 =	vld.idx.msk [tilespmem:v56+s2+$0x0], $0xffff;
	v21 =	vnsel vm4, $0xFF800000, v21;
	v52 =	vnsel vm8, $0xFF800000, v10;
	v53 =	vsel vm2, $0x10, v1  }
0x13b: {  	v46 =	vld.idx.msk [tilespmem:v57+s2+$0x0], $0xffff;
	v56 =	vsel vm12, $0x21, v1;
	v57 =	vsel vm8, $0x31, v1;
	v61 =	vsel vm10, v54, v11  }
0x13c: {  	v11 =	vsel vm10, v11, v38;
	vm11 =	vgt.f32 v6, v13;
	v39 =	vnsel vm3, $0xFF800000, v39  }
0x13d: {  	vm1 =	vgt.f32 v7, v21;
	v54 =	vsel vm4, $0x20, v1;
	v55 =	vsel vm10, $0x1, v1  }
0x13e: {  	vm10 =	vmneg vm10;
	v6 =	vsel vm11, v6, v13;
	v13 =	vsel vm11, v13, v62  }
0x13f: {  	v47 =	vld.idx.msk [tilespmem:v58+s2+$0x0], $0xffff;
	vm0 =	vgt.f32 v10, v39;
	v7 =	vsel vm1, v7, v21;
	v21 =	vsel vm1, v21, v63  }
0x140: {  	vm14 =	vgt.f32 v43, v61;
	vm15 =	vgt.f32 v43, v11;
	vm10 =	vmand vm5, vm10  }
0x141: {  	v38 =	vsel vm11, $0x11, v53;
	v50 =	vsel vm1, $0x21, v54;
	v62 =	vor.u32 $0x24, v37  }
0x142: {  	v41 =	vld.idx.msk [tilespmem:v41+s2+$0x0], $0xffff;
	v10 =	vsel vm0, v10, v39;
	v39 =	vsel vm0, v39, v52;
	v11 =	vsel vm15, v43, v11  }
0x143: {  	v43 =	vsel vm14, v43, v61;
	vm6 =	vgt.f32 v46, v13;
	vm2 =	vgt.f32 v46, v6  }
0x144: {  	vm4 =	vgt.f32 v47, v7;
	vm7 =	vgt.f32 v47, v21;
	v49 =	vsel vm14, $0x2, v55  }
0x145: {  	v42 =	vld.idx.msk [tilespmem:v42+s2+$0x0], $0xffff;
	v11 =	vsel vm14, v61, v11;
	v13 =	vsel vm6, v46, v13;
	v46 =	vsel vm2, v46, v6  }
0x146: {  	vm9 =	vgt.f32 v48, v39;
	v21 =	vsel vm7, v47, v21;
	v47 =	vsel vm4, v47, v7  }
0x147: {  	vm12 =	vgt.f32 v41, v43;
	v61 =	vor.u32 $0x14, v37;
	v37 =	vor.u32 $0x34, v37  }
0x148: {  	v44 =	vld.idx.msk [tilespmem:v44+s2+$0x0], $0xffff;
	v6 =	vsel vm2, v6, v13;
	v13 =	vsel vm3, $0x30, v1;
	vm3 =	vgt.f32 v48, v10  }
0x149: {  	v39 =	vsel vm9, v48, v39;
	v7 =	vsel vm4, v7, v21;
	v21 =	vsel vm13, $0x11, v1  }
0x14a: {  	v45 =	vld.idx.msk [tilespmem:v45+s2+$0x0], $0xffff;
	vm13 =	vgt.f32 v41, v11;
	v1 =	vimm.s32 $0x0;
	vm5 =	vgt.f32 v42, v46  }
0x14b: {  	v40 =	vld.idx.msk [tilespmem:v40+s2+$0x0], $0xffff;
	v48 =	vsel vm3, v48, v10;
	v10 =	vsel vm3, v10, v39;
	v11 =	vsel vm13, v41, v11  }
0x14c: {  	v41 =	vsel vm12, v41, v43;
	vm8 =	vgt.f32 v42, v6;
	v58 =	vsel vm10, $0x1, v1  }
0x14d: {  	v21 =	vsel vm11, v53, v21;
	vm11 =	vgt.f32 v44, v47;
	v39 =	vsel vm1, v54, v56  }
0x14e: {  	v11 =	vsel vm12, v43, v11;
	v6 =	vsel vm8, v42, v6;
	v42 =	vsel vm5, v42, v46  }
0x14f: {  	vm10 =	vgt.f32 v45, v48;
	v43 =	vsel vm0, v13, v57;
	v13 =	vsel vm0, $0x31, v13  }
0x150: {  	vm0 =	vgt.f32 v40, v41;
	v21 =	vsel vm6, $0x12, v21;
	v39 =	vsel vm7, $0x22, v39  }
0x151: {  	v6 =	vsel vm5, v46, v6;
	v46 =	vsel vm15, $0x2, v58;
	vm15 =	vgt.f32 v45, v10  }
0x152: {  	vm1 =	vgt.f32 v40, v11;
	v21 =	vsel vm2, v38, v21;
	v38 =	vsel vm2, $0x12, v38  }
0x153: {  	v43 =	vsel vm9, $0x32, v43;
	v39 =	vsel vm4, v50, v39;
	v50 =	vsel vm4, $0x22, v50  }
0x154: {  	v46 =	vsel vm14, v55, v46;
	vm14 =	vgt.f32 v44, v7;
	v10 =	vsel vm15, v45, v10  }
0x155: {  	v45 =	vsel vm10, v45, v48;
	v11 =	vsel vm1, v40, v11;
	v40 =	vsel vm0, v40, v41  }
0x156: {  	v43 =	vsel vm3, v13, v43;
	v13 =	vsel vm3, $0x32, v13;
	v21 =	vsel vm8, $0x13, v21  }
0x157: {  	v9 =	vld.idx.msk [tilespmem:v9+s2+$0x0], $0xffff;
	v7 =	vsel vm14, v44, v7;
	v44 =	vsel vm11, v44, v47;
	v10 =	vsel vm10, v48, v10  }
0x158: {  	v37 =	vld.idx.msk [tilespmem:v37+s2+$0x0], $0xffff;
	v11 =	vsel vm0, v41, v11;
	v46 =	vsel vm13, $0x3, v46;
	v21 =	vsel vm5, v38, v21  }
0x159: {  	v48 =	vld.idx.msk [tilespmem:v61+s2+$0x0], $0xffff;
	v38 =	vsel vm5, $0x13, v38;
	v39 =	vsel vm14, $0x23, v39;
	v43 =	vsel vm15, $0x33, v43  }
0x15a: {  	v41 =	vld.idx.msk [tilespmem:v62+s2+$0x0], $0xffff;
	v7 =	vsel vm11, v47, v7;
	v46 =	vsel vm12, v49, v46;
	v49 =	vsel vm12, $0x3, v49  }
0x15b: {  	v39 =	vsel vm11, v50, v39;
	v50 =	vsel vm11, $0x23, v50;
	v46 =	vsel vm1, $0x4, v46  }
0x15c: {  	v43 =	vsel vm10, v13, v43;
	v13 =	vsel vm10, $0x33, v13;
	v46 =	vsel vm0, v49, v46  }
0x15d: {  	v49 =	vsel vm0, $0x4, v49;
	vm0 =	vgt.f32 v9, v40;
	vm7 =	vgt.f32 v37, v45  }
0x15e: {  	vm5 =	vgt.f32 v37, v10;
	v63 =	vsel vm0, $0x5, v49;
	vm1 =	vgt.f32 v48, v42  }
0x15f: {  	vm2 =	vgt.f32 v41, v44;
	vm3 =	vgt.f32 v48, v6;
	vm4 =	vgt.f32 v41, v7  }
0x160: {  	v14 =	vld.idx.msk [tilespmem:v14+s2+$0x0], $0xffff;
	v43 =	vsel vm5, $0x34, v43;
	v10 =	vsel vm5, v37, v10;
	v37 =	vsel vm7, v37, v45  }
0x161: {  	v12 =	vld.idx.msk [tilespmem:v12+s2+$0x0], $0xffff;
	v21 =	vsel vm3, $0x14, v21;
	v39 =	vsel vm4, $0x24, v39;
	v6 =	vsel vm3, v48, v6  }
0x162: {  	v47 =	vld.idx.msk [tilespmem:v60+s2+$0x0], $0xffff;
	v48 =	vsel vm1, v48, v42;
	v7 =	vsel vm4, v41, v7;
	v43 =	vsel vm7, v13, v43  }
0x163: {  	v8 =	vld.idx.msk [tilespmem:v8+s2+$0x0], $0xffff;
	v13 =	vsel vm7, $0x34, v13;
	v41 =	vsel vm2, v41, v44;
	vm3 =	vgt.f32 v9, v11  }
0x164: {  	v10 =	vsel vm7, v45, v10;
	v21 =	vsel vm1, v38, v21;
	v38 =	vsel vm1, $0x14, v38  }
0x165: {  	v39 =	vsel vm2, v50, v39;
	v50 =	vsel vm2, $0x24, v50;
	v6 =	vsel vm1, v42, v6  }
0x166: {  	v7 =	vsel vm2, v44, v7;
	v44 =	vsel vm0, v9, v40;
	vm5 =	vgt.f32 v14, v48  }
0x167: {  	vm6 =	vgt.f32 v12, v41;
	vm2 =	vgt.f32 v47, v37;
	v46 =	vsel vm3, $0x5, v46  }
0x168: {  	v9 =	vsel vm3, v9, v11;
	vm8 =	vgt.f32 v47, v10;
	vm1 =	vgt.f32 v8, v44  }
0x169: {  	v4 =	vld.idx.msk [tilespmem:v4+s2+$0x0], $0xffff;
	v45 =	vsel vm5, $0x15, v38;
	v55 =	vsel vm6, $0x25, v50;
	vm3 =	vgt.f32 v14, v6  }
0x16a: {  	v46 =	vsel vm0, v49, v46;
	v9 =	vsel vm0, v40, v9;
	v40 =	vld.idx.msk [tilespmem:v33+s2+$0x0], $0xffff;
	v58 =	vsel vm2, $0x35, v13  }
0x16b: {  	vm7 =	vgt.f32 v12, v7;
	v10 =	vsel vm8, v47, v10;
	v33 =	vld.idx.msk [tilespmem:v0+s2+$0x0], $0xffff;
	v0 =	vsel vm8, $0x35, v43  }
0x16c: {  	v36 =	vsel vm1, $0x6, v63;
	v21 =	vsel vm3, $0x15, v21;
	v1 =	vsel vm1, v8, v44  }
0x16d: {  	v6 =	vsel vm3, v14, v6;
	v14 =	vsel vm5, v14, v48;
	v7 =	vsel vm7, v12, v7  }
0x16e: {  	v11 =	vld.idx.msk [tilespmem:v35+s2+$0x0], $0xffff;
	v12 =	vsel vm6, v12, v41;
	v57 =	vsel vm7, $0x25, v39;
	v13 =	vsel vm2, v13, v0  }
0x16f: {  	v49 =	vld.idx.msk [tilespmem:v34+s2+$0x0], $0xffff;
	v10 =	vsel vm2, v37, v10;
	v21 =	vsel vm5, v38, v21;
	v38 =	vsel vm2, v47, v37  }
0x170: {  	vm3 =	vgt.f32 v4, v1;
	v39 =	vsel vm6, v50, v57;
	v6 =	vsel vm5, v48, v6  }
0x171: {  	v7 =	vsel vm6, v41, v7;
	vm5 =	vgt.f32 v8, v9;
	v34 =	vsel vm3, $0x7, v36  }
0x172: {  	v35 =	vsel vm3, v4, v1;
	v60 =	vsel vm5, $0x6, v46;
	v8 =	vsel vm5, v8, v9  }
0x173: {  	v3 =	vld.idx.msk [tilespmem:v3+s2+$0x0], $0xffff;
	vm0 =	vgt.f32 v11, v14;
	v9 =	vsel vm1, v63, v60;
	v8 =	vsel vm1, v44, v8  }
0x174: {  	vm1 =	vgt.f32 v11, v6;
	vm4 =	vgt.f32 v49, v12;
	vm9 =	vgt.f32 v40, v38  }
0x175: {  	v53 =	vsel vm0, $0x16, v45;
	v0 =	vsel vm0, v11, v14;
	vm5 =	vgt.f32 v33, v35  }
0x176: {  	v2 =	vld.idx.msk [tilespmem:v2+s2+$0x0], $0xffff;
	v21 =	vsel vm1, $0x16, v21;
	v6 =	vsel vm1, v11, v6;
	vm1 =	vgt.f32 v49, v7  }
0x177: {  	v47 =	vld.idx.msk [tilespmem:v51+s2+$0x0], $0xffff;
	vm2 =	vgt.f32 v40, v10;
	v54 =	vsel vm4, $0x26, v55;
	v16 =	vsel vm9, $0x36, v58  }
0x178: {  	v30 =	vld.idx.msk [tilespmem:v30+s2+$0x0], $0xffff;
	v62 =	vsel vm4, v49, v12;
	v63 =	vsel vm9, v40, v38;
	vm8 =	vgt.f32 v3, v0  }
0x179: {  	v52 =	vld.idx.msk [tilespmem:v31+s2+$0x0], $0xffff;
	v21 =	vsel vm0, v45, v21;
	v31 =	vsel vm5, $0x8, v34;
	v7 =	vsel vm1, v49, v7  }
0x17a: {  	v11 =	vsel vm1, $0x26, v39;
	v10 =	vsel vm2, v40, v10;
	v19 =	vsel vm5, $0xFFFFFFFF, v19  }
0x17b: {  	v48 =	vld.idx.msk [tilespmem:v32+s2+$0x0], $0xffff;
	v32 =	vsel vm5, v33, v35;
	v13 =	vsel vm2, $0x36, v13;
	vm6 =	vgt.f32 v2, v62  }
0x17c: {  	vm7 =	vgt.f32 v47, v63;
	v51 =	vsel vm8, $0x17, v53;
	v50 =	vsel vm4, v55, v11  }
0x17d: {  	v60 =	vsel vm8, v3, v0;
	v61 =	vsel vm9, v58, v13;
	v11 =	vsel vm0, v14, v6  }
0x17e: {  	v56 =	vld.idx.msk [tilespmem:v29+s2+$0x0], $0xffff;
	vm10 =	vgt.f32 v30, v32;
	v7 =	vsel vm4, v12, v7;
	vm4 =	vgt.f32 v4, v8  }
0x17f: {  	[tilespmem:$0x1FFA0] =	vst v19;
	v12 =	vsel vm9, v38, v10;
	v57 =	vsel vm6, $0x27, v54;
	v58 =	vsel vm6, v2, v62  }
0x180: {  	v29 =	vld.idx.msk [tilespmem:v27+s2+$0x0], $0xffff;
	v23 =	vsel vm7, v47, v63;
	vm0 =	vgt.f32 v48, v60;
	v6 =	vsel vm4, $0x7, v9  }
0x181: {  	v42 =	vld.idx.msk [tilespmem:v59+s2+$0x0], $0xffff;
	v4 =	vsel vm4, v4, v8;
	v8 =	vsel vm10, v30, v32;
	vm4 =	vgt.f32 v3, v11  }
0x182: {  	v41 =	vld.idx.msk [tilespmem:v22+s2+$0x0], $0xffff;
	vm9 =	vgt.f32 v47, v12;
	v22 =	vsel vm10, $0x9, v31;
	vm2 =	vgt.f32 v52, v58  }
0x183: {  	v45 =	vld.idx.msk [tilespmem:v28+s2+$0x0], $0xffff;
	vm1 =	vgt.f32 v56, v23;
	v37 =	vsel vm0, v48, v60;
	v6 =	vsel vm3, v36, v6  }
0x184: {  	v49 =	vld.idx.msk [tilespmem:v26+s2+$0x0], $0xffff;
	v10 =	vsel vm3, v1, v4;
	v11 =	vsel vm4, v3, v11;
	vm3 =	vgt.f32 v2, v7  }
0x185: {  	v26 =	vld.idx.msk [tilespmem:v24+s2+$0x0], $0xffff;
	v9 =	vsel vm9, v47, v12;
	v14 =	vsel vm4, $0x17, v21;
	v4 =	vsel vm7, $0x37, v16  }
0x186: {  	v39 =	vld.idx.msk [tilespmem:v25+s2+$0x0], $0xffff;
	v1 =	vsel vm0, $0x18, v51;
	v3 =	vimm.s32 $0x0;
	v38 =	vsel vm2, v52, v58  }
0x187: {  	v40 =	vld.idx.msk [tilespmem:v18+s2+$0x0], $0xffff;
	[tilespmem:$0x1FFB0] =	vst v8;
	v43 =	vsel vm1, v56, v23;
	v13 =	vsel vm3, v2, v7;
	v21 =	vsel vm3, $0x27, v50  }
0x188: {  	v7 =	vsel vm9, $0x37, v61;
	v28 =	vld.idx.msk [tilespmem:v20+s2+$0x0], $0xffff;
	v2 =	vsel vm2, $0x28, v57;
	[tilespmem:s8+$0x0] =	vst v5;
	v3 =	vsel vm1, $0xFFFFFFFF, v3  }
0x189: {  	v50 =	vld.idx.msk [tilespmem:v17+s2+$0x0], $0xffff;
	v5 =	vimm.s32 $0x0;
	[tilespmem:$0x1FFC0] =	vst v3;
	v3 =	vsel vm1, $0x38, v4;
	vm14 =	vgt.f32 v29, v8  }
0x18a: {  	vm12 =	vgt.f32 v42, v37;
	vm13 =	vgt.f32 v45, v38;
	vm11 =	vgt.f32 v49, v43  }
0x18b: {  	v46 =	vsel vm12, v42, v37;
	v44 =	vsel vm13, v45, v38;
	v25 =	vsel vm14, v29, v8  }
0x18c: {  	v47 =	vsel vm11, v49, v43;
	v24 =	vsel vm12, $0x19, v1;
	v5 =	vsel vm14, $0xFFFFFFFF, v5  }
0x18d: {  	v8 =	vpop (erf);
	v36 =	vsel vm13, $0x29, v2;
	v27 =	vsel vm11, $0x39, v3;
	vm5 =	vgt.f32 v39, v46;
	[tilespmem:$0x1FFD0] =	vst v5  }
0x18e: {  	vm15 =	vgt.f32 v40, v44;
	vm4 =	vgt.f32 v26, v25;
	v5 =	vsel vm14, $0xA, v22;
	[tilespmem:s9+$0x0] =	vst v8  }
0x18f: {  	s13 =	simm.s32 $0x20;
	s12 =	simm.s32 $0x8000;
	s11 =	simm.s32 $0x8100;
	vm3 =	vgt.f32 v41, v47;
	vm14 =	vmmov vm4;
	v55 =	vld.idx.msk [tilespmem:v15+s2+$0x0], $0xffff;
	v20 =	vsel vm4, $0xB, v5;
	[tilespmem:$0x1FFE0] =	vst v5  }
.LBB2_2:
0x190: {  	v0 =	vsel vm8, v0, v11;
	v11 =	vimm.s32 $0x0  }
0x191: {  	v11 =	vsel vm3, $0xFFFFFFFF, v11  }
0x192: {  	[tilespmem:$0x1F990] =	vst v11;
	v11 =	vsel vm6, v62, v13;
	v13 =	vld [tilespmem:$0x1FF00];
	_ =	sdelay $0x4  }
0x193: {  	v5 =	vld [tilespmem:$0x1FF90];
	_ =	sdelay $0x2  }
0x194: {  	v61 =	vld.idx.msk [tilespmem:v13+s2+$0x0], $0xffff  }
0x195: {  	v13 =	vld [tilespmem:$0x1FF60];
	_ =	sdelay $0x2  }
0x196: {  	v12 =	vimm.s32 $0x0  }
0x197: {  	v8 =	vld.idx.msk [tilespmem:v5+s2+$0x0], $0xffff;
	v5 =	vsel vm5, $0xFFFFFFFF, v12  }
0x198: {  	[tilespmem:$0x1F960] =	vst v5;
	v5 =	vimm.s32 $0x0  }
0x199: {  	v15 =	vsel vm15, $0x2A, v36;
	v5 =	vsel vm15, $0xFFFFFFFF, v5  }
0x19a: {  	v17 =	vsel vm6, v54, v21;
	[tilespmem:$0x1F970] =	vst v5;
	v5 =	vsel vm8, v53, v14;
	v53 =	vsel vm14, v26, v25  }
0x19b: {  	v54 =	vsel vm15, v40, v44;
	vm15 =	vgt.f32 v28, v53;
	v62 =	vld.idx.msk [tilespmem:v13+s2+$0x0], $0xffff;
	v13 =	vimm.s32 $0x0  }
0x19c: {  	v13 =	vsel vm15, $0xFFFFFFFF, v13  }
0x19d: {  	[tilespmem:$0x1FA70] =	vst v13;
	v13 =	vld [tilespmem:$0x1FF70];
	_ =	sdelay $0x6  }
0x19e: {  	v7 =	vsel vm7, v16, v7;
	v12 =	vsel vm5, v39, v46  }
0x19f: {  	v9 =	vsel vm7, v63, v9;
	vm7 =	vgt.f32 v50, v12;
	v63 =	vld.idx.msk [tilespmem:v13+s2+$0x0], $0xffff;
	v13 =	vimm.s32 $0x0  }
0x1a0: {  	v19 =	vsel vm5, $0x1A, v24;
	v13 =	vsel vm7, $0xFFFFFFFF, v13  }
0x1a1: {  	vm1 =	vmmov vm3;
	vm5 =	vgt.f32 v55, v54;
	[tilespmem:$0x1FA00] =	vst v13;
	v13 =	vimm.s32 $0x0  }
0x1a2: {  	v14 =	vsel vm1, v41, v47;
	v13 =	vsel vm5, $0xFFFFFFFF, v13  }
0x1a3: {  	vm8 =	vgt.f32 v8, v14;
	[tilespmem:$0x1FA30] =	vst v13;
	v13 =	vimm.s32 $0x0  }
0x1a4: {  	v13 =	vsel vm8, $0xFFFFFFFF, v13  }
0x1a5: {  	[tilespmem:$0x1FA50] =	vst v13;
	v13 =	vld [tilespmem:$0x1FFA0];
	_ =	sdelay $0x4  }
0x1a6: {  	vm1 =	vnez.u8 v13;
	v13 =	vld [tilespmem:$0x1FF80]  }
0x1a7: {  	v18 =	vsel vm3, $0x3A, v27;
	vm3 =	vgt.f32 v33, v10  }
0x1a8: {  	v6 =	vsel vm3, $0x8, v6;
	v10 =	vsel vm3, v33, v10;
	vm3 =	vgt.f32 v48, v0  }
0x1a9: {  	v0 =	vsel vm3, v48, v0  }
0x1aa: {  	v60 =	vsel vm0, v60, v0;
	v0 =	vld [tilespmem:$0x1FF30];
	_ =	sdelay $0x2  }
0x1ab: {  	[tilespmem:$0x1F8E0] =	vst v25  }
0x1ac: {  	[tilespmem:$0x1FA40] =	vst v18;
	v25 =	vmov v31;
	v31 =	vsel vm8, $0x3B, v18;
	v18 =	vld.idx.msk [tilespmem:v13+s2+$0x0], $0xffff;
	_ =	sdelay $0x2  }
0x1ad: {  	[tilespmem:$0x1F8D0] =	vst v1;
	v1 =	vmovc v24;
	v16 =	vmovc v51;
	vm4 =	vgt.f32 v52, v11;
	v51 =	vsel vm5, $0x2B, v15;
	v24 =	vsel vm7, $0x1B, v19  }
0x1ae: {  	[tilespmem:$0x1F9F0] =	vst v19;
	v48 =	vld.idx.msk [tilespmem:v0+s2+$0x0], $0xffff;
	v0 =	vimm.s32 $0x0;
	v59 =	vsel vm15, $0xC, v20;
	v19 =	vsel vm8, v8, v14  }
0x1af: {  	[tilespmem:$0x1FA60] =	vst v20;
	v20 =	vsel vm4, $0x28, v17;
	v17 =	vsel vm5, v55, v54;
	vm5 =	vgt.f32 v18, v19  }
0x1b0: {  	v0 =	vsel vm5, $0xFFFFFFFF, v0  }
0x1b1: {  	[tilespmem:$0x1FB10] =	vst v0;
	v0 =	vld [tilespmem:$0x1FF40];
	_ =	sdelay $0x5  }
0x1b2: {  	[tilespmem:$0x1FA20] =	vst v15;
	v15 =	vsel vm1, v35, v10;
	v10 =	vsel vm4, v52, v11;
	v11 =	vld [tilespmem:$0x1FFC0];
	_ =	sdelay $0x1  }
0x1b3: {  	v52 =	vld.idx.msk [tilespmem:v0+s2+$0x0], $0xffff  }
0x1b4: {  	vm6 =	vgt.f32 v56, v9;
	v0 =	vld [tilespmem:$0x1FF50]  }
0x1b5: {  	v7 =	vsel vm6, $0x38, v7  }
0x1b6: {  	v21 =	vsel vm7, v50, v12;
	v5 =	vsel vm3, $0x18, v5;
	vm8 =	vnez.u8 v11  }
0x1b7: {  	vm3 =	vgt.f32 v62, v21;
	v7 =	vsel vm8, v4, v7;
	v4 =	vimm.s32 $0x0  }
0x1b8: {  	v4 =	vsel vm3, $0xFFFFFFFF, v4  }
0x1b9: {  	v5 =	vsel vm0, v16, v5;
	vm4 =	vgt.f32 v63, v17;
	[tilespmem:$0x1FAC0] =	vst v4;
	v4 =	vimm.s32 $0x0  }
0x1ba: {  	v6 =	vsel vm1, v34, v6;
	vm0 =	vgt.f32 v30, v15;
	v4 =	vsel vm4, $0xFFFFFFFF, v4  }
0x1bb: {  	v6 =	vsel vm0, $0x9, v6;
	[tilespmem:$0x1FAE0] =	vst v4;
	v4 =	vld [tilespmem:$0x1FED0]  }
0x1bc: {  	v9 =	vsel vm6, v56, v9;
	v56 =	vld.idx.msk [tilespmem:v0+s2+$0x0], $0xffff;
	v0 =	vsel vm10, v25, v6  }
0x1bd: {  	[tilespmem:$0x1F900] =	vst v0;
	v0 =	vld [tilespmem:$0x1FEA0];
	_ =	sdelay $0x4  }
0x1be: {  	v34 =	vsel vm15, v28, v53  }
0x1bf: {  	vm1 =	vgt.f32 v61, v34;
	v35 =	vld.idx.msk [tilespmem:v4+s2+$0x0], $0xffff;
	v4 =	vimm.s32 $0x0  }
0x1c0: {  	[tilespmem:$0x1FB00] =	vst v31;
	v4 =	vsel vm1, $0xFFFFFFFF, v4  }
0x1c1: {  	[tilespmem:$0x1FB30] =	vst v4;
	v4 =	vsel vm2, v58, v10;
	v10 =	vsel vm5, $0x3C, v31;
	v31 =	vld.idx.msk [tilespmem:v0+s2+$0x0], $0xffff  }
0x1c2: {  	v0 =	vld [tilespmem:$0x1FEE0];
	_ =	sdelay $0x6  }
0x1c3: {  	v30 =	vsel vm0, v30, v15  }
0x1c4: {  	v32 =	vsel vm10, v32, v30;
	v30 =	vld.idx.msk [tilespmem:v0+s2+$0x0], $0xffff  }
0x1c5: {  	v0 =	vld [tilespmem:$0x1FF10];
	_ =	sdelay $0x5  }
0x1c6: {  	v16 =	vsel vm8, v23, v9  }
0x1c7: {  	v20 =	vsel vm2, v57, v20;
	vm2 =	vgt.f32 v49, v16  }
0x1c8: {  	v16 =	vsel vm2, v49, v16;
	v49 =	vld.idx.msk [tilespmem:v0+s2+$0x0], $0xffff  }
0x1c9: {  	v0 =	vld [tilespmem:$0x1FF20];
	_ =	sdelay $0x4  }
0x1ca: {  	v33 =	vmov v1;
	v1 =	vld [tilespmem:$0x1FEC0];
	_ =	sdelay $0x1  }
0x1cb: {  	[tilespmem:$0x1F980] =	vst v36;
	v36 =	vmovc v3;
	v3 =	vmov v2;
	v2 =	vsel vm1, $0xD, v59;
	vm0 =	vgt.f32 v42, v60  }
0x1cc: {  	[tilespmem:$0x1FAD0] =	vst v51;
	v42 =	vsel vm0, v42, v60;
	v9 =	vsel vm4, $0x2C, v51;
	v51 =	vsel vm1, v61, v34;
	v60 =	vld.idx.msk [tilespmem:v0+s2+$0x0], $0xffff  }
0x1cd: {  	vm9 =	vgt.f32 v35, v51;
	v0 =	vld [tilespmem:$0x1F8D0]  }
0x1ce: {  	[tilespmem:$0x1FBB0] =	vst v2;
	v13 =	vsel vm9, $0xE, v2;
	v2 =	vmov v27;
	v27 =	vld [tilespmem:$0x1FFD0];
	_ =	sdelay $0x1  }
0x1cf: {  	[tilespmem:$0x1F920] =	vst v22;
	v57 =	vsel vm3, v62, v21;
	v22 =	vsel vm0, $0x19, v5;
	v37 =	vsel vm12, v37, v42  }
0x1d0: {  	v42 =	vld.idx.msk [tilespmem:v1+s2+$0x0], $0xffff;
	v58 =	vsel vm4, v63, v17;
	vm4 =	vgt.f32 v48, v57;
	vm1 =	vgt.f32 v45, v4  }
0x1d1: {  	v1 =	vld [tilespmem:$0x1FEF0];
	v45 =	vsel vm1, v45, v4;
	v4 =	vsel vm12, v0, v22;
	v0 =	vimm.s32 $0x0  }
0x1d2: {  	vm15 =	vnez.u8 v27;
	v27 =	vld [tilespmem:$0x1FFB0];
	v0 =	vsel vm4, $0xFFFFFFFF, v0  }
0x1d3: {  	[tilespmem:$0x1FB50] =	vst v0;
	v0 =	vimm.s32 $0x0  }
0x1d4: {  	v20 =	vsel vm1, $0x29, v20;
	vm1 =	vgt.f32 v29, v32;
	v0 =	vsel vm9, $0xFFFFFFFF, v0  }
0x1d5: {  	v38 =	vsel vm13, v38, v45;
	v29 =	vsel vm1, v29, v32;
	[tilespmem:$0x1FBC0] =	vst v0;
	v0 =	vimm.s32 $0x0  }
0x1d6: {  	vm12 =	vgt.f32 v40, v38;
	v0 =	vsel vm1, $0xFFFFFFFF, v0;
	vm1 =	vgt.f32 v39, v37  }
0x1d7: {  	v27 =	vsel vm15, v27, v29;
	v29 =	vsel vm1, v39, v37;
	v37 =	vsel vm12, v40, v38;
	v40 =	vld [tilespmem:$0x1F960];
	_ =	sdelay $0x1  }
0x1d8: {  	v16 =	vsel vm11, v43, v16;
	v43 =	vld.idx.msk [tilespmem:v1+s2+$0x0], $0xffff;
	v1 =	vimm.s32 $0x0  }
0x1d9: {  	v1 =	vsel vm14, $0xFFFFFFFF, v1;
	v22 =	vsel vm9, v35, v51  }
0x1da: {  	[tilespmem:$0x1F9B0] =	vst v1;
	v1 =	vimm.s32 $0x0;
	vm0 =	vgt.f32 v31, v22  }
0x1db: {  	v1 =	vsel vm0, $0xFFFFFFFF, v1;
	v32 =	vsel vm0, v31, v22;
	vm0 =	vnez.u8 v40  }
0x1dc: {  	v29 =	vsel vm0, v46, v29;
	v46 =	vld [tilespmem:$0x1F970]  }
0x1dd: {  	v40 =	vld [tilespmem:$0x1F990];
	_ =	sdelay $0x1  }
0x1de: {  	v23 =	vsel vm2, $0x39, v7  }
0x1df: {  	v15 =	vsel vm13, v3, v20;
	v3 =	vsel vm11, v36, v23;
	vm13 =	vgt.f32 v41, v16  }
0x1e0: {  	v16 =	vsel vm13, v41, v16;
	v41 =	vimm.s32 $0x0;
	vm0 =	vnez.u8 v46  }
0x1e1: {  	[tilespmem:$0x1FC10] =	vst v1;
	v1 =	vimm.s32 $0x0;
	v37 =	vsel vm0, v44, v37;
	vm0 =	vnez.u8 v40  }
0x1e2: {  	v1 =	vsel vm1, $0xFFFFFFFF, v1;
	vm1 =	vgt.f32 v26, v27;
	v16 =	vsel vm0, v47, v16  }
0x1e3: {  	v36 =	vsel vm1, $0xFFFFFFFF, v41;
	v26 =	vsel vm1, v26, v27;
	vm1 =	vgt.f32 v8, v16  }
0x1e4: {  	v8 =	vsel vm1, v8, v16;
	v16 =	vld [tilespmem:$0x1FA00];
	_ =	sdelay $0x3  }
0x1e5: {  	v41 =	vimm.s32 $0x0;
	vm0 =	vgt.f32 v50, v29  }
0x1e6: {  	[tilespmem:$0x1F9A0] =	vst v36;
	v47 =	vld [tilespmem:$0x1F8E0];
	v36 =	vsel vm0, $0xFFFFFFFF, v41;
	v29 =	vsel vm0, v50, v29;
	vm0 =	vnez.u8 v16  }
0x1e7: {  	vm2 =	vgt.f32 v55, v37;
	v12 =	vsel vm0, v12, v29;
	v29 =	vld [tilespmem:$0x1FA30]  }
0x1e8: {  	v50 =	vsel vm2, v55, v37;
	v55 =	vld [tilespmem:$0x1FA50];
	_ =	sdelay $0x1  }
0x1e9: {  	vm7 =	vmmov vm14;
	v44 =	vimm.s32 $0x0  }
0x1ea: {  	v46 =	vimm.s32 $0x0;
	[tilespmem:$0x1F9C0] =	vst v36;
	v36 =	vsel vm2, $0xFFFFFFFF, v44;
	v26 =	vsel vm7, v47, v26  }
0x1eb: {  	[tilespmem:$0x1F9D0] =	vst v36;
	v36 =	vsel vm1, $0xFFFFFFFF, v46;
	vm1 =	vgt.f32 v28, v26;
	vm0 =	vnez.u8 v29  }
0x1ec: {  	v16 =	vimm.s32 $0x0;
	v29 =	vsel vm0, v54, v50;
	vm0 =	vnez.u8 v55  }
0x1ed: {  	v16 =	vsel vm1, $0xFFFFFFFF, v16;
	v8 =	vsel vm0, v14, v8  }
0x1ee: {  	v14 =	vsel vm1, v28, v26;
	vm1 =	vgt.f32 v62, v12;
	v26 =	vimm.s32 $0x0  }
0x1ef: {  	v26 =	vsel vm1, $0xFFFFFFFF, v26  }
0x1f0: {  	vm6 =	vgt.f32 v63, v29;
	[tilespmem:$0x1FA80] =	vst v26;
	v26 =	vimm.s32 $0x0  }
0x1f1: {  	v26 =	vsel vm6, $0xFFFFFFFF, v26  }
0x1f2: {  	vm2 =	vgt.f32 v18, v8;
	[tilespmem:$0x1FA90] =	vst v26;
	v26 =	vimm.s32 $0x0  }
0x1f3: {  	v26 =	vsel vm2, $0xFFFFFFFF, v26  }
0x1f4: {  	[tilespmem:$0x1FAA0] =	vst v26;
	v26 =	vld [tilespmem:$0x1FA70];
	_ =	sdelay $0x4  }
0x1f5: {  	vm0 =	vnez.u8 v26  }
0x1f6: {  	[tilespmem:$0x1FB20] =	vst v59;
	v59 =	vsel vm5, v18, v19;
	v12 =	vsel vm1, v62, v12;
	v14 =	vsel vm0, v53, v14  }
0x1f7: {  	v8 =	vsel vm2, v18, v8;
	v18 =	vimm.s32 $0x0;
	vm1 =	vgt.f32 v61, v14  }
0x1f8: {  	v28 =	vld [tilespmem:$0x1FAC0];
	v18 =	vsel vm1, $0xFFFFFFFF, v18  }
0x1f9: {  	[tilespmem:$0x1FAF0] =	vst v18;
	v18 =	vld [tilespmem:$0x1FAE0];
	_ =	sdelay $0x3  }
0x1fa: {  	vm0 =	vnez.u8 v28  }
0x1fb: {  	v12 =	vsel vm0, v21, v12;
	vm0 =	vnez.u8 v18;
	v18 =	vld [tilespmem:$0x1FB10];
	_ =	sdelay $0x3  }
0x1fc: {  	v26 =	vsel vm6, v63, v29;
	vm6 =	vgt.f32 v48, v12  }
0x1fd: {  	v17 =	vsel vm0, v17, v26;
	vm0 =	vnez.u8 v18;
	v18 =	vimm.s32 $0x0  }
0x1fe: {  	v18 =	vsel vm6, $0xFFFFFFFF, v18  }
0x1ff: {  	v14 =	vsel vm1, v61, v14;
	vm1 =	vgt.f32 v52, v17;
	[tilespmem:$0x1FB40] =	vst v18;
	v18 =	vimm.s32 $0x0  }
0x200: {  	v8 =	vsel vm0, v19, v8;
	v18 =	vsel vm1, $0xFFFFFFFF, v18  }
0x201: {  	vm2 =	vgt.f32 v56, v8;
	[tilespmem:$0x1FB60] =	vst v18;
	v18 =	vimm.s32 $0x0  }
0x202: {  	v18 =	vsel vm2, $0xFFFFFFFF, v18  }
0x203: {  	[tilespmem:$0x1FB70] =	vst v18;
	v18 =	vld [tilespmem:$0x1FB30];
	_ =	sdelay $0x2  }
0x204: {  	vm8 =	vgt.f32 v52, v58;
	[tilespmem:$0x1F910] =	vst v0;
	v0 =	vimm.s32 $0x0  }
0x205: {  	v0 =	vsel vm8, $0xFFFFFFFF, v0  }
0x206: {  	vm10 =	vgt.f32 v56, v59;
	[tilespmem:$0x1FB80] =	vst v0;
	v0 =	vimm.s32 $0x0;
	vm0 =	vnez.u8 v18  }
0x207: {  	v11 =	vsel vm3, $0x1C, v24;
	v0 =	vsel vm10, $0xFFFFFFFF, v0;
	v14 =	vsel vm0, v34, v14  }
0x208: {  	v12 =	vsel vm6, v48, v12;
	v18 =	vimm.s32 $0x0;
	vm0 =	vgt.f32 v35, v14  }
0x209: {  	[tilespmem:$0x1FB90] =	vst v0;
	v0 =	vld [tilespmem:$0x1FEB0];
	v12 =	vsel vm4, v57, v12;
	v17 =	vsel vm1, v52, v17;
	v18 =	vsel vm0, $0xFFFFFFFF, v18  }
0x20a: {  	v8 =	vsel vm2, v56, v8;
	vm2 =	vgt.f32 v30, v12;
	[tilespmem:$0x1FBA0] =	vst v18;
	v18 =	vimm.s32 $0x0  }
0x20b: {  	[tilespmem:$0x1FAB0] =	vst v24;
	v24 =	vsel vm10, v56, v59;
	v17 =	vsel vm8, v58, v17;
	v18 =	vsel vm2, $0xFFFFFFFF, v18  }
0x20c: {  	v14 =	vsel vm0, v35, v14;
	vm0 =	vgt.f32 v49, v17;
	[tilespmem:$0x1FBD0] =	vst v18;
	v18 =	vimm.s32 $0x0  }
0x20d: {  	vm3 =	vgt.f32 v60, v24;
	[tilespmem:$0x1F930] =	vst v1;
	v8 =	vsel vm10, v59, v8;
	v18 =	vsel vm0, $0xFFFFFFFF, v18  }
0x20e: {  	v1 =	vimm.s32 $0x0;
	vm1 =	vgt.f32 v60, v8;
	[tilespmem:$0x1FBE0] =	vst v18;
	v18 =	vimm.s32 $0x0  }
0x20f: {  	v1 =	vsel vm3, $0xFFFFFFFF, v1;
	v14 =	vsel vm9, v51, v14;
	v18 =	vsel vm1, $0xFFFFFFFF, v18  }
0x210: {  	v17 =	vsel vm0, v49, v17;
	vm0 =	vgt.f32 v31, v14;
	[tilespmem:$0x1FBF0] =	vst v18;
	v18 =	vimm.s32 $0x0  }
0x211: {  	[tilespmem:$0x1F8F0] =	vst v1;
	v0 =	vld.idx.msk [tilespmem:v0+s2+$0x0], $0xffff;
	v18 =	vsel vm0, $0xFFFFFFFF, v18  }
0x212: {  	[tilespmem:$0x1FC00] =	vst v18;
	v18 =	vld [tilespmem:$0x1F8F0];
	_ =	sdelay $0x1  }
0x213: {  	v7 =	vsel vm4, $0x1D, v11;
	v20 =	vsel vm4, v48, v57  }
0x214: {  	v23 =	vsel vm8, v52, v58;
	vm5 =	vgt.f32 v30, v20;
	v12 =	vsel vm2, v30, v12  }
0x215: {  	vm11 =	vgt.f32 v49, v23;
	v1 =	vimm.s32 $0x0;
	v12 =	vsel vm5, v20, v12  }
0x216: {  	vm6 =	vgt.f32 v0, v12;
	vm4 =	vnez.u8 v18;
	v18 =	vimm.s32 $0x0  }
0x217: {  	v1 =	vsel vm12, $0xFFFFFFFF, v1;
	v17 =	vsel vm11, v23, v17;
	v18 =	vsel vm6, $0xFFFFFFFF, v18  }
0x218: {  	v8 =	vsel vm1, v60, v8;
	vm1 =	vgt.f32 v42, v17;
	[tilespmem:$0x1FC20] =	vst v18;
	v18 =	vimm.s32 $0x0  }
0x219: {  	[tilespmem:$0x1F940] =	vst v1;
	v1 =	vimm.s32 $0x0;
	v8 =	vsel vm4, v24, v8;
	v18 =	vsel vm1, $0xFFFFFFFF, v18  }
0x21a: {  	v1 =	vsel vm13, $0xFFFFFFFF, v1;
	vm2 =	vgt.f32 v43, v8;
	[tilespmem:$0x1FC30] =	vst v18;
	v18 =	vimm.s32 $0x0  }
0x21b: {  	v6 =	vsel vm8, $0x2D, v9;
	[tilespmem:$0x1F950] =	vst v1;
	v18 =	vsel vm2, $0xFFFFFFFF, v18  }
0x21c: {  	v5 =	vsel vm10, $0x3D, v10;
	v25 =	vsel vm11, v49, v23;
	v1 =	vsel vm3, v60, v24;
	[tilespmem:$0x1FC40] =	vst v18;
	v18 =	vld [tilespmem:$0x1FC10]  }
0x21d: {  	v45 =	vsel vm5, v30, v20;
	vm3 =	vgt.f32 v42, v25;
	vm14 =	vgt.f32 v43, v1  }
0x21e: {  	v27 =	vsel vm3, v42, v25;
	v39 =	vsel vm14, v43, v1;
	vm13 =	vgt.f32 v0, v45  }
0x21f: {  	vm12 =	vge.f32 v27, v39;
	v38 =	vsel vm13, v0, v45;
	v0 =	vsel vm6, v0, v12  }
0x220: {  	v0 =	vsel vm13, v45, v0;
	vm9 =	vmmov vm11;
	v14 =	vsel vm0, v31, v14  }
0x221: {  	v12 =	vsel vm1, v42, v17;
	v8 =	vsel vm2, v43, v8;
	vm0 =	vnez.u8 v18  }
0x222: {  	v12 =	vsel vm3, v25, v12;
	v1 =	vsel vm14, v1, v8;
	v14 =	vsel vm0, v22, v14  }
0x223: {  	vm10 =	vge.f32 v12, v39;
	vm11 =	vge.f32 v27, v1;
	vm1 =	vge.f32 v14, v38  }
0x224: {  	v12 =	vsel vm10, v12, v39;
	v1 =	vsel vm11, v27, v1;
	v8 =	vsel vm1, v14, v38;
	v14 =	vld [tilespmem:$0x1F910]  }
0x225: {  	vm7 =	vge.f32 v32, v38;
	vm8 =	vge.f32 v32, v0;
	v1 =	vsel vm12, v12, v1;
	v12 =	vld [tilespmem:$0x1F900]  }
0x226: {  	[tilespmem:$0x1FA10] =	vst v16;
	v16 =	vsel vm7, v32, v38;
	v0 =	vsel vm8, v32, v0  }
0x227: {  	v17 =	vimm.s32 $0x0;
	vm2 =	vmmov vm3;
	vm6 =	vge.f32 v16, v1  }
0x228: {  	v1 =	vsel vm6, v16, v1;
	v0 =	vsel vm7, v8, v0;
	v8 =	vsel vm12, v27, v39  }
0x229: {  	v17 =	vsel vm1, $0xFFFFFFFF, v17;
	vm3 =	vge.f32 v0, v8;
	vm1 =	vnez.u8 v14  }
0x22a: {  	v0 =	vsel vm3, v0, v8;
	v12 =	vsel vm1, $0xA, v12;
	vm1 =	vge.f32 v16, v8  }
0x22b: {  	v8 =	vsel vm1, v16, v8;
	v0 =	vsel vm1, v0, v1  }
0x22c: {  	v0 =	vsub.f32 v0, v8;
	v8 =	vld [tilespmem:$0x1F920];
	_ =	sdelay $0x4  }
0x22d: {  	v8 =	vsel vm15, v8, v12;
	v12 =	vld [tilespmem:$0x1F930]  }
0x22e: {  	[tilespmem:$0x1FC50] =	vst v17;
	v17 =	vld [tilespmem:$0x1F940];
	_ =	sdelay $0x3  }
0x22f: {  	v14 =	vsel vm0, $0xF, v13;
	vm0 =	vnez.u8 v12  }
0x230: {  	v4 =	vsel vm0, $0x1A, v4;
	vm0 =	vnez.u8 v17;
	v17 =	vld [tilespmem:$0x1F950];
	_ =	sdelay $0x4  }
0x231: {  	v15 =	vsel vm0, $0x2A, v15;
	vm0 =	vnez.u8 v17;
	v17 =	vld [tilespmem:$0x1F960];
	_ =	sdelay $0x4  }
0x232: {  	v3 =	vsel vm0, $0x3A, v3;
	vm0 =	vnez.u8 v17;
	v17 =	vld [tilespmem:$0x1F970];
	_ =	sdelay $0x4  }
0x233: {  	vm15 =	vnez.u8 v17;
	v17 =	vld [tilespmem:$0x1F980];
	_ =	sdelay $0x4  }
0x234: {  	v15 =	vsel vm15, v17, v15;
	v17 =	vld [tilespmem:$0x1F990];
	_ =	sdelay $0x4  }
0x235: {  	vm15 =	vnez.u8 v17  }
0x236: {  	v3 =	vsel vm15, v2, v3;
	v2 =	vld [tilespmem:$0x1F9A0];
	_ =	sdelay $0x4  }
0x237: {  	v4 =	vsel vm0, v33, v4;
	vm0 =	vnez.u8 v2;
	v2 =	vld [tilespmem:$0x1F9B0];
	_ =	sdelay $0x1  }
0x238: {  	v0 =	vmul.f32 $1.442695020e+00, v0;
	_ =	sdelay $0x1  }
0x239: {  	(erf) = vpow2.f32 v0;
	v0 =	vld [tilespmem:$0x1FFE0]  }
0x23a: {  	v8 =	vsel vm0, $0xB, v8;
	vm0 =	vnez.u8 v2;
	v2 =	vld [tilespmem:$0x1F9C0];
	_ =	sdelay $0x4  }
0x23b: {  	v0 =	vsel vm0, v0, v8;
	vm0 =	vnez.u8 v2;
	v2 =	vld [tilespmem:$0x1F9D0];
	_ =	sdelay $0x3  }
0x23c: {  	[tilespmem:$0x1F9E0] =	vst v36  }
0x23d: {  	v4 =	vsel vm0, $0x1B, v4;
	vm0 =	vnez.u8 v2;
	v2 =	vld [tilespmem:$0x1F9E0];
	_ =	sdelay $0x3  }
0x23e: {  	v19 =	vld [tilespmem:$0x1FA00]  }
0x23f: {  	v15 =	vsel vm0, $0x2B, v15;
	vm0 =	vnez.u8 v2;
	v2 =	vld [tilespmem:$0x1F9F0];
	_ =	sdelay $0x3  }
0x240: {  	vm15 =	vnez.u8 v19  }
0x241: {  	v4 =	vsel vm15, v2, v4;
	v2 =	vld [tilespmem:$0x1FA10];
	_ =	sdelay $0x3  }
0x242: {  	v20 =	vld [tilespmem:$0x1FA30]  }
0x243: {  	v3 =	vsel vm0, $0x3B, v3;
	vm0 =	vnez.u8 v2;
	v2 =	vld [tilespmem:$0x1FA20];
	_ =	sdelay $0x3  }
0x244: {  	vm15 =	vnez.u8 v20;
	v20 =	vld [tilespmem:$0x1FA50]  }
0x245: {  	v15 =	vsel vm15, v2, v15;
	v2 =	vld [tilespmem:$0x1FA40];
	_ =	sdelay $0x3  }
0x246: {  	vm15 =	vnez.u8 v20;
	v20 =	vld [tilespmem:$0x1FA70]  }
0x247: {  	v3 =	vsel vm15, v2, v3;
	v2 =	vld [tilespmem:$0x1FA60];
	_ =	sdelay $0x3  }
0x248: {  	v0 =	vsel vm0, $0xC, v0;
	vm15 =	vnez.u8 v20  }
0x249: {  	v0 =	vsel vm15, v2, v0;
	v2 =	vld [tilespmem:$0x1FA80];
	_ =	sdelay $0x4  }
0x24a: {  	vm0 =	vnez.u8 v2;
	v2 =	vld [tilespmem:$0x1FA90];
	_ =	sdelay $0x4  }
0x24b: {  	v4 =	vsel vm0, $0x1C, v4;
	vm0 =	vnez.u8 v2;
	v2 =	vld [tilespmem:$0x1FAA0];
	_ =	sdelay $0x3  }
0x24c: {  	v20 =	vld [tilespmem:$0x1FAC0]  }
0x24d: {  	v15 =	vsel vm0, $0x2C, v15;
	vm0 =	vnez.u8 v2;
	v2 =	vld [tilespmem:$0x1FAB0];
	_ =	sdelay $0x3  }
0x24e: {  	v3 =	vsel vm0, $0x3C, v3;
	vm0 =	vnez.u8 v20;
	v20 =	vld [tilespmem:$0x1FAE0]  }
0x24f: {  	v4 =	vsel vm0, v2, v4;
	v2 =	vld [tilespmem:$0x1FAD0];
	_ =	sdelay $0x3  }
0x250: {  	vm0 =	vnez.u8 v20  }
0x251: {  	v15 =	vsel vm0, v2, v15;
	v2 =	vld [tilespmem:$0x1FAF0];
	_ =	sdelay $0x3  }
0x252: {  	v20 =	vld [tilespmem:$0x1FB10]  }
0x253: {  	vm0 =	vnez.u8 v2;
	v2 =	vld [tilespmem:$0x1FB00];
	_ =	sdelay $0x3  }
0x254: {  	v0 =	vsel vm0, $0xD, v0;
	vm0 =	vnez.u8 v20;
	v20 =	vld [tilespmem:$0x1FB30]  }
0x255: {  	v3 =	vsel vm0, v2, v3;
	v2 =	vld [tilespmem:$0x1FB20];
	_ =	sdelay $0x3  }
0x256: {  	vm15 =	vnez.u8 v20  }
0x257: {  	v0 =	vsel vm15, v2, v0;
	v2 =	vld [tilespmem:$0x1FB40];
	_ =	sdelay $0x4  }
0x258: {  	vm0 =	vnez.u8 v2;
	v2 =	vld [tilespmem:$0x1FB50];
	_ =	sdelay $0x4  }
0x259: {  	v4 =	vsel vm0, $0x1D, v4;
	vm0 =	vnez.u8 v2;
	v2 =	vld [tilespmem:$0x1FB60];
	_ =	sdelay $0x4  }
0x25a: {  	v4 =	vsel vm0, v11, v4;
	vm0 =	vnez.u8 v2;
	v2 =	vld [tilespmem:$0x1FB70];
	_ =	sdelay $0x4  }
0x25b: {  	v11 =	vsel vm0, $0x2D, v15;
	vm0 =	vnez.u8 v2;
	v2 =	vld [tilespmem:$0x1FB80];
	_ =	sdelay $0x4  }
0x25c: {  	v3 =	vsel vm0, $0x3D, v3;
	vm0 =	vnez.u8 v2;
	v2 =	vld [tilespmem:$0x1FB90];
	_ =	sdelay $0x4  }
0x25d: {  	v9 =	vsel vm0, v9, v11;
	vm0 =	vnez.u8 v2;
	v2 =	vld [tilespmem:$0x1FBA0];
	_ =	sdelay $0x3  }
0x25e: {  	v11 =	vld [tilespmem:$0x1FBC0]  }
0x25f: {  	v3 =	vsel vm0, v10, v3;
	vm0 =	vnez.u8 v2;
	v2 =	vld [tilespmem:$0x1FBB0];
	_ =	sdelay $0x3  }
0x260: {  	v0 =	vsel vm0, $0xE, v0;
	vm0 =	vnez.u8 v11  }
0x261: {  	v0 =	vsel vm0, v2, v0;
	v2 =	vld [tilespmem:$0x1FBD0];
	_ =	sdelay $0x4  }
0x262: {  	vm0 =	vnez.u8 v2;
	v2 =	vld [tilespmem:$0x1FBE0];
	_ =	sdelay $0x4  }
0x263: {  	v4 =	vsel vm0, $0x1E, v4;
	vm0 =	vnez.u8 v2;
	v2 =	vld [tilespmem:$0x1FBF0];
	_ =	sdelay $0x3  }
0x264: {  	v1 =	vsel vm5, $0x1E, v7  }
0x265: {  	v4 =	vsel vm5, v7, v4;
	v7 =	vsel vm0, $0x2E, v9;
	vm0 =	vnez.u8 v2;
	v2 =	vld [tilespmem:$0x1FC00];
	_ =	sdelay $0x3  }
0x266: {  	v3 =	vsel vm0, $0x3E, v3  }
0x267: {  	vm0 =	vnez.u8 v2;
	v2 =	vsel vm4, v5, v3;
	v3 =	vld [tilespmem:$0x1FC10];
	_ =	sdelay $0x4  }
0x268: {  	v0 =	vsel vm0, $0xF, v0;
	vm0 =	vnez.u8 v3;
	v3 =	vld [tilespmem:$0x1FC20];
	_ =	sdelay $0x4  }
0x269: {  	v0 =	vsel vm0, v13, v0;
	vm0 =	vnez.u8 v3  }
0x26a: {  	v3 =	vsel vm0, $0x1F, v4  }
0x26b: {  	v17 =	vsel vm13, $0x1F, v1;
	v1 =	vsel vm13, v1, v3;
	v3 =	vld [tilespmem:$0x1FC30]  }
0x26c: {  	v4 =	vld [tilespmem:$0x1FC40];
	_ =	sdelay $0x3  }
0x26d: {  	v16 =	vsel vm9, $0x2E, v6;
	v6 =	vsel vm9, v6, v7;
	vm0 =	vnez.u8 v3  }
0x26e: {  	v3 =	vsel vm0, $0x2F, v6;
	vm0 =	vnez.u8 v4;
	v4 =	vld [tilespmem:$0x1FC50]  }
0x26f: {  	v10 =	vpop (erf)  }
0x270: {  	v12 =	vsel vm4, $0x3E, v5;
	v10 =	vadd.f32 $1.000000000e+00, v10  }
0x271: {  	v18 =	vsel vm14, $0x3F, v12;
	v19 =	vsel vm7, v14, v17;
	v8 =	vsel vm2, $0x2F, v16  }
0x272: {  	(erf) = vrcp.f32 v10;
	v1 =	vsel vm8, v14, v1;
	v2 =	vsel vm0, $0x3F, v2  }
0x273: {  	v3 =	vsel vm2, v16, v3;
	v2 =	vsel vm14, v12, v2;
	vm0 =	vnez.u8 v4  }
0x274: {  	v3 =	vsel vm10, v3, v18;
	v2 =	vsel vm11, v8, v2;
	v0 =	vsel vm0, v0, v17  }
0x275: {  	v2 =	vsel vm12, v3, v2;
	v0 =	vsel vm7, v0, v1;
	v1 =	vsel vm12, v8, v18  }
0x276: {  	v3 =	vsel vm1, v19, v1;
	v0 =	vsel vm3, v0, v1;
	v1 =	vsel vm6, v19, v2  }
0x277: {  	v4 =	vsel vm1, v0, v1;
	v1 =	vshll.u32 v3, $0x8  }
0x278: {  	v3 =	vor.u32 v1, v4;
	v1 =	vld [tilespmem:$0x1FFF0];
	_ =	sdelay $0x2  }
0x279: {  	v2 =	vmov s13  }
0x27a: {  	s12 =	sadd.s32 $0x10, s12;
	v2 =	vshll.u32 v2, $0x7  }
0x27b: {  	s11 =	sadd.s32 $0x10, s11;
	v5 =	vimm.s32 $0x0;
	[tilespmem:s12+$0x0] =	vst v3;
	v0 =	vpop (erf);
	v6 =	vor.u32 v1, v2  }
0x27c: {  	[tilespmem:s11+$0x0] =	vst v0;
	v1 =	vor.u32 $0xF, v6;
	v0 =	vor.u32 $0xE, v6;
	v22 =	vor.u32 $0xA, v6  }
0x27d: {  	v25 =	vor.u32 $0x1A, v6;
	v24 =	vor.u32 $0x2A, v6;
	v30 =	vor.u32 $0x9, v6  }
0x27e: {  	v27 =	vor.u32 $0x19, v6;
	v2 =	vor.u32 $0x11, v6;
	v28 =	vor.u32 $0x29, v6  }
0x27f: {  	v26 =	vor.u32 $0x39, v6;
	v3 =	vor.u32 $0x21, v6;
	v33 =	vor.u32 $0x8, v6  }
0x280: {  	v32 =	vor.u32 $0x18, v6;
	v4 =	vor.u32 $0x31, v6;
	v31 =	vor.u32 $0x28, v6  }
0x281: {  	v29 =	vor.u32 $0x38, v6;
	v9 =	vor.u32 $0x10, v6;
	v36 =	vor.u32 $0x17, v6  }
0x282: {  	v10 =	vor.u32 $0x20, v6;
	v35 =	vor.u32 $0x27, v6;
	v34 =	vor.u32 $0x37, v6;
	[tilespmem:$0x1FEA0] =	vst v1  }
0x283: {  	v13 =	vor.u32 $0x30, v6;
	v38 =	vor.u32 $0x6, v6;
	v1 =	vor.u32 $0x1F, v6;
	[tilespmem:$0x1FED0] =	vst v0  }
0x284: {  	v8 =	vor.u32 $0x5, v6;
	v39 =	vor.u32 $0x15, v6;
	v0 =	vor.u32 $0x1E, v6;
	[tilespmem:$0x1FEB0] =	vst v1  }
0x285: {  	v37 =	vor.u32 $0x25, v6;
	v42 =	vor.u32 $0x4, v6;
	v1 =	vor.u32 $0x2F, v6;
	[tilespmem:$0x1FEE0] =	vst v0  }
0x286: {  	v20 =	vor.u32 $0x14, v6;
	v12 =	vor.u32 $0x24, v6;
	v0 =	vor.u32 $0x3F, v6;
	[tilespmem:$0x1FEC0] =	vst v1;
	v7 =	vld.idx.msk [tilespmem:v6+s2+$0x0], $0xffff  }
0x287: {  	v43 =	vor.u32 $0x3, v6;
	v44 =	vor.u32 $0x13, v6;
	[tilespmem:$0x1FEF0] =	vst v0;
	v0 =	vor.u32 $0xD, v6;
	v16 =	vld.idx.msk [tilespmem:v2+s2+$0x0], $0xffff  }
0x288: {  	v14 =	vor.u32 $0x34, v6;
	v1 =	vor.u32 $0x1, v6;
	[tilespmem:$0x1FF00] =	vst v0;
	v0 =	vor.u32 $0x2E, v6;
	v40 =	vld.idx.msk [tilespmem:v3+s2+$0x0], $0xffff  }
0x289: {  	v59 =	vor.u32 $0x2, v6;
	v46 =	vor.u32 $0x23, v6;
	[tilespmem:$0x1FF10] =	vst v0;
	v0 =	vor.u32 $0x3E, v6;
	v41 =	vld.idx.msk [tilespmem:v4+s2+$0x0], $0xffff  }
0x28a: {  	v47 =	vor.u32 $0x33, v6;
	v48 =	vor.u32 $0x12, v6;
	v9 =	vld.idx.msk [tilespmem:v9+s2+$0x0], $0xffff;
	[tilespmem:$0x1FF20] =	vst v0;
	v0 =	vor.u32 $0x1D, v6  }
0x28b: {  	v49 =	vor.u32 $0x22, v6;
	v2 =	vor.u32 $0x16, v6;
	v10 =	vld.idx.msk [tilespmem:v10+s2+$0x0], $0xffff;
	[tilespmem:$0x1FF30] =	vst v0;
	v0 =	vor.u32 $0x2D, v6  }
0x28c: {  	v3 =	vor.u32 $0x26, v6;
	v4 =	vor.u32 $0x35, v6;
	v13 =	vld.idx.msk [tilespmem:v13+s2+$0x0], $0xffff;
	[tilespmem:$0x1FF40] =	vst v0;
	v0 =	vor.u32 $0x3D, v6  }
0x28d: {  	v11 =	vld.idx.msk [tilespmem:v1+s2+$0x0], $0xffff;
	v1 =	vor.u32 $0x36, v6;
	[tilespmem:$0x1FF50] =	vst v0;
	v0 =	vor.u32 $0xC, v6;
	vm0 =	vgt.f32 v7, $-Inf  }
0x28e: {  	[tilespmem:$0x1FC80] =	vst v0;
	v0 =	vor.u32 $0x1C, v6;
	v7 =	vnsel vm0, $0xFF800000, v7;
	vm3 =	vlt.f32 v16, $-Inf  }
0x28f: {  	vm4 =	vgt.f32 v16, $-Inf;
	vm5 =	vlt.f32 v40, $-Inf;
	vm6 =	vgt.f32 v40, $-Inf  }
0x290: {  	vm7 =	vlt.f32 v41, $-Inf;
	vm8 =	vlt.f32 v9, $-Inf;
	vm9 =	vgt.f32 v9, $-Inf  }
0x291: {  	vm10 =	vgt.f32 v41, $-Inf;
	vm11 =	vlt.f32 v10, $-Inf;
	[tilespmem:$0x1FF60] =	vst v0;
	v0 =	vor.u32 $0x2C, v6  }
0x292: {  	vm12 =	vgt.f32 v10, $-Inf;
	vm13 =	vlt.f32 v13, $-Inf;
	[tilespmem:$0x1FF70] =	vst v0;
	v0 =	vor.u32 $0xB, v6  }
0x293: {  	vm14 =	vgt.f32 v13, $-Inf;
	[tilespmem:$0x1FC60] =	vst v0;
	v0 =	vor.u32 $0x1B, v6;
	vm0 =	vlt.f32 v11, $-Inf  }
0x294: {  	vm2 =	vgt.f32 v11, $-Inf;
	vm1 =	vgt.f32 v11, v7;
	[tilespmem:$0x1FC90] =	vst v0;
	v0 =	vor.u32 $0x3C, v6  }
0x295: {  	vm0 =	vmor vm2, vm0;
	vm2 =	vmor vm4, vm3;
	vm3 =	vmor vm6, vm5  }
0x296: {  	vm4 =	vmor vm10, vm7;
	vm5 =	vmor vm9, vm8;
	vm6 =	vmor vm12, vm11  }
0x297: {  	vm7 =	vmor vm14, vm13;
	v52 =	vsel vm1, $0x1, v5;
	vm8 =	vmneg vm1  }
0x298: {  	v45 =	vld.idx.msk [tilespmem:v59+s2+$0x0], $0xffff;
	v56 =	vsel vm1, v11, v7;
	[tilespmem:$0x1FF80] =	vst v0;
	v0 =	vor.u32 $0x2B, v6;
	v50 =	vsel vm5, $0x10, v5  }
0x299: {  	v51 =	vsel vm6, $0x20, v5;
	v53 =	vsel vm7, $0x30, v5;
	v54 =	vsel vm2, $0x11, v5  }
0x29a: {  	v55 =	vsel vm3, $0x21, v5;
	v57 =	vsel vm4, $0x31, v5;
	v11 =	vnsel vm0, $0xFF800000, v11  }
0x29b: {  	v58 =	vnsel vm2, $0xFF800000, v16;
	v59 =	vnsel vm3, $0xFF800000, v40;
	v9 =	vnsel vm5, $0xFF800000, v9  }
0x29c: {  	v10 =	vnsel vm6, $0xFF800000, v10;
	v60 =	vnsel vm4, $0xFF800000, v41;
	v13 =	vnsel vm7, $0xFF800000, v13  }
0x29d: {  	vm2 =	vmand vm0, vm8;
	vm0 =	vgt.f32 v45, v56;
	[tilespmem:$0x1FCA0] =	vst v0;
	v0 =	vor.u32 $0x3B, v6  }
0x29e: {  	v7 =	vsel vm1, v7, v11;
	vm1 =	vgt.f32 v16, v9;
	vm3 =	vgt.f32 v40, v10  }
0x29f: {  	v43 =	vld.idx.msk [tilespmem:v43+s2+$0x0], $0xffff;
	vm4 =	vgt.f32 v41, v13;
	v61 =	vsel vm0, $0x2, v52;
	v62 =	vsel vm2, $0x1, v5  }
0x2a0: {  	v11 =	vld.idx.msk [tilespmem:v49+s2+$0x0], $0xffff;
	[tilespmem:$0x1FF90] =	vst v0;
	v0 =	vor.u32 $0x3A, v6;
	v49 =	vsel vm1, $0x11, v50;
	v63 =	vsel vm3, $0x21, v51  }
0x2a1: {  	v48 =	vld.idx.msk [tilespmem:v48+s2+$0x0], $0xffff;
	v15 =	vsel vm4, $0x31, v53;
	v50 =	vsel vm1, v50, v54;
	v51 =	vsel vm3, v51, v55  }
0x2a2: {  	v53 =	vsel vm4, v53, v57;
	v16 =	vsel vm1, v16, v9;
	v54 =	vsel vm3, v40, v10  }
0x2a3: {  	v55 =	vsel vm0, v45, v56;
	v9 =	vsel vm1, v9, v58;
	v41 =	vsel vm4, v41, v13  }
0x2a4: {  	v44 =	vld.idx.msk [tilespmem:v44+s2+$0x0], $0xffff;
	vm1 =	vgt.f32 v45, v7;
	v10 =	vsel vm3, v10, v59;
	v13 =	vsel vm4, v13, v60  }
0x2a5: {  	[tilespmem:$0x1FC70] =	vst v0;
	v0 =	vor.u32 $0x7, v6;
	v6 =	vor.u32 $0x32, v6;
	v40 =	vsel vm1, $0x2, v62  }
0x2a6: {  	v7 =	vsel vm1, v45, v7;
	vm5 =	vgt.f32 v48, v16;
	vm1 =	vgt.f32 v43, v55  }
0x2a7: {  	vm2 =	vgt.f32 v48, v9;
	v57 =	vsel vm1, $0x3, v61;
	v58 =	vsel vm5, $0x12, v49  }
0x2a8: {  	v52 =	vsel vm0, v52, v40;
	v40 =	vsel vm2, $0x12, v50;
	v50 =	vsel vm5, v48, v16  }
0x2a9: {  	v46 =	vld.idx.msk [tilespmem:v46+s2+$0x0], $0xffff;
	v7 =	vsel vm0, v56, v7;
	v9 =	vsel vm2, v48, v9;
	vm2 =	vgt.f32 v44, v50  }
0x2aa: {  	v45 =	vld.idx.msk [tilespmem:v42+s2+$0x0], $0xffff;
	vm0 =	vgt.f32 v43, v7;
	vm6 =	vgt.f32 v11, v54;
	vm3 =	vgt.f32 v11, v10  }
0x2ab: {  	v56 =	vsel vm6, v11, v54;
	v10 =	vsel vm3, v11, v10;
	v11 =	vsel vm5, v49, v40;
	v40 =	vld.idx.msk [tilespmem:v8+s2+$0x0], $0xffff  }
0x2ac: {  	v7 =	vsel vm0, v43, v7;
	v59 =	vsel vm6, $0x22, v63;
	v42 =	vsel vm3, $0x22, v51;
	v6 =	vld.idx.msk [tilespmem:v6+s2+$0x0], $0xffff  }
0x2ad: {  	v8 =	vsel vm5, v16, v9;
	v16 =	vld.idx.msk [tilespmem:v12+s2+$0x0], $0xffff;
	v49 =	vsel vm2, $0x13, v58;
	v12 =	vsel vm0, $0x3, v52  }
0x2ae: {  	v52 =	vsel vm2, v44, v50;
	v7 =	vsel vm1, v55, v7;
	v10 =	vsel vm6, v54, v10  }
0x2af: {  	vm9 =	vgt.f32 v44, v8;
	v12 =	vsel vm1, v61, v12;
	vm10 =	vgt.f32 v46, v10  }
0x2b0: {  	v9 =	vld.idx.msk [tilespmem:v20+s2+$0x0], $0xffff;
	v11 =	vsel vm9, $0x13, v11;
	v8 =	vsel vm9, v44, v8;
	vm9 =	vgt.f32 v45, v7  }
0x2b1: {  	v47 =	vld.idx.msk [tilespmem:v47+s2+$0x0], $0xffff;
	v10 =	vsel vm10, v46, v10;
	v11 =	vsel vm2, v58, v11;
	vm7 =	vgt.f32 v6, v41  }
0x2b2: {  	v23 =	vsel vm2, v50, v8;
	vm4 =	vgt.f32 v6, v13;
	v60 =	vsel vm7, $0x32, v15  }
0x2b3: {  	v51 =	vsel vm4, $0x32, v53;
	v53 =	vsel vm1, v43, v55;
	v62 =	vsel vm7, v6, v41  }
0x2b4: {  	v6 =	vsel vm4, v6, v13;
	v13 =	vsel vm6, v63, v42;
	vm4 =	vgt.f32 v46, v56  }
0x2b5: {  	vm6 =	vgt.f32 v9, v52;
	v15 =	vsel vm7, v15, v51;
	vm3 =	vgt.f32 v45, v53  }
0x2b6: {  	v48 =	vld.idx.msk [tilespmem:v14+s2+$0x0], $0xffff;
	vm5 =	vgt.f32 v47, v62;
	v6 =	vsel vm7, v41, v6;
	v51 =	vsel vm4, $0x23, v59  }
0x2b7: {  	v63 =	vsel vm4, v46, v56;
	v13 =	vsel vm10, $0x23, v13;
	v17 =	vsel vm6, $0x14, v49  }
0x2b8: {  	v42 =	vsel vm3, $0x4, v57;
	v54 =	vsel vm5, $0x33, v60;
	v20 =	vsel vm3, v45, v53  }
0x2b9: {  	v5 =	vsel vm5, v47, v62;
	vm11 =	vgt.f32 v47, v6;
	vm7 =	vgt.f32 v16, v63  }
0x2ba: {  	v38 =	vld.idx.msk [tilespmem:v38+s2+$0x0], $0xffff;
	v44 =	vsel vm4, v59, v13;
	v45 =	vsel vm9, v45, v7;
	v14 =	vsel vm11, $0x33, v15  }
0x2bb: {  	v18 =	vld.idx.msk [tilespmem:v37+s2+$0x0], $0xffff;
	vm0 =	vgt.f32 v40, v20;
	vm8 =	vgt.f32 v48, v5;
	v6 =	vsel vm11, v47, v6  }
0x2bc: {  	v4 =	vld.idx.msk [tilespmem:v4+s2+$0x0], $0xffff;
	v19 =	vsel vm7, $0x24, v51;
	v61 =	vsel vm7, v16, v63;
	v45 =	vsel vm3, v53, v45  }
0x2bd: {  	v37 =	vsel vm0, $0x5, v42;
	v58 =	vsel vm8, $0x34, v54;
	v47 =	vsel vm5, v60, v14  }
0x2be: {  	v15 =	vld.idx.msk [tilespmem:v39+s2+$0x0], $0xffff;
	v14 =	vsel vm6, v9, v52;
	v39 =	vsel vm0, v40, v20;
	v59 =	vsel vm8, v48, v5  }
0x2bf: {  	v60 =	vsel vm4, v56, v10;
	v62 =	vsel vm5, v62, v6;
	v6 =	vsel vm9, $0x4, v12  }
0x2c0: {  	v8 =	vld.idx.msk [tilespmem:v0+s2+$0x0], $0xffff;
	vm5 =	vgt.f32 v18, v61;
	vm9 =	vgt.f32 v9, v23;
	vm4 =	vgt.f32 v38, v39  }
0x2c1: {  	v43 =	vld.idx.msk [tilespmem:v2+s2+$0x0], $0xffff;
	vm2 =	vgt.f32 v4, v59;
	vm10 =	vgt.f32 v16, v60;
	vm11 =	vgt.f32 v48, v62  }
0x2c2: {  	v46 =	vld.idx.msk [tilespmem:v3+s2+$0x0], $0xffff;
	v41 =	vsel vm5, $0x25, v19;
	v0 =	vsel vm3, v57, v6;
	v2 =	vsel vm9, $0x14, v11  }
0x2c3: {  	v11 =	vsel vm5, v18, v61;
	v9 =	vsel vm9, v9, v23;
	v7 =	vsel vm4, $0x6, v37  }
0x2c4: {  	v13 =	vld.idx.msk [tilespmem:v1+s2+$0x0], $0xffff;
	v6 =	vsel vm2, $0x35, v58;
	v1 =	vsel vm10, $0x24, v44;
	v3 =	vsel vm11, $0x34, v47  }
0x2c5: {  	v12 =	vsel vm4, v38, v39;
	v44 =	vsel vm2, v4, v59;
	v16 =	vsel vm10, v16, v60  }
0x2c6: {  	v50 =	vld.idx.msk [tilespmem:v36+s2+$0x0], $0xffff;
	v2 =	vsel vm6, v49, v2;
	v23 =	vsel vm11, v48, v62;
	vm10 =	vgt.f32 v40, v45  }
0x2c7: {  	vm15 =	vgt.f32 v46, v11;
	v36 =	vsel vm6, v52, v9;
	v49 =	vld.idx.msk [tilespmem:v26+s2+$0x0], $0xffff;
	v26 =	vimm.s32 $0x0  }
0x2c8: {  	v1 =	vsel vm7, v51, v1;
	v3 =	vsel vm8, v54, v3;
	vm3 =	vgt.f32 v8, v12  }
0x2c9: {  	vm14 =	vgt.f32 v13, v44;
	v57 =	vsel vm7, v63, v16;
	v5 =	vsel vm8, v5, v23  }
0x2ca: {  	v33 =	vld.idx.msk [tilespmem:v33+s2+$0x0], $0xffff;
	v23 =	vsel vm10, $0x5, v0;
	v62 =	vsel vm15, v46, v11;
	v40 =	vsel vm10, v40, v45  }
0x2cb: {  	v55 =	vld.idx.msk [tilespmem:v35+s2+$0x0], $0xffff;
	vm1 =	vgt.f32 v15, v14;
	v16 =	vsel vm14, $0x36, v6;
	v35 =	vsel vm3, v8, v12  }
0x2cc: {  	vm11 =	vgt.f32 v15, v36;
	vm12 =	vgt.f32 v18, v57;
	v42 =	vsel vm0, v42, v23  }
0x2cd: {  	vm13 =	vgt.f32 v4, v5;
	v20 =	vsel vm0, v20, v40;
	v10 =	vsel vm1, $0x15, v17  }
0x2ce: {  	v47 =	vsel vm1, v15, v14;
	v2 =	vsel vm11, $0x15, v2;
	v1 =	vsel vm12, $0x25, v1  }
0x2cf: {  	v3 =	vsel vm13, $0x35, v3;
	vm10 =	vgt.f32 v33, v35;
	v15 =	vsel vm11, v15, v36  }
0x2d0: {  	v18 =	vsel vm12, v18, v57;
	v5 =	vsel vm13, v4, v5;
	vm11 =	vgt.f32 v38, v20  }
0x2d1: {  	v30 =	vld.idx.msk [tilespmem:v30+s2+$0x0], $0xffff;
	v17 =	vsel vm1, v17, v2;
	v36 =	vsel vm2, v58, v3;
	v14 =	vsel vm1, v14, v15  }
0x2d2: {  	v9 =	vld.idx.msk [tilespmem:v34+s2+$0x0], $0xffff;
	v15 =	vsel vm5, v61, v18;
	v5 =	vsel vm2, v59, v5;
	v2 =	vsel vm11, $0x6, v42  }
0x2d3: {  	v56 =	vld.idx.msk [tilespmem:v29+s2+$0x0], $0xffff;
	v18 =	vsel vm11, v38, v20;
	vm11 =	vgt.f32 v43, v14;
	vm13 =	vgt.f32 v13, v5  }
0x2d4: {  	v29 =	vld.idx.msk [tilespmem:v22+s2+$0x0], $0xffff;
	vm9 =	vgt.f32 v43, v47;
	v17 =	vsel vm11, $0x16, v17;
	v21 =	vsel vm13, $0x36, v36  }
0x2d5: {  	v53 =	vsel vm9, $0x16, v10;
	v10 =	vsel vm9, v10, v17;
	v17 =	vsel vm14, v6, v21;
	v6 =	vld [tilespmem:$0x1FC60]  }
0x2d6: {  	v48 =	vld.idx.msk [tilespmem:v32+s2+$0x0], $0xffff;
	v63 =	vsel vm14, v13, v44;
	v19 =	vsel vm5, v19, v1;
	v32 =	vsel vm10, v33, v35  }
0x2d7: {  	v0 =	vsel vm9, v43, v47;
	vm7 =	vgt.f32 v9, v63;
	vm1 =	vgt.f32 v30, v32  }
0x2d8: {  	vm12 =	vgt.f32 v46, v15;
	v20 =	vsel vm4, v37, v2;
	v18 =	vsel vm4, v39, v18  }
0x2d9: {  	v45 =	vld.idx.msk [tilespmem:v28+s2+$0x0], $0xffff;
	v23 =	vsel vm7, v9, v63;
	v19 =	vsel vm12, $0x26, v19;
	v28 =	vsel vm1, v30, v32  }
0x2da: {  	v14 =	vsel vm11, v43, v14;
	v5 =	vsel vm13, v13, v5;
	vm5 =	vgt.f32 v56, v23  }
0x2db: {  	v13 =	vsel vm15, v41, v19;
	vm4 =	vgt.f32 v29, v28;
	v19 =	vsel vm9, v47, v14  }
0x2dc: {  	v52 =	vld.idx.msk [tilespmem:v31+s2+$0x0], $0xffff;
	v26 =	vsel vm5, $0xFFFFFFFF, v26;
	vm9 =	vmmov vm4;
	vm4 =	vgt.f32 v8, v18  }
0x2dd: {  	[tilespmem:$0x1FFC0] =	vst v26;
	v8 =	vsel vm4, v8, v18;
	v26 =	vld.idx.msk [tilespmem:v6+s2+$0x0], $0xffff;
	v6 =	vsel vm4, $0x7, v20;
	vm4 =	vgt.f32 v50, v19  }
0x2de: {  	v54 =	vsel vm15, $0x26, v41;
	vm6 =	vgt.f32 v55, v62;
	v14 =	vsel vm4, $0x17, v10;
	v10 =	vld [tilespmem:$0x1FC80]  }
0x2df: {  	v34 =	vsel vm3, $0x7, v7;
	v57 =	vsel vm6, $0x27, v54;
	v1 =	vimm.s32 $0x0  }
0x2e0: {  	v31 =	vsel vm10, $0x8, v34;
	v58 =	vsel vm6, v55, v62;
	v1 =	vsel vm10, $0xFFFFFFFF, v1  }
0x2e1: {  	v40 =	vld.idx.msk [tilespmem:v24+s2+$0x0], $0xffff;
	vm2 =	vgt.f32 v52, v58;
	vm8 =	vgt.f32 v50, v0;
	v15 =	vsel vm12, v46, v15  }
0x2e2: {  	v4 =	vsel vm7, $0x37, v16;
	v22 =	vsel vm1, $0x9, v31;
	v15 =	vsel vm15, v11, v15;
	v11 =	vld [tilespmem:$0x1FC70]  }
0x2e3: {  	v42 =	vld.idx.msk [tilespmem:v27+s2+$0x0], $0xffff;
	v2 =	vsel vm2, $0x28, v57;
	v38 =	vsel vm2, v52, v58;
	v5 =	vsel vm14, v44, v5  }
0x2e4: {  	v39 =	vld.idx.msk [tilespmem:v25+s2+$0x0], $0xffff;
	v51 =	vsel vm8, $0x17, v53;
	v60 =	vsel vm8, v50, v0;
	vm14 =	vgt.f32 v9, v5  }
0x2e5: {  	vm13 =	vgt.f32 v45, v38;
	vm0 =	vgt.f32 v48, v60;
	v9 =	vsel vm14, v9, v5;
	v5 =	vld [tilespmem:$0x1FCA0]  }
0x2e6: {  	[tilespmem:$0x1FFB0] =	vst v28;
	v3 =	vsel vm5, $0x38, v4;
	v43 =	vsel vm5, v56, v23;
	v25 =	vsel vm9, v29, v28;
	v28 =	vld.idx.msk [tilespmem:v10+s2+$0x0], $0xffff  }
0x2e7: {  	v36 =	vsel vm13, $0x29, v2;
	v44 =	vsel vm13, v45, v38;
	v10 =	vsel vm3, v12, v8;
	v8 =	vld [tilespmem:$0x1FC90]  }
0x2e8: {  	[tilespmem:$0x1FFA0] =	vst v1;
	v1 =	vsel vm0, $0x18, v51;
	v37 =	vsel vm0, v48, v60;
	vm11 =	vgt.f32 v49, v43  }
0x2e9: {  	v59 =	vsel vm9, $0xA, v22;
	vm15 =	vgt.f32 v40, v44;
	vm12 =	vgt.f32 v42, v37  }
0x2ea: {  	p0 =	sne.s32 s13, $0xF0;
	v27 =	vsel vm11, $0x39, v3;
	v47 =	vsel vm11, v49, v43;
	v46 =	vsel vm12, v42, v37;
	v41 =	vld.idx.msk [tilespmem:v11+s2+$0x0], $0xffff  }
.Ltmp0:
0x2eb: {  	v24 =	vsel vm12, $0x19, v1;
	vm5 =	vgt.f32 v39, v46;
	v11 =	vimm.s32 $0x0;
	(pc) =	sbr.rel @p0 .LBB2_2-.Ltmp0, $4  }
0x2ec: {  	v11 =	vsel vm9, $0xFFFFFFFF, v11;
	v6 =	vsel vm3, v7, v6;
	vm9 =	vgt.f32 v55, v15  }
0x2ed: {  	v7 =	vsel vm14, $0x37, v17;
	v21 =	vsel vm9, $0x27, v13;
	vm10 =	vgt.f32 v26, v25  }
0x2ee: {  	[tilespmem:$0x1FFD0] =	vst v11;
	v11 =	vsel vm4, v50, v19;
	v13 =	vsel vm9, v55, v15;
	v55 =	vld.idx.msk [tilespmem:v5+s2+$0x0], $0xffff;
	vm14 =	vmmov vm10  }
0x2ef: {  	s13 =	sadd.s32 $0x10, s13;
	[tilespmem:$0x1FFE0] =	vst v59;
	vm10 =	vmmov vm1;
	v20 =	vsel vm14, $0xB, v59;
	vm3 =	vgt.f32 v41, v47;
	v50 =	vld.idx.msk [tilespmem:v8+s2+$0x0], $0xffff  }
0x2f0: {  	v5 =	vsel vm8, v53, v14;
	v8 =	vsel vm6, v54, v21  }
0x2f1: {  	v7 =	vsel vm7, v16, v7;
	v0 =	vsel vm8, v0, v11;
	v21 =	vsel vm6, v62, v13  }
0x2f2: {  	vm9 =	vmmov vm3;
	vm8 =	vgt.f32 v33, v10;
	v9 =	vsel vm7, v63, v9  }
0x2f3: {  	v54 =	vsel vm5, v39, v46;
	v59 =	vsel vm14, v26, v25;
	v61 =	vimm.s32 $0x0  }
0x2f4: {  	v19 =	vimm.s32 $0x0;
	v15 =	vimm.s32 $0x0;
	v10 =	vsel vm8, v33, v10  }
0x2f5: {  	v12 =	vld [tilespmem:$0x1FFA0];
	v6 =	vsel vm8, $0x8, v6;
	vm3 =	vgt.f32 v48, v0;
	vm4 =	vgt.f32 v52, v21  }
0x2f6: {  	v33 =	vimm.s32 $0x0;
	v17 =	vsel vm9, $0x3A, v27;
	v0 =	vsel vm3, v48, v0  }
0x2f7: {  	v11 =	vsel vm4, v52, v21;
	v5 =	vsel vm3, $0x18, v5;
	v8 =	vsel vm4, $0x28, v8  }
0x2f8: {  	v21 =	vimm.s32 $0x0;
	v5 =	vsel vm0, v51, v5;
	v0 =	vsel vm0, v60, v0  }
0x2f9: {  	v8 =	vsel vm2, v57, v8;
	v57 =	vsel vm9, v41, v47;
	vm0 =	vgt.f32 v42, v0  }
0x2fa: {  	v60 =	vimm.s32 $0x0;
	vm1 =	vnez.u8 v12;
	v0 =	vsel vm0, v42, v0  }
0x2fb: {  	v5 =	vsel vm0, $0x19, v5;
	v42 =	vimm.s32 $0x0;
	v6 =	vsel vm1, v34, v6  }
0x2fc: {  	v52 =	vld [tilespmem:$0x1FFD0];
	v10 =	vsel vm1, v35, v10;
	vm1 =	vgt.f32 v56, v9;
	v35 =	vsel vm2, v58, v11  }
0x2fd: {  	v1 =	vsel vm12, v1, v5;
	v0 =	vsel vm12, v37, v0;
	v37 =	vsel vm15, $0x2A, v36  }
0x2fe: {  	v9 =	vsel vm1, v56, v9;
	v7 =	vsel vm1, $0x38, v7;
	vm7 =	vgt.f32 v30, v10  }
0x2ff: {  	vm8 =	vgt.f32 v45, v35;
	vm3 =	vgt.f32 v39, v0;
	v56 =	vsel vm15, v40, v44  }
0x300: {  	v34 =	vld [tilespmem:$0x1FFC0];
	v6 =	vsel vm7, $0x9, v6;
	v10 =	vsel vm7, v30, v10;
	v8 =	vsel vm8, $0x29, v8  }
0x301: {  	vm7 =	vnez.u8 v52;
	v0 =	vsel vm3, v39, v0;
	vm12 =	vgt.f32 v55, v56  }
0x302: {  	v1 =	vsel vm3, $0x1A, v1;
	v39 =	vimm.s32 $0x0;
	v6 =	vsel vm10, v31, v6  }
0x303: {  	v10 =	vsel vm10, v32, v10;
	v2 =	vsel vm13, v2, v8;
	v0 =	vsel vm5, v46, v0  }
0x304: {  	v63 =	vsel vm12, v55, v56;
	v32 =	vimm.s32 $0x0;
	vm1 =	vgt.f32 v50, v0  }
0x305: {  	v58 =	vld [tilespmem:$0x1FF90];
	v1 =	vsel vm5, v24, v1;
	vm6 =	vnez.u8 v34;
	v0 =	vsel vm1, v50, v0  }
0x306: {  	v34 =	vsel vm5, $0x1A, v24;
	v1 =	vsel vm1, $0x1B, v1;
	v24 =	vimm.s32 $0x0  }
0x307: {  	v4 =	vsel vm6, v4, v7;
	v9 =	vsel vm6, v23, v9;
	v7 =	vsel vm8, v45, v35  }
0x308: {  	v53 =	vld [tilespmem:$0x1FFB0];
	vm8 =	vgt.f32 v29, v10;
	v23 =	vimm.s32 $0x0;
	vm10 =	vgt.f32 v49, v9  }
0x309: {  	v18 =	vld [tilespmem:$0x1FF60];
	v48 =	vsel vm13, v38, v7;
	vm13 =	vgt.f32 v50, v54;
	v6 =	vsel vm8, $0xA, v6  }
0x30a: {  	v9 =	vsel vm10, v49, v9;
	v4 =	vsel vm10, $0x39, v4;
	v49 =	vsel vm8, v29, v10  }
0x30b: {  	vm4 =	vgt.f32 v40, v48;
	v13 =	vsel vm13, $0xFFFFFFFF, v60;
	v62 =	vsel vm13, v50, v54  }
0x30c: {  	v0 =	vsel vm13, v54, v0;
	v6 =	vsel vm7, v22, v6;
	v29 =	vimm.s32 $0x0  }
0x30d: {  	v11 =	vld.idx.msk [tilespmem:v58+s2+$0x0], $0xffff;
	v54 =	vimm.s32 $0x0;
	v58 =	vimm.s32 $0x0;
	v60 =	vimm.s32 $0x0  }
0x30e: {  	v3 =	vsel vm11, v3, v4;
	v51 =	vsel vm11, v43, v9;
	v5 =	vsel vm7, v53, v49  }
0x30f: {  	v22 =	vld [tilespmem:$0x1FF70];
	v4 =	vsel vm4, v40, v48;
	[tilespmem:$0x1F700] =	vst v13;
	v13 =	vsel vm12, $0xFFFFFFFF, v61;
	vm2 =	vgt.f32 v41, v51  }
0x310: {  	v4 =	vsel vm15, v44, v4;
	vm6 =	vgt.f32 v26, v5;
	[tilespmem:$0x1F720] =	vst v13;
	v7 =	vsel vm2, v41, v51  }
0x311: {  	v5 =	vsel vm6, v26, v5;
	vm0 =	vgt.f32 v55, v4;
	v9 =	vld.idx.msk [tilespmem:v18+s2+$0x0], $0xffff;
	v6 =	vsel vm6, $0xB, v6  }
0x312: {  	v7 =	vsel vm9, v47, v7;
	v5 =	vsel vm14, v25, v5;
	v4 =	vsel vm0, v55, v4;
	v25 =	vld [tilespmem:$0x1FFE0]  }
0x313: {  	v30 =	vld [tilespmem:$0x1FF00];
	v4 =	vsel vm12, v56, v4;
	vm13 =	vgt.f32 v11, v57;
	vm12 =	vgt.f32 v11, v7  }
0x314: {  	v31 =	vld [tilespmem:$0x1FF80];
	v14 =	vsel vm13, $0xFFFFFFFF, v19;
	v7 =	vsel vm12, v11, v7;
	v11 =	vsel vm13, v11, v57  }
0x315: {  	[tilespmem:$0x1F730] =	vst v14;
	v14 =	vsel vm12, $0xFFFFFFFF, v21;
	v7 =	vsel vm13, v57, v7;
	vm13 =	vgt.f32 v28, v5  }
0x316: {  	v26 =	vimm.s32 $0x0;
	[tilespmem:$0x1F6F0] =	vst v14;
	v10 =	vsel vm13, $0xFFFFFFFF, v23;
	vm12 =	vgt.f32 v9, v62  }
0x317: {  	v14 =	vld.idx.msk [tilespmem:v22+s2+$0x0], $0xffff;
	[tilespmem:$0x1F710] =	vst v10;
	v6 =	vsel vm14, v25, v6;
	vm14 =	vgt.f32 v28, v59;
	v15 =	vsel vm12, $0xFFFFFFFF, v15  }
0x318: {  	v5 =	vsel vm13, v28, v5;
	vm13 =	vgt.f32 v9, v0;
	v10 =	vsel vm14, $0xFFFFFFFF, v26;
	[tilespmem:$0x1F780] =	vst v15  }
0x319: {  	v35 =	vld [tilespmem:$0x1FF30];
	v2 =	vsel vm4, $0x2A, v2;
	v49 =	vimm.s32 $0x0;
	v15 =	vsel vm13, $0xFFFFFFFF, v29;
	[tilespmem:$0x1F740] =	vst v10  }
0x31a: {  	v38 =	vld [tilespmem:$0x1FF40];
	v2 =	vsel vm15, v36, v2;
	v44 =	vimm.s32 $0x0;
	v3 =	vsel vm2, $0x3A, v3;
	[tilespmem:$0x1F750] =	vst v15  }
0x31b: {  	v18 =	vimm.s32 $0x0;
	v51 =	vimm.s32 $0x0;
	v3 =	vsel vm9, v27, v3;
	v12 =	vld.idx.msk [tilespmem:v30+s2+$0x0], $0xffff  }
0x31c: {  	v2 =	vsel vm0, $0x2B, v2;
	v47 =	vimm.s32 $0x0;
	v27 =	vimm.s32 $0x0;
	v13 =	vld.idx.msk [tilespmem:v31+s2+$0x0], $0xffff  }
0x31d: {  	v40 =	vld [tilespmem:$0x1FF50];
	v28 =	vsel vm14, v28, v59;
	v5 =	vsel vm14, v59, v5;
	vm14 =	vgt.f32 v14, v4  }
0x31e: {  	v56 =	vimm.s32 $0x0;
	vm7 =	vgt.f32 v14, v63;
	v15 =	vsel vm14, $0xFFFFFFFF, v32  }
0x31f: {  	v41 =	vld [tilespmem:$0x1FED0];
	v19 =	vimm.s32 $0x0;
	v23 =	vimm.s32 $0x0;
	[tilespmem:$0x1F760] =	vst v15;
	v15 =	vsel vm7, $0xFFFFFFFF, v33  }
0x320: {  	v46 =	vld [tilespmem:$0x1FF10];
	v0 =	vsel vm13, v9, v0;
	v9 =	vsel vm12, v9, v62;
	[tilespmem:$0x1F790] =	vst v15;
	vm8 =	vgt.f32 v12, v28  }
0x321: {  	v22 =	vimm.s32 $0x0;
	vm9 =	vgt.f32 v13, v7;
	v15 =	vld.idx.msk [tilespmem:v35+s2+$0x0], $0xffff;
	v18 =	vsel vm8, $0xFFFFFFFF, v18  }
0x322: {  	v43 =	vld [tilespmem:$0x1FEE0];
	v0 =	vsel vm12, v62, v0;
	vm10 =	vgt.f32 v12, v5;
	v19 =	vsel vm9, $0xFFFFFFFF, v19;
	[tilespmem:$0x1F7B0] =	vst v18  }
0x323: {  	v62 =	vimm.s32 $0x0;
	v4 =	vsel vm14, v14, v4;
	v18 =	vld.idx.msk [tilespmem:v38+s2+$0x0], $0xffff;
	[tilespmem:$0x1F770] =	vst v19;
	v19 =	vsel vm10, $0xFFFFFFFF, v39  }
0x324: {  	v48 =	vld [tilespmem:$0x1FF20];
	v14 =	vsel vm7, v14, v63;
	vm15 =	vgt.f32 v13, v11;
	v7 =	vsel vm9, v13, v7;
	[tilespmem:$0x1F7A0] =	vst v19  }
0x325: {  	v4 =	vsel vm7, v63, v4;
	v13 =	vsel vm15, v13, v11;
	v7 =	vsel vm15, v11, v7;
	v11 =	vld.idx.msk [tilespmem:v40+s2+$0x0], $0xffff  }
0x326: {  	v50 =	vld [tilespmem:$0x1FEA0];
	v5 =	vsel vm10, v12, v5;
	v12 =	vsel vm8, v12, v28;
	vm11 =	vgt.f32 v15, v0  }
0x327: {  	v5 =	vsel vm8, v28, v5;
	v10 =	vld.idx.msk [tilespmem:v41+s2+$0x0], $0xffff;
	vm13 =	vgt.f32 v15, v9;
	v19 =	vsel vm11, $0xFFFFFFFF, v42  }
0x328: {  	v0 =	vsel vm11, v15, v0;
	v15 =	vsel vm13, v15, v9;
	vm12 =	vgt.f32 v18, v4  }
0x329: {  	v53 =	vld [tilespmem:$0x1FEB0];
	[tilespmem:$0x1F7C0] =	vst v19;
	vm14 =	vgt.f32 v18, v14;
	v0 =	vsel vm13, v9, v0;
	v21 =	vsel vm12, $0xFFFFFFFF, v44  }
0x32a: {  	v19 =	vld.idx.msk [tilespmem:v43+s2+$0x0], $0xffff;
	v4 =	vsel vm12, v18, v4;
	v45 =	vsel vm14, v18, v14;
	vm4 =	vgt.f32 v11, v7  }
0x32b: {  	v55 =	vld [tilespmem:$0x1FEC0];
	[tilespmem:$0x1F7D0] =	vst v21;
	v4 =	vsel vm14, v14, v4;
	vm12 =	vgt.f32 v11, v13;
	v18 =	vsel vm4, $0xFFFFFFFF, v47  }
0x32c: {  	v28 =	vimm.s32 $0x0;
	vm5 =	vgt.f32 v10, v5;
	vm10 =	vgt.f32 v10, v12;
	v14 =	vld.idx.msk [tilespmem:v46+s2+$0x0], $0xffff;
	[tilespmem:$0x1F7E0] =	vst v18  }
0x32d: {  	v7 =	vsel vm4, v11, v7;
	v11 =	vsel vm12, v11, v13;
	v21 =	vsel vm5, $0xFFFFFFFF, v49;
	v18 =	vld.idx.msk [tilespmem:v48+s2+$0x0], $0xffff  }
0x32e: {  	v57 =	vld [tilespmem:$0x1FEF0];
	v5 =	vsel vm5, v10, v5;
	v10 =	vsel vm10, v10, v12;
	v7 =	vsel vm12, v13, v7;
	[tilespmem:$0x1F7F0] =	vst v21  }
0x32f: {  	v5 =	vsel vm10, v12, v5;
	v13 =	vld.idx.msk [tilespmem:v50+s2+$0x0], $0xffff;
	vm11 =	vgt.f32 v19, v15;
	vm6 =	vgt.f32 v19, v0  }
0x330: {  	v21 =	vsel vm6, $0xFFFFFFFF, v51;
	v0 =	vsel vm6, v19, v0;
	v52 =	vsel vm11, v19, v15  }
0x331: {  	[tilespmem:$0x1F800] =	vst v21;
	v0 =	vsel vm11, v15, v0;
	vm9 =	vgt.f32 v14, v45;
	vm7 =	vgt.f32 v14, v4  }
0x332: {  	v15 =	vld.idx.msk [tilespmem:v53+s2+$0x0], $0xffff;
	v19 =	vsel vm7, $0xFFFFFFFF, v54;
	v4 =	vsel vm7, v14, v4;
	vm8 =	vgt.f32 v18, v7  }
0x333: {  	v14 =	vsel vm9, v14, v45;
	[tilespmem:$0x1F810] =	vst v19;
	v4 =	vsel vm9, v45, v4;
	v21 =	vsel vm8, $0xFFFFFFFF, v56  }
0x334: {  	v19 =	vld.idx.msk [tilespmem:v55+s2+$0x0], $0xffff;
	v7 =	vsel vm8, v18, v7;
	vm8 =	vgt.f32 v18, v11;
	vm4 =	vgt.f32 v13, v5  }
0x335: {  	vm7 =	vgt.f32 v13, v10;
	[tilespmem:$0x1F820] =	vst v21;
	v18 =	vsel vm8, v18, v11;
	v21 =	vsel vm4, $0xFFFFFFFF, v58  }
0x336: {  	v7 =	vsel vm8, v11, v7;
	v5 =	vsel vm4, v13, v5;
	v59 =	vsel vm7, v13, v10  }
0x337: {  	v9 =	vld.idx.msk [tilespmem:v57+s2+$0x0], $0xffff;
	[tilespmem:$0x1F830] =	vst v21;
	v5 =	vsel vm7, v10, v5;
	v21 =	vimm.s32 $0x0;
	vm5 =	vgt.f32 v15, v0  }
0x338: {  	vm6 =	vgt.f32 v15, v52;
	v10 =	vsel vm5, $0xFFFFFFFF, v60;
	v0 =	vsel vm5, v15, v0  }
0x339: {  	v61 =	vsel vm6, v15, v52;
	vm4 =	vgt.f32 v19, v4;
	v0 =	vsel vm6, v52, v0  }
0x33a: {  	vm3 =	vgt.f32 v19, v14;
	vm0 =	vge.f32 v5, v61;
	v13 =	vsel vm4, $0xFFFFFFFF, v62  }
0x33b: {  	v4 =	vsel vm4, v19, v4;
	v63 =	vsel vm3, v19, v14;
	v19 =	vimm.s32 $0x0  }
0x33c: {  	v5 =	vsel vm0, v5, v61;
	vm4 =	vgt.f32 v9, v18;
	vm5 =	vgt.f32 v9, v7  }
0x33d: {  	[tilespmem:$0x1F850] =	vst v13;
	v4 =	vsel vm3, v14, v4;
	v13 =	vsel vm5, $0xFFFFFFFF, v19;
	v7 =	vsel vm5, v9, v7  }
0x33e: {  	v26 =	vld [tilespmem:$0x1F6F0];
	[tilespmem:$0x1F840] =	vst v10;
	v9 =	vsel vm4, v9, v18;
	vm5 =	vge.f32 v59, v61;
	v7 =	vsel vm4, v18, v7  }
0x33f: {  	[tilespmem:$0x1F860] =	vst v13;
	v13 =	vsel vm0, $0xFFFFFFFF, v21;
	v10 =	vsel vm5, v59, v61;
	vm0 =	vge.f32 v59, v0  }
0x340: {  	vm2 =	vge.f32 v63, v9;
	[tilespmem:$0x1F870] =	vst v13;
	v13 =	vsel vm0, $0xFFFFFFFF, v22;
	v0 =	vsel vm0, v59, v0  }
0x341: {  	vm0 =	vge.f32 v4, v9;
	vm1 =	vge.f32 v63, v7;
	v25 =	vsel vm2, v63, v9  }
0x342: {  	v11 =	vsel vm0, $0xFFFFFFFF, v23;
	v4 =	vsel vm0, v4, v9;
	v7 =	vsel vm1, v63, v7  }
0x343: {  	v29 =	vld [tilespmem:$0x1F700];
	v0 =	vsel vm5, v5, v0;
	vm0 =	vnez.u8 v26;
	[tilespmem:$0x1F890] =	vst v11;
	v11 =	vsel vm1, $0xFFFFFFFF, v24  }
0x344: {  	v30 =	vld [tilespmem:$0x1F710];
	v4 =	vsel vm2, v4, v7;
	v3 =	vsel vm0, $0x3B, v3;
	vm0 =	vge.f32 v0, v25  }
0x345: {  	v31 =	vld [tilespmem:$0x1F720];
	v7 =	vsel vm0, $0xFFFFFFFF, v27;
	vm1 =	vge.f32 v10, v4;
	v0 =	vsel vm0, v0, v25  }
0x346: {  	[tilespmem:$0x1F8B0] =	vst v7;
	v7 =	vsel vm1, $0xFFFFFFFF, v28;
	v4 =	vsel vm1, v10, v4;
	vm1 =	vge.f32 v10, v25  }
0x347: {  	v32 =	vld [tilespmem:$0x1F730];
	v5 =	vsel vm1, v10, v25;
	v0 =	vsel vm1, v0, v4  }
0x348: {  	v33 =	vld [tilespmem:$0x1F740];
	vm0 =	vnez.u8 v29;
	v0 =	vsub.f32 v0, v5  }
0x349: {  	v1 =	vsel vm0, v34, v1;
	v4 =	vsel vm0, $0x1B, v34;
	vm0 =	vnez.u8 v30;
	v34 =	vld [tilespmem:$0x1F750]  }
0x34a: {  	v35 =	vld [tilespmem:$0x1F760];
	v6 =	vsel vm0, $0xC, v6;
	vm0 =	vnez.u8 v31;
	v0 =	vmul.f32 $1.442695020e+00, v0  }
0x34b: {  	v36 =	vld [tilespmem:$0x1F770];
	v5 =	vsel vm0, $0x2B, v37  }
0x34c: {  	v2 =	vsel vm0, v37, v2;
	vm0 =	vnez.u8 v32;
	(erf) = vpow2.f32 v0;
	v0 =	vld [tilespmem:$0x1F780]  }
0x34d: {  	[tilespmem:$0x1F8C0] =	vst v7;
	v37 =	vld [tilespmem:$0x1F790];
	v7 =	vsel vm0, $0x3B, v17;
	v3 =	vsel vm0, v17, v3;
	vm0 =	vnez.u8 v33  }
0x34e: {  	v38 =	vld [tilespmem:$0x1F7A0];
	v8 =	vsel vm0, $0xC, v20;
	v6 =	vsel vm0, v20, v6;
	vm0 =	vnez.u8 v34  }
0x34f: {  	v40 =	vld [tilespmem:$0x1F7B0];
	v1 =	vsel vm0, $0x1C, v1;
	vm0 =	vnez.u8 v35  }
0x350: {  	v41 =	vld [tilespmem:$0x1F7C0];
	v2 =	vsel vm0, $0x2C, v2;
	vm0 =	vnez.u8 v36  }
0x351: {  	v39 =	vsel vm15, $0x3C, v7;
	v3 =	vsel vm0, $0x3C, v3;
	vm0 =	vnez.u8 v0  }
0x352: {  	v0 =	vsel vm0, $0x1C, v4;
	v1 =	vsel vm0, v4, v1;
	vm0 =	vnez.u8 v37  }
0x353: {  	v4 =	vsel vm0, $0x2C, v5;
	v2 =	vsel vm0, v5, v2;
	vm0 =	vnez.u8 v38  }
0x354: {  	v3 =	vsel vm15, v7, v3;
	vm15 =	vnez.u8 v40;
	v5 =	vsel vm0, $0xD, v6  }
0x355: {  	v7 =	vsel vm15, $0xD, v8;
	v5 =	vsel vm15, v8, v5;
	vm15 =	vnez.u8 v41  }
0x356: {  	v1 =	vsel vm15, $0x1D, v1  }
0x357: {  	v42 =	vsel vm13, $0x1D, v0;
	v0 =	vsel vm13, v0, v1;
	v1 =	vld [tilespmem:$0x1F7D0];
	_ =	sdelay $0x4  }
0x358: {  	v46 =	vld [tilespmem:$0x1F800];
	vm15 =	vnez.u8 v1  }
0x359: {  	v1 =	vsel vm15, $0x2D, v2;
	v2 =	vld [tilespmem:$0x1F7E0]  }
0x35a: {  	v48 =	vld [tilespmem:$0x1F810]  }
0x35b: {  	v49 =	vld [tilespmem:$0x1F820];
	[tilespmem:$0x1F8A0] =	vst v11  }
0x35c: {  	v62 =	vld [tilespmem:$0x1F8A0];
	v43 =	vsel vm12, $0x3D, v39  }
0x35d: {  	v55 =	vld [tilespmem:$0x1F850];
	v52 =	vsel vm8, $0x3E, v43  }
0x35e: {  	v56 =	vld [tilespmem:$0x1F860];
	v58 =	vsel vm4, $0x3F, v52;
	v1 =	vsel vm14, v4, v1;
	vm13 =	vnez.u8 v2  }
0x35f: {  	v2 =	vsel vm13, $0x3D, v3;
	v3 =	vsel vm14, $0x2D, v4;
	vm13 =	vnez.u8 v48  }
0x360: {  	v61 =	vld [tilespmem:$0x1F890];
	vm14 =	vnez.u8 v49;
	v2 =	vsel vm12, v39, v2;
	vm12 =	vnez.u8 v46  }
0x361: {  	v1 =	vsel vm13, $0x2E, v1;
	v50 =	vsel vm9, $0x2E, v3;
	vm13 =	vnez.u8 v62  }
0x362: {  	v0 =	vsel vm12, $0x1E, v0;
	v2 =	vsel vm14, $0x3E, v2;
	v1 =	vsel vm9, v3, v1  }
0x363: {  	vm9 =	vnez.u8 v56;
	v2 =	vsel vm8, v43, v2;
	vm8 =	vnez.u8 v55  }
0x364: {  	v44 =	vld [tilespmem:$0x1F7F0];
	v57 =	vsel vm3, $0x2F, v50;
	v1 =	vsel vm8, $0x2F, v1;
	v2 =	vsel vm9, $0x3F, v2  }
0x365: {  	vm12 =	vnez.u8 v61;
	v1 =	vsel vm3, v50, v1;
	v2 =	vsel vm4, v52, v2  }
0x366: {  	v51 =	vld [tilespmem:$0x1F830];
	v1 =	vsel vm12, v1, v58;
	v2 =	vsel vm13, v57, v2  }
0x367: {  	v1 =	vsel vm2, v1, v2;
	v2 =	vld [tilespmem:$0x1F8B0]  }
0x368: {  	v54 =	vld [tilespmem:$0x1F840]  }
0x369: {  	[tilespmem:$0x1F880] =	vst v13;
	v59 =	vld [tilespmem:$0x1F870];
	v45 =	vsel vm10, $0xE, v7;
	vm15 =	vnez.u8 v44  }
0x36a: {  	v60 =	vld [tilespmem:$0x1F880];
	v53 =	vsel vm7, $0xF, v45;
	v5 =	vsel vm15, $0xE, v5  }
0x36b: {  	v47 =	vsel vm11, $0x1E, v42;
	vm15 =	vnez.u8 v51;
	v5 =	vsel vm10, v7, v5;
	v3 =	vpop (erf)  }
0x36c: {  	v5 =	vsel vm15, $0xF, v5;
	v3 =	vadd.f32 $1.000000000e+00, v3;
	vm14 =	vnez.u8 v2;
	v2 =	vld [tilespmem:$0x1F8C0]  }
0x36d: {  	v5 =	vsel vm7, v45, v5;
	vm7 =	vnez.u8 v54;
	v0 =	vsel vm11, v42, v0  }
0x36e: {  	vm10 =	vnez.u8 v59;
	v0 =	vsel vm7, $0x1F, v0;
	(erf) = vrcp.f32 v3  }
0x36f: {  	vm11 =	vnez.u8 v60;
	v0 =	vsel vm6, v47, v0;
	v3 =	vsel vm6, $0x1F, v47  }
0x370: {  	v63 =	vsel vm2, v57, v58;
	v0 =	vsel vm11, v53, v0;
	v5 =	vsel vm10, v5, v3  }
0x371: {  	v3 =	vsel vm5, v53, v3;
	v0 =	vsel vm5, v5, v0;
	vm15 =	vnez.u8 v2  }
0x372: {  	v0 =	vsel vm14, v0, v63;
	v2 =	vsel vm1, v3, v63;
	v1 =	vsel vm15, v3, v1  }
0x373: {  	v0 =	vsel vm1, v0, v1;
	v1 =	vshll.u32 v2, $0x8  }
0x374: {  	v0 =	vor.u32 v1, v0;
	_ =	sdelay $0x1  }
0x375: {  	s12 =	sadd.s32 $0x10, s12  }
0x376: {  	s11 =	sadd.s32 $0x10, s11;
	[tilespmem:s12+$0x0] =	vst v0;
	v0 =	vpop (erf)  }
0x377: {  	[tilespmem:s11+$0x0] =	vst v0  }
0x378: {  	[hbm4b:s4+s2] =	stream.linear.scatter [tilespmem:s8], [sflag:$0x1], $0x100, $0x38;
	[tilespmem:$0x8200] =	vst v63  }
0x379: {  	_ =	swait.ge [sflag:s7], $0x100  }
0x37a: {  	s10 =	sadd.s32 $0x1, s10;
	[sflag:s7] =	ssyncset.done $0x0  }
0x37b: {  	p0 =	sne.s32 s10, s6;
	[sflag:s7] =	ssyncadd.s32 $0xFFFFFF00  }
0x37c: {  	[hbm4b:s5+s2] =	stream.linear.scatter [tilespmem:s9], [sflag:$0x1], $0x100, $0x38;
	[tilespmem:$0x8200] =	vst v63  }
.Ltmp1:
0x37d: {  	_ = 	snop;
	(pc) =	sbr.rel @p0 .LBB2_1-.Ltmp1, $4  }
0x37e: {  	_ =	swait.ge [sflag:s7], $0x100  }
0x37f: {  	v1 =	vld [tilespmem:$0x1FFF0]  }
0x380: {  	[sflag:s7] =	ssyncset.done $0x0  }
0x381: {  	v2 =	vimm.s32 $0x0;
	[sflag:s7] =	ssyncadd.s32 $0xFFFFFF00  }
0x382: {  	_ =	sfence.sel $0x180000  }
0x383: {  	[bflag:$0x0] =	sbarrier.arrive $0xFFFF  }
0x384: {  	p0 =	sne.s32 s1, $0x0;
	_ =	strace $0x90000047  }
0x385: {  	s0 =	sadd.s32 @!p0 $0x100000, s0;
	[bflag:$0x2] =	sbarrier.arrive $0xFFFF  }
0x386: {  	[sflag:s0] =	ssyncadd.tile.s32 @!p0 $0x1;
	_ =	shalt  }
.Lfunc_end2:
_tile_overlayer_lowered:
.L_overlay_start_2:
0x387: {  	(tag) =	ssettag $0x2  }
0x388: {  	s0 =	rddreg [dreg:$0x0];
	s2 =	stileid.u32  }
0x389: {  	s1 =	rddreg [dreg:$0x1];
	p0 =	sne.s32 s2, $0x0  }
0x38a: {  	s3 =	rddreg [dreg:$0x2];
	[bflag:$0x3] =	sbarrier.arrive $0xFFFF;
	s2 =	simm.s32 @!p0 $0x1C01  }
0x38b: {  	[timem:s3], [sflag:s2] =	dma.local @!p0 [hbm:s0], s1  }
0x38c: {  	s0 =	simm.s32 @!p0 $0x1  }
0x38d: {  	_ =	swait.ge @!p0 [sflag:s0], s1  }
0x38e: {  	s1 =	ssub.s32 @!p0 $0x0, s1;
	[sflag:s0] =	ssyncset.done @!p0 $0x0  }
0x38f: {  	[sflag:s0] =	ssyncadd.s32 @!p0 s1  }
0x390: {  	[bflag:$0x3] =	sbarrier.arrive $0xFFFF  }
0x391: {  	_ =	shalt  }

</sc_bundles>
